<compile_context>
chip_gen: v7x
topology: tpu7x:2x2x1
jax: 0.10.2.dev20260603
libtpu: 0.0.44.dev20260713+nightly
codegen_flags: <defaults>
</compile_context>

<pallas_src>
import functools

import jax
import jax.numpy as jnp
from jax import lax
from jax.experimental import pallas as pl
from jax.experimental.pallas import tpu as pltpu
from jax.experimental.pallas import tpu_sc as plsc

NC = 2
NS = 16
NW = NC * NS
L = 16

V = 1000000
D = 64
B = 16384
TILE_E = 128
NTJ = V // TILE_E
TAIL_BASE = NTJ * TILE_E
TAIL_N = V - TAIL_BASE
TPW = 246
G = 6
RING = 16


def _scalar(x):
  return jnp.max(x)


def _bcast_lane(vec, pos_v):
  dnums = lax.GatherDimensionNumbers(
      offset_dims=(), collapsed_slice_dims=(0,), start_index_map=(0,))
  return lax.gather(
      vec, pos_v.reshape(L, 1), dnums, (1,),
      mode=lax.GatherScatterMode.PROMISE_IN_BOUNDS)


def _emit_extract(tb, is_tail, wlo_s, nj, he, idx_cap, stage, cnt_ref,
                  out_hbm, sem_o, dummy_v):
  wlo_v = jnp.broadcast_to(wlo_s, (L,))
  whi_v = jnp.broadcast_to(wlo_s + nj, (L,))

  def group_body(g4, _):
    evs, ms = [], []
    for k in range(4):
      ev_k = he[pl.ds(g4 * (4 * L) + k * L, L)]
      tj_k = lax.shift_right_logical(ev_k, 21)
      evs.append(ev_k)
      ms.append((tj_k >= wlo_v) & (tj_k < whi_v))
    any4 = (ms[0] | ms[1]) | (ms[2] | ms[3])

    @pl.when(jnp.any(any4))
    def _():
      for k in range(4):
        _drill(evs[k], ms[k], is_tail, wlo_v, stage, cnt_ref, out_hbm, sem_o,
               dummy_v, tb)
    return 0

  n_groups = lax.div(idx_cap + (4 * L - 1), 4 * L)
  lax.fori_loop(0, n_groups, group_body, 0)


def _drill(ev, m, is_tail, wlo_v, stage, cnt_ref, out_hbm, sem_o, dummy_v, tb):
  @pl.when(jnp.any(m))
  def _():
      def w_cond(carry):
        mm = carry
        return jnp.any(mm)

      def w_body(carry):
        mm = carry
        pos_s = _scalar(plsc.all_reduce_ffs(mm))
        pos_v = jnp.broadcast_to(pos_s, (L,))
        p_all = _bcast_lane(ev, pos_v)
        b_all = p_all & ((1 << 14) - 1)
        el = lax.shift_right_logical(p_all, 14) & (TILE_E - 1)
        if not is_tail:
          cj = lax.shift_right_logical(p_all, 21) - wlo_v
        c_s = _scalar(cnt_ref[...])
        slot = c_s & (RING - 1)

        @pl.when(c_s >= RING)
        def _():
          pltpu.make_async_copy(
              out_hbm.at[pl.ds(0, D)], dummy_v, sem_o).wait()

        slot_v = jnp.broadcast_to(slot * D, (L,))
        for k in range(D // L):
          f_v = lax.iota(jnp.int32, L) + (k * L)
          if is_tail:
            vals = plsc.load_gather(tb, [f_v * TAIL_N + el])
          else:
            vals = plsc.load_gather(tb, [cj, f_v, el])
          plsc.store_scatter(stage, [slot_v + f_v], vals)
        b_s = _scalar(b_all)
        pltpu.async_copy(
            stage.at[pl.ds(slot * D, D)],
            out_hbm.at[pl.ds(b_s * D, D)],
            sem_o,
        )
        cnt_ref[...] = jnp.broadcast_to(c_s + 1, (L,))
        lane = lax.iota(jnp.int32, L)
        return mm & (lane != jnp.broadcast_to(pos_s, (L,)))

      lax.while_loop(w_cond, w_body, m)


def _make_kernel():
  mesh = plsc.VectorSubcoreMesh(core_axis_name="c", subcore_axis_name="s")
  hit_cap = B + 6 * L

  @functools.partial(
      pl.kernel,
      mesh=mesh,
      out_type=jax.ShapeDtypeStruct((B * D,), jnp.float32),
      scratch_types=[
          pltpu.VMEM((B // 4,), jnp.int32),
          pltpu.VMEM((hit_cap,), jnp.int32),
          pltpu.VMEM((G, D, TILE_E), jnp.float32),
          pltpu.VMEM((G, D, TILE_E), jnp.float32),
          pltpu.VMEM((D * TAIL_N,), jnp.float32),
          pltpu.VMEM((RING * D,), jnp.float32),
          pltpu.VMEM((D,), jnp.float32),
          pltpu.VMEM((L,), jnp.int32),
          pltpu.VMEM((L,), jnp.int32),
          pltpu.SemaphoreType.DMA,
          pltpu.SemaphoreType.DMA,
          pltpu.SemaphoreType.DMA,
      ],
      compiler_params=pltpu.CompilerParams(needs_layout_passes=False),
  )
  def k(tab_hbm, tail_hbm, idx_hbm, out_hbm, idx_v, he, wb0, wb1, tailb,
        stage, dummy_v, pos_ref, cnt_ref, sem_i, sem_t, sem_o):
    wid = lax.axis_index("s") * NC + lax.axis_index("c")
    lo = wid * TPW
    nloc = jnp.minimum(TPW, NTJ - lo)
    is_last = wid == NW - 1
    hi = jnp.where(is_last, NTJ + 1, lo + TPW)
    lo_v = jnp.broadcast_to(lo, (L,))
    hi_v = jnp.broadcast_to(hi, (L,))

    nwin_pre = lax.div(nloc, G)

    def fire_win(w, buf):
      for c in range(G):
        pltpu.async_copy(
            tab_hbm.at[:, pl.ds((lo + w * G + c) * TILE_E, TILE_E)],
            buf.at[c], sem_t)

    @pl.when(nwin_pre > 0)
    def _():
      fire_win(0, wb0)

    @pl.when(nwin_pre > 1)
    def _():
      fire_win(1, wb1)

    pos_ref[...] = jnp.zeros((L,), jnp.int32)
    cnt_ref[...] = jnp.zeros((L,), jnp.int32)

    for ci in range(4):
      pltpu.sync_copy(idx_hbm.at[pl.ds(ci * (B // 4), B // 4)], idx_v)

      def scan_body(i, _, _ci=ci):
        pos_v = pos_ref[...]
        iot = lax.iota(jnp.int32, L)
        for k in range(2):
          v = idx_v[pl.ds(i * (2 * L) + k * L, L)]
          tj = lax.shift_right_logical(v, 7)
          m = (tj >= lo_v) & (tj < hi_v)
          c = plsc.cumsum(m.astype(jnp.int32))
          target = pos_v + c - 1
          bvec = iot + (_ci * (B // 4) + i * (2 * L) + k * L)
          packed = (lax.shift_left(tj - lo_v, 21)
                    | lax.shift_left(v & (TILE_E - 1), 14) | bvec)
          plsc.store_scatter(he, [target], packed, mask=m)
          pos_v = pos_v + jnp.broadcast_to(_scalar(c), (L,))
        pos_ref[...] = pos_v
        return 0

      lax.fori_loop(0, (B // 4) // (2 * L), scan_body, 0)
    idx_cap = _scalar(pos_ref[...])
    cap_v = jnp.broadcast_to(idx_cap, (L,))
    neg1 = jnp.broadcast_to(jnp.int32(-1), (L,))
    iot_p = lax.iota(jnp.int32, L)
    for k in range(5):
      plsc.store_scatter(he, [cap_v + iot_p + k * L], neg1)

    nwin = nwin_pre

    def outer_body(o, _):
      for kk in range(2):
        i = o * 2 + kk
        wb_cur = wb0 if kk == 0 else wb1

        @pl.when(i < nwin)
        def _():
          for c in range(G):
            pltpu.make_async_copy(
                tab_hbm.at[:, pl.ds(0, TILE_E)], wb_cur.at[c], sem_t).wait()
          _emit_extract(wb_cur, False, i * G, G, he, idx_cap, stage,
                        cnt_ref, out_hbm, sem_o, dummy_v)

          @pl.when(i + 2 < nwin)
          def _():
            fire_win(i + 2, wb_cur)

      return 0

    lax.fori_loop(0, (TPW // G + 1) // 2, outer_body, 0)

    @pl.when(is_last)
    def _():
      pltpu.async_copy(tail_hbm, tailb, sem_t)
      pltpu.make_async_copy(tail_hbm, tailb, sem_t).wait()
      _emit_extract(tailb, True, NTJ - lo, 1, he, idx_cap, stage,
                    cnt_ref, out_hbm, sem_o, dummy_v)

    c_tot = _scalar(cnt_ref[...])

    def drain_body(i, _):
      pltpu.make_async_copy(out_hbm.at[pl.ds(0, D)], dummy_v, sem_o).wait()
      return 0

    lax.fori_loop(0, jnp.minimum(c_tot, RING), drain_body, 0)

  return k


def kernel(index, head_e):
  tab_t = head_e.T
  tail = head_e[TAIL_BASE:].T.reshape(D * TAIL_N)
  flat = _make_kernel()(tab_t, tail, index.astype(jnp.int32))
  return flat.reshape(B, D)

# --- scband reference (transcript-rebuilt; emitter-appended) ---
"""Pipeline reference for scband-entity-embedding-5179730559595 (READ-ONLY COPY).

The authoritative reference and input builder live on the scoring server;
editing this copy changes nothing except your own understanding.
"""

import jax, jax.numpy as jnp
import numpy as np

NUM_ENTITIES = 1000000
EMBED_DIM = 64
BATCH = 16384


def _xavier_uniform(key, shape, dtype=jnp.float32):
    fan_in, fan_out = shape[0], shape[1]
    limit = float(np.sqrt(6.0 / (fan_in + fan_out)))
    return jax.random.uniform(key, shape, minval=-limit, maxval=limit, dtype=dtype)


def setup_inputs(seed: int = 0) -> dict:
    key = jax.random.key(seed)
    k_idx, k_tab = jax.random.split(key)
    index = jax.random.randint(k_idx, (BATCH,), 0, NUM_ENTITIES, dtype=jnp.int64 if jax.config.jax_enable_x64 else jnp.int32)
    # Single entity-embedding key 'e'; pos_aware=False so head and tail share this table.
    head_e = _xavier_uniform(k_tab, (NUM_ENTITIES, EMBED_DIM))
    return {"index": index, "head_e": head_e}


def reference(index, head_e):
    # EntityEmbedding.__call__(index, pos='head') with keys={'e'} ->
    # {'e': head['e'](index)}; we return the single lookup tensor.
    return jnp.take(head_e, index, axis=0)

if __name__ == "__main__":
    import jax
    _d = setup_inputs()
    print(jax.jit(kernel)(*tuple(_d.values())))

</pallas_src>

<mosaic_0001>
#map = affine_map<(d0, d1) -> (0, 0)>
#map1 = affine_map<(d0, d1) -> (0)>
module attributes {stable_mosaic.version = 14 : i64} {
  func.func @k(%arg0: i32, %arg1: i32, %arg2: memref<64x1000000xf32, #tpu.memory_space<hbm>>, %arg3: memref<4096xf32, #tpu.memory_space<hbm>>, %arg4: memref<16384xi32, #tpu.memory_space<hbm>>, %arg5: memref<1048576xf32, #tpu.memory_space<hbm>>, %arg6: memref<4096xi32, #tpu.memory_space<vmem>>, %arg7: memref<16480xi32, #tpu.memory_space<vmem>>, %arg8: memref<6x64x128xf32, #tpu.memory_space<vmem>>, %arg9: memref<6x64x128xf32, #tpu.memory_space<vmem>>, %arg10: memref<4096xf32, #tpu.memory_space<vmem>>, %arg11: memref<1024xf32, #tpu.memory_space<vmem>>, %arg12: memref<64xf32, #tpu.memory_space<vmem>>, %arg13: memref<16xi32, #tpu.memory_space<vmem>>, %arg14: memref<16xi32, #tpu.memory_space<vmem>>, %arg15: memref<!tpu.dma_semaphore, #tpu.memory_space<semaphore_mem>>, %arg16: memref<!tpu.dma_semaphore, #tpu.memory_space<semaphore_mem>>, %arg17: memref<!tpu.dma_semaphore, #tpu.memory_space<semaphore_mem>>) attributes {dimension_semantics = [#tpu.dimension_semantics<core_parallel>, #tpu.dimension_semantics<subcore_parallel>], iteration_bounds = array<i64: 2, 16>, scalar_prefetch = 0 : i64, scratch_operands = 12 : i64, tpu.core_type = #tpu.core_type<sc_vector_subcore>, window_params = [{transform_indices = #map}, {transform_indices = #map1}, {transform_indices = #map1}, {transform_indices = #map1}]} {
    %mul3A = arith.constant 2 : i32
    %mul3A_0 = arith.muli %arg1, %mul3A : i32
    %add3A = arith.addi %mul3A_0, %arg0 : i32
    %mul3A_1 = arith.constant 246 : i32
    %mul3A_2 = arith.muli %add3A, %mul3A_1 : i32
    %sub3A = arith.constant 7812 : i32
    %sub3A_3 = arith.subi %sub3A, %mul3A_2 : i32
    %min3A = arith.constant 246 : i32
    %min3A_4 = arith.minsi %min3A, %sub3A_3 : i32
    %eq3A = arith.constant 31 : i32
    %eq3A_5 = arith.cmpi eq, %add3A, %eq3A : i32
    %add3A_6 = arith.constant 246 : i32
    %add3A_7 = arith.addi %mul3A_2, %add3A_6 : i32
    %jit3A = arith.constant 7813 : i32
    %select_n3A = arith.select %eq3A_5, %jit3A, %add3A_7 : i32
    %broadcast_in_dim3A = vector.broadcast %mul3A_2 : i32 to vector<16xi32>
    %broadcast_in_dim3A_8 = vector.broadcast %select_n3A : i32 to vector<16xi32>
    %div3A = arith.constant 6 : i32
    %div3A_9 = arith.divsi %min3A_4, %div3A : i32
    %gt3A = arith.constant 0 : i32
    %gt3A_10 = arith.cmpi sgt, %div3A_9, %gt3A : i32
    %convert_element_type3A = arith.extui %gt3A_10 : i1 to i32
    %cond3A = arith.constant 0 : i32
    %cond3A_11 = arith.cmpi ne, %convert_element_type3A, %cond3A : i32
    scf.if %cond3A_11 {
      %add3A_115 = arith.constant 0 : i32
      %add3A_116 = arith.addi %mul3A_2, %add3A_115 : i32
      %add3A_117 = arith.constant 0 : i32
      %add3A_118 = arith.addi %add3A_116, %add3A_117 : i32
      %mul3A_119 = arith.constant 128 : i32
      %mul3A_120 = arith.muli %add3A_118, %mul3A_119 : i32
      %dma_start3A = arith.constant 0 : i32
      %dma_start3A_121 = arith.constant 0 : i32
      %dma_start3A_122 = arith.constant 0 : i32
      %dma_start3A_123 = tpu.memref_slice %arg8[%dma_start3A, %dma_start3A_121, %dma_start3A_122] : memref<6x64x128xf32, #tpu.memory_space<vmem>> -> memref<1x64x128xf32, #tpu.memory_space<vmem>>
      %dma_start3A_124 = tpu.memref_squeeze %dma_start3A_123 : memref<1x64x128xf32, #tpu.memory_space<vmem>> -> memref<64x128xf32, #tpu.memory_space<vmem>>
      %dma_start3A_125 = arith.constant 0 : i32
      %dma_start3A_126 = tpu.memref_slice %arg2[%dma_start3A_125, %mul3A_120] : memref<64x1000000xf32, #tpu.memory_space<hbm>> -> memref<64x128xf32, #tpu.memory_space<hbm>>
      %dma_start3A_127 = arith.constant 0 : i32
      %dma_start3A_128 = arith.constant 0 : i32
      %dma_start3A_129 = tpu.memref_slice %arg8[%dma_start3A, %dma_start3A_127, %dma_start3A_128] : memref<6x64x128xf32, #tpu.memory_space<vmem>> -> memref<1x64x128xf32, #tpu.memory_space<vmem>>
      %dma_start3A_130 = tpu.memref_squeeze %dma_start3A_129 : memref<1x64x128xf32, #tpu.memory_space<vmem>> -> memref<64x128xf32, #tpu.memory_space<vmem>>
      %dma_start3A_131 = arith.constant 0 : i32
      %dma_start3A_132 = tpu.memref_slice %arg2[%dma_start3A_131, %mul3A_120] : memref<64x1000000xf32, #tpu.memory_space<hbm>> -> memref<64x128xf32, #tpu.memory_space<hbm>>
      tpu.enqueue_dma source(%dma_start3A_132 : memref<64x128xf32, #tpu.memory_space<hbm>>) target(%dma_start3A_130 : memref<64x128xf32, #tpu.memory_space<vmem>>) target_semaphore(%arg16 : memref<!tpu.dma_semaphore, #tpu.memory_space<semaphore_mem>>)
      %add3A_133 = arith.constant 0 : i32
      %add3A_134 = arith.addi %mul3A_2, %add3A_133 : i32
      %add3A_135 = arith.constant 1 : i32
      %add3A_136 = arith.addi %add3A_134, %add3A_135 : i32
      %mul3A_137 = arith.constant 128 : i32
      %mul3A_138 = arith.muli %add3A_136, %mul3A_137 : i32
      %dma_start3A_139 = arith.constant 1 : i32
      %dma_start3A_140 = arith.constant 0 : i32
      %dma_start3A_141 = arith.constant 0 : i32
      %dma_start3A_142 = tpu.memref_slice %arg8[%dma_start3A_139, %dma_start3A_140, %dma_start3A_141] : memref<6x64x128xf32, #tpu.memory_space<vmem>> -> memref<1x64x128xf32, #tpu.memory_space<vmem>>
      %dma_start3A_143 = tpu.memref_squeeze %dma_start3A_142 : memref<1x64x128xf32, #tpu.memory_space<vmem>> -> memref<64x128xf32, #tpu.memory_space<vmem>>
      %dma_start3A_144 = arith.constant 0 : i32
      %dma_start3A_145 = tpu.memref_slice %arg2[%dma_start3A_144, %mul3A_138] : memref<64x1000000xf32, #tpu.memory_space<hbm>> -> memref<64x128xf32, #tpu.memory_space<hbm>>
      %dma_start3A_146 = arith.constant 0 : i32
      %dma_start3A_147 = arith.constant 0 : i32
      %dma_start3A_148 = tpu.memref_slice %arg8[%dma_start3A_139, %dma_start3A_146, %dma_start3A_147] : memref<6x64x128xf32, #tpu.memory_space<vmem>> -> memref<1x64x128xf32, #tpu.memory_space<vmem>>
      %dma_start3A_149 = tpu.memref_squeeze %dma_start3A_148 : memref<1x64x128xf32, #tpu.memory_space<vmem>> -> memref<64x128xf32, #tpu.memory_space<vmem>>
      %dma_start3A_150 = arith.constant 0 : i32
      %dma_start3A_151 = tpu.memref_slice %arg2[%dma_start3A_150, %mul3A_138] : memref<64x1000000xf32, #tpu.memory_space<hbm>> -> memref<64x128xf32, #tpu.memory_space<hbm>>
      tpu.enqueue_dma source(%dma_start3A_151 : memref<64x128xf32, #tpu.memory_space<hbm>>) target(%dma_start3A_149 : memref<64x128xf32, #tpu.memory_space<vmem>>) target_semaphore(%arg16 : memref<!tpu.dma_semaphore, #tpu.memory_space<semaphore_mem>>)
      %add3A_152 = arith.constant 0 : i32
      %add3A_153 = arith.addi %mul3A_2, %add3A_152 : i32
      %add3A_154 = arith.constant 2 : i32
      %add3A_155 = arith.addi %add3A_153, %add3A_154 : i32
      %mul3A_156 = arith.constant 128 : i32
      %mul3A_157 = arith.muli %add3A_155, %mul3A_156 : i32
      %dma_start3A_158 = arith.constant 2 : i32
      %dma_start3A_159 = arith.constant 0 : i32
      %dma_start3A_160 = arith.constant 0 : i32
      %dma_start3A_161 = tpu.memref_slice %arg8[%dma_start3A_158, %dma_start3A_159, %dma_start3A_160] : memref<6x64x128xf32, #tpu.memory_space<vmem>> -> memref<1x64x128xf32, #tpu.memory_space<vmem>>
      %dma_start3A_162 = tpu.memref_squeeze %dma_start3A_161 : memref<1x64x128xf32, #tpu.memory_space<vmem>> -> memref<64x128xf32, #tpu.memory_space<vmem>>
      %dma_start3A_163 = arith.constant 0 : i32
      %dma_start3A_164 = tpu.memref_slice %arg2[%dma_start3A_163, %mul3A_157] : memref<64x1000000xf32, #tpu.memory_space<hbm>> -> memref<64x128xf32, #tpu.memory_space<hbm>>
      %dma_start3A_165 = arith.constant 0 : i32
      %dma_start3A_166 = arith.constant 0 : i32
      %dma_start3A_167 = tpu.memref_slice %arg8[%dma_start3A_158, %dma_start3A_165, %dma_start3A_166] : memref<6x64x128xf32, #tpu.memory_space<vmem>> -> memref<1x64x128xf32, #tpu.memory_space<vmem>>
      %dma_start3A_168 = tpu.memref_squeeze %dma_start3A_167 : memref<1x64x128xf32, #tpu.memory_space<vmem>> -> memref<64x128xf32, #tpu.memory_space<vmem>>
      %dma_start3A_169 = arith.constant 0 : i32
      %dma_start3A_170 = tpu.memref_slice %arg2[%dma_start3A_169, %mul3A_157] : memref<64x1000000xf32, #tpu.memory_space<hbm>> -> memref<64x128xf32, #tpu.memory_space<hbm>>
      tpu.enqueue_dma source(%dma_start3A_170 : memref<64x128xf32, #tpu.memory_space<hbm>>) target(%dma_start3A_168 : memref<64x128xf32, #tpu.memory_space<vmem>>) target_semaphore(%arg16 : memref<!tpu.dma_semaphore, #tpu.memory_space<semaphore_mem>>)
      %add3A_171 = arith.constant 0 : i32
      %add3A_172 = arith.addi %mul3A_2, %add3A_171 : i32
      %add3A_173 = arith.constant 3 : i32
      %add3A_174 = arith.addi %add3A_172, %add3A_173 : i32
      %mul3A_175 = arith.constant 128 : i32
      %mul3A_176 = arith.muli %add3A_174, %mul3A_175 : i32
      %dma_start3A_177 = arith.constant 3 : i32
      %dma_start3A_178 = arith.constant 0 : i32
      %dma_start3A_179 = arith.constant 0 : i32
      %dma_start3A_180 = tpu.memref_slice %arg8[%dma_start3A_177, %dma_start3A_178, %dma_start3A_179] : memref<6x64x128xf32, #tpu.memory_space<vmem>> -> memref<1x64x128xf32, #tpu.memory_space<vmem>>
      %dma_start3A_181 = tpu.memref_squeeze %dma_start3A_180 : memref<1x64x128xf32, #tpu.memory_space<vmem>> -> memref<64x128xf32, #tpu.memory_space<vmem>>
      %dma_start3A_182 = arith.constant 0 : i32
      %dma_start3A_183 = tpu.memref_slice %arg2[%dma_start3A_182, %mul3A_176] : memref<64x1000000xf32, #tpu.memory_space<hbm>> -> memref<64x128xf32, #tpu.memory_space<hbm>>
      %dma_start3A_184 = arith.constant 0 : i32
      %dma_start3A_185 = arith.constant 0 : i32
      %dma_start3A_186 = tpu.memref_slice %arg8[%dma_start3A_177, %dma_start3A_184, %dma_start3A_185] : memref<6x64x128xf32, #tpu.memory_space<vmem>> -> memref<1x64x128xf32, #tpu.memory_space<vmem>>
      %dma_start3A_187 = tpu.memref_squeeze %dma_start3A_186 : memref<1x64x128xf32, #tpu.memory_space<vmem>> -> memref<64x128xf32, #tpu.memory_space<vmem>>
      %dma_start3A_188 = arith.constant 0 : i32
      %dma_start3A_189 = tpu.memref_slice %arg2[%dma_start3A_188, %mul3A_176] : memref<64x1000000xf32, #tpu.memory_space<hbm>> -> memref<64x128xf32, #tpu.memory_space<hbm>>
      tpu.enqueue_dma source(%dma_start3A_189 : memref<64x128xf32, #tpu.memory_space<hbm>>) target(%dma_start3A_187 : memref<64x128xf32, #tpu.memory_space<vmem>>) target_semaphore(%arg16 : memref<!tpu.dma_semaphore, #tpu.memory_space<semaphore_mem>>)
      %add3A_190 = arith.constant 0 : i32
      %add3A_191 = arith.addi %mul3A_2, %add3A_190 : i32
      %add3A_192 = arith.constant 4 : i32
      %add3A_193 = arith.addi %add3A_191, %add3A_192 : i32
      %mul3A_194 = arith.constant 128 : i32
      %mul3A_195 = arith.muli %add3A_193, %mul3A_194 : i32
      %dma_start3A_196 = arith.constant 4 : i32
      %dma_start3A_197 = arith.constant 0 : i32
      %dma_start3A_198 = arith.constant 0 : i32
      %dma_start3A_199 = tpu.memref_slice %arg8[%dma_start3A_196, %dma_start3A_197, %dma_start3A_198] : memref<6x64x128xf32, #tpu.memory_space<vmem>> -> memref<1x64x128xf32, #tpu.memory_space<vmem>>
      %dma_start3A_200 = tpu.memref_squeeze %dma_start3A_199 : memref<1x64x128xf32, #tpu.memory_space<vmem>> -> memref<64x128xf32, #tpu.memory_space<vmem>>
      %dma_start3A_201 = arith.constant 0 : i32
      %dma_start3A_202 = tpu.memref_slice %arg2[%dma_start3A_201, %mul3A_195] : memref<64x1000000xf32, #tpu.memory_space<hbm>> -> memref<64x128xf32, #tpu.memory_space<hbm>>
      %dma_start3A_203 = arith.constant 0 : i32
      %dma_start3A_204 = arith.constant 0 : i32
      %dma_start3A_205 = tpu.memref_slice %arg8[%dma_start3A_196, %dma_start3A_203, %dma_start3A_204] : memref<6x64x128xf32, #tpu.memory_space<vmem>> -> memref<1x64x128xf32, #tpu.memory_space<vmem>>
      %dma_start3A_206 = tpu.memref_squeeze %dma_start3A_205 : memref<1x64x128xf32, #tpu.memory_space<vmem>> -> memref<64x128xf32, #tpu.memory_space<vmem>>
      %dma_start3A_207 = arith.constant 0 : i32
      %dma_start3A_208 = tpu.memref_slice %arg2[%dma_start3A_207, %mul3A_195] : memref<64x1000000xf32, #tpu.memory_space<hbm>> -> memref<64x128xf32, #tpu.memory_space<hbm>>
      tpu.enqueue_dma source(%dma_start3A_208 : memref<64x128xf32, #tpu.memory_space<hbm>>) target(%dma_start3A_206 : memref<64x128xf32, #tpu.memory_space<vmem>>) target_semaphore(%arg16 : memref<!tpu.dma_semaphore, #tpu.memory_space<semaphore_mem>>)
      %add3A_209 = arith.constant 0 : i32
      %add3A_210 = arith.addi %mul3A_2, %add3A_209 : i32
      %add3A_211 = arith.constant 5 : i32
      %add3A_212 = arith.addi %add3A_210, %add3A_211 : i32
      %mul3A_213 = arith.constant 128 : i32
      %mul3A_214 = arith.muli %add3A_212, %mul3A_213 : i32
      %dma_start3A_215 = arith.constant 5 : i32
      %dma_start3A_216 = arith.constant 0 : i32
      %dma_start3A_217 = arith.constant 0 : i32
      %dma_start3A_218 = tpu.memref_slice %arg8[%dma_start3A_215, %dma_start3A_216, %dma_start3A_217] : memref<6x64x128xf32, #tpu.memory_space<vmem>> -> memref<1x64x128xf32, #tpu.memory_space<vmem>>
      %dma_start3A_219 = tpu.memref_squeeze %dma_start3A_218 : memref<1x64x128xf32, #tpu.memory_space<vmem>> -> memref<64x128xf32, #tpu.memory_space<vmem>>
      %dma_start3A_220 = arith.constant 0 : i32
      %dma_start3A_221 = tpu.memref_slice %arg2[%dma_start3A_220, %mul3A_214] : memref<64x1000000xf32, #tpu.memory_space<hbm>> -> memref<64x128xf32, #tpu.memory_space<hbm>>
      %dma_start3A_222 = arith.constant 0 : i32
      %dma_start3A_223 = arith.constant 0 : i32
      %dma_start3A_224 = tpu.memref_slice %arg8[%dma_start3A_215, %dma_start3A_222, %dma_start3A_223] : memref<6x64x128xf32, #tpu.memory_space<vmem>> -> memref<1x64x128xf32, #tpu.memory_space<vmem>>
      %dma_start3A_225 = tpu.memref_squeeze %dma_start3A_224 : memref<1x64x128xf32, #tpu.memory_space<vmem>> -> memref<64x128xf32, #tpu.memory_space<vmem>>
      %dma_start3A_226 = arith.constant 0 : i32
      %dma_start3A_227 = tpu.memref_slice %arg2[%dma_start3A_226, %mul3A_214] : memref<64x1000000xf32, #tpu.memory_space<hbm>> -> memref<64x128xf32, #tpu.memory_space<hbm>>
      tpu.enqueue_dma source(%dma_start3A_227 : memref<64x128xf32, #tpu.memory_space<hbm>>) target(%dma_start3A_225 : memref<64x128xf32, #tpu.memory_space<vmem>>) target_semaphore(%arg16 : memref<!tpu.dma_semaphore, #tpu.memory_space<semaphore_mem>>)
    } else {
    }
    %gt3A_12 = arith.constant 1 : i32
    %gt3A_13 = arith.cmpi sgt, %div3A_9, %gt3A_12 : i32
    %convert_element_type3A_14 = arith.extui %gt3A_13 : i1 to i32
    %cond3A_15 = arith.constant 0 : i32
    %cond3A_16 = arith.cmpi ne, %convert_element_type3A_14, %cond3A_15 : i32
    scf.if %cond3A_16 {
      %add3A_115 = arith.constant 6 : i32
      %add3A_116 = arith.addi %mul3A_2, %add3A_115 : i32
      %add3A_117 = arith.constant 0 : i32
      %add3A_118 = arith.addi %add3A_116, %add3A_117 : i32
      %mul3A_119 = arith.constant 128 : i32
      %mul3A_120 = arith.muli %add3A_118, %mul3A_119 : i32
      %dma_start3A = arith.constant 0 : i32
      %dma_start3A_121 = arith.constant 0 : i32
      %dma_start3A_122 = arith.constant 0 : i32
      %dma_start3A_123 = tpu.memref_slice %arg9[%dma_start3A, %dma_start3A_121, %dma_start3A_122] : memref<6x64x128xf32, #tpu.memory_space<vmem>> -> memref<1x64x128xf32, #tpu.memory_space<vmem>>
      %dma_start3A_124 = tpu.memref_squeeze %dma_start3A_123 : memref<1x64x128xf32, #tpu.memory_space<vmem>> -> memref<64x128xf32, #tpu.memory_space<vmem>>
      %dma_start3A_125 = arith.constant 0 : i32
      %dma_start3A_126 = tpu.memref_slice %arg2[%dma_start3A_125, %mul3A_120] : memref<64x1000000xf32, #tpu.memory_space<hbm>> -> memref<64x128xf32, #tpu.memory_space<hbm>>
      %dma_start3A_127 = arith.constant 0 : i32
      %dma_start3A_128 = arith.constant 0 : i32
      %dma_start3A_129 = tpu.memref_slice %arg9[%dma_start3A, %dma_start3A_127, %dma_start3A_128] : memref<6x64x128xf32, #tpu.memory_space<vmem>> -> memref<1x64x128xf32, #tpu.memory_space<vmem>>
      %dma_start3A_130 = tpu.memref_squeeze %dma_start3A_129 : memref<1x64x128xf32, #tpu.memory_space<vmem>> -> memref<64x128xf32, #tpu.memory_space<vmem>>
      %dma_start3A_131 = arith.constant 0 : i32
      %dma_start3A_132 = tpu.memref_slice %arg2[%dma_start3A_131, %mul3A_120] : memref<64x1000000xf32, #tpu.memory_space<hbm>> -> memref<64x128xf32, #tpu.memory_space<hbm>>
      tpu.enqueue_dma source(%dma_start3A_132 : memref<64x128xf32, #tpu.memory_space<hbm>>) target(%dma_start3A_130 : memref<64x128xf32, #tpu.memory_space<vmem>>) target_semaphore(%arg16 : memref<!tpu.dma_semaphore, #tpu.memory_space<semaphore_mem>>)
      %add3A_133 = arith.constant 6 : i32
      %add3A_134 = arith.addi %mul3A_2, %add3A_133 : i32
      %add3A_135 = arith.constant 1 : i32
      %add3A_136 = arith.addi %add3A_134, %add3A_135 : i32
      %mul3A_137 = arith.constant 128 : i32
      %mul3A_138 = arith.muli %add3A_136, %mul3A_137 : i32
      %dma_start3A_139 = arith.constant 1 : i32
      %dma_start3A_140 = arith.constant 0 : i32
      %dma_start3A_141 = arith.constant 0 : i32
      %dma_start3A_142 = tpu.memref_slice %arg9[%dma_start3A_139, %dma_start3A_140, %dma_start3A_141] : memref<6x64x128xf32, #tpu.memory_space<vmem>> -> memref<1x64x128xf32, #tpu.memory_space<vmem>>
      %dma_start3A_143 = tpu.memref_squeeze %dma_start3A_142 : memref<1x64x128xf32, #tpu.memory_space<vmem>> -> memref<64x128xf32, #tpu.memory_space<vmem>>
      %dma_start3A_144 = arith.constant 0 : i32
      %dma_start3A_145 = tpu.memref_slice %arg2[%dma_start3A_144, %mul3A_138] : memref<64x1000000xf32, #tpu.memory_space<hbm>> -> memref<64x128xf32, #tpu.memory_space<hbm>>
      %dma_start3A_146 = arith.constant 0 : i32
      %dma_start3A_147 = arith.constant 0 : i32
      %dma_start3A_148 = tpu.memref_slice %arg9[%dma_start3A_139, %dma_start3A_146, %dma_start3A_147] : memref<6x64x128xf32, #tpu.memory_space<vmem>> -> memref<1x64x128xf32, #tpu.memory_space<vmem>>
      %dma_start3A_149 = tpu.memref_squeeze %dma_start3A_148 : memref<1x64x128xf32, #tpu.memory_space<vmem>> -> memref<64x128xf32, #tpu.memory_space<vmem>>
      %dma_start3A_150 = arith.constant 0 : i32
      %dma_start3A_151 = tpu.memref_slice %arg2[%dma_start3A_150, %mul3A_138] : memref<64x1000000xf32, #tpu.memory_space<hbm>> -> memref<64x128xf32, #tpu.memory_space<hbm>>
      tpu.enqueue_dma source(%dma_start3A_151 : memref<64x128xf32, #tpu.memory_space<hbm>>) target(%dma_start3A_149 : memref<64x128xf32, #tpu.memory_space<vmem>>) target_semaphore(%arg16 : memref<!tpu.dma_semaphore, #tpu.memory_space<semaphore_mem>>)
      %add3A_152 = arith.constant 6 : i32
      %add3A_153 = arith.addi %mul3A_2, %add3A_152 : i32
      %add3A_154 = arith.constant 2 : i32
      %add3A_155 = arith.addi %add3A_153, %add3A_154 : i32
      %mul3A_156 = arith.constant 128 : i32
      %mul3A_157 = arith.muli %add3A_155, %mul3A_156 : i32
      %dma_start3A_158 = arith.constant 2 : i32
      %dma_start3A_159 = arith.constant 0 : i32
      %dma_start3A_160 = arith.constant 0 : i32
      %dma_start3A_161 = tpu.memref_slice %arg9[%dma_start3A_158, %dma_start3A_159, %dma_start3A_160] : memref<6x64x128xf32, #tpu.memory_space<vmem>> -> memref<1x64x128xf32, #tpu.memory_space<vmem>>
      %dma_start3A_162 = tpu.memref_squeeze %dma_start3A_161 : memref<1x64x128xf32, #tpu.memory_space<vmem>> -> memref<64x128xf32, #tpu.memory_space<vmem>>
      %dma_start3A_163 = arith.constant 0 : i32
      %dma_start3A_164 = tpu.memref_slice %arg2[%dma_start3A_163, %mul3A_157] : memref<64x1000000xf32, #tpu.memory_space<hbm>> -> memref<64x128xf32, #tpu.memory_space<hbm>>
      %dma_start3A_165 = arith.constant 0 : i32
      %dma_start3A_166 = arith.constant 0 : i32
      %dma_start3A_167 = tpu.memref_slice %arg9[%dma_start3A_158, %dma_start3A_165, %dma_start3A_166] : memref<6x64x128xf32, #tpu.memory_space<vmem>> -> memref<1x64x128xf32, #tpu.memory_space<vmem>>
      %dma_start3A_168 = tpu.memref_squeeze %dma_start3A_167 : memref<1x64x128xf32, #tpu.memory_space<vmem>> -> memref<64x128xf32, #tpu.memory_space<vmem>>
      %dma_start3A_169 = arith.constant 0 : i32
      %dma_start3A_170 = tpu.memref_slice %arg2[%dma_start3A_169, %mul3A_157] : memref<64x1000000xf32, #tpu.memory_space<hbm>> -> memref<64x128xf32, #tpu.memory_space<hbm>>
      tpu.enqueue_dma source(%dma_start3A_170 : memref<64x128xf32, #tpu.memory_space<hbm>>) target(%dma_start3A_168 : memref<64x128xf32, #tpu.memory_space<vmem>>) target_semaphore(%arg16 : memref<!tpu.dma_semaphore, #tpu.memory_space<semaphore_mem>>)
      %add3A_171 = arith.constant 6 : i32
      %add3A_172 = arith.addi %mul3A_2, %add3A_171 : i32
      %add3A_173 = arith.constant 3 : i32
      %add3A_174 = arith.addi %add3A_172, %add3A_173 : i32
      %mul3A_175 = arith.constant 128 : i32
      %mul3A_176 = arith.muli %add3A_174, %mul3A_175 : i32
      %dma_start3A_177 = arith.constant 3 : i32
      %dma_start3A_178 = arith.constant 0 : i32
      %dma_start3A_179 = arith.constant 0 : i32
      %dma_start3A_180 = tpu.memref_slice %arg9[%dma_start3A_177, %dma_start3A_178, %dma_start3A_179] : memref<6x64x128xf32, #tpu.memory_space<vmem>> -> memref<1x64x128xf32, #tpu.memory_space<vmem>>
      %dma_start3A_181 = tpu.memref_squeeze %dma_start3A_180 : memref<1x64x128xf32, #tpu.memory_space<vmem>> -> memref<64x128xf32, #tpu.memory_space<vmem>>
      %dma_start3A_182 = arith.constant 0 : i32
      %dma_start3A_183 = tpu.memref_slice %arg2[%dma_start3A_182, %mul3A_176] : memref<64x1000000xf32, #tpu.memory_space<hbm>> -> memref<64x128xf32, #tpu.memory_space<hbm>>
      %dma_start3A_184 = arith.constant 0 : i32
      %dma_start3A_185 = arith.constant 0 : i32
      %dma_start3A_186 = tpu.memref_slice %arg9[%dma_start3A_177, %dma_start3A_184, %dma_start3A_185] : memref<6x64x128xf32, #tpu.memory_space<vmem>> -> memref<1x64x128xf32, #tpu.memory_space<vmem>>
      %dma_start3A_187 = tpu.memref_squeeze %dma_start3A_186 : memref<1x64x128xf32, #tpu.memory_space<vmem>> -> memref<64x128xf32, #tpu.memory_space<vmem>>
      %dma_start3A_188 = arith.constant 0 : i32
      %dma_start3A_189 = tpu.memref_slice %arg2[%dma_start3A_188, %mul3A_176] : memref<64x1000000xf32, #tpu.memory_space<hbm>> -> memref<64x128xf32, #tpu.memory_space<hbm>>
      tpu.enqueue_dma source(%dma_start3A_189 : memref<64x128xf32, #tpu.memory_space<hbm>>) target(%dma_start3A_187 : memref<64x128xf32, #tpu.memory_space<vmem>>) target_semaphore(%arg16 : memref<!tpu.dma_semaphore, #tpu.memory_space<semaphore_mem>>)
      %add3A_190 = arith.constant 6 : i32
      %add3A_191 = arith.addi %mul3A_2, %add3A_190 : i32
      %add3A_192 = arith.constant 4 : i32
      %add3A_193 = arith.addi %add3A_191, %add3A_192 : i32
      %mul3A_194 = arith.constant 128 : i32
      %mul3A_195 = arith.muli %add3A_193, %mul3A_194 : i32
      %dma_start3A_196 = arith.constant 4 : i32
      %dma_start3A_197 = arith.constant 0 : i32
      %dma_start3A_198 = arith.constant 0 : i32
      %dma_start3A_199 = tpu.memref_slice %arg9[%dma_start3A_196, %dma_start3A_197, %dma_start3A_198] : memref<6x64x128xf32, #tpu.memory_space<vmem>> -> memref<1x64x128xf32, #tpu.memory_space<vmem>>
      %dma_start3A_200 = tpu.memref_squeeze %dma_start3A_199 : memref<1x64x128xf32, #tpu.memory_space<vmem>> -> memref<64x128xf32, #tpu.memory_space<vmem>>
      %dma_start3A_201 = arith.constant 0 : i32
      %dma_start3A_202 = tpu.memref_slice %arg2[%dma_start3A_201, %mul3A_195] : memref<64x1000000xf32, #tpu.memory_space<hbm>> -> memref<64x128xf32, #tpu.memory_space<hbm>>
      %dma_start3A_203 = arith.constant 0 : i32
      %dma_start3A_204 = arith.constant 0 : i32
      %dma_start3A_205 = tpu.memref_slice %arg9[%dma_start3A_196, %dma_start3A_203, %dma_start3A_204] : memref<6x64x128xf32, #tpu.memory_space<vmem>> -> memref<1x64x128xf32, #tpu.memory_space<vmem>>
      %dma_start3A_206 = tpu.memref_squeeze %dma_start3A_205 : memref<1x64x128xf32, #tpu.memory_space<vmem>> -> memref<64x128xf32, #tpu.memory_space<vmem>>
      %dma_start3A_207 = arith.constant 0 : i32
      %dma_start3A_208 = tpu.memref_slice %arg2[%dma_start3A_207, %mul3A_195] : memref<64x1000000xf32, #tpu.memory_space<hbm>> -> memref<64x128xf32, #tpu.memory_space<hbm>>
      tpu.enqueue_dma source(%dma_start3A_208 : memref<64x128xf32, #tpu.memory_space<hbm>>) target(%dma_start3A_206 : memref<64x128xf32, #tpu.memory_space<vmem>>) target_semaphore(%arg16 : memref<!tpu.dma_semaphore, #tpu.memory_space<semaphore_mem>>)
      %add3A_209 = arith.constant 6 : i32
      %add3A_210 = arith.addi %mul3A_2, %add3A_209 : i32
      %add3A_211 = arith.constant 5 : i32
      %add3A_212 = arith.addi %add3A_210, %add3A_211 : i32
      %mul3A_213 = arith.constant 128 : i32
      %mul3A_214 = arith.muli %add3A_212, %mul3A_213 : i32
      %dma_start3A_215 = arith.constant 5 : i32
      %dma_start3A_216 = arith.constant 0 : i32
      %dma_start3A_217 = arith.constant 0 : i32
      %dma_start3A_218 = tpu.memref_slice %arg9[%dma_start3A_215, %dma_start3A_216, %dma_start3A_217] : memref<6x64x128xf32, #tpu.memory_space<vmem>> -> memref<1x64x128xf32, #tpu.memory_space<vmem>>
      %dma_start3A_219 = tpu.memref_squeeze %dma_start3A_218 : memref<1x64x128xf32, #tpu.memory_space<vmem>> -> memref<64x128xf32, #tpu.memory_space<vmem>>
      %dma_start3A_220 = arith.constant 0 : i32
      %dma_start3A_221 = tpu.memref_slice %arg2[%dma_start3A_220, %mul3A_214] : memref<64x1000000xf32, #tpu.memory_space<hbm>> -> memref<64x128xf32, #tpu.memory_space<hbm>>
      %dma_start3A_222 = arith.constant 0 : i32
      %dma_start3A_223 = arith.constant 0 : i32
      %dma_start3A_224 = tpu.memref_slice %arg9[%dma_start3A_215, %dma_start3A_222, %dma_start3A_223] : memref<6x64x128xf32, #tpu.memory_space<vmem>> -> memref<1x64x128xf32, #tpu.memory_space<vmem>>
      %dma_start3A_225 = tpu.memref_squeeze %dma_start3A_224 : memref<1x64x128xf32, #tpu.memory_space<vmem>> -> memref<64x128xf32, #tpu.memory_space<vmem>>
      %dma_start3A_226 = arith.constant 0 : i32
      %dma_start3A_227 = tpu.memref_slice %arg2[%dma_start3A_226, %mul3A_214] : memref<64x1000000xf32, #tpu.memory_space<hbm>> -> memref<64x128xf32, #tpu.memory_space<hbm>>
      tpu.enqueue_dma source(%dma_start3A_227 : memref<64x128xf32, #tpu.memory_space<hbm>>) target(%dma_start3A_225 : memref<64x128xf32, #tpu.memory_space<vmem>>) target_semaphore(%arg16 : memref<!tpu.dma_semaphore, #tpu.memory_space<semaphore_mem>>)
    } else {
    }
    %broadcast_in_dim3A_17 = arith.constant 0 : i32
    %broadcast_in_dim3A_18 = vector.broadcast %broadcast_in_dim3A_17 : i32 to vector<16xi32>
    %swap3A = arith.constant 0 : index
    %swap3A_19 = tpu.vector_load %arg13[%swap3A] {strides = array<i32>} : memref<16xi32, #tpu.memory_space<vmem>>, vector<16xi32>,
    tpu.vector_store %arg13[%swap3A], %broadcast_in_dim3A_18 {strides = array<i32>} : memref<16xi32, #tpu.memory_space<vmem>>, vector<16xi32>,
    %broadcast_in_dim3A_20 = arith.constant 0 : i32
    %broadcast_in_dim3A_21 = vector.broadcast %broadcast_in_dim3A_20 : i32 to vector<16xi32>
    %swap3A_22 = arith.constant 0 : index
    %swap3A_23 = tpu.vector_load %arg14[%swap3A_22] {strides = array<i32>} : memref<16xi32, #tpu.memory_space<vmem>>, vector<16xi32>,
    tpu.vector_store %arg14[%swap3A_22], %broadcast_in_dim3A_21 {strides = array<i32>} : memref<16xi32, #tpu.memory_space<vmem>>, vector<16xi32>,
    "tpu.region"() ({
      %run_scoped3A = tpu.sem_alloc : memref<!tpu.dma_semaphore, #tpu.memory_space<semaphore_mem>>
      %dma_start3A = arith.constant 0 : i32
      %dma_start3A_115 = tpu.memref_slice %arg4[%dma_start3A] : memref<16384xi32, #tpu.memory_space<hbm>> -> memref<4096xi32, #tpu.memory_space<hbm>>
      %dma_start3A_116 = arith.constant 0 : i32
      %dma_start3A_117 = tpu.memref_slice %arg4[%dma_start3A_116] : memref<16384xi32, #tpu.memory_space<hbm>> -> memref<4096xi32, #tpu.memory_space<hbm>>
      tpu.enqueue_dma source(%dma_start3A_117 : memref<4096xi32, #tpu.memory_space<hbm>>) target(%arg6 : memref<4096xi32, #tpu.memory_space<vmem>>) target_semaphore(%run_scoped3A : memref<!tpu.dma_semaphore, #tpu.memory_space<semaphore_mem>>)
      %dma_wait3A = arith.constant 0 : i32
      %dma_wait3A_118 = tpu.memref_slice %arg4[%dma_wait3A] : memref<16384xi32, #tpu.memory_space<hbm>> -> memref<4096xi32, #tpu.memory_space<hbm>>
      %dma_wait3A_119 = arith.constant 0 : i32
      %dma_wait3A_120 = tpu.memref_slice %arg4[%dma_wait3A_119] : memref<16384xi32, #tpu.memory_space<hbm>> -> memref<4096xi32, #tpu.memory_space<hbm>>
      tpu.wait_dma2 semaphore(%run_scoped3A : memref<!tpu.dma_semaphore, #tpu.memory_space<semaphore_mem>>) src(%dma_wait3A_120 : memref<4096xi32, #tpu.memory_space<hbm>>) dst(%arg6 : memref<4096xi32, #tpu.memory_space<vmem>>)
      tpu.yield
    }) : () -> ()
    %scan3A = arith.constant 0 : i32
    %scan3A_24 = arith.constant 0 : i32
    %scan3A_25 = arith.constant 128 : i32
    %scan3A_26 = arith.addi %scan3A_24, %scan3A_25 : i32
    %scan3A_27 = arith.constant 1 : i32
    %scan3A_28 = scf.for %scan3A_115 = %scan3A_24 to %scan3A_26 step %scan3A_27 iter_args(%scan3A_116 = %scan3A) -> (i32)  : i32 {
      %get3A_117 = arith.constant 0 : index
      %get3A_118 = tpu.vector_load %arg13[%get3A_117] {strides = array<i32>} : memref<16xi32, #tpu.memory_space<vmem>>, vector<16xi32>,
      %iota3A_119 = tpu.iota {dimensions = array<i32: 0>} : vector<16xi32>
      %mul3A_120 = arith.constant 32 : i32
      %mul3A_121 = arith.muli %scan3A_115, %mul3A_120 : i32
      %add3A_122 = arith.constant 0 : i32
      %add3A_123 = arith.addi %mul3A_121, %add3A_122 : i32
      %get3A_124 = arith.index_cast %add3A_123 : i32 to index
      %get3A_125 = tpu.vector_load %arg6[%get3A_124] {strides = array<i32>} : memref<4096xi32, #tpu.memory_space<vmem>>, vector<16xi32>,
      %shift_right_logical3A = arith.constant 7 : i32
      %shift_right_logical3A_126 = vector.broadcast %shift_right_logical3A : i32 to vector<16xi32>
      %shift_right_logical3A_127 = arith.shrui %get3A_125, %shift_right_logical3A_126 : vector<16xi32>
      %ge3A = arith.cmpi sge, %shift_right_logical3A_127, %broadcast_in_dim3A : vector<16xi32>
      %lt3A = arith.cmpi slt, %shift_right_logical3A_127, %broadcast_in_dim3A_8 : vector<16xi32>
      %and3A = arith.andi %ge3A, %lt3A : vector<16xi1>
      %convert_element_type3A_128 = arith.extui %and3A : vector<16xi1> to vector<16xi32>
      %broadcast_in_dim3A_129 = arith.constant true
      %broadcast_in_dim3A_130 = vector.broadcast %broadcast_in_dim3A_129 : i1 to vector<16xi1>
      %masked_cumsum3A = tpu.scan <sum>, %convert_element_type3A_128 masked %broadcast_in_dim3A_130 : vector<16xi32>, vector<16xi1> -> vector<16xi32>
      %add3A_131 = arith.addi %get3A_118, %masked_cumsum3A : vector<16xi32>
      %sub3A_132 = arith.constant 1 : i32
      %sub3A_133 = vector.broadcast %sub3A_132 : i32 to vector<16xi32>
      %sub3A_134 = arith.subi %add3A_131, %sub3A_133 : vector<16xi32>
      %mul3A_135 = arith.constant 32 : i32
      %mul3A_136 = arith.muli %scan3A_115, %mul3A_135 : i32
      %add3A_137 = arith.constant 0 : i32
      %add3A_138 = arith.addi %add3A_137, %mul3A_136 : i32
      %add3A_139 = arith.constant 0 : i32
      %add3A_140 = arith.addi %add3A_138, %add3A_139 : i32
      %add3A_141 = vector.broadcast %add3A_140 : i32 to vector<16xi32>
      %add3A_142 = arith.addi %iota3A_119, %add3A_141 : vector<16xi32>
      %sub3A_143 = arith.subi %shift_right_logical3A_127, %broadcast_in_dim3A : vector<16xi32>
      %shift_left3A = arith.constant 21 : i32
      %shift_left3A_144 = vector.broadcast %shift_left3A : i32 to vector<16xi32>
      %shift_left3A_145 = arith.shli %sub3A_143, %shift_left3A_144 : vector<16xi32>
      %and3A_146 = arith.constant 127 : i32
      %and3A_147 = vector.broadcast %and3A_146 : i32 to vector<16xi32>
      %and3A_148 = arith.andi %get3A_125, %and3A_147 : vector<16xi32>
      %shift_left3A_149 = arith.constant 14 : i32
      %shift_left3A_150 = vector.broadcast %shift_left3A_149 : i32 to vector<16xi32>
      %shift_left3A_151 = arith.shli %and3A_148, %shift_left3A_150 : vector<16xi32>
      %or3A = arith.ori %shift_left3A_145, %shift_left3A_151 : vector<16xi32>
      %or3A_152 = arith.ori %or3A, %add3A_142 : vector<16xi32>
      tpu.vector_store_idx %arg7[%sub3A_134], %or3A_152 masked %and3A : memref<16480xi32, #tpu.memory_space<vmem>>[vector<16xi32>], vector<16xi32>, vector<16xi1>
      %reduce_max3A_153 = arith.constant true
      %reduce_max3A_154 = vector.broadcast %reduce_max3A_153 : i1 to vector<16xi1>
      %reduce_max3A_155 = arith.constant -2147483648 : i32
      %reduce_max3A_156 = vector.broadcast %reduce_max3A_155 : i32 to vector<16xi32>
      %reduce_max3A_157 = arith.xori %masked_cumsum3A, %reduce_max3A_156 : vector<16xi32>
      %reduce_max3A_158 = tpu.scan <max>, %reduce_max3A_157 masked %reduce_max3A_154 : vector<16xi32>, vector<16xi1> -> vector<16xi32>
      %reduce_max3A_159 = arith.xori %reduce_max3A_158, %reduce_max3A_156 : vector<16xi32>
      %reduce_max3A_160 = vector.extract %reduce_max3A_159[15] : i32 from vector<16xi32>
      %broadcast_in_dim3A_161 = vector.broadcast %reduce_max3A_160 : i32 to vector<16xi32>
      %add3A_162 = arith.addi %get3A_118, %broadcast_in_dim3A_161 : vector<16xi32>
      %mul3A_163 = arith.constant 32 : i32
      %mul3A_164 = arith.muli %scan3A_115, %mul3A_163 : i32
      %add3A_165 = arith.constant 16 : i32
      %add3A_166 = arith.addi %mul3A_164, %add3A_165 : i32
      %get3A_167 = arith.index_cast %add3A_166 : i32 to index
      %get3A_168 = tpu.vector_load %arg6[%get3A_167] {strides = array<i32>} : memref<4096xi32, #tpu.memory_space<vmem>>, vector<16xi32>,
      %shift_right_logical3A_169 = arith.constant 7 : i32
      %shift_right_logical3A_170 = vector.broadcast %shift_right_logical3A_169 : i32 to vector<16xi32>
      %shift_right_logical3A_171 = arith.shrui %get3A_168, %shift_right_logical3A_170 : vector<16xi32>
      %ge3A_172 = arith.cmpi sge, %shift_right_logical3A_171, %broadcast_in_dim3A : vector<16xi32>
      %lt3A_173 = arith.cmpi slt, %shift_right_logical3A_171, %broadcast_in_dim3A_8 : vector<16xi32>
      %and3A_174 = arith.andi %ge3A_172, %lt3A_173 : vector<16xi1>
      %convert_element_type3A_175 = arith.extui %and3A_174 : vector<16xi1> to vector<16xi32>
      %broadcast_in_dim3A_176 = arith.constant true
      %broadcast_in_dim3A_177 = vector.broadcast %broadcast_in_dim3A_176 : i1 to vector<16xi1>
      %masked_cumsum3A_178 = tpu.scan <sum>, %convert_element_type3A_175 masked %broadcast_in_dim3A_177 : vector<16xi32>, vector<16xi1> -> vector<16xi32>
      %add3A_179 = arith.addi %add3A_162, %masked_cumsum3A_178 : vector<16xi32>
      %sub3A_180 = arith.constant 1 : i32
      %sub3A_181 = vector.broadcast %sub3A_180 : i32 to vector<16xi32>
      %sub3A_182 = arith.subi %add3A_179, %sub3A_181 : vector<16xi32>
      %mul3A_183 = arith.constant 32 : i32
      %mul3A_184 = arith.muli %scan3A_115, %mul3A_183 : i32
      %add3A_185 = arith.constant 0 : i32
      %add3A_186 = arith.addi %add3A_185, %mul3A_184 : i32
      %add3A_187 = arith.constant 16 : i32
      %add3A_188 = arith.addi %add3A_186, %add3A_187 : i32
      %add3A_189 = vector.broadcast %add3A_188 : i32 to vector<16xi32>
      %add3A_190 = arith.addi %iota3A_119, %add3A_189 : vector<16xi32>
      %sub3A_191 = arith.subi %shift_right_logical3A_171, %broadcast_in_dim3A : vector<16xi32>
      %shift_left3A_192 = arith.constant 21 : i32
      %shift_left3A_193 = vector.broadcast %shift_left3A_192 : i32 to vector<16xi32>
      %shift_left3A_194 = arith.shli %sub3A_191, %shift_left3A_193 : vector<16xi32>
      %and3A_195 = arith.constant 127 : i32
      %and3A_196 = vector.broadcast %and3A_195 : i32 to vector<16xi32>
      %and3A_197 = arith.andi %get3A_168, %and3A_196 : vector<16xi32>
      %shift_left3A_198 = arith.constant 14 : i32
      %shift_left3A_199 = vector.broadcast %shift_left3A_198 : i32 to vector<16xi32>
      %shift_left3A_200 = arith.shli %and3A_197, %shift_left3A_199 : vector<16xi32>
      %or3A_201 = arith.ori %shift_left3A_194, %shift_left3A_200 : vector<16xi32>
      %or3A_202 = arith.ori %or3A_201, %add3A_190 : vector<16xi32>
      tpu.vector_store_idx %arg7[%sub3A_182], %or3A_202 masked %and3A_174 : memref<16480xi32, #tpu.memory_space<vmem>>[vector<16xi32>], vector<16xi32>, vector<16xi1>
      %reduce_max3A_203 = arith.constant true
      %reduce_max3A_204 = vector.broadcast %reduce_max3A_203 : i1 to vector<16xi1>
      %reduce_max3A_205 = arith.constant -2147483648 : i32
      %reduce_max3A_206 = vector.broadcast %reduce_max3A_205 : i32 to vector<16xi32>
      %reduce_max3A_207 = arith.xori %masked_cumsum3A_178, %reduce_max3A_206 : vector<16xi32>
      %reduce_max3A_208 = tpu.scan <max>, %reduce_max3A_207 masked %reduce_max3A_204 : vector<16xi32>, vector<16xi1> -> vector<16xi32>
      %reduce_max3A_209 = arith.xori %reduce_max3A_208, %reduce_max3A_206 : vector<16xi32>
      %reduce_max3A_210 = vector.extract %reduce_max3A_209[15] : i32 from vector<16xi32>
      %broadcast_in_dim3A_211 = vector.broadcast %reduce_max3A_210 : i32 to vector<16xi32>
      %add3A_212 = arith.addi %add3A_162, %broadcast_in_dim3A_211 : vector<16xi32>
      %swap3A_213 = arith.constant 0 : index
      %swap3A_214 = tpu.vector_load %arg13[%swap3A_213] {strides = array<i32>} : memref<16xi32, #tpu.memory_space<vmem>>, vector<16xi32>,
      tpu.vector_store %arg13[%swap3A_213], %add3A_212 {strides = array<i32>} : memref<16xi32, #tpu.memory_space<vmem>>, vector<16xi32>,
      %scan3A_215 = arith.constant 0 : i32
      scf.yield %scan3A_215 : i32
    }
    %scan3A_29 = arith.constant 128 : i32
    "tpu.region"() ({
      %run_scoped3A = tpu.sem_alloc : memref<!tpu.dma_semaphore, #tpu.memory_space<semaphore_mem>>
      %dma_start3A = arith.constant 4096 : i32
      %dma_start3A_115 = tpu.memref_slice %arg4[%dma_start3A] : memref<16384xi32, #tpu.memory_space<hbm>> -> memref<4096xi32, #tpu.memory_space<hbm>>
      %dma_start3A_116 = arith.constant 4096 : i32
      %dma_start3A_117 = tpu.memref_slice %arg4[%dma_start3A_116] : memref<16384xi32, #tpu.memory_space<hbm>> -> memref<4096xi32, #tpu.memory_space<hbm>>
      tpu.enqueue_dma source(%dma_start3A_117 : memref<4096xi32, #tpu.memory_space<hbm>>) target(%arg6 : memref<4096xi32, #tpu.memory_space<vmem>>) target_semaphore(%run_scoped3A : memref<!tpu.dma_semaphore, #tpu.memory_space<semaphore_mem>>)
      %dma_wait3A = arith.constant 4096 : i32
      %dma_wait3A_118 = tpu.memref_slice %arg4[%dma_wait3A] : memref<16384xi32, #tpu.memory_space<hbm>> -> memref<4096xi32, #tpu.memory_space<hbm>>
      %dma_wait3A_119 = arith.constant 4096 : i32
      %dma_wait3A_120 = tpu.memref_slice %arg4[%dma_wait3A_119] : memref<16384xi32, #tpu.memory_space<hbm>> -> memref<4096xi32, #tpu.memory_space<hbm>>
      tpu.wait_dma2 semaphore(%run_scoped3A : memref<!tpu.dma_semaphore, #tpu.memory_space<semaphore_mem>>) src(%dma_wait3A_120 : memref<4096xi32, #tpu.memory_space<hbm>>) dst(%arg6 : memref<4096xi32, #tpu.memory_space<vmem>>)
      tpu.yield
    }) : () -> ()
    %scan3A_30 = arith.constant 0 : i32
    %scan3A_31 = arith.constant 0 : i32
    %scan3A_32 = arith.constant 128 : i32
    %scan3A_33 = arith.addi %scan3A_31, %scan3A_32 : i32
    %scan3A_34 = arith.constant 1 : i32
    %scan3A_35 = scf.for %scan3A_115 = %scan3A_31 to %scan3A_33 step %scan3A_34 iter_args(%scan3A_116 = %scan3A_30) -> (i32)  : i32 {
      %get3A_117 = arith.constant 0 : index
      %get3A_118 = tpu.vector_load %arg13[%get3A_117] {strides = array<i32>} : memref<16xi32, #tpu.memory_space<vmem>>, vector<16xi32>,
      %iota3A_119 = tpu.iota {dimensions = array<i32: 0>} : vector<16xi32>
      %mul3A_120 = arith.constant 32 : i32
      %mul3A_121 = arith.muli %scan3A_115, %mul3A_120 : i32
      %add3A_122 = arith.constant 0 : i32
      %add3A_123 = arith.addi %mul3A_121, %add3A_122 : i32
      %get3A_124 = arith.index_cast %add3A_123 : i32 to index
      %get3A_125 = tpu.vector_load %arg6[%get3A_124] {strides = array<i32>} : memref<4096xi32, #tpu.memory_space<vmem>>, vector<16xi32>,
      %shift_right_logical3A = arith.constant 7 : i32
      %shift_right_logical3A_126 = vector.broadcast %shift_right_logical3A : i32 to vector<16xi32>
      %shift_right_logical3A_127 = arith.shrui %get3A_125, %shift_right_logical3A_126 : vector<16xi32>
      %ge3A = arith.cmpi sge, %shift_right_logical3A_127, %broadcast_in_dim3A : vector<16xi32>
      %lt3A = arith.cmpi slt, %shift_right_logical3A_127, %broadcast_in_dim3A_8 : vector<16xi32>
      %and3A = arith.andi %ge3A, %lt3A : vector<16xi1>
      %convert_element_type3A_128 = arith.extui %and3A : vector<16xi1> to vector<16xi32>
      %broadcast_in_dim3A_129 = arith.constant true
      %broadcast_in_dim3A_130 = vector.broadcast %broadcast_in_dim3A_129 : i1 to vector<16xi1>
      %masked_cumsum3A = tpu.scan <sum>, %convert_element_type3A_128 masked %broadcast_in_dim3A_130 : vector<16xi32>, vector<16xi1> -> vector<16xi32>
      %add3A_131 = arith.addi %get3A_118, %masked_cumsum3A : vector<16xi32>
      %sub3A_132 = arith.constant 1 : i32
      %sub3A_133 = vector.broadcast %sub3A_132 : i32 to vector<16xi32>
      %sub3A_134 = arith.subi %add3A_131, %sub3A_133 : vector<16xi32>
      %mul3A_135 = arith.constant 32 : i32
      %mul3A_136 = arith.muli %scan3A_115, %mul3A_135 : i32
      %add3A_137 = arith.constant 4096 : i32
      %add3A_138 = arith.addi %add3A_137, %mul3A_136 : i32
      %add3A_139 = arith.constant 0 : i32
      %add3A_140 = arith.addi %add3A_138, %add3A_139 : i32
      %add3A_141 = vector.broadcast %add3A_140 : i32 to vector<16xi32>
      %add3A_142 = arith.addi %iota3A_119, %add3A_141 : vector<16xi32>
      %sub3A_143 = arith.subi %shift_right_logical3A_127, %broadcast_in_dim3A : vector<16xi32>
      %shift_left3A = arith.constant 21 : i32
      %shift_left3A_144 = vector.broadcast %shift_left3A : i32 to vector<16xi32>
      %shift_left3A_145 = arith.shli %sub3A_143, %shift_left3A_144 : vector<16xi32>
      %and3A_146 = arith.constant 127 : i32
      %and3A_147 = vector.broadcast %and3A_146 : i32 to vector<16xi32>
      %and3A_148 = arith.andi %get3A_125, %and3A_147 : vector<16xi32>
      %shift_left3A_149 = arith.constant 14 : i32
      %shift_left3A_150 = vector.broadcast %shift_left3A_149 : i32 to vector<16xi32>
      %shift_left3A_151 = arith.shli %and3A_148, %shift_left3A_150 : vector<16xi32>
      %or3A = arith.ori %shift_left3A_145, %shift_left3A_151 : vector<16xi32>
      %or3A_152 = arith.ori %or3A, %add3A_142 : vector<16xi32>
      tpu.vector_store_idx %arg7[%sub3A_134], %or3A_152 masked %and3A : memref<16480xi32, #tpu.memory_space<vmem>>[vector<16xi32>], vector<16xi32>, vector<16xi1>
      %reduce_max3A_153 = arith.constant true
      %reduce_max3A_154 = vector.broadcast %reduce_max3A_153 : i1 to vector<16xi1>
      %reduce_max3A_155 = arith.constant -2147483648 : i32
      %reduce_max3A_156 = vector.broadcast %reduce_max3A_155 : i32 to vector<16xi32>
      %reduce_max3A_157 = arith.xori %masked_cumsum3A, %reduce_max3A_156 : vector<16xi32>
      %reduce_max3A_158 = tpu.scan <max>, %reduce_max3A_157 masked %reduce_max3A_154 : vector<16xi32>, vector<16xi1> -> vector<16xi32>
      %reduce_max3A_159 = arith.xori %reduce_max3A_158, %reduce_max3A_156 : vector<16xi32>
      %reduce_max3A_160 = vector.extract %reduce_max3A_159[15] : i32 from vector<16xi32>
      %broadcast_in_dim3A_161 = vector.broadcast %reduce_max3A_160 : i32 to vector<16xi32>
      %add3A_162 = arith.addi %get3A_118, %broadcast_in_dim3A_161 : vector<16xi32>
      %mul3A_163 = arith.constant 32 : i32
      %mul3A_164 = arith.muli %scan3A_115, %mul3A_163 : i32
      %add3A_165 = arith.constant 16 : i32
      %add3A_166 = arith.addi %mul3A_164, %add3A_165 : i32
      %get3A_167 = arith.index_cast %add3A_166 : i32 to index
      %get3A_168 = tpu.vector_load %arg6[%get3A_167] {strides = array<i32>} : memref<4096xi32, #tpu.memory_space<vmem>>, vector<16xi32>,
      %shift_right_logical3A_169 = arith.constant 7 : i32
      %shift_right_logical3A_170 = vector.broadcast %shift_right_logical3A_169 : i32 to vector<16xi32>
      %shift_right_logical3A_171 = arith.shrui %get3A_168, %shift_right_logical3A_170 : vector<16xi32>
      %ge3A_172 = arith.cmpi sge, %shift_right_logical3A_171, %broadcast_in_dim3A : vector<16xi32>
      %lt3A_173 = arith.cmpi slt, %shift_right_logical3A_171, %broadcast_in_dim3A_8 : vector<16xi32>
      %and3A_174 = arith.andi %ge3A_172, %lt3A_173 : vector<16xi1>
      %convert_element_type3A_175 = arith.extui %and3A_174 : vector<16xi1> to vector<16xi32>
      %broadcast_in_dim3A_176 = arith.constant true
      %broadcast_in_dim3A_177 = vector.broadcast %broadcast_in_dim3A_176 : i1 to vector<16xi1>
      %masked_cumsum3A_178 = tpu.scan <sum>, %convert_element_type3A_175 masked %broadcast_in_dim3A_177 : vector<16xi32>, vector<16xi1> -> vector<16xi32>
      %add3A_179 = arith.addi %add3A_162, %masked_cumsum3A_178 : vector<16xi32>
      %sub3A_180 = arith.constant 1 : i32
      %sub3A_181 = vector.broadcast %sub3A_180 : i32 to vector<16xi32>
      %sub3A_182 = arith.subi %add3A_179, %sub3A_181 : vector<16xi32>
      %mul3A_183 = arith.constant 32 : i32
      %mul3A_184 = arith.muli %scan3A_115, %mul3A_183 : i32
      %add3A_185 = arith.constant 4096 : i32
      %add3A_186 = arith.addi %add3A_185, %mul3A_184 : i32
      %add3A_187 = arith.constant 16 : i32
      %add3A_188 = arith.addi %add3A_186, %add3A_187 : i32
      %add3A_189 = vector.broadcast %add3A_188 : i32 to vector<16xi32>
      %add3A_190 = arith.addi %iota3A_119, %add3A_189 : vector<16xi32>
      %sub3A_191 = arith.subi %shift_right_logical3A_171, %broadcast_in_dim3A : vector<16xi32>
      %shift_left3A_192 = arith.constant 21 : i32
      %shift_left3A_193 = vector.broadcast %shift_left3A_192 : i32 to vector<16xi32>
      %shift_left3A_194 = arith.shli %sub3A_191, %shift_left3A_193 : vector<16xi32>
      %and3A_195 = arith.constant 127 : i32
      %and3A_196 = vector.broadcast %and3A_195 : i32 to vector<16xi32>
      %and3A_197 = arith.andi %get3A_168, %and3A_196 : vector<16xi32>
      %shift_left3A_198 = arith.constant 14 : i32
      %shift_left3A_199 = vector.broadcast %shift_left3A_198 : i32 to vector<16xi32>
      %shift_left3A_200 = arith.shli %and3A_197, %shift_left3A_199 : vector<16xi32>
      %or3A_201 = arith.ori %shift_left3A_194, %shift_left3A_200 : vector<16xi32>
      %or3A_202 = arith.ori %or3A_201, %add3A_190 : vector<16xi32>
      tpu.vector_store_idx %arg7[%sub3A_182], %or3A_202 masked %and3A_174 : memref<16480xi32, #tpu.memory_space<vmem>>[vector<16xi32>], vector<16xi32>, vector<16xi1>
      %reduce_max3A_203 = arith.constant true
      %reduce_max3A_204 = vector.broadcast %reduce_max3A_203 : i1 to vector<16xi1>
      %reduce_max3A_205 = arith.constant -2147483648 : i32
      %reduce_max3A_206 = vector.broadcast %reduce_max3A_205 : i32 to vector<16xi32>
      %reduce_max3A_207 = arith.xori %masked_cumsum3A_178, %reduce_max3A_206 : vector<16xi32>
      %reduce_max3A_208 = tpu.scan <max>, %reduce_max3A_207 masked %reduce_max3A_204 : vector<16xi32>, vector<16xi1> -> vector<16xi32>
      %reduce_max3A_209 = arith.xori %reduce_max3A_208, %reduce_max3A_206 : vector<16xi32>
      %reduce_max3A_210 = vector.extract %reduce_max3A_209[15] : i32 from vector<16xi32>
      %broadcast_in_dim3A_211 = vector.broadcast %reduce_max3A_210 : i32 to vector<16xi32>
      %add3A_212 = arith.addi %add3A_162, %broadcast_in_dim3A_211 : vector<16xi32>
      %swap3A_213 = arith.constant 0 : index
      %swap3A_214 = tpu.vector_load %arg13[%swap3A_213] {strides = array<i32>} : memref<16xi32, #tpu.memory_space<vmem>>, vector<16xi32>,
      tpu.vector_store %arg13[%swap3A_213], %add3A_212 {strides = array<i32>} : memref<16xi32, #tpu.memory_space<vmem>>, vector<16xi32>,
      %scan3A_215 = arith.constant 0 : i32
      scf.yield %scan3A_215 : i32
    }
    %scan3A_36 = arith.constant 128 : i32
    "tpu.region"() ({
      %run_scoped3A = tpu.sem_alloc : memref<!tpu.dma_semaphore, #tpu.memory_space<semaphore_mem>>
      %dma_start3A = arith.constant 8192 : i32
      %dma_start3A_115 = tpu.memref_slice %arg4[%dma_start3A] : memref<16384xi32, #tpu.memory_space<hbm>> -> memref<4096xi32, #tpu.memory_space<hbm>>
      %dma_start3A_116 = arith.constant 8192 : i32
      %dma_start3A_117 = tpu.memref_slice %arg4[%dma_start3A_116] : memref<16384xi32, #tpu.memory_space<hbm>> -> memref<4096xi32, #tpu.memory_space<hbm>>
      tpu.enqueue_dma source(%dma_start3A_117 : memref<4096xi32, #tpu.memory_space<hbm>>) target(%arg6 : memref<4096xi32, #tpu.memory_space<vmem>>) target_semaphore(%run_scoped3A : memref<!tpu.dma_semaphore, #tpu.memory_space<semaphore_mem>>)
      %dma_wait3A = arith.constant 8192 : i32
      %dma_wait3A_118 = tpu.memref_slice %arg4[%dma_wait3A] : memref<16384xi32, #tpu.memory_space<hbm>> -> memref<4096xi32, #tpu.memory_space<hbm>>
      %dma_wait3A_119 = arith.constant 8192 : i32
      %dma_wait3A_120 = tpu.memref_slice %arg4[%dma_wait3A_119] : memref<16384xi32, #tpu.memory_space<hbm>> -> memref<4096xi32, #tpu.memory_space<hbm>>
      tpu.wait_dma2 semaphore(%run_scoped3A : memref<!tpu.dma_semaphore, #tpu.memory_space<semaphore_mem>>) src(%dma_wait3A_120 : memref<4096xi32, #tpu.memory_space<hbm>>) dst(%arg6 : memref<4096xi32, #tpu.memory_space<vmem>>)
      tpu.yield
    }) : () -> ()
    %scan3A_37 = arith.constant 0 : i32
    %scan3A_38 = arith.constant 0 : i32
    %scan3A_39 = arith.constant 128 : i32
    %scan3A_40 = arith.addi %scan3A_38, %scan3A_39 : i32
    %scan3A_41 = arith.constant 1 : i32
    %scan3A_42 = scf.for %scan3A_115 = %scan3A_38 to %scan3A_40 step %scan3A_41 iter_args(%scan3A_116 = %scan3A_37) -> (i32)  : i32 {
      %get3A_117 = arith.constant 0 : index
      %get3A_118 = tpu.vector_load %arg13[%get3A_117] {strides = array<i32>} : memref<16xi32, #tpu.memory_space<vmem>>, vector<16xi32>,
      %iota3A_119 = tpu.iota {dimensions = array<i32: 0>} : vector<16xi32>
      %mul3A_120 = arith.constant 32 : i32
      %mul3A_121 = arith.muli %scan3A_115, %mul3A_120 : i32
      %add3A_122 = arith.constant 0 : i32
      %add3A_123 = arith.addi %mul3A_121, %add3A_122 : i32
      %get3A_124 = arith.index_cast %add3A_123 : i32 to index
      %get3A_125 = tpu.vector_load %arg6[%get3A_124] {strides = array<i32>} : memref<4096xi32, #tpu.memory_space<vmem>>, vector<16xi32>,
      %shift_right_logical3A = arith.constant 7 : i32
      %shift_right_logical3A_126 = vector.broadcast %shift_right_logical3A : i32 to vector<16xi32>
      %shift_right_logical3A_127 = arith.shrui %get3A_125, %shift_right_logical3A_126 : vector<16xi32>
      %ge3A = arith.cmpi sge, %shift_right_logical3A_127, %broadcast_in_dim3A : vector<16xi32>
      %lt3A = arith.cmpi slt, %shift_right_logical3A_127, %broadcast_in_dim3A_8 : vector<16xi32>
      %and3A = arith.andi %ge3A, %lt3A : vector<16xi1>
      %convert_element_type3A_128 = arith.extui %and3A : vector<16xi1> to vector<16xi32>
      %broadcast_in_dim3A_129 = arith.constant true
      %broadcast_in_dim3A_130 = vector.broadcast %broadcast_in_dim3A_129 : i1 to vector<16xi1>
      %masked_cumsum3A = tpu.scan <sum>, %convert_element_type3A_128 masked %broadcast_in_dim3A_130 : vector<16xi32>, vector<16xi1> -> vector<16xi32>
      %add3A_131 = arith.addi %get3A_118, %masked_cumsum3A : vector<16xi32>
      %sub3A_132 = arith.constant 1 : i32
      %sub3A_133 = vector.broadcast %sub3A_132 : i32 to vector<16xi32>
      %sub3A_134 = arith.subi %add3A_131, %sub3A_133 : vector<16xi32>
      %mul3A_135 = arith.constant 32 : i32
      %mul3A_136 = arith.muli %scan3A_115, %mul3A_135 : i32
      %add3A_137 = arith.constant 8192 : i32
      %add3A_138 = arith.addi %add3A_137, %mul3A_136 : i32
      %add3A_139 = arith.constant 0 : i32
      %add3A_140 = arith.addi %add3A_138, %add3A_139 : i32
      %add3A_141 = vector.broadcast %add3A_140 : i32 to vector<16xi32>
      %add3A_142 = arith.addi %iota3A_119, %add3A_141 : vector<16xi32>
      %sub3A_143 = arith.subi %shift_right_logical3A_127, %broadcast_in_dim3A : vector<16xi32>
      %shift_left3A = arith.constant 21 : i32
      %shift_left3A_144 = vector.broadcast %shift_left3A : i32 to vector<16xi32>
      %shift_left3A_145 = arith.shli %sub3A_143, %shift_left3A_144 : vector<16xi32>
      %and3A_146 = arith.constant 127 : i32
      %and3A_147 = vector.broadcast %and3A_146 : i32 to vector<16xi32>
      %and3A_148 = arith.andi %get3A_125, %and3A_147 : vector<16xi32>
      %shift_left3A_149 = arith.constant 14 : i32
      %shift_left3A_150 = vector.broadcast %shift_left3A_149 : i32 to vector<16xi32>
      %shift_left3A_151 = arith.shli %and3A_148, %shift_left3A_150 : vector<16xi32>
      %or3A = arith.ori %shift_left3A_145, %shift_left3A_151 : vector<16xi32>
      %or3A_152 = arith.ori %or3A, %add3A_142 : vector<16xi32>
      tpu.vector_store_idx %arg7[%sub3A_134], %or3A_152 masked %and3A : memref<16480xi32, #tpu.memory_space<vmem>>[vector<16xi32>], vector<16xi32>, vector<16xi1>
      %reduce_max3A_153 = arith.constant true
      %reduce_max3A_154 = vector.broadcast %reduce_max3A_153 : i1 to vector<16xi1>
      %reduce_max3A_155 = arith.constant -2147483648 : i32
      %reduce_max3A_156 = vector.broadcast %reduce_max3A_155 : i32 to vector<16xi32>
      %reduce_max3A_157 = arith.xori %masked_cumsum3A, %reduce_max3A_156 : vector<16xi32>
      %reduce_max3A_158 = tpu.scan <max>, %reduce_max3A_157 masked %reduce_max3A_154 : vector<16xi32>, vector<16xi1> -> vector<16xi32>
      %reduce_max3A_159 = arith.xori %reduce_max3A_158, %reduce_max3A_156 : vector<16xi32>
      %reduce_max3A_160 = vector.extract %reduce_max3A_159[15] : i32 from vector<16xi32>
      %broadcast_in_dim3A_161 = vector.broadcast %reduce_max3A_160 : i32 to vector<16xi32>
      %add3A_162 = arith.addi %get3A_118, %broadcast_in_dim3A_161 : vector<16xi32>
      %mul3A_163 = arith.constant 32 : i32
      %mul3A_164 = arith.muli %scan3A_115, %mul3A_163 : i32
      %add3A_165 = arith.constant 16 : i32
      %add3A_166 = arith.addi %mul3A_164, %add3A_165 : i32
      %get3A_167 = arith.index_cast %add3A_166 : i32 to index
      %get3A_168 = tpu.vector_load %arg6[%get3A_167] {strides = array<i32>} : memref<4096xi32, #tpu.memory_space<vmem>>, vector<16xi32>,
      %shift_right_logical3A_169 = arith.constant 7 : i32
      %shift_right_logical3A_170 = vector.broadcast %shift_right_logical3A_169 : i32 to vector<16xi32>
      %shift_right_logical3A_171 = arith.shrui %get3A_168, %shift_right_logical3A_170 : vector<16xi32>
      %ge3A_172 = arith.cmpi sge, %shift_right_logical3A_171, %broadcast_in_dim3A : vector<16xi32>
      %lt3A_173 = arith.cmpi slt, %shift_right_logical3A_171, %broadcast_in_dim3A_8 : vector<16xi32>
      %and3A_174 = arith.andi %ge3A_172, %lt3A_173 : vector<16xi1>
      %convert_element_type3A_175 = arith.extui %and3A_174 : vector<16xi1> to vector<16xi32>
      %broadcast_in_dim3A_176 = arith.constant true
      %broadcast_in_dim3A_177 = vector.broadcast %broadcast_in_dim3A_176 : i1 to vector<16xi1>
      %masked_cumsum3A_178 = tpu.scan <sum>, %convert_element_type3A_175 masked %broadcast_in_dim3A_177 : vector<16xi32>, vector<16xi1> -> vector<16xi32>
      %add3A_179 = arith.addi %add3A_162, %masked_cumsum3A_178 : vector<16xi32>
      %sub3A_180 = arith.constant 1 : i32
      %sub3A_181 = vector.broadcast %sub3A_180 : i32 to vector<16xi32>
      %sub3A_182 = arith.subi %add3A_179, %sub3A_181 : vector<16xi32>
      %mul3A_183 = arith.constant 32 : i32
      %mul3A_184 = arith.muli %scan3A_115, %mul3A_183 : i32
      %add3A_185 = arith.constant 8192 : i32
      %add3A_186 = arith.addi %add3A_185, %mul3A_184 : i32
      %add3A_187 = arith.constant 16 : i32
      %add3A_188 = arith.addi %add3A_186, %add3A_187 : i32
      %add3A_189 = vector.broadcast %add3A_188 : i32 to vector<16xi32>
      %add3A_190 = arith.addi %iota3A_119, %add3A_189 : vector<16xi32>
      %sub3A_191 = arith.subi %shift_right_logical3A_171, %broadcast_in_dim3A : vector<16xi32>
      %shift_left3A_192 = arith.constant 21 : i32
      %shift_left3A_193 = vector.broadcast %shift_left3A_192 : i32 to vector<16xi32>
      %shift_left3A_194 = arith.shli %sub3A_191, %shift_left3A_193 : vector<16xi32>
      %and3A_195 = arith.constant 127 : i32
      %and3A_196 = vector.broadcast %and3A_195 : i32 to vector<16xi32>
      %and3A_197 = arith.andi %get3A_168, %and3A_196 : vector<16xi32>
      %shift_left3A_198 = arith.constant 14 : i32
      %shift_left3A_199 = vector.broadcast %shift_left3A_198 : i32 to vector<16xi32>
      %shift_left3A_200 = arith.shli %and3A_197, %shift_left3A_199 : vector<16xi32>
      %or3A_201 = arith.ori %shift_left3A_194, %shift_left3A_200 : vector<16xi32>
      %or3A_202 = arith.ori %or3A_201, %add3A_190 : vector<16xi32>
      tpu.vector_store_idx %arg7[%sub3A_182], %or3A_202 masked %and3A_174 : memref<16480xi32, #tpu.memory_space<vmem>>[vector<16xi32>], vector<16xi32>, vector<16xi1>
      %reduce_max3A_203 = arith.constant true
      %reduce_max3A_204 = vector.broadcast %reduce_max3A_203 : i1 to vector<16xi1>
      %reduce_max3A_205 = arith.constant -2147483648 : i32
      %reduce_max3A_206 = vector.broadcast %reduce_max3A_205 : i32 to vector<16xi32>
      %reduce_max3A_207 = arith.xori %masked_cumsum3A_178, %reduce_max3A_206 : vector<16xi32>
      %reduce_max3A_208 = tpu.scan <max>, %reduce_max3A_207 masked %reduce_max3A_204 : vector<16xi32>, vector<16xi1> -> vector<16xi32>
      %reduce_max3A_209 = arith.xori %reduce_max3A_208, %reduce_max3A_206 : vector<16xi32>
      %reduce_max3A_210 = vector.extract %reduce_max3A_209[15] : i32 from vector<16xi32>
      %broadcast_in_dim3A_211 = vector.broadcast %reduce_max3A_210 : i32 to vector<16xi32>
      %add3A_212 = arith.addi %add3A_162, %broadcast_in_dim3A_211 : vector<16xi32>
      %swap3A_213 = arith.constant 0 : index
      %swap3A_214 = tpu.vector_load %arg13[%swap3A_213] {strides = array<i32>} : memref<16xi32, #tpu.memory_space<vmem>>, vector<16xi32>,
      tpu.vector_store %arg13[%swap3A_213], %add3A_212 {strides = array<i32>} : memref<16xi32, #tpu.memory_space<vmem>>, vector<16xi32>,
      %scan3A_215 = arith.constant 0 : i32
      scf.yield %scan3A_215 : i32
    }
    %scan3A_43 = arith.constant 128 : i32
    "tpu.region"() ({
      %run_scoped3A = tpu.sem_alloc : memref<!tpu.dma_semaphore, #tpu.memory_space<semaphore_mem>>
      %dma_start3A = arith.constant 12288 : i32
      %dma_start3A_115 = tpu.memref_slice %arg4[%dma_start3A] : memref<16384xi32, #tpu.memory_space<hbm>> -> memref<4096xi32, #tpu.memory_space<hbm>>
      %dma_start3A_116 = arith.constant 12288 : i32
      %dma_start3A_117 = tpu.memref_slice %arg4[%dma_start3A_116] : memref<16384xi32, #tpu.memory_space<hbm>> -> memref<4096xi32, #tpu.memory_space<hbm>>
      tpu.enqueue_dma source(%dma_start3A_117 : memref<4096xi32, #tpu.memory_space<hbm>>) target(%arg6 : memref<4096xi32, #tpu.memory_space<vmem>>) target_semaphore(%run_scoped3A : memref<!tpu.dma_semaphore, #tpu.memory_space<semaphore_mem>>)
      %dma_wait3A = arith.constant 12288 : i32
      %dma_wait3A_118 = tpu.memref_slice %arg4[%dma_wait3A] : memref<16384xi32, #tpu.memory_space<hbm>> -> memref<4096xi32, #tpu.memory_space<hbm>>
      %dma_wait3A_119 = arith.constant 12288 : i32
      %dma_wait3A_120 = tpu.memref_slice %arg4[%dma_wait3A_119] : memref<16384xi32, #tpu.memory_space<hbm>> -> memref<4096xi32, #tpu.memory_space<hbm>>
      tpu.wait_dma2 semaphore(%run_scoped3A : memref<!tpu.dma_semaphore, #tpu.memory_space<semaphore_mem>>) src(%dma_wait3A_120 : memref<4096xi32, #tpu.memory_space<hbm>>) dst(%arg6 : memref<4096xi32, #tpu.memory_space<vmem>>)
      tpu.yield
    }) : () -> ()
    %scan3A_44 = arith.constant 0 : i32
    %scan3A_45 = arith.constant 0 : i32
    %scan3A_46 = arith.constant 128 : i32
    %scan3A_47 = arith.addi %scan3A_45, %scan3A_46 : i32
    %scan3A_48 = arith.constant 1 : i32
    %scan3A_49 = scf.for %scan3A_115 = %scan3A_45 to %scan3A_47 step %scan3A_48 iter_args(%scan3A_116 = %scan3A_44) -> (i32)  : i32 {
      %get3A_117 = arith.constant 0 : index
      %get3A_118 = tpu.vector_load %arg13[%get3A_117] {strides = array<i32>} : memref<16xi32, #tpu.memory_space<vmem>>, vector<16xi32>,
      %iota3A_119 = tpu.iota {dimensions = array<i32: 0>} : vector<16xi32>
      %mul3A_120 = arith.constant 32 : i32
      %mul3A_121 = arith.muli %scan3A_115, %mul3A_120 : i32
      %add3A_122 = arith.constant 0 : i32
      %add3A_123 = arith.addi %mul3A_121, %add3A_122 : i32
      %get3A_124 = arith.index_cast %add3A_123 : i32 to index
      %get3A_125 = tpu.vector_load %arg6[%get3A_124] {strides = array<i32>} : memref<4096xi32, #tpu.memory_space<vmem>>, vector<16xi32>,
      %shift_right_logical3A = arith.constant 7 : i32
      %shift_right_logical3A_126 = vector.broadcast %shift_right_logical3A : i32 to vector<16xi32>
      %shift_right_logical3A_127 = arith.shrui %get3A_125, %shift_right_logical3A_126 : vector<16xi32>
      %ge3A = arith.cmpi sge, %shift_right_logical3A_127, %broadcast_in_dim3A : vector<16xi32>
      %lt3A = arith.cmpi slt, %shift_right_logical3A_127, %broadcast_in_dim3A_8 : vector<16xi32>
      %and3A = arith.andi %ge3A, %lt3A : vector<16xi1>
      %convert_element_type3A_128 = arith.extui %and3A : vector<16xi1> to vector<16xi32>
      %broadcast_in_dim3A_129 = arith.constant true
      %broadcast_in_dim3A_130 = vector.broadcast %broadcast_in_dim3A_129 : i1 to vector<16xi1>
      %masked_cumsum3A = tpu.scan <sum>, %convert_element_type3A_128 masked %broadcast_in_dim3A_130 : vector<16xi32>, vector<16xi1> -> vector<16xi32>
      %add3A_131 = arith.addi %get3A_118, %masked_cumsum3A : vector<16xi32>
      %sub3A_132 = arith.constant 1 : i32
      %sub3A_133 = vector.broadcast %sub3A_132 : i32 to vector<16xi32>
      %sub3A_134 = arith.subi %add3A_131, %sub3A_133 : vector<16xi32>
      %mul3A_135 = arith.constant 32 : i32
      %mul3A_136 = arith.muli %scan3A_115, %mul3A_135 : i32
      %add3A_137 = arith.constant 12288 : i32
      %add3A_138 = arith.addi %add3A_137, %mul3A_136 : i32
      %add3A_139 = arith.constant 0 : i32
      %add3A_140 = arith.addi %add3A_138, %add3A_139 : i32
      %add3A_141 = vector.broadcast %add3A_140 : i32 to vector<16xi32>
      %add3A_142 = arith.addi %iota3A_119, %add3A_141 : vector<16xi32>
      %sub3A_143 = arith.subi %shift_right_logical3A_127, %broadcast_in_dim3A : vector<16xi32>
      %shift_left3A = arith.constant 21 : i32
      %shift_left3A_144 = vector.broadcast %shift_left3A : i32 to vector<16xi32>
      %shift_left3A_145 = arith.shli %sub3A_143, %shift_left3A_144 : vector<16xi32>
      %and3A_146 = arith.constant 127 : i32
      %and3A_147 = vector.broadcast %and3A_146 : i32 to vector<16xi32>
      %and3A_148 = arith.andi %get3A_125, %and3A_147 : vector<16xi32>
      %shift_left3A_149 = arith.constant 14 : i32
      %shift_left3A_150 = vector.broadcast %shift_left3A_149 : i32 to vector<16xi32>
      %shift_left3A_151 = arith.shli %and3A_148, %shift_left3A_150 : vector<16xi32>
      %or3A = arith.ori %shift_left3A_145, %shift_left3A_151 : vector<16xi32>
      %or3A_152 = arith.ori %or3A, %add3A_142 : vector<16xi32>
      tpu.vector_store_idx %arg7[%sub3A_134], %or3A_152 masked %and3A : memref<16480xi32, #tpu.memory_space<vmem>>[vector<16xi32>], vector<16xi32>, vector<16xi1>
      %reduce_max3A_153 = arith.constant true
      %reduce_max3A_154 = vector.broadcast %reduce_max3A_153 : i1 to vector<16xi1>
      %reduce_max3A_155 = arith.constant -2147483648 : i32
      %reduce_max3A_156 = vector.broadcast %reduce_max3A_155 : i32 to vector<16xi32>
      %reduce_max3A_157 = arith.xori %masked_cumsum3A, %reduce_max3A_156 : vector<16xi32>
      %reduce_max3A_158 = tpu.scan <max>, %reduce_max3A_157 masked %reduce_max3A_154 : vector<16xi32>, vector<16xi1> -> vector<16xi32>
      %reduce_max3A_159 = arith.xori %reduce_max3A_158, %reduce_max3A_156 : vector<16xi32>
      %reduce_max3A_160 = vector.extract %reduce_max3A_159[15] : i32 from vector<16xi32>
      %broadcast_in_dim3A_161 = vector.broadcast %reduce_max3A_160 : i32 to vector<16xi32>
      %add3A_162 = arith.addi %get3A_118, %broadcast_in_dim3A_161 : vector<16xi32>
      %mul3A_163 = arith.constant 32 : i32
      %mul3A_164 = arith.muli %scan3A_115, %mul3A_163 : i32
      %add3A_165 = arith.constant 16 : i32
      %add3A_166 = arith.addi %mul3A_164, %add3A_165 : i32
      %get3A_167 = arith.index_cast %add3A_166 : i32 to index
      %get3A_168 = tpu.vector_load %arg6[%get3A_167] {strides = array<i32>} : memref<4096xi32, #tpu.memory_space<vmem>>, vector<16xi32>,
      %shift_right_logical3A_169 = arith.constant 7 : i32
      %shift_right_logical3A_170 = vector.broadcast %shift_right_logical3A_169 : i32 to vector<16xi32>
      %shift_right_logical3A_171 = arith.shrui %get3A_168, %shift_right_logical3A_170 : vector<16xi32>
      %ge3A_172 = arith.cmpi sge, %shift_right_logical3A_171, %broadcast_in_dim3A : vector<16xi32>
      %lt3A_173 = arith.cmpi slt, %shift_right_logical3A_171, %broadcast_in_dim3A_8 : vector<16xi32>
      %and3A_174 = arith.andi %ge3A_172, %lt3A_173 : vector<16xi1>
      %convert_element_type3A_175 = arith.extui %and3A_174 : vector<16xi1> to vector<16xi32>
      %broadcast_in_dim3A_176 = arith.constant true
      %broadcast_in_dim3A_177 = vector.broadcast %broadcast_in_dim3A_176 : i1 to vector<16xi1>
      %masked_cumsum3A_178 = tpu.scan <sum>, %convert_element_type3A_175 masked %broadcast_in_dim3A_177 : vector<16xi32>, vector<16xi1> -> vector<16xi32>
      %add3A_179 = arith.addi %add3A_162, %masked_cumsum3A_178 : vector<16xi32>
      %sub3A_180 = arith.constant 1 : i32
      %sub3A_181 = vector.broadcast %sub3A_180 : i32 to vector<16xi32>
      %sub3A_182 = arith.subi %add3A_179, %sub3A_181 : vector<16xi32>
      %mul3A_183 = arith.constant 32 : i32
      %mul3A_184 = arith.muli %scan3A_115, %mul3A_183 : i32
      %add3A_185 = arith.constant 12288 : i32
      %add3A_186 = arith.addi %add3A_185, %mul3A_184 : i32
      %add3A_187 = arith.constant 16 : i32
      %add3A_188 = arith.addi %add3A_186, %add3A_187 : i32
      %add3A_189 = vector.broadcast %add3A_188 : i32 to vector<16xi32>
      %add3A_190 = arith.addi %iota3A_119, %add3A_189 : vector<16xi32>
      %sub3A_191 = arith.subi %shift_right_logical3A_171, %broadcast_in_dim3A : vector<16xi32>
      %shift_left3A_192 = arith.constant 21 : i32
      %shift_left3A_193 = vector.broadcast %shift_left3A_192 : i32 to vector<16xi32>
      %shift_left3A_194 = arith.shli %sub3A_191, %shift_left3A_193 : vector<16xi32>
      %and3A_195 = arith.constant 127 : i32
      %and3A_196 = vector.broadcast %and3A_195 : i32 to vector<16xi32>
      %and3A_197 = arith.andi %get3A_168, %and3A_196 : vector<16xi32>
      %shift_left3A_198 = arith.constant 14 : i32
      %shift_left3A_199 = vector.broadcast %shift_left3A_198 : i32 to vector<16xi32>
      %shift_left3A_200 = arith.shli %and3A_197, %shift_left3A_199 : vector<16xi32>
      %or3A_201 = arith.ori %shift_left3A_194, %shift_left3A_200 : vector<16xi32>
      %or3A_202 = arith.ori %or3A_201, %add3A_190 : vector<16xi32>
      tpu.vector_store_idx %arg7[%sub3A_182], %or3A_202 masked %and3A_174 : memref<16480xi32, #tpu.memory_space<vmem>>[vector<16xi32>], vector<16xi32>, vector<16xi1>
      %reduce_max3A_203 = arith.constant true
      %reduce_max3A_204 = vector.broadcast %reduce_max3A_203 : i1 to vector<16xi1>
      %reduce_max3A_205 = arith.constant -2147483648 : i32
      %reduce_max3A_206 = vector.broadcast %reduce_max3A_205 : i32 to vector<16xi32>
      %reduce_max3A_207 = arith.xori %masked_cumsum3A_178, %reduce_max3A_206 : vector<16xi32>
      %reduce_max3A_208 = tpu.scan <max>, %reduce_max3A_207 masked %reduce_max3A_204 : vector<16xi32>, vector<16xi1> -> vector<16xi32>
      %reduce_max3A_209 = arith.xori %reduce_max3A_208, %reduce_max3A_206 : vector<16xi32>
      %reduce_max3A_210 = vector.extract %reduce_max3A_209[15] : i32 from vector<16xi32>
      %broadcast_in_dim3A_211 = vector.broadcast %reduce_max3A_210 : i32 to vector<16xi32>
      %add3A_212 = arith.addi %add3A_162, %broadcast_in_dim3A_211 : vector<16xi32>
      %swap3A_213 = arith.constant 0 : index
      %swap3A_214 = tpu.vector_load %arg13[%swap3A_213] {strides = array<i32>} : memref<16xi32, #tpu.memory_space<vmem>>, vector<16xi32>,
      tpu.vector_store %arg13[%swap3A_213], %add3A_212 {strides = array<i32>} : memref<16xi32, #tpu.memory_space<vmem>>, vector<16xi32>,
      %scan3A_215 = arith.constant 0 : i32
      scf.yield %scan3A_215 : i32
    }
    %scan3A_50 = arith.constant 128 : i32
    %get3A = arith.constant 0 : index
    %get3A_51 = tpu.vector_load %arg13[%get3A] {strides = array<i32>} : memref<16xi32, #tpu.memory_space<vmem>>, vector<16xi32>,
    %reduce_max3A = arith.constant true
    %reduce_max3A_52 = vector.broadcast %reduce_max3A : i1 to vector<16xi1>
    %reduce_max3A_53 = arith.constant -2147483648 : i32
    %reduce_max3A_54 = vector.broadcast %reduce_max3A_53 : i32 to vector<16xi32>
    %reduce_max3A_55 = arith.xori %get3A_51, %reduce_max3A_54 : vector<16xi32>
    %reduce_max3A_56 = tpu.scan <max>, %reduce_max3A_55 masked %reduce_max3A_52 : vector<16xi32>, vector<16xi1> -> vector<16xi32>
    %reduce_max3A_57 = arith.xori %reduce_max3A_56, %reduce_max3A_54 : vector<16xi32>
    %reduce_max3A_58 = vector.extract %reduce_max3A_57[15] : i32 from vector<16xi32>
    %broadcast_in_dim3A_59 = vector.broadcast %reduce_max3A_58 : i32 to vector<16xi32>
    %broadcast_in_dim3A_60 = arith.constant -1 : i32
    %broadcast_in_dim3A_61 = vector.broadcast %broadcast_in_dim3A_60 : i32 to vector<16xi32>
    %iota3A = tpu.iota {dimensions = array<i32: 0>} : vector<16xi32>
    %add3A_62 = arith.addi %broadcast_in_dim3A_59, %iota3A : vector<16xi32>
    %add3A_63 = arith.constant 0 : i32
    %add3A_64 = vector.broadcast %add3A_63 : i32 to vector<16xi32>
    %add3A_65 = arith.addi %add3A_62, %add3A_64 : vector<16xi32>
    tpu.vector_store_idx %arg7[%add3A_65], %broadcast_in_dim3A_61 : memref<16480xi32, #tpu.memory_space<vmem>>[vector<16xi32>], vector<16xi32>,
    %add3A_66 = arith.addi %broadcast_in_dim3A_59, %iota3A : vector<16xi32>
    %add3A_67 = arith.constant 16 : i32
    %add3A_68 = vector.broadcast %add3A_67 : i32 to vector<16xi32>
    %add3A_69 = arith.addi %add3A_66, %add3A_68 : vector<16xi32>
    tpu.vector_store_idx %arg7[%add3A_69], %broadcast_in_dim3A_61 : memref<16480xi32, #tpu.memory_space<vmem>>[vector<16xi32>], vector<16xi32>,
    %add3A_70 = arith.addi %broadcast_in_dim3A_59, %iota3A : vector<16xi32>
    %add3A_71 = arith.constant 32 : i32
    %add3A_72 = vector.broadcast %add3A_71 : i32 to vector<16xi32>
    %add3A_73 = arith.addi %add3A_70, %add3A_72 : vector<16xi32>
    tpu.vector_store_idx %arg7[%add3A_73], %broadcast_in_dim3A_61 : memref<16480xi32, #tpu.memory_space<vmem>>[vector<16xi32>], vector<16xi32>,
    %add3A_74 = arith.addi %broadcast_in_dim3A_59, %iota3A : vector<16xi32>
    %add3A_75 = arith.constant 48 : i32
    %add3A_76 = vector.broadcast %add3A_75 : i32 to vector<16xi32>
    %add3A_77 = arith.addi %add3A_74, %add3A_76 : vector<16xi32>
    tpu.vector_store_idx %arg7[%add3A_77], %broadcast_in_dim3A_61 : memref<16480xi32, #tpu.memory_space<vmem>>[vector<16xi32>], vector<16xi32>,
    %add3A_78 = arith.addi %broadcast_in_dim3A_59, %iota3A : vector<16xi32>
    %add3A_79 = arith.constant 64 : i32
    %add3A_80 = vector.broadcast %add3A_79 : i32 to vector<16xi32>
    %add3A_81 = arith.addi %add3A_78, %add3A_80 : vector<16xi32>
    tpu.vector_store_idx %arg7[%add3A_81], %broadcast_in_dim3A_61 : memref<16480xi32, #tpu.memory_space<vmem>>[vector<16xi32>], vector<16xi32>,
    %scan3A_82 = arith.constant 0 : i32
    %scan3A_83 = arith.constant 0 : i32
    %scan3A_84 = arith.constant 21 : i32
    %scan3A_85 = arith.addi %scan3A_83, %scan3A_84 : i32
    %scan3A_86 = arith.constant 1 : i32
    %scan3A_87 = scf.for %scan3A_115 = %scan3A_83 to %scan3A_85 step %scan3A_86 iter_args(%scan3A_116 = %scan3A_82) -> (i32)  : i32 {
      %mul3A_117 = arith.constant 2 : i32
      %mul3A_118 = arith.muli %scan3A_115, %mul3A_117 : i32
      %add3A_119 = arith.constant 0 : i32
      %add3A_120 = arith.addi %mul3A_118, %add3A_119 : i32
      %lt3A = arith.cmpi slt, %add3A_120, %div3A_9 : i32
      %convert_element_type3A_121 = arith.extui %lt3A : i1 to i32
      %cond3A_122 = arith.constant 0 : i32
      %cond3A_123 = arith.cmpi ne, %convert_element_type3A_121, %cond3A_122 : i32
      scf.if %cond3A_123 {
        %dma_wait3A = arith.constant 0 : i32
        %dma_wait3A_133 = arith.constant 0 : i32
        %dma_wait3A_134 = arith.constant 0 : i32
        %dma_wait3A_135 = tpu.memref_slice %arg8[%dma_wait3A, %dma_wait3A_133, %dma_wait3A_134] : memref<6x64x128xf32, #tpu.memory_space<vmem>> -> memref<1x64x128xf32, #tpu.memory_space<vmem>>
        %dma_wait3A_136 = tpu.memref_squeeze %dma_wait3A_135 : memref<1x64x128xf32, #tpu.memory_space<vmem>> -> memref<64x128xf32, #tpu.memory_space<vmem>>
        %dma_wait3A_137 = arith.constant 0 : i32
        %dma_wait3A_138 = arith.constant 0 : i32
        %dma_wait3A_139 = tpu.memref_slice %arg2[%dma_wait3A_137, %dma_wait3A_138] : memref<64x1000000xf32, #tpu.memory_space<hbm>> -> memref<64x128xf32, #tpu.memory_space<hbm>>
        %dma_wait3A_140 = arith.constant 0 : i32
        %dma_wait3A_141 = arith.constant 0 : i32
        %dma_wait3A_142 = tpu.memref_slice %arg8[%dma_wait3A, %dma_wait3A_140, %dma_wait3A_141] : memref<6x64x128xf32, #tpu.memory_space<vmem>> -> memref<1x64x128xf32, #tpu.memory_space<vmem>>
        %dma_wait3A_143 = tpu.memref_squeeze %dma_wait3A_142 : memref<1x64x128xf32, #tpu.memory_space<vmem>> -> memref<64x128xf32, #tpu.memory_space<vmem>>
        %dma_wait3A_144 = arith.constant 0 : i32
        %dma_wait3A_145 = arith.constant 0 : i32
        %dma_wait3A_146 = tpu.memref_slice %arg2[%dma_wait3A_144, %dma_wait3A_145] : memref<64x1000000xf32, #tpu.memory_space<hbm>> -> memref<64x128xf32, #tpu.memory_space<hbm>>
        tpu.wait_dma2 semaphore(%arg16 : memref<!tpu.dma_semaphore, #tpu.memory_space<semaphore_mem>>) src(%dma_wait3A_146 : memref<64x128xf32, #tpu.memory_space<hbm>>) dst(%dma_wait3A_143 : memref<64x128xf32, #tpu.memory_space<vmem>>)
        %dma_wait3A_147 = arith.constant 1 : i32
        %dma_wait3A_148 = arith.constant 0 : i32
        %dma_wait3A_149 = arith.constant 0 : i32
        %dma_wait3A_150 = tpu.memref_slice %arg8[%dma_wait3A_147, %dma_wait3A_148, %dma_wait3A_149] : memref<6x64x128xf32, #tpu.memory_space<vmem>> -> memref<1x64x128xf32, #tpu.memory_space<vmem>>
        %dma_wait3A_151 = tpu.memref_squeeze %dma_wait3A_150 : memref<1x64x128xf32, #tpu.memory_space<vmem>> -> memref<64x128xf32, #tpu.memory_space<vmem>>
        %dma_wait3A_152 = arith.constant 0 : i32
        %dma_wait3A_153 = arith.constant 0 : i32
        %dma_wait3A_154 = tpu.memref_slice %arg2[%dma_wait3A_152, %dma_wait3A_153] : memref<64x1000000xf32, #tpu.memory_space<hbm>> -> memref<64x128xf32, #tpu.memory_space<hbm>>
        %dma_wait3A_155 = arith.constant 0 : i32
        %dma_wait3A_156 = arith.constant 0 : i32
        %dma_wait3A_157 = tpu.memref_slice %arg8[%dma_wait3A_147, %dma_wait3A_155, %dma_wait3A_156] : memref<6x64x128xf32, #tpu.memory_space<vmem>> -> memref<1x64x128xf32, #tpu.memory_space<vmem>>
        %dma_wait3A_158 = tpu.memref_squeeze %dma_wait3A_157 : memref<1x64x128xf32, #tpu.memory_space<vmem>> -> memref<64x128xf32, #tpu.memory_space<vmem>>
        %dma_wait3A_159 = arith.constant 0 : i32
        %dma_wait3A_160 = arith.constant 0 : i32
        %dma_wait3A_161 = tpu.memref_slice %arg2[%dma_wait3A_159, %dma_wait3A_160] : memref<64x1000000xf32, #tpu.memory_space<hbm>> -> memref<64x128xf32, #tpu.memory_space<hbm>>
        tpu.wait_dma2 semaphore(%arg16 : memref<!tpu.dma_semaphore, #tpu.memory_space<semaphore_mem>>) src(%dma_wait3A_161 : memref<64x128xf32, #tpu.memory_space<hbm>>) dst(%dma_wait3A_158 : memref<64x128xf32, #tpu.memory_space<vmem>>)
        %dma_wait3A_162 = arith.constant 2 : i32
        %dma_wait3A_163 = arith.constant 0 : i32
        %dma_wait3A_164 = arith.constant 0 : i32
        %dma_wait3A_165 = tpu.memref_slice %arg8[%dma_wait3A_162, %dma_wait3A_163, %dma_wait3A_164] : memref<6x64x128xf32, #tpu.memory_space<vmem>> -> memref<1x64x128xf32, #tpu.memory_space<vmem>>
        %dma_wait3A_166 = tpu.memref_squeeze %dma_wait3A_165 : memref<1x64x128xf32, #tpu.memory_space<vmem>> -> memref<64x128xf32, #tpu.memory_space<vmem>>
        %dma_wait3A_167 = arith.constant 0 : i32
        %dma_wait3A_168 = arith.constant 0 : i32
        %dma_wait3A_169 = tpu.memref_slice %arg2[%dma_wait3A_167, %dma_wait3A_168] : memref<64x1000000xf32, #tpu.memory_space<hbm>> -> memref<64x128xf32, #tpu.memory_space<hbm>>
        %dma_wait3A_170 = arith.constant 0 : i32
        %dma_wait3A_171 = arith.constant 0 : i32
        %dma_wait3A_172 = tpu.memref_slice %arg8[%dma_wait3A_162, %dma_wait3A_170, %dma_wait3A_171] : memref<6x64x128xf32, #tpu.memory_space<vmem>> -> memref<1x64x128xf32, #tpu.memory_space<vmem>>
        %dma_wait3A_173 = tpu.memref_squeeze %dma_wait3A_172 : memref<1x64x128xf32, #tpu.memory_space<vmem>> -> memref<64x128xf32, #tpu.memory_space<vmem>>
        %dma_wait3A_174 = arith.constant 0 : i32
        %dma_wait3A_175 = arith.constant 0 : i32
        %dma_wait3A_176 = tpu.memref_slice %arg2[%dma_wait3A_174, %dma_wait3A_175] : memref<64x1000000xf32, #tpu.memory_space<hbm>> -> memref<64x128xf32, #tpu.memory_space<hbm>>
        tpu.wait_dma2 semaphore(%arg16 : memref<!tpu.dma_semaphore, #tpu.memory_space<semaphore_mem>>) src(%dma_wait3A_176 : memref<64x128xf32, #tpu.memory_space<hbm>>) dst(%dma_wait3A_173 : memref<64x128xf32, #tpu.memory_space<vmem>>)
        %dma_wait3A_177 = arith.constant 3 : i32
        %dma_wait3A_178 = arith.constant 0 : i32
        %dma_wait3A_179 = arith.constant 0 : i32
        %dma_wait3A_180 = tpu.memref_slice %arg8[%dma_wait3A_177, %dma_wait3A_178, %dma_wait3A_179] : memref<6x64x128xf32, #tpu.memory_space<vmem>> -> memref<1x64x128xf32, #tpu.memory_space<vmem>>
        %dma_wait3A_181 = tpu.memref_squeeze %dma_wait3A_180 : memref<1x64x128xf32, #tpu.memory_space<vmem>> -> memref<64x128xf32, #tpu.memory_space<vmem>>
        %dma_wait3A_182 = arith.constant 0 : i32
        %dma_wait3A_183 = arith.constant 0 : i32
        %dma_wait3A_184 = tpu.memref_slice %arg2[%dma_wait3A_182, %dma_wait3A_183] : memref<64x1000000xf32, #tpu.memory_space<hbm>> -> memref<64x128xf32, #tpu.memory_space<hbm>>
        %dma_wait3A_185 = arith.constant 0 : i32
        %dma_wait3A_186 = arith.constant 0 : i32
        %dma_wait3A_187 = tpu.memref_slice %arg8[%dma_wait3A_177, %dma_wait3A_185, %dma_wait3A_186] : memref<6x64x128xf32, #tpu.memory_space<vmem>> -> memref<1x64x128xf32, #tpu.memory_space<vmem>>
        %dma_wait3A_188 = tpu.memref_squeeze %dma_wait3A_187 : memref<1x64x128xf32, #tpu.memory_space<vmem>> -> memref<64x128xf32, #tpu.memory_space<vmem>>
        %dma_wait3A_189 = arith.constant 0 : i32
        %dma_wait3A_190 = arith.constant 0 : i32
        %dma_wait3A_191 = tpu.memref_slice %arg2[%dma_wait3A_189, %dma_wait3A_190] : memref<64x1000000xf32, #tpu.memory_space<hbm>> -> memref<64x128xf32, #tpu.memory_space<hbm>>
        tpu.wait_dma2 semaphore(%arg16 : memref<!tpu.dma_semaphore, #tpu.memory_space<semaphore_mem>>) src(%dma_wait3A_191 : memref<64x128xf32, #tpu.memory_space<hbm>>) dst(%dma_wait3A_188 : memref<64x128xf32, #tpu.memory_space<vmem>>)
        %dma_wait3A_192 = arith.constant 4 : i32
        %dma_wait3A_193 = arith.constant 0 : i32
        %dma_wait3A_194 = arith.constant 0 : i32
        %dma_wait3A_195 = tpu.memref_slice %arg8[%dma_wait3A_192, %dma_wait3A_193, %dma_wait3A_194] : memref<6x64x128xf32, #tpu.memory_space<vmem>> -> memref<1x64x128xf32, #tpu.memory_space<vmem>>
        %dma_wait3A_196 = tpu.memref_squeeze %dma_wait3A_195 : memref<1x64x128xf32, #tpu.memory_space<vmem>> -> memref<64x128xf32, #tpu.memory_space<vmem>>
        %dma_wait3A_197 = arith.constant 0 : i32
        %dma_wait3A_198 = arith.constant 0 : i32
        %dma_wait3A_199 = tpu.memref_slice %arg2[%dma_wait3A_197, %dma_wait3A_198] : memref<64x1000000xf32, #tpu.memory_space<hbm>> -> memref<64x128xf32, #tpu.memory_space<hbm>>
        %dma_wait3A_200 = arith.constant 0 : i32
        %dma_wait3A_201 = arith.constant 0 : i32
        %dma_wait3A_202 = tpu.memref_slice %arg8[%dma_wait3A_192, %dma_wait3A_200, %dma_wait3A_201] : memref<6x64x128xf32, #tpu.memory_space<vmem>> -> memref<1x64x128xf32, #tpu.memory_space<vmem>>
        %dma_wait3A_203 = tpu.memref_squeeze %dma_wait3A_202 : memref<1x64x128xf32, #tpu.memory_space<vmem>> -> memref<64x128xf32, #tpu.memory_space<vmem>>
        %dma_wait3A_204 = arith.constant 0 : i32
        %dma_wait3A_205 = arith.constant 0 : i32
        %dma_wait3A_206 = tpu.memref_slice %arg2[%dma_wait3A_204, %dma_wait3A_205] : memref<64x1000000xf32, #tpu.memory_space<hbm>> -> memref<64x128xf32, #tpu.memory_space<hbm>>
        tpu.wait_dma2 semaphore(%arg16 : memref<!tpu.dma_semaphore, #tpu.memory_space<semaphore_mem>>) src(%dma_wait3A_206 : memref<64x128xf32, #tpu.memory_space<hbm>>) dst(%dma_wait3A_203 : memref<64x128xf32, #tpu.memory_space<vmem>>)
        %dma_wait3A_207 = arith.constant 5 : i32
        %dma_wait3A_208 = arith.constant 0 : i32
        %dma_wait3A_209 = arith.constant 0 : i32
        %dma_wait3A_210 = tpu.memref_slice %arg8[%dma_wait3A_207, %dma_wait3A_208, %dma_wait3A_209] : memref<6x64x128xf32, #tpu.memory_space<vmem>> -> memref<1x64x128xf32, #tpu.memory_space<vmem>>
        %dma_wait3A_211 = tpu.memref_squeeze %dma_wait3A_210 : memref<1x64x128xf32, #tpu.memory_space<vmem>> -> memref<64x128xf32, #tpu.memory_space<vmem>>
        %dma_wait3A_212 = arith.constant 0 : i32
        %dma_wait3A_213 = arith.constant 0 : i32
        %dma_wait3A_214 = tpu.memref_slice %arg2[%dma_wait3A_212, %dma_wait3A_213] : memref<64x1000000xf32, #tpu.memory_space<hbm>> -> memref<64x128xf32, #tpu.memory_space<hbm>>
        %dma_wait3A_215 = arith.constant 0 : i32
        %dma_wait3A_216 = arith.constant 0 : i32
        %dma_wait3A_217 = tpu.memref_slice %arg8[%dma_wait3A_207, %dma_wait3A_215, %dma_wait3A_216] : memref<6x64x128xf32, #tpu.memory_space<vmem>> -> memref<1x64x128xf32, #tpu.memory_space<vmem>>
        %dma_wait3A_218 = tpu.memref_squeeze %dma_wait3A_217 : memref<1x64x128xf32, #tpu.memory_space<vmem>> -> memref<64x128xf32, #tpu.memory_space<vmem>>
        %dma_wait3A_219 = arith.constant 0 : i32
        %dma_wait3A_220 = arith.constant 0 : i32
        %dma_wait3A_221 = tpu.memref_slice %arg2[%dma_wait3A_219, %dma_wait3A_220] : memref<64x1000000xf32, #tpu.memory_space<hbm>> -> memref<64x128xf32, #tpu.memory_space<hbm>>
        tpu.wait_dma2 semaphore(%arg16 : memref<!tpu.dma_semaphore, #tpu.memory_space<semaphore_mem>>) src(%dma_wait3A_221 : memref<64x128xf32, #tpu.memory_space<hbm>>) dst(%dma_wait3A_218 : memref<64x128xf32, #tpu.memory_space<vmem>>)
        %mul3A_222 = arith.constant 6 : i32
        %mul3A_223 = arith.muli %add3A_120, %mul3A_222 : i32
        %broadcast_in_dim3A_224 = vector.broadcast %mul3A_223 : i32 to vector<16xi32>
        %add3A_225 = arith.constant 6 : i32
        %add3A_226 = arith.addi %mul3A_223, %add3A_225 : i32
        %broadcast_in_dim3A_227 = vector.broadcast %add3A_226 : i32 to vector<16xi32>
        %add3A_228 = arith.constant 63 : i32
        %add3A_229 = arith.addi %reduce_max3A_58, %add3A_228 : i32
        %div3A_230 = arith.constant 64 : i32
        %div3A_231 = arith.divsi %add3A_229, %div3A_230 : i32
        %while3A_232 = arith.constant 0 : i32
        %while3A_233 = arith.constant 0 : i32
        %while3A_234 = arith.subi %div3A_231, %while3A_232 : i32
        %while3A_235 = arith.addi %while3A_232, %while3A_234 : i32
        %while3A_236 = arith.constant 1 : i32
        %while3A_237 = arith.divsi %while3A_234, %while3A_236 : i32
        %while3A_238 = arith.muli %while3A_237, %while3A_236 : i32
        %while3A_239 = arith.addi %while3A_232, %while3A_238 : i32
        %while3A_240 = arith.constant 1 : i32
        %while3A_241 = scf.for %while3A_250 = %while3A_232 to %while3A_239 step %while3A_240 iter_args(%while3A_251 = %while3A_233) -> (i32)  : i32 {
          %mul3A_252 = arith.constant 64 : i32
          %mul3A_253 = arith.muli %while3A_250, %mul3A_252 : i32
          %add3A_254 = arith.constant 0 : i32
          %add3A_255 = arith.addi %mul3A_253, %add3A_254 : i32
          %get3A_256 = arith.index_cast %add3A_255 : i32 to index
          %get3A_257 = tpu.vector_load %arg7[%get3A_256] {strides = array<i32>} : memref<16480xi32, #tpu.memory_space<vmem>>, vector<16xi32>,
          %shift_right_logical3A = arith.constant 21 : i32
          %shift_right_logical3A_258 = vector.broadcast %shift_right_logical3A : i32 to vector<16xi32>
          %shift_right_logical3A_259 = arith.shrui %get3A_257, %shift_right_logical3A_258 : vector<16xi32>
          %ge3A = arith.cmpi sge, %shift_right_logical3A_259, %broadcast_in_dim3A_224 : vector<16xi32>
          %lt3A_260 = arith.cmpi slt, %shift_right_logical3A_259, %broadcast_in_dim3A_227 : vector<16xi32>
          %and3A = arith.andi %ge3A, %lt3A_260 : vector<16xi1>
          %mul3A_261 = arith.constant 64 : i32
          %mul3A_262 = arith.muli %while3A_250, %mul3A_261 : i32
          %add3A_263 = arith.constant 16 : i32
          %add3A_264 = arith.addi %mul3A_262, %add3A_263 : i32
          %get3A_265 = arith.index_cast %add3A_264 : i32 to index
          %get3A_266 = tpu.vector_load %arg7[%get3A_265] {strides = array<i32>} : memref<16480xi32, #tpu.memory_space<vmem>>, vector<16xi32>,
          %shift_right_logical3A_267 = arith.constant 21 : i32
          %shift_right_logical3A_268 = vector.broadcast %shift_right_logical3A_267 : i32 to vector<16xi32>
          %shift_right_logical3A_269 = arith.shrui %get3A_266, %shift_right_logical3A_268 : vector<16xi32>
          %ge3A_270 = arith.cmpi sge, %shift_right_logical3A_269, %broadcast_in_dim3A_224 : vector<16xi32>
          %lt3A_271 = arith.cmpi slt, %shift_right_logical3A_269, %broadcast_in_dim3A_227 : vector<16xi32>
          %and3A_272 = arith.andi %ge3A_270, %lt3A_271 : vector<16xi1>
          %mul3A_273 = arith.constant 64 : i32
          %mul3A_274 = arith.muli %while3A_250, %mul3A_273 : i32
          %add3A_275 = arith.constant 32 : i32
          %add3A_276 = arith.addi %mul3A_274, %add3A_275 : i32
          %get3A_277 = arith.index_cast %add3A_276 : i32 to index
          %get3A_278 = tpu.vector_load %arg7[%get3A_277] {strides = array<i32>} : memref<16480xi32, #tpu.memory_space<vmem>>, vector<16xi32>,
          %shift_right_logical3A_279 = arith.constant 21 : i32
          %shift_right_logical3A_280 = vector.broadcast %shift_right_logical3A_279 : i32 to vector<16xi32>
          %shift_right_logical3A_281 = arith.shrui %get3A_278, %shift_right_logical3A_280 : vector<16xi32>
          %ge3A_282 = arith.cmpi sge, %shift_right_logical3A_281, %broadcast_in_dim3A_224 : vector<16xi32>
          %lt3A_283 = arith.cmpi slt, %shift_right_logical3A_281, %broadcast_in_dim3A_227 : vector<16xi32>
          %and3A_284 = arith.andi %ge3A_282, %lt3A_283 : vector<16xi1>
          %mul3A_285 = arith.constant 64 : i32
          %mul3A_286 = arith.muli %while3A_250, %mul3A_285 : i32
          %add3A_287 = arith.constant 48 : i32
          %add3A_288 = arith.addi %mul3A_286, %add3A_287 : i32
          %get3A_289 = arith.index_cast %add3A_288 : i32 to index
          %get3A_290 = tpu.vector_load %arg7[%get3A_289] {strides = array<i32>} : memref<16480xi32, #tpu.memory_space<vmem>>, vector<16xi32>,
          %shift_right_logical3A_291 = arith.constant 21 : i32
          %shift_right_logical3A_292 = vector.broadcast %shift_right_logical3A_291 : i32 to vector<16xi32>
          %shift_right_logical3A_293 = arith.shrui %get3A_290, %shift_right_logical3A_292 : vector<16xi32>
          %ge3A_294 = arith.cmpi sge, %shift_right_logical3A_293, %broadcast_in_dim3A_224 : vector<16xi32>
          %lt3A_295 = arith.cmpi slt, %shift_right_logical3A_293, %broadcast_in_dim3A_227 : vector<16xi32>
          %and3A_296 = arith.andi %ge3A_294, %lt3A_295 : vector<16xi1>
          %or3A = arith.ori %and3A, %and3A_272 : vector<16xi1>
          %or3A_297 = arith.ori %and3A_284, %and3A_296 : vector<16xi1>
          %or3A_298 = arith.ori %or3A, %or3A_297 : vector<16xi1>
          %reduce_or3A = arith.constant 1.000000e+00 : f32
          %reduce_or3A_299 = arith.constant 0.000000e+00 : f32
          %reduce_or3A_300 = vector.broadcast %reduce_or3A : f32 to vector<16xf32>
          %reduce_or3A_301 = vector.broadcast %reduce_or3A_299 : f32 to vector<16xf32>
          %reduce_or3A_302 = arith.select %or3A_298, %reduce_or3A_300, %reduce_or3A_301 : vector<16xi1>, vector<16xf32>
          %reduce_or3A_303 = arith.constant true
          %reduce_or3A_304 = vector.broadcast %reduce_or3A_303 : i1 to vector<16xi1>
          %reduce_or3A_305 = tpu.scan <max>, %reduce_or3A_302 masked %reduce_or3A_304 : vector<16xf32>, vector<16xi1> -> vector<16xf32>
          %reduce_or3A_306 = vector.extract %reduce_or3A_305[15] : f32 from vector<16xf32>
          %reduce_or3A_307 = arith.constant 0.000000e+00 : f32
          %reduce_or3A_308 = arith.cmpf ogt, %reduce_or3A_306, %reduce_or3A_307 : f32
          %convert_element_type3A_309 = arith.extui %reduce_or3A_308 : i1 to i32
          %cond3A_310 = arith.constant 0 : i32
          %cond3A_311 = arith.cmpi ne, %convert_element_type3A_309, %cond3A_310 : i32
          scf.if %cond3A_311 {
            %reduce_or3A_313 = arith.constant 1.000000e+00 : f32
            %reduce_or3A_314 = arith.constant 0.000000e+00 : f32
            %reduce_or3A_315 = vector.broadcast %reduce_or3A_313 : f32 to vector<16xf32>
            %reduce_or3A_316 = vector.broadcast %reduce_or3A_314 : f32 to vector<16xf32>
            %reduce_or3A_317 = arith.select %and3A, %reduce_or3A_315, %reduce_or3A_316 : vector<16xi1>, vector<16xf32>
            %reduce_or3A_318 = arith.constant true
            %reduce_or3A_319 = vector.broadcast %reduce_or3A_318 : i1 to vector<16xi1>
            %reduce_or3A_320 = tpu.scan <max>, %reduce_or3A_317 masked %reduce_or3A_319 : vector<16xf32>, vector<16xi1> -> vector<16xf32>
            %reduce_or3A_321 = vector.extract %reduce_or3A_320[15] : f32 from vector<16xf32>
            %reduce_or3A_322 = arith.constant 0.000000e+00 : f32
            %reduce_or3A_323 = arith.cmpf ogt, %reduce_or3A_321, %reduce_or3A_322 : f32
            %convert_element_type3A_324 = arith.extui %reduce_or3A_323 : i1 to i32
            %cond3A_325 = arith.constant 0 : i32
            %cond3A_326 = arith.cmpi ne, %convert_element_type3A_324, %cond3A_325 : i32
            scf.if %cond3A_326 {
              %while3A_369 = scf.while (%while3A_370 = %and3A) : (vector<16xi1>) -> vector<16xi1> {
                %reduce_or3A_371 = arith.constant 1.000000e+00 : f32
                %reduce_or3A_372 = arith.constant 0.000000e+00 : f32
                %reduce_or3A_373 = vector.broadcast %reduce_or3A_371 : f32 to vector<16xf32>
                %reduce_or3A_374 = vector.broadcast %reduce_or3A_372 : f32 to vector<16xf32>
                %reduce_or3A_375 = arith.select %while3A_370, %reduce_or3A_373, %reduce_or3A_374 : vector<16xi1>, vector<16xf32>
                %reduce_or3A_376 = arith.constant true
                %reduce_or3A_377 = vector.broadcast %reduce_or3A_376 : i1 to vector<16xi1>
                %reduce_or3A_378 = tpu.scan <max>, %reduce_or3A_375 masked %reduce_or3A_377 : vector<16xf32>, vector<16xi1> -> vector<16xf32>
                %reduce_or3A_379 = vector.extract %reduce_or3A_378[15] : f32 from vector<16xf32>
                %reduce_or3A_380 = arith.constant 0.000000e+00 : f32
                %reduce_or3A_381 = arith.cmpf ogt, %reduce_or3A_379, %reduce_or3A_380 : f32
                scf.condition(%reduce_or3A_381) %while3A_370 : vector<16xi1>
              } do {
              ^bb0(%while3A_370: vector<16xi1>):
                %all_reduce_ffs3A = tpu.all_reduce %while3A_370 {dim = 0 : i64, kind = #tpu.reduction_kind<find_first_set>} : vector<16xi1> -> vector<16xi32>
                %reduce_max3A_371 = arith.constant true
                %reduce_max3A_372 = vector.broadcast %reduce_max3A_371 : i1 to vector<16xi1>
                %reduce_max3A_373 = arith.constant -2147483648 : i32
                %reduce_max3A_374 = vector.broadcast %reduce_max3A_373 : i32 to vector<16xi32>
                %reduce_max3A_375 = arith.xori %all_reduce_ffs3A, %reduce_max3A_374 : vector<16xi32>
                %reduce_max3A_376 = tpu.scan <max>, %reduce_max3A_375 masked %reduce_max3A_372 : vector<16xi32>, vector<16xi1> -> vector<16xi32>
                %reduce_max3A_377 = arith.xori %reduce_max3A_376, %reduce_max3A_374 : vector<16xi32>
                %reduce_max3A_378 = vector.extract %reduce_max3A_377[15] : i32 from vector<16xi32>
                %broadcast_in_dim3A_379 = vector.broadcast %reduce_max3A_378 : i32 to vector<16xi32>
                %reshape3A = vector.shape_cast %broadcast_in_dim3A_379 : vector<16xi32> to vector<16x1xi32>
                %gather3A = vector.shape_cast %reshape3A : vector<16x1xi32> to vector<16xi32>
                %gather3A_380 = tpu.dynamic_gather %get3A_257[%gather3A] in [0] : vector<16xi32>, vector<16xi32> -> vector<16xi32>
                %and3A_381 = arith.constant 16383 : i32
                %and3A_382 = vector.broadcast %and3A_381 : i32 to vector<16xi32>
                %and3A_383 = arith.andi %gather3A_380, %and3A_382 : vector<16xi32>
                %shift_right_logical3A_384 = arith.constant 14 : i32
                %shift_right_logical3A_385 = vector.broadcast %shift_right_logical3A_384 : i32 to vector<16xi32>
                %shift_right_logical3A_386 = arith.shrui %gather3A_380, %shift_right_logical3A_385 : vector<16xi32>
                %and3A_387 = arith.constant 127 : i32
                %and3A_388 = vector.broadcast %and3A_387 : i32 to vector<16xi32>
                %and3A_389 = arith.andi %shift_right_logical3A_386, %and3A_388 : vector<16xi32>
                %shift_right_logical3A_390 = arith.constant 21 : i32
                %shift_right_logical3A_391 = vector.broadcast %shift_right_logical3A_390 : i32 to vector<16xi32>
                %shift_right_logical3A_392 = arith.shrui %gather3A_380, %shift_right_logical3A_391 : vector<16xi32>
                %sub3A_393 = arith.subi %shift_right_logical3A_392, %broadcast_in_dim3A_224 : vector<16xi32>
                %get3A_394 = arith.constant 0 : index
                %get3A_395 = tpu.vector_load %arg14[%get3A_394] {strides = array<i32>} : memref<16xi32, #tpu.memory_space<vmem>>, vector<16xi32>,
                %reduce_max3A_396 = arith.constant true
                %reduce_max3A_397 = vector.broadcast %reduce_max3A_396 : i1 to vector<16xi1>
                %reduce_max3A_398 = arith.constant -2147483648 : i32
                %reduce_max3A_399 = vector.broadcast %reduce_max3A_398 : i32 to vector<16xi32>
                %reduce_max3A_400 = arith.xori %get3A_395, %reduce_max3A_399 : vector<16xi32>
                %reduce_max3A_401 = tpu.scan <max>, %reduce_max3A_400 masked %reduce_max3A_397 : vector<16xi32>, vector<16xi1> -> vector<16xi32>
                %reduce_max3A_402 = arith.xori %reduce_max3A_401, %reduce_max3A_399 : vector<16xi32>
                %reduce_max3A_403 = vector.extract %reduce_max3A_402[15] : i32 from vector<16xi32>
                %and3A_404 = arith.constant 15 : i32
                %and3A_405 = arith.andi %reduce_max3A_403, %and3A_404 : i32
                %ge3A_406 = arith.constant 16 : i32
                %ge3A_407 = arith.cmpi sge, %reduce_max3A_403, %ge3A_406 : i32
                %convert_element_type3A_408 = arith.extui %ge3A_407 : i1 to i32
                %cond3A_409 = arith.constant 0 : i32
                %cond3A_410 = arith.cmpi ne, %convert_element_type3A_408, %cond3A_409 : i32
                scf.if %cond3A_410 {
                  %dma_wait3A_461 = arith.constant 0 : i32
                  %dma_wait3A_462 = tpu.memref_slice %arg5[%dma_wait3A_461] : memref<1048576xf32, #tpu.memory_space<hbm>> -> memref<64xf32, #tpu.memory_space<hbm>>
                  %dma_wait3A_463 = arith.constant 0 : i32
                  %dma_wait3A_464 = tpu.memref_slice %arg5[%dma_wait3A_463] : memref<1048576xf32, #tpu.memory_space<hbm>> -> memref<64xf32, #tpu.memory_space<hbm>>
                  tpu.wait_dma2 semaphore(%arg17 : memref<!tpu.dma_semaphore, #tpu.memory_space<semaphore_mem>>) src(%dma_wait3A_464 : memref<64xf32, #tpu.memory_space<hbm>>) dst(%arg12 : memref<64xf32, #tpu.memory_space<vmem>>)
                } else {
                }
                %mul3A_411 = arith.constant 64 : i32
                %mul3A_412 = arith.muli %and3A_405, %mul3A_411 : i32
                %broadcast_in_dim3A_413 = vector.broadcast %mul3A_412 : i32 to vector<16xi32>
                %iota3A_414 = tpu.iota {dimensions = array<i32: 0>} : vector<16xi32>
                %add3A_415 = arith.constant 0 : i32
                %add3A_416 = vector.broadcast %add3A_415 : i32 to vector<16xi32>
                %add3A_417 = arith.addi %iota3A_414, %add3A_416 : vector<16xi32>
                %gather3A_418 = tpu.vector_load_idx %arg8[%sub3A_393, %add3A_417, %and3A_389] : memref<6x64x128xf32, #tpu.memory_space<vmem>>[vector<16xi32>, vector<16xi32>, vector<16xi32>], vector<16xf32>,
                %add3A_419 = arith.addi %broadcast_in_dim3A_413, %add3A_417 : vector<16xi32>
                tpu.vector_store_idx %arg11[%add3A_419], %gather3A_418 : memref<1024xf32, #tpu.memory_space<vmem>>[vector<16xi32>], vector<16xf32>,
                %iota3A_420 = tpu.iota {dimensions = array<i32: 0>} : vector<16xi32>
                %add3A_421 = arith.constant 16 : i32
                %add3A_422 = vector.broadcast %add3A_421 : i32 to vector<16xi32>
                %add3A_423 = arith.addi %iota3A_420, %add3A_422 : vector<16xi32>
                %gather3A_424 = tpu.vector_load_idx %arg8[%sub3A_393, %add3A_423, %and3A_389] : memref<6x64x128xf32, #tpu.memory_space<vmem>>[vector<16xi32>, vector<16xi32>, vector<16xi32>], vector<16xf32>,
                %add3A_425 = arith.addi %broadcast_in_dim3A_413, %add3A_423 : vector<16xi32>
                tpu.vector_store_idx %arg11[%add3A_425], %gather3A_424 : memref<1024xf32, #tpu.memory_space<vmem>>[vector<16xi32>], vector<16xf32>,
                %iota3A_426 = tpu.iota {dimensions = array<i32: 0>} : vector<16xi32>
                %add3A_427 = arith.constant 32 : i32
                %add3A_428 = vector.broadcast %add3A_427 : i32 to vector<16xi32>
                %add3A_429 = arith.addi %iota3A_426, %add3A_428 : vector<16xi32>
                %gather3A_430 = tpu.vector_load_idx %arg8[%sub3A_393, %add3A_429, %and3A_389] : memref<6x64x128xf32, #tpu.memory_space<vmem>>[vector<16xi32>, vector<16xi32>, vector<16xi32>], vector<16xf32>,
                %add3A_431 = arith.addi %broadcast_in_dim3A_413, %add3A_429 : vector<16xi32>
                tpu.vector_store_idx %arg11[%add3A_431], %gather3A_430 : memref<1024xf32, #tpu.memory_space<vmem>>[vector<16xi32>], vector<16xf32>,
                %iota3A_432 = tpu.iota {dimensions = array<i32: 0>} : vector<16xi32>
                %add3A_433 = arith.constant 48 : i32
                %add3A_434 = vector.broadcast %add3A_433 : i32 to vector<16xi32>
                %add3A_435 = arith.addi %iota3A_432, %add3A_434 : vector<16xi32>
                %gather3A_436 = tpu.vector_load_idx %arg8[%sub3A_393, %add3A_435, %and3A_389] : memref<6x64x128xf32, #tpu.memory_space<vmem>>[vector<16xi32>, vector<16xi32>, vector<16xi32>], vector<16xf32>,
                %add3A_437 = arith.addi %broadcast_in_dim3A_413, %add3A_435 : vector<16xi32>
                tpu.vector_store_idx %arg11[%add3A_437], %gather3A_436 : memref<1024xf32, #tpu.memory_space<vmem>>[vector<16xi32>], vector<16xf32>,
                %reduce_max3A_438 = arith.constant true
                %reduce_max3A_439 = vector.broadcast %reduce_max3A_438 : i1 to vector<16xi1>
                %reduce_max3A_440 = arith.constant -2147483648 : i32
                %reduce_max3A_441 = vector.broadcast %reduce_max3A_440 : i32 to vector<16xi32>
                %reduce_max3A_442 = arith.xori %and3A_383, %reduce_max3A_441 : vector<16xi32>
                %reduce_max3A_443 = tpu.scan <max>, %reduce_max3A_442 masked %reduce_max3A_439 : vector<16xi32>, vector<16xi1> -> vector<16xi32>
                %reduce_max3A_444 = arith.xori %reduce_max3A_443, %reduce_max3A_441 : vector<16xi32>
                %reduce_max3A_445 = vector.extract %reduce_max3A_444[15] : i32 from vector<16xi32>
                %mul3A_446 = arith.constant 64 : i32
                %mul3A_447 = arith.muli %and3A_405, %mul3A_446 : i32
                %mul3A_448 = arith.constant 64 : i32
                %mul3A_449 = arith.muli %reduce_max3A_445, %mul3A_448 : i32
                %dma_start3A = tpu.memref_slice %arg11[%mul3A_447] : memref<1024xf32, #tpu.memory_space<vmem>> -> memref<64xf32, #tpu.memory_space<vmem>>
                %dma_start3A_450 = tpu.memref_slice %arg5[%mul3A_449] : memref<1048576xf32, #tpu.memory_space<hbm>> -> memref<64xf32, #tpu.memory_space<hbm>>
                %dma_start3A_451 = tpu.memref_slice %arg5[%mul3A_449] : memref<1048576xf32, #tpu.memory_space<hbm>> -> memref<64xf32, #tpu.memory_space<hbm>>
                %dma_start3A_452 = tpu.memref_slice %arg11[%mul3A_447] : memref<1024xf32, #tpu.memory_space<vmem>> -> memref<64xf32, #tpu.memory_space<vmem>>
                tpu.enqueue_dma source(%dma_start3A_452 : memref<64xf32, #tpu.memory_space<vmem>>) target(%dma_start3A_451 : memref<64xf32, #tpu.memory_space<hbm>>) target_semaphore(%arg17 : memref<!tpu.dma_semaphore, #tpu.memory_space<semaphore_mem>>)
                %add3A_453 = arith.constant 1 : i32
                %add3A_454 = arith.addi %reduce_max3A_403, %add3A_453 : i32
                %broadcast_in_dim3A_455 = vector.broadcast %add3A_454 : i32 to vector<16xi32>
                %swap3A_456 = arith.constant 0 : index
                %swap3A_457 = tpu.vector_load %arg14[%swap3A_456] {strides = array<i32>} : memref<16xi32, #tpu.memory_space<vmem>>, vector<16xi32>,
                tpu.vector_store %arg14[%swap3A_456], %broadcast_in_dim3A_455 {strides = array<i32>} : memref<16xi32, #tpu.memory_space<vmem>>, vector<16xi32>,
                %iota3A_458 = tpu.iota {dimensions = array<i32: 0>} : vector<16xi32>
                %broadcast_in_dim3A_459 = vector.broadcast %reduce_max3A_378 : i32 to vector<16xi32>
                %ne3A = arith.cmpi ne, %iota3A_458, %broadcast_in_dim3A_459 : vector<16xi32>
                %and3A_460 = arith.andi %while3A_370, %ne3A : vector<16xi1>
                scf.yield %and3A_460 : vector<16xi1>
              }
            } else {
            }
            %reduce_or3A_327 = arith.constant 1.000000e+00 : f32
            %reduce_or3A_328 = arith.constant 0.000000e+00 : f32
            %reduce_or3A_329 = vector.broadcast %reduce_or3A_327 : f32 to vector<16xf32>
            %reduce_or3A_330 = vector.broadcast %reduce_or3A_328 : f32 to vector<16xf32>
            %reduce_or3A_331 = arith.select %and3A_272, %reduce_or3A_329, %reduce_or3A_330 : vector<16xi1>, vector<16xf32>
            %reduce_or3A_332 = arith.constant true
            %reduce_or3A_333 = vector.broadcast %reduce_or3A_332 : i1 to vector<16xi1>
            %reduce_or3A_334 = tpu.scan <max>, %reduce_or3A_331 masked %reduce_or3A_333 : vector<16xf32>, vector<16xi1> -> vector<16xf32>
            %reduce_or3A_335 = vector.extract %reduce_or3A_334[15] : f32 from vector<16xf32>
            %reduce_or3A_336 = arith.constant 0.000000e+00 : f32
            %reduce_or3A_337 = arith.cmpf ogt, %reduce_or3A_335, %reduce_or3A_336 : f32
            %convert_element_type3A_338 = arith.extui %reduce_or3A_337 : i1 to i32
            %cond3A_339 = arith.constant 0 : i32
            %cond3A_340 = arith.cmpi ne, %convert_element_type3A_338, %cond3A_339 : i32
            scf.if %cond3A_340 {
              %while3A_369 = scf.while (%while3A_370 = %and3A_272) : (vector<16xi1>) -> vector<16xi1> {
                %reduce_or3A_371 = arith.constant 1.000000e+00 : f32
                %reduce_or3A_372 = arith.constant 0.000000e+00 : f32
                %reduce_or3A_373 = vector.broadcast %reduce_or3A_371 : f32 to vector<16xf32>
                %reduce_or3A_374 = vector.broadcast %reduce_or3A_372 : f32 to vector<16xf32>
                %reduce_or3A_375 = arith.select %while3A_370, %reduce_or3A_373, %reduce_or3A_374 : vector<16xi1>, vector<16xf32>
                %reduce_or3A_376 = arith.constant true
                %reduce_or3A_377 = vector.broadcast %reduce_or3A_376 : i1 to vector<16xi1>
                %reduce_or3A_378 = tpu.scan <max>, %reduce_or3A_375 masked %reduce_or3A_377 : vector<16xf32>, vector<16xi1> -> vector<16xf32>
                %reduce_or3A_379 = vector.extract %reduce_or3A_378[15] : f32 from vector<16xf32>
                %reduce_or3A_380 = arith.constant 0.000000e+00 : f32
                %reduce_or3A_381 = arith.cmpf ogt, %reduce_or3A_379, %reduce_or3A_380 : f32
                scf.condition(%reduce_or3A_381) %while3A_370 : vector<16xi1>
              } do {
              ^bb0(%while3A_370: vector<16xi1>):
                %all_reduce_ffs3A = tpu.all_reduce %while3A_370 {dim = 0 : i64, kind = #tpu.reduction_kind<find_first_set>} : vector<16xi1> -> vector<16xi32>
                %reduce_max3A_371 = arith.constant true
                %reduce_max3A_372 = vector.broadcast %reduce_max3A_371 : i1 to vector<16xi1>
                %reduce_max3A_373 = arith.constant -2147483648 : i32
                %reduce_max3A_374 = vector.broadcast %reduce_max3A_373 : i32 to vector<16xi32>
                %reduce_max3A_375 = arith.xori %all_reduce_ffs3A, %reduce_max3A_374 : vector<16xi32>
                %reduce_max3A_376 = tpu.scan <max>, %reduce_max3A_375 masked %reduce_max3A_372 : vector<16xi32>, vector<16xi1> -> vector<16xi32>
                %reduce_max3A_377 = arith.xori %reduce_max3A_376, %reduce_max3A_374 : vector<16xi32>
                %reduce_max3A_378 = vector.extract %reduce_max3A_377[15] : i32 from vector<16xi32>
                %broadcast_in_dim3A_379 = vector.broadcast %reduce_max3A_378 : i32 to vector<16xi32>
                %reshape3A = vector.shape_cast %broadcast_in_dim3A_379 : vector<16xi32> to vector<16x1xi32>
                %gather3A = vector.shape_cast %reshape3A : vector<16x1xi32> to vector<16xi32>
                %gather3A_380 = tpu.dynamic_gather %get3A_266[%gather3A] in [0] : vector<16xi32>, vector<16xi32> -> vector<16xi32>
                %and3A_381 = arith.constant 16383 : i32
                %and3A_382 = vector.broadcast %and3A_381 : i32 to vector<16xi32>
                %and3A_383 = arith.andi %gather3A_380, %and3A_382 : vector<16xi32>
                %shift_right_logical3A_384 = arith.constant 14 : i32
                %shift_right_logical3A_385 = vector.broadcast %shift_right_logical3A_384 : i32 to vector<16xi32>
                %shift_right_logical3A_386 = arith.shrui %gather3A_380, %shift_right_logical3A_385 : vector<16xi32>
                %and3A_387 = arith.constant 127 : i32
                %and3A_388 = vector.broadcast %and3A_387 : i32 to vector<16xi32>
                %and3A_389 = arith.andi %shift_right_logical3A_386, %and3A_388 : vector<16xi32>
                %shift_right_logical3A_390 = arith.constant 21 : i32
                %shift_right_logical3A_391 = vector.broadcast %shift_right_logical3A_390 : i32 to vector<16xi32>
                %shift_right_logical3A_392 = arith.shrui %gather3A_380, %shift_right_logical3A_391 : vector<16xi32>
                %sub3A_393 = arith.subi %shift_right_logical3A_392, %broadcast_in_dim3A_224 : vector<16xi32>
                %get3A_394 = arith.constant 0 : index
                %get3A_395 = tpu.vector_load %arg14[%get3A_394] {strides = array<i32>} : memref<16xi32, #tpu.memory_space<vmem>>, vector<16xi32>,
                %reduce_max3A_396 = arith.constant true
                %reduce_max3A_397 = vector.broadcast %reduce_max3A_396 : i1 to vector<16xi1>
                %reduce_max3A_398 = arith.constant -2147483648 : i32
                %reduce_max3A_399 = vector.broadcast %reduce_max3A_398 : i32 to vector<16xi32>
                %reduce_max3A_400 = arith.xori %get3A_395, %reduce_max3A_399 : vector<16xi32>
                %reduce_max3A_401 = tpu.scan <max>, %reduce_max3A_400 masked %reduce_max3A_397 : vector<16xi32>, vector<16xi1> -> vector<16xi32>
                %reduce_max3A_402 = arith.xori %reduce_max3A_401, %reduce_max3A_399 : vector<16xi32>
                %reduce_max3A_403 = vector.extract %reduce_max3A_402[15] : i32 from vector<16xi32>
                %and3A_404 = arith.constant 15 : i32
                %and3A_405 = arith.andi %reduce_max3A_403, %and3A_404 : i32
                %ge3A_406 = arith.constant 16 : i32
                %ge3A_407 = arith.cmpi sge, %reduce_max3A_403, %ge3A_406 : i32
                %convert_element_type3A_408 = arith.extui %ge3A_407 : i1 to i32
                %cond3A_409 = arith.constant 0 : i32
                %cond3A_410 = arith.cmpi ne, %convert_element_type3A_408, %cond3A_409 : i32
                scf.if %cond3A_410 {
                  %dma_wait3A_461 = arith.constant 0 : i32
                  %dma_wait3A_462 = tpu.memref_slice %arg5[%dma_wait3A_461] : memref<1048576xf32, #tpu.memory_space<hbm>> -> memref<64xf32, #tpu.memory_space<hbm>>
                  %dma_wait3A_463 = arith.constant 0 : i32
                  %dma_wait3A_464 = tpu.memref_slice %arg5[%dma_wait3A_463] : memref<1048576xf32, #tpu.memory_space<hbm>> -> memref<64xf32, #tpu.memory_space<hbm>>
                  tpu.wait_dma2 semaphore(%arg17 : memref<!tpu.dma_semaphore, #tpu.memory_space<semaphore_mem>>) src(%dma_wait3A_464 : memref<64xf32, #tpu.memory_space<hbm>>) dst(%arg12 : memref<64xf32, #tpu.memory_space<vmem>>)
                } else {
                }
                %mul3A_411 = arith.constant 64 : i32
                %mul3A_412 = arith.muli %and3A_405, %mul3A_411 : i32
                %broadcast_in_dim3A_413 = vector.broadcast %mul3A_412 : i32 to vector<16xi32>
                %iota3A_414 = tpu.iota {dimensions = array<i32: 0>} : vector<16xi32>
                %add3A_415 = arith.constant 0 : i32
                %add3A_416 = vector.broadcast %add3A_415 : i32 to vector<16xi32>
                %add3A_417 = arith.addi %iota3A_414, %add3A_416 : vector<16xi32>
                %gather3A_418 = tpu.vector_load_idx %arg8[%sub3A_393, %add3A_417, %and3A_389] : memref<6x64x128xf32, #tpu.memory_space<vmem>>[vector<16xi32>, vector<16xi32>, vector<16xi32>], vector<16xf32>,
                %add3A_419 = arith.addi %broadcast_in_dim3A_413, %add3A_417 : vector<16xi32>
                tpu.vector_store_idx %arg11[%add3A_419], %gather3A_418 : memref<1024xf32, #tpu.memory_space<vmem>>[vector<16xi32>], vector<16xf32>,
                %iota3A_420 = tpu.iota {dimensions = array<i32: 0>} : vector<16xi32>
                %add3A_421 = arith.constant 16 : i32
                %add3A_422 = vector.broadcast %add3A_421 : i32 to vector<16xi32>
                %add3A_423 = arith.addi %iota3A_420, %add3A_422 : vector<16xi32>
                %gather3A_424 = tpu.vector_load_idx %arg8[%sub3A_393, %add3A_423, %and3A_389] : memref<6x64x128xf32, #tpu.memory_space<vmem>>[vector<16xi32>, vector<16xi32>, vector<16xi32>], vector<16xf32>,
                %add3A_425 = arith.addi %broadcast_in_dim3A_413, %add3A_423 : vector<16xi32>
                tpu.vector_store_idx %arg11[%add3A_425], %gather3A_424 : memref<1024xf32, #tpu.memory_space<vmem>>[vector<16xi32>], vector<16xf32>,
                %iota3A_426 = tpu.iota {dimensions = array<i32: 0>} : vector<16xi32>
                %add3A_427 = arith.constant 32 : i32
                %add3A_428 = vector.broadcast %add3A_427 : i32 to vector<16xi32>
                %add3A_429 = arith.addi %iota3A_426, %add3A_428 : vector<16xi32>
                %gather3A_430 = tpu.vector_load_idx %arg8[%sub3A_393, %add3A_429, %and3A_389] : memref<6x64x128xf32, #tpu.memory_space<vmem>>[vector<16xi32>, vector<16xi32>, vector<16xi32>], vector<16xf32>,
                %add3A_431 = arith.addi %broadcast_in_dim3A_413, %add3A_429 : vector<16xi32>
                tpu.vector_store_idx %arg11[%add3A_431], %gather3A_430 : memref<1024xf32, #tpu.memory_space<vmem>>[vector<16xi32>], vector<16xf32>,
                %iota3A_432 = tpu.iota {dimensions = array<i32: 0>} : vector<16xi32>
                %add3A_433 = arith.constant 48 : i32
                %add3A_434 = vector.broadcast %add3A_433 : i32 to vector<16xi32>
                %add3A_435 = arith.addi %iota3A_432, %add3A_434 : vector<16xi32>
                %gather3A_436 = tpu.vector_load_idx %arg8[%sub3A_393, %add3A_435, %and3A_389] : memref<6x64x128xf32, #tpu.memory_space<vmem>>[vector<16xi32>, vector<16xi32>, vector<16xi32>], vector<16xf32>,
                %add3A_437 = arith.addi %broadcast_in_dim3A_413, %add3A_435 : vector<16xi32>
                tpu.vector_store_idx %arg11[%add3A_437], %gather3A_436 : memref<1024xf32, #tpu.memory_space<vmem>>[vector<16xi32>], vector<16xf32>,
                %reduce_max3A_438 = arith.constant true
                %reduce_max3A_439 = vector.broadcast %reduce_max3A_438 : i1 to vector<16xi1>
                %reduce_max3A_440 = arith.constant -2147483648 : i32
                %reduce_max3A_441 = vector.broadcast %reduce_max3A_440 : i32 to vector<16xi32>
                %reduce_max3A_442 = arith.xori %and3A_383, %reduce_max3A_441 : vector<16xi32>
                %reduce_max3A_443 = tpu.scan <max>, %reduce_max3A_442 masked %reduce_max3A_439 : vector<16xi32>, vector<16xi1> -> vector<16xi32>
                %reduce_max3A_444 = arith.xori %reduce_max3A_443, %reduce_max3A_441 : vector<16xi32>
                %reduce_max3A_445 = vector.extract %reduce_max3A_444[15] : i32 from vector<16xi32>
                %mul3A_446 = arith.constant 64 : i32
                %mul3A_447 = arith.muli %and3A_405, %mul3A_446 : i32
                %mul3A_448 = arith.constant 64 : i32
                %mul3A_449 = arith.muli %reduce_max3A_445, %mul3A_448 : i32
                %dma_start3A = tpu.memref_slice %arg11[%mul3A_447] : memref<1024xf32, #tpu.memory_space<vmem>> -> memref<64xf32, #tpu.memory_space<vmem>>
                %dma_start3A_450 = tpu.memref_slice %arg5[%mul3A_449] : memref<1048576xf32, #tpu.memory_space<hbm>> -> memref<64xf32, #tpu.memory_space<hbm>>
                %dma_start3A_451 = tpu.memref_slice %arg5[%mul3A_449] : memref<1048576xf32, #tpu.memory_space<hbm>> -> memref<64xf32, #tpu.memory_space<hbm>>
                %dma_start3A_452 = tpu.memref_slice %arg11[%mul3A_447] : memref<1024xf32, #tpu.memory_space<vmem>> -> memref<64xf32, #tpu.memory_space<vmem>>
                tpu.enqueue_dma source(%dma_start3A_452 : memref<64xf32, #tpu.memory_space<vmem>>) target(%dma_start3A_451 : memref<64xf32, #tpu.memory_space<hbm>>) target_semaphore(%arg17 : memref<!tpu.dma_semaphore, #tpu.memory_space<semaphore_mem>>)
                %add3A_453 = arith.constant 1 : i32
                %add3A_454 = arith.addi %reduce_max3A_403, %add3A_453 : i32
                %broadcast_in_dim3A_455 = vector.broadcast %add3A_454 : i32 to vector<16xi32>
                %swap3A_456 = arith.constant 0 : index
                %swap3A_457 = tpu.vector_load %arg14[%swap3A_456] {strides = array<i32>} : memref<16xi32, #tpu.memory_space<vmem>>, vector<16xi32>,
                tpu.vector_store %arg14[%swap3A_456], %broadcast_in_dim3A_455 {strides = array<i32>} : memref<16xi32, #tpu.memory_space<vmem>>, vector<16xi32>,
                %iota3A_458 = tpu.iota {dimensions = array<i32: 0>} : vector<16xi32>
                %broadcast_in_dim3A_459 = vector.broadcast %reduce_max3A_378 : i32 to vector<16xi32>
                %ne3A = arith.cmpi ne, %iota3A_458, %broadcast_in_dim3A_459 : vector<16xi32>
                %and3A_460 = arith.andi %while3A_370, %ne3A : vector<16xi1>
                scf.yield %and3A_460 : vector<16xi1>
              }
            } else {
            }
            %reduce_or3A_341 = arith.constant 1.000000e+00 : f32
            %reduce_or3A_342 = arith.constant 0.000000e+00 : f32
            %reduce_or3A_343 = vector.broadcast %reduce_or3A_341 : f32 to vector<16xf32>
            %reduce_or3A_344 = vector.broadcast %reduce_or3A_342 : f32 to vector<16xf32>
            %reduce_or3A_345 = arith.select %and3A_284, %reduce_or3A_343, %reduce_or3A_344 : vector<16xi1>, vector<16xf32>
            %reduce_or3A_346 = arith.constant true
            %reduce_or3A_347 = vector.broadcast %reduce_or3A_346 : i1 to vector<16xi1>
            %reduce_or3A_348 = tpu.scan <max>, %reduce_or3A_345 masked %reduce_or3A_347 : vector<16xf32>, vector<16xi1> -> vector<16xf32>
            %reduce_or3A_349 = vector.extract %reduce_or3A_348[15] : f32 from vector<16xf32>
            %reduce_or3A_350 = arith.constant 0.000000e+00 : f32
            %reduce_or3A_351 = arith.cmpf ogt, %reduce_or3A_349, %reduce_or3A_350 : f32
            %convert_element_type3A_352 = arith.extui %reduce_or3A_351 : i1 to i32
            %cond3A_353 = arith.constant 0 : i32
            %cond3A_354 = arith.cmpi ne, %convert_element_type3A_352, %cond3A_353 : i32
            scf.if %cond3A_354 {
              %while3A_369 = scf.while (%while3A_370 = %and3A_284) : (vector<16xi1>) -> vector<16xi1> {
                %reduce_or3A_371 = arith.constant 1.000000e+00 : f32
                %reduce_or3A_372 = arith.constant 0.000000e+00 : f32
                %reduce_or3A_373 = vector.broadcast %reduce_or3A_371 : f32 to vector<16xf32>
                %reduce_or3A_374 = vector.broadcast %reduce_or3A_372 : f32 to vector<16xf32>
                %reduce_or3A_375 = arith.select %while3A_370, %reduce_or3A_373, %reduce_or3A_374 : vector<16xi1>, vector<16xf32>
                %reduce_or3A_376 = arith.constant true
                %reduce_or3A_377 = vector.broadcast %reduce_or3A_376 : i1 to vector<16xi1>
                %reduce_or3A_378 = tpu.scan <max>, %reduce_or3A_375 masked %reduce_or3A_377 : vector<16xf32>, vector<16xi1> -> vector<16xf32>
                %reduce_or3A_379 = vector.extract %reduce_or3A_378[15] : f32 from vector<16xf32>
                %reduce_or3A_380 = arith.constant 0.000000e+00 : f32
                %reduce_or3A_381 = arith.cmpf ogt, %reduce_or3A_379, %reduce_or3A_380 : f32
                scf.condition(%reduce_or3A_381) %while3A_370 : vector<16xi1>
              } do {
              ^bb0(%while3A_370: vector<16xi1>):
                %all_reduce_ffs3A = tpu.all_reduce %while3A_370 {dim = 0 : i64, kind = #tpu.reduction_kind<find_first_set>} : vector<16xi1> -> vector<16xi32>
                %reduce_max3A_371 = arith.constant true
                %reduce_max3A_372 = vector.broadcast %reduce_max3A_371 : i1 to vector<16xi1>
                %reduce_max3A_373 = arith.constant -2147483648 : i32
                %reduce_max3A_374 = vector.broadcast %reduce_max3A_373 : i32 to vector<16xi32>
                %reduce_max3A_375 = arith.xori %all_reduce_ffs3A, %reduce_max3A_374 : vector<16xi32>
                %reduce_max3A_376 = tpu.scan <max>, %reduce_max3A_375 masked %reduce_max3A_372 : vector<16xi32>, vector<16xi1> -> vector<16xi32>
                %reduce_max3A_377 = arith.xori %reduce_max3A_376, %reduce_max3A_374 : vector<16xi32>
                %reduce_max3A_378 = vector.extract %reduce_max3A_377[15] : i32 from vector<16xi32>
                %broadcast_in_dim3A_379 = vector.broadcast %reduce_max3A_378 : i32 to vector<16xi32>
                %reshape3A = vector.shape_cast %broadcast_in_dim3A_379 : vector<16xi32> to vector<16x1xi32>
                %gather3A = vector.shape_cast %reshape3A : vector<16x1xi32> to vector<16xi32>
                %gather3A_380 = tpu.dynamic_gather %get3A_278[%gather3A] in [0] : vector<16xi32>, vector<16xi32> -> vector<16xi32>
                %and3A_381 = arith.constant 16383 : i32
                %and3A_382 = vector.broadcast %and3A_381 : i32 to vector<16xi32>
                %and3A_383 = arith.andi %gather3A_380, %and3A_382 : vector<16xi32>
                %shift_right_logical3A_384 = arith.constant 14 : i32
                %shift_right_logical3A_385 = vector.broadcast %shift_right_logical3A_384 : i32 to vector<16xi32>
                %shift_right_logical3A_386 = arith.shrui %gather3A_380, %shift_right_logical3A_385 : vector<16xi32>
                %and3A_387 = arith.constant 127 : i32
                %and3A_388 = vector.broadcast %and3A_387 : i32 to vector<16xi32>
                %and3A_389 = arith.andi %shift_right_logical3A_386, %and3A_388 : vector<16xi32>
                %shift_right_logical3A_390 = arith.constant 21 : i32
                %shift_right_logical3A_391 = vector.broadcast %shift_right_logical3A_390 : i32 to vector<16xi32>
                %shift_right_logical3A_392 = arith.shrui %gather3A_380, %shift_right_logical3A_391 : vector<16xi32>
                %sub3A_393 = arith.subi %shift_right_logical3A_392, %broadcast_in_dim3A_224 : vector<16xi32>
                %get3A_394 = arith.constant 0 : index
                %get3A_395 = tpu.vector_load %arg14[%get3A_394] {strides = array<i32>} : memref<16xi32, #tpu.memory_space<vmem>>, vector<16xi32>,
                %reduce_max3A_396 = arith.constant true
                %reduce_max3A_397 = vector.broadcast %reduce_max3A_396 : i1 to vector<16xi1>
                %reduce_max3A_398 = arith.constant -2147483648 : i32
                %reduce_max3A_399 = vector.broadcast %reduce_max3A_398 : i32 to vector<16xi32>
                %reduce_max3A_400 = arith.xori %get3A_395, %reduce_max3A_399 : vector<16xi32>
                %reduce_max3A_401 = tpu.scan <max>, %reduce_max3A_400 masked %reduce_max3A_397 : vector<16xi32>, vector<16xi1> -> vector<16xi32>
                %reduce_max3A_402 = arith.xori %reduce_max3A_401, %reduce_max3A_399 : vector<16xi32>
                %reduce_max3A_403 = vector.extract %reduce_max3A_402[15] : i32 from vector<16xi32>
                %and3A_404 = arith.constant 15 : i32
                %and3A_405 = arith.andi %reduce_max3A_403, %and3A_404 : i32
                %ge3A_406 = arith.constant 16 : i32
                %ge3A_407 = arith.cmpi sge, %reduce_max3A_403, %ge3A_406 : i32
                %convert_element_type3A_408 = arith.extui %ge3A_407 : i1 to i32
                %cond3A_409 = arith.constant 0 : i32
                %cond3A_410 = arith.cmpi ne, %convert_element_type3A_408, %cond3A_409 : i32
                scf.if %cond3A_410 {
                  %dma_wait3A_461 = arith.constant 0 : i32
                  %dma_wait3A_462 = tpu.memref_slice %arg5[%dma_wait3A_461] : memref<1048576xf32, #tpu.memory_space<hbm>> -> memref<64xf32, #tpu.memory_space<hbm>>
                  %dma_wait3A_463 = arith.constant 0 : i32
                  %dma_wait3A_464 = tpu.memref_slice %arg5[%dma_wait3A_463] : memref<1048576xf32, #tpu.memory_space<hbm>> -> memref<64xf32, #tpu.memory_space<hbm>>
                  tpu.wait_dma2 semaphore(%arg17 : memref<!tpu.dma_semaphore, #tpu.memory_space<semaphore_mem>>) src(%dma_wait3A_464 : memref<64xf32, #tpu.memory_space<hbm>>) dst(%arg12 : memref<64xf32, #tpu.memory_space<vmem>>)
                } else {
                }
                %mul3A_411 = arith.constant 64 : i32
                %mul3A_412 = arith.muli %and3A_405, %mul3A_411 : i32
                %broadcast_in_dim3A_413 = vector.broadcast %mul3A_412 : i32 to vector<16xi32>
                %iota3A_414 = tpu.iota {dimensions = array<i32: 0>} : vector<16xi32>
                %add3A_415 = arith.constant 0 : i32
                %add3A_416 = vector.broadcast %add3A_415 : i32 to vector<16xi32>
                %add3A_417 = arith.addi %iota3A_414, %add3A_416 : vector<16xi32>
                %gather3A_418 = tpu.vector_load_idx %arg8[%sub3A_393, %add3A_417, %and3A_389] : memref<6x64x128xf32, #tpu.memory_space<vmem>>[vector<16xi32>, vector<16xi32>, vector<16xi32>], vector<16xf32>,
                %add3A_419 = arith.addi %broadcast_in_dim3A_413, %add3A_417 : vector<16xi32>
                tpu.vector_store_idx %arg11[%add3A_419], %gather3A_418 : memref<1024xf32, #tpu.memory_space<vmem>>[vector<16xi32>], vector<16xf32>,
                %iota3A_420 = tpu.iota {dimensions = array<i32: 0>} : vector<16xi32>
                %add3A_421 = arith.constant 16 : i32
                %add3A_422 = vector.broadcast %add3A_421 : i32 to vector<16xi32>
                %add3A_423 = arith.addi %iota3A_420, %add3A_422 : vector<16xi32>
                %gather3A_424 = tpu.vector_load_idx %arg8[%sub3A_393, %add3A_423, %and3A_389] : memref<6x64x128xf32, #tpu.memory_space<vmem>>[vector<16xi32>, vector<16xi32>, vector<16xi32>], vector<16xf32>,
                %add3A_425 = arith.addi %broadcast_in_dim3A_413, %add3A_423 : vector<16xi32>
                tpu.vector_store_idx %arg11[%add3A_425], %gather3A_424 : memref<1024xf32, #tpu.memory_space<vmem>>[vector<16xi32>], vector<16xf32>,
                %iota3A_426 = tpu.iota {dimensions = array<i32: 0>} : vector<16xi32>
                %add3A_427 = arith.constant 32 : i32
                %add3A_428 = vector.broadcast %add3A_427 : i32 to vector<16xi32>
                %add3A_429 = arith.addi %iota3A_426, %add3A_428 : vector<16xi32>
                %gather3A_430 = tpu.vector_load_idx %arg8[%sub3A_393, %add3A_429, %and3A_389] : memref<6x64x128xf32, #tpu.memory_space<vmem>>[vector<16xi32>, vector<16xi32>, vector<16xi32>], vector<16xf32>,
                %add3A_431 = arith.addi %broadcast_in_dim3A_413, %add3A_429 : vector<16xi32>
                tpu.vector_store_idx %arg11[%add3A_431], %gather3A_430 : memref<1024xf32, #tpu.memory_space<vmem>>[vector<16xi32>], vector<16xf32>,
                %iota3A_432 = tpu.iota {dimensions = array<i32: 0>} : vector<16xi32>
                %add3A_433 = arith.constant 48 : i32
                %add3A_434 = vector.broadcast %add3A_433 : i32 to vector<16xi32>
                %add3A_435 = arith.addi %iota3A_432, %add3A_434 : vector<16xi32>
                %gather3A_436 = tpu.vector_load_idx %arg8[%sub3A_393, %add3A_435, %and3A_389] : memref<6x64x128xf32, #tpu.memory_space<vmem>>[vector<16xi32>, vector<16xi32>, vector<16xi32>], vector<16xf32>,
                %add3A_437 = arith.addi %broadcast_in_dim3A_413, %add3A_435 : vector<16xi32>
                tpu.vector_store_idx %arg11[%add3A_437], %gather3A_436 : memref<1024xf32, #tpu.memory_space<vmem>>[vector<16xi32>], vector<16xf32>,
                %reduce_max3A_438 = arith.constant true
                %reduce_max3A_439 = vector.broadcast %reduce_max3A_438 : i1 to vector<16xi1>
                %reduce_max3A_440 = arith.constant -2147483648 : i32
                %reduce_max3A_441 = vector.broadcast %reduce_max3A_440 : i32 to vector<16xi32>
                %reduce_max3A_442 = arith.xori %and3A_383, %reduce_max3A_441 : vector<16xi32>
                %reduce_max3A_443 = tpu.scan <max>, %reduce_max3A_442 masked %reduce_max3A_439 : vector<16xi32>, vector<16xi1> -> vector<16xi32>
                %reduce_max3A_444 = arith.xori %reduce_max3A_443, %reduce_max3A_441 : vector<16xi32>
                %reduce_max3A_445 = vector.extract %reduce_max3A_444[15] : i32 from vector<16xi32>
                %mul3A_446 = arith.constant 64 : i32
                %mul3A_447 = arith.muli %and3A_405, %mul3A_446 : i32
                %mul3A_448 = arith.constant 64 : i32
                %mul3A_449 = arith.muli %reduce_max3A_445, %mul3A_448 : i32
                %dma_start3A = tpu.memref_slice %arg11[%mul3A_447] : memref<1024xf32, #tpu.memory_space<vmem>> -> memref<64xf32, #tpu.memory_space<vmem>>
                %dma_start3A_450 = tpu.memref_slice %arg5[%mul3A_449] : memref<1048576xf32, #tpu.memory_space<hbm>> -> memref<64xf32, #tpu.memory_space<hbm>>
                %dma_start3A_451 = tpu.memref_slice %arg5[%mul3A_449] : memref<1048576xf32, #tpu.memory_space<hbm>> -> memref<64xf32, #tpu.memory_space<hbm>>
                %dma_start3A_452 = tpu.memref_slice %arg11[%mul3A_447] : memref<1024xf32, #tpu.memory_space<vmem>> -> memref<64xf32, #tpu.memory_space<vmem>>
                tpu.enqueue_dma source(%dma_start3A_452 : memref<64xf32, #tpu.memory_space<vmem>>) target(%dma_start3A_451 : memref<64xf32, #tpu.memory_space<hbm>>) target_semaphore(%arg17 : memref<!tpu.dma_semaphore, #tpu.memory_space<semaphore_mem>>)
                %add3A_453 = arith.constant 1 : i32
                %add3A_454 = arith.addi %reduce_max3A_403, %add3A_453 : i32
                %broadcast_in_dim3A_455 = vector.broadcast %add3A_454 : i32 to vector<16xi32>
                %swap3A_456 = arith.constant 0 : index
                %swap3A_457 = tpu.vector_load %arg14[%swap3A_456] {strides = array<i32>} : memref<16xi32, #tpu.memory_space<vmem>>, vector<16xi32>,
                tpu.vector_store %arg14[%swap3A_456], %broadcast_in_dim3A_455 {strides = array<i32>} : memref<16xi32, #tpu.memory_space<vmem>>, vector<16xi32>,
                %iota3A_458 = tpu.iota {dimensions = array<i32: 0>} : vector<16xi32>
                %broadcast_in_dim3A_459 = vector.broadcast %reduce_max3A_378 : i32 to vector<16xi32>
                %ne3A = arith.cmpi ne, %iota3A_458, %broadcast_in_dim3A_459 : vector<16xi32>
                %and3A_460 = arith.andi %while3A_370, %ne3A : vector<16xi1>
                scf.yield %and3A_460 : vector<16xi1>
              }
            } else {
            }
            %reduce_or3A_355 = arith.constant 1.000000e+00 : f32
            %reduce_or3A_356 = arith.constant 0.000000e+00 : f32
            %reduce_or3A_357 = vector.broadcast %reduce_or3A_355 : f32 to vector<16xf32>
            %reduce_or3A_358 = vector.broadcast %reduce_or3A_356 : f32 to vector<16xf32>
            %reduce_or3A_359 = arith.select %and3A_296, %reduce_or3A_357, %reduce_or3A_358 : vector<16xi1>, vector<16xf32>
            %reduce_or3A_360 = arith.constant true
            %reduce_or3A_361 = vector.broadcast %reduce_or3A_360 : i1 to vector<16xi1>
            %reduce_or3A_362 = tpu.scan <max>, %reduce_or3A_359 masked %reduce_or3A_361 : vector<16xf32>, vector<16xi1> -> vector<16xf32>
            %reduce_or3A_363 = vector.extract %reduce_or3A_362[15] : f32 from vector<16xf32>
            %reduce_or3A_364 = arith.constant 0.000000e+00 : f32
            %reduce_or3A_365 = arith.cmpf ogt, %reduce_or3A_363, %reduce_or3A_364 : f32
            %convert_element_type3A_366 = arith.extui %reduce_or3A_365 : i1 to i32
            %cond3A_367 = arith.constant 0 : i32
            %cond3A_368 = arith.cmpi ne, %convert_element_type3A_366, %cond3A_367 : i32
            scf.if %cond3A_368 {
              %while3A_369 = scf.while (%while3A_370 = %and3A_296) : (vector<16xi1>) -> vector<16xi1> {
                %reduce_or3A_371 = arith.constant 1.000000e+00 : f32
                %reduce_or3A_372 = arith.constant 0.000000e+00 : f32
                %reduce_or3A_373 = vector.broadcast %reduce_or3A_371 : f32 to vector<16xf32>
                %reduce_or3A_374 = vector.broadcast %reduce_or3A_372 : f32 to vector<16xf32>
                %reduce_or3A_375 = arith.select %while3A_370, %reduce_or3A_373, %reduce_or3A_374 : vector<16xi1>, vector<16xf32>
                %reduce_or3A_376 = arith.constant true
                %reduce_or3A_377 = vector.broadcast %reduce_or3A_376 : i1 to vector<16xi1>
                %reduce_or3A_378 = tpu.scan <max>, %reduce_or3A_375 masked %reduce_or3A_377 : vector<16xf32>, vector<16xi1> -> vector<16xf32>
                %reduce_or3A_379 = vector.extract %reduce_or3A_378[15] : f32 from vector<16xf32>
                %reduce_or3A_380 = arith.constant 0.000000e+00 : f32
                %reduce_or3A_381 = arith.cmpf ogt, %reduce_or3A_379, %reduce_or3A_380 : f32
                scf.condition(%reduce_or3A_381) %while3A_370 : vector<16xi1>
              } do {
              ^bb0(%while3A_370: vector<16xi1>):
                %all_reduce_ffs3A = tpu.all_reduce %while3A_370 {dim = 0 : i64, kind = #tpu.reduction_kind<find_first_set>} : vector<16xi1> -> vector<16xi32>
                %reduce_max3A_371 = arith.constant true
                %reduce_max3A_372 = vector.broadcast %reduce_max3A_371 : i1 to vector<16xi1>
                %reduce_max3A_373 = arith.constant -2147483648 : i32
                %reduce_max3A_374 = vector.broadcast %reduce_max3A_373 : i32 to vector<16xi32>
                %reduce_max3A_375 = arith.xori %all_reduce_ffs3A, %reduce_max3A_374 : vector<16xi32>
                %reduce_max3A_376 = tpu.scan <max>, %reduce_max3A_375 masked %reduce_max3A_372 : vector<16xi32>, vector<16xi1> -> vector<16xi32>
                %reduce_max3A_377 = arith.xori %reduce_max3A_376, %reduce_max3A_374 : vector<16xi32>
                %reduce_max3A_378 = vector.extract %reduce_max3A_377[15] : i32 from vector<16xi32>
                %broadcast_in_dim3A_379 = vector.broadcast %reduce_max3A_378 : i32 to vector<16xi32>
                %reshape3A = vector.shape_cast %broadcast_in_dim3A_379 : vector<16xi32> to vector<16x1xi32>
                %gather3A = vector.shape_cast %reshape3A : vector<16x1xi32> to vector<16xi32>
                %gather3A_380 = tpu.dynamic_gather %get3A_290[%gather3A] in [0] : vector<16xi32>, vector<16xi32> -> vector<16xi32>
                %and3A_381 = arith.constant 16383 : i32
                %and3A_382 = vector.broadcast %and3A_381 : i32 to vector<16xi32>
                %and3A_383 = arith.andi %gather3A_380, %and3A_382 : vector<16xi32>
                %shift_right_logical3A_384 = arith.constant 14 : i32
                %shift_right_logical3A_385 = vector.broadcast %shift_right_logical3A_384 : i32 to vector<16xi32>
                %shift_right_logical3A_386 = arith.shrui %gather3A_380, %shift_right_logical3A_385 : vector<16xi32>
                %and3A_387 = arith.constant 127 : i32
                %and3A_388 = vector.broadcast %and3A_387 : i32 to vector<16xi32>
                %and3A_389 = arith.andi %shift_right_logical3A_386, %and3A_388 : vector<16xi32>
                %shift_right_logical3A_390 = arith.constant 21 : i32
                %shift_right_logical3A_391 = vector.broadcast %shift_right_logical3A_390 : i32 to vector<16xi32>
                %shift_right_logical3A_392 = arith.shrui %gather3A_380, %shift_right_logical3A_391 : vector<16xi32>
                %sub3A_393 = arith.subi %shift_right_logical3A_392, %broadcast_in_dim3A_224 : vector<16xi32>
                %get3A_394 = arith.constant 0 : index
                %get3A_395 = tpu.vector_load %arg14[%get3A_394] {strides = array<i32>} : memref<16xi32, #tpu.memory_space<vmem>>, vector<16xi32>,
                %reduce_max3A_396 = arith.constant true
                %reduce_max3A_397 = vector.broadcast %reduce_max3A_396 : i1 to vector<16xi1>
                %reduce_max3A_398 = arith.constant -2147483648 : i32
                %reduce_max3A_399 = vector.broadcast %reduce_max3A_398 : i32 to vector<16xi32>
                %reduce_max3A_400 = arith.xori %get3A_395, %reduce_max3A_399 : vector<16xi32>
                %reduce_max3A_401 = tpu.scan <max>, %reduce_max3A_400 masked %reduce_max3A_397 : vector<16xi32>, vector<16xi1> -> vector<16xi32>
                %reduce_max3A_402 = arith.xori %reduce_max3A_401, %reduce_max3A_399 : vector<16xi32>
                %reduce_max3A_403 = vector.extract %reduce_max3A_402[15] : i32 from vector<16xi32>
                %and3A_404 = arith.constant 15 : i32
                %and3A_405 = arith.andi %reduce_max3A_403, %and3A_404 : i32
                %ge3A_406 = arith.constant 16 : i32
                %ge3A_407 = arith.cmpi sge, %reduce_max3A_403, %ge3A_406 : i32
                %convert_element_type3A_408 = arith.extui %ge3A_407 : i1 to i32
                %cond3A_409 = arith.constant 0 : i32
                %cond3A_410 = arith.cmpi ne, %convert_element_type3A_408, %cond3A_409 : i32
                scf.if %cond3A_410 {
                  %dma_wait3A_461 = arith.constant 0 : i32
                  %dma_wait3A_462 = tpu.memref_slice %arg5[%dma_wait3A_461] : memref<1048576xf32, #tpu.memory_space<hbm>> -> memref<64xf32, #tpu.memory_space<hbm>>
                  %dma_wait3A_463 = arith.constant 0 : i32
                  %dma_wait3A_464 = tpu.memref_slice %arg5[%dma_wait3A_463] : memref<1048576xf32, #tpu.memory_space<hbm>> -> memref<64xf32, #tpu.memory_space<hbm>>
                  tpu.wait_dma2 semaphore(%arg17 : memref<!tpu.dma_semaphore, #tpu.memory_space<semaphore_mem>>) src(%dma_wait3A_464 : memref<64xf32, #tpu.memory_space<hbm>>) dst(%arg12 : memref<64xf32, #tpu.memory_space<vmem>>)
                } else {
                }
                %mul3A_411 = arith.constant 64 : i32
                %mul3A_412 = arith.muli %and3A_405, %mul3A_411 : i32
                %broadcast_in_dim3A_413 = vector.broadcast %mul3A_412 : i32 to vector<16xi32>
                %iota3A_414 = tpu.iota {dimensions = array<i32: 0>} : vector<16xi32>
                %add3A_415 = arith.constant 0 : i32
                %add3A_416 = vector.broadcast %add3A_415 : i32 to vector<16xi32>
                %add3A_417 = arith.addi %iota3A_414, %add3A_416 : vector<16xi32>
                %gather3A_418 = tpu.vector_load_idx %arg8[%sub3A_393, %add3A_417, %and3A_389] : memref<6x64x128xf32, #tpu.memory_space<vmem>>[vector<16xi32>, vector<16xi32>, vector<16xi32>], vector<16xf32>,
                %add3A_419 = arith.addi %broadcast_in_dim3A_413, %add3A_417 : vector<16xi32>
                tpu.vector_store_idx %arg11[%add3A_419], %gather3A_418 : memref<1024xf32, #tpu.memory_space<vmem>>[vector<16xi32>], vector<16xf32>,
                %iota3A_420 = tpu.iota {dimensions = array<i32: 0>} : vector<16xi32>
                %add3A_421 = arith.constant 16 : i32
                %add3A_422 = vector.broadcast %add3A_421 : i32 to vector<16xi32>
                %add3A_423 = arith.addi %iota3A_420, %add3A_422 : vector<16xi32>
                %gather3A_424 = tpu.vector_load_idx %arg8[%sub3A_393, %add3A_423, %and3A_389] : memref<6x64x128xf32, #tpu.memory_space<vmem>>[vector<16xi32>, vector<16xi32>, vector<16xi32>], vector<16xf32>,
                %add3A_425 = arith.addi %broadcast_in_dim3A_413, %add3A_423 : vector<16xi32>
                tpu.vector_store_idx %arg11[%add3A_425], %gather3A_424 : memref<1024xf32, #tpu.memory_space<vmem>>[vector<16xi32>], vector<16xf32>,
                %iota3A_426 = tpu.iota {dimensions = array<i32: 0>} : vector<16xi32>
                %add3A_427 = arith.constant 32 : i32
                %add3A_428 = vector.broadcast %add3A_427 : i32 to vector<16xi32>
                %add3A_429 = arith.addi %iota3A_426, %add3A_428 : vector<16xi32>
                %gather3A_430 = tpu.vector_load_idx %arg8[%sub3A_393, %add3A_429, %and3A_389] : memref<6x64x128xf32, #tpu.memory_space<vmem>>[vector<16xi32>, vector<16xi32>, vector<16xi32>], vector<16xf32>,
                %add3A_431 = arith.addi %broadcast_in_dim3A_413, %add3A_429 : vector<16xi32>
                tpu.vector_store_idx %arg11[%add3A_431], %gather3A_430 : memref<1024xf32, #tpu.memory_space<vmem>>[vector<16xi32>], vector<16xf32>,
                %iota3A_432 = tpu.iota {dimensions = array<i32: 0>} : vector<16xi32>
                %add3A_433 = arith.constant 48 : i32
                %add3A_434 = vector.broadcast %add3A_433 : i32 to vector<16xi32>
                %add3A_435 = arith.addi %iota3A_432, %add3A_434 : vector<16xi32>
                %gather3A_436 = tpu.vector_load_idx %arg8[%sub3A_393, %add3A_435, %and3A_389] : memref<6x64x128xf32, #tpu.memory_space<vmem>>[vector<16xi32>, vector<16xi32>, vector<16xi32>], vector<16xf32>,
                %add3A_437 = arith.addi %broadcast_in_dim3A_413, %add3A_435 : vector<16xi32>
                tpu.vector_store_idx %arg11[%add3A_437], %gather3A_436 : memref<1024xf32, #tpu.memory_space<vmem>>[vector<16xi32>], vector<16xf32>,
                %reduce_max3A_438 = arith.constant true
                %reduce_max3A_439 = vector.broadcast %reduce_max3A_438 : i1 to vector<16xi1>
                %reduce_max3A_440 = arith.constant -2147483648 : i32
                %reduce_max3A_441 = vector.broadcast %reduce_max3A_440 : i32 to vector<16xi32>
                %reduce_max3A_442 = arith.xori %and3A_383, %reduce_max3A_441 : vector<16xi32>
                %reduce_max3A_443 = tpu.scan <max>, %reduce_max3A_442 masked %reduce_max3A_439 : vector<16xi32>, vector<16xi1> -> vector<16xi32>
                %reduce_max3A_444 = arith.xori %reduce_max3A_443, %reduce_max3A_441 : vector<16xi32>
                %reduce_max3A_445 = vector.extract %reduce_max3A_444[15] : i32 from vector<16xi32>
                %mul3A_446 = arith.constant 64 : i32
                %mul3A_447 = arith.muli %and3A_405, %mul3A_446 : i32
                %mul3A_448 = arith.constant 64 : i32
                %mul3A_449 = arith.muli %reduce_max3A_445, %mul3A_448 : i32
                %dma_start3A = tpu.memref_slice %arg11[%mul3A_447] : memref<1024xf32, #tpu.memory_space<vmem>> -> memref<64xf32, #tpu.memory_space<vmem>>
                %dma_start3A_450 = tpu.memref_slice %arg5[%mul3A_449] : memref<1048576xf32, #tpu.memory_space<hbm>> -> memref<64xf32, #tpu.memory_space<hbm>>
                %dma_start3A_451 = tpu.memref_slice %arg5[%mul3A_449] : memref<1048576xf32, #tpu.memory_space<hbm>> -> memref<64xf32, #tpu.memory_space<hbm>>
                %dma_start3A_452 = tpu.memref_slice %arg11[%mul3A_447] : memref<1024xf32, #tpu.memory_space<vmem>> -> memref<64xf32, #tpu.memory_space<vmem>>
                tpu.enqueue_dma source(%dma_start3A_452 : memref<64xf32, #tpu.memory_space<vmem>>) target(%dma_start3A_451 : memref<64xf32, #tpu.memory_space<hbm>>) target_semaphore(%arg17 : memref<!tpu.dma_semaphore, #tpu.memory_space<semaphore_mem>>)
                %add3A_453 = arith.constant 1 : i32
                %add3A_454 = arith.addi %reduce_max3A_403, %add3A_453 : i32
                %broadcast_in_dim3A_455 = vector.broadcast %add3A_454 : i32 to vector<16xi32>
                %swap3A_456 = arith.constant 0 : index
                %swap3A_457 = tpu.vector_load %arg14[%swap3A_456] {strides = array<i32>} : memref<16xi32, #tpu.memory_space<vmem>>, vector<16xi32>,
                tpu.vector_store %arg14[%swap3A_456], %broadcast_in_dim3A_455 {strides = array<i32>} : memref<16xi32, #tpu.memory_space<vmem>>, vector<16xi32>,
                %iota3A_458 = tpu.iota {dimensions = array<i32: 0>} : vector<16xi32>
                %broadcast_in_dim3A_459 = vector.broadcast %reduce_max3A_378 : i32 to vector<16xi32>
                %ne3A = arith.cmpi ne, %iota3A_458, %broadcast_in_dim3A_459 : vector<16xi32>
                %and3A_460 = arith.andi %while3A_370, %ne3A : vector<16xi1>
                scf.yield %and3A_460 : vector<16xi1>
              }
            } else {
            }
          } else {
          }
          %while3A_312 = arith.constant 0 : i32
          scf.yield %while3A_312 : i32
        }
        %while3A_242 = arith.constant 1 : i32
        %while3A_243 = scf.for %while3A_250 = %while3A_239 to %while3A_235 step %while3A_242 iter_args(%while3A_251 = %while3A_241) -> (i32)  : i32 {
          %mul3A_252 = arith.constant 64 : i32
          %mul3A_253 = arith.muli %while3A_250, %mul3A_252 : i32
          %add3A_254 = arith.constant 0 : i32
          %add3A_255 = arith.addi %mul3A_253, %add3A_254 : i32
          %get3A_256 = arith.index_cast %add3A_255 : i32 to index
          %get3A_257 = tpu.vector_load %arg7[%get3A_256] {strides = array<i32>} : memref<16480xi32, #tpu.memory_space<vmem>>, vector<16xi32>,
          %shift_right_logical3A = arith.constant 21 : i32
          %shift_right_logical3A_258 = vector.broadcast %shift_right_logical3A : i32 to vector<16xi32>
          %shift_right_logical3A_259 = arith.shrui %get3A_257, %shift_right_logical3A_258 : vector<16xi32>
          %ge3A = arith.cmpi sge, %shift_right_logical3A_259, %broadcast_in_dim3A_224 : vector<16xi32>
          %lt3A_260 = arith.cmpi slt, %shift_right_logical3A_259, %broadcast_in_dim3A_227 : vector<16xi32>
          %and3A = arith.andi %ge3A, %lt3A_260 : vector<16xi1>
          %mul3A_261 = arith.constant 64 : i32
          %mul3A_262 = arith.muli %while3A_250, %mul3A_261 : i32
          %add3A_263 = arith.constant 16 : i32
          %add3A_264 = arith.addi %mul3A_262, %add3A_263 : i32
          %get3A_265 = arith.index_cast %add3A_264 : i32 to index
          %get3A_266 = tpu.vector_load %arg7[%get3A_265] {strides = array<i32>} : memref<16480xi32, #tpu.memory_space<vmem>>, vector<16xi32>,
          %shift_right_logical3A_267 = arith.constant 21 : i32
          %shift_right_logical3A_268 = vector.broadcast %shift_right_logical3A_267 : i32 to vector<16xi32>
          %shift_right_logical3A_269 = arith.shrui %get3A_266, %shift_right_logical3A_268 : vector<16xi32>
          %ge3A_270 = arith.cmpi sge, %shift_right_logical3A_269, %broadcast_in_dim3A_224 : vector<16xi32>
          %lt3A_271 = arith.cmpi slt, %shift_right_logical3A_269, %broadcast_in_dim3A_227 : vector<16xi32>
          %and3A_272 = arith.andi %ge3A_270, %lt3A_271 : vector<16xi1>
          %mul3A_273 = arith.constant 64 : i32
          %mul3A_274 = arith.muli %while3A_250, %mul3A_273 : i32
          %add3A_275 = arith.constant 32 : i32
          %add3A_276 = arith.addi %mul3A_274, %add3A_275 : i32
          %get3A_277 = arith.index_cast %add3A_276 : i32 to index
          %get3A_278 = tpu.vector_load %arg7[%get3A_277] {strides = array<i32>} : memref<16480xi32, #tpu.memory_space<vmem>>, vector<16xi32>,
          %shift_right_logical3A_279 = arith.constant 21 : i32
          %shift_right_logical3A_280 = vector.broadcast %shift_right_logical3A_279 : i32 to vector<16xi32>
          %shift_right_logical3A_281 = arith.shrui %get3A_278, %shift_right_logical3A_280 : vector<16xi32>
          %ge3A_282 = arith.cmpi sge, %shift_right_logical3A_281, %broadcast_in_dim3A_224 : vector<16xi32>
          %lt3A_283 = arith.cmpi slt, %shift_right_logical3A_281, %broadcast_in_dim3A_227 : vector<16xi32>
          %and3A_284 = arith.andi %ge3A_282, %lt3A_283 : vector<16xi1>
          %mul3A_285 = arith.constant 64 : i32
          %mul3A_286 = arith.muli %while3A_250, %mul3A_285 : i32
          %add3A_287 = arith.constant 48 : i32
          %add3A_288 = arith.addi %mul3A_286, %add3A_287 : i32
          %get3A_289 = arith.index_cast %add3A_288 : i32 to index
          %get3A_290 = tpu.vector_load %arg7[%get3A_289] {strides = array<i32>} : memref<16480xi32, #tpu.memory_space<vmem>>, vector<16xi32>,
          %shift_right_logical3A_291 = arith.constant 21 : i32
          %shift_right_logical3A_292 = vector.broadcast %shift_right_logical3A_291 : i32 to vector<16xi32>
          %shift_right_logical3A_293 = arith.shrui %get3A_290, %shift_right_logical3A_292 : vector<16xi32>
          %ge3A_294 = arith.cmpi sge, %shift_right_logical3A_293, %broadcast_in_dim3A_224 : vector<16xi32>
          %lt3A_295 = arith.cmpi slt, %shift_right_logical3A_293, %broadcast_in_dim3A_227 : vector<16xi32>
          %and3A_296 = arith.andi %ge3A_294, %lt3A_295 : vector<16xi1>
          %or3A = arith.ori %and3A, %and3A_272 : vector<16xi1>
          %or3A_297 = arith.ori %and3A_284, %and3A_296 : vector<16xi1>
          %or3A_298 = arith.ori %or3A, %or3A_297 : vector<16xi1>
          %reduce_or3A = arith.constant 1.000000e+00 : f32
          %reduce_or3A_299 = arith.constant 0.000000e+00 : f32
          %reduce_or3A_300 = vector.broadcast %reduce_or3A : f32 to vector<16xf32>
          %reduce_or3A_301 = vector.broadcast %reduce_or3A_299 : f32 to vector<16xf32>
          %reduce_or3A_302 = arith.select %or3A_298, %reduce_or3A_300, %reduce_or3A_301 : vector<16xi1>, vector<16xf32>
          %reduce_or3A_303 = arith.constant true
          %reduce_or3A_304 = vector.broadcast %reduce_or3A_303 : i1 to vector<16xi1>
          %reduce_or3A_305 = tpu.scan <max>, %reduce_or3A_302 masked %reduce_or3A_304 : vector<16xf32>, vector<16xi1> -> vector<16xf32>
          %reduce_or3A_306 = vector.extract %reduce_or3A_305[15] : f32 from vector<16xf32>
          %reduce_or3A_307 = arith.constant 0.000000e+00 : f32
          %reduce_or3A_308 = arith.cmpf ogt, %reduce_or3A_306, %reduce_or3A_307 : f32
          %convert_element_type3A_309 = arith.extui %reduce_or3A_308 : i1 to i32
          %cond3A_310 = arith.constant 0 : i32
          %cond3A_311 = arith.cmpi ne, %convert_element_type3A_309, %cond3A_310 : i32
          scf.if %cond3A_311 {
            %reduce_or3A_313 = arith.constant 1.000000e+00 : f32
            %reduce_or3A_314 = arith.constant 0.000000e+00 : f32
            %reduce_or3A_315 = vector.broadcast %reduce_or3A_313 : f32 to vector<16xf32>
            %reduce_or3A_316 = vector.broadcast %reduce_or3A_314 : f32 to vector<16xf32>
            %reduce_or3A_317 = arith.select %and3A, %reduce_or3A_315, %reduce_or3A_316 : vector<16xi1>, vector<16xf32>
            %reduce_or3A_318 = arith.constant true
            %reduce_or3A_319 = vector.broadcast %reduce_or3A_318 : i1 to vector<16xi1>
            %reduce_or3A_320 = tpu.scan <max>, %reduce_or3A_317 masked %reduce_or3A_319 : vector<16xf32>, vector<16xi1> -> vector<16xf32>
            %reduce_or3A_321 = vector.extract %reduce_or3A_320[15] : f32 from vector<16xf32>
            %reduce_or3A_322 = arith.constant 0.000000e+00 : f32
            %reduce_or3A_323 = arith.cmpf ogt, %reduce_or3A_321, %reduce_or3A_322 : f32
            %convert_element_type3A_324 = arith.extui %reduce_or3A_323 : i1 to i32
            %cond3A_325 = arith.constant 0 : i32
            %cond3A_326 = arith.cmpi ne, %convert_element_type3A_324, %cond3A_325 : i32
            scf.if %cond3A_326 {
              %while3A_369 = scf.while (%while3A_370 = %and3A) : (vector<16xi1>) -> vector<16xi1> {
                %reduce_or3A_371 = arith.constant 1.000000e+00 : f32
                %reduce_or3A_372 = arith.constant 0.000000e+00 : f32
                %reduce_or3A_373 = vector.broadcast %reduce_or3A_371 : f32 to vector<16xf32>
                %reduce_or3A_374 = vector.broadcast %reduce_or3A_372 : f32 to vector<16xf32>
                %reduce_or3A_375 = arith.select %while3A_370, %reduce_or3A_373, %reduce_or3A_374 : vector<16xi1>, vector<16xf32>
                %reduce_or3A_376 = arith.constant true
                %reduce_or3A_377 = vector.broadcast %reduce_or3A_376 : i1 to vector<16xi1>
                %reduce_or3A_378 = tpu.scan <max>, %reduce_or3A_375 masked %reduce_or3A_377 : vector<16xf32>, vector<16xi1> -> vector<16xf32>
                %reduce_or3A_379 = vector.extract %reduce_or3A_378[15] : f32 from vector<16xf32>
                %reduce_or3A_380 = arith.constant 0.000000e+00 : f32
                %reduce_or3A_381 = arith.cmpf ogt, %reduce_or3A_379, %reduce_or3A_380 : f32
                scf.condition(%reduce_or3A_381) %while3A_370 : vector<16xi1>
              } do {
              ^bb0(%while3A_370: vector<16xi1>):
                %all_reduce_ffs3A = tpu.all_reduce %while3A_370 {dim = 0 : i64, kind = #tpu.reduction_kind<find_first_set>} : vector<16xi1> -> vector<16xi32>
                %reduce_max3A_371 = arith.constant true
                %reduce_max3A_372 = vector.broadcast %reduce_max3A_371 : i1 to vector<16xi1>
                %reduce_max3A_373 = arith.constant -2147483648 : i32
                %reduce_max3A_374 = vector.broadcast %reduce_max3A_373 : i32 to vector<16xi32>
                %reduce_max3A_375 = arith.xori %all_reduce_ffs3A, %reduce_max3A_374 : vector<16xi32>
                %reduce_max3A_376 = tpu.scan <max>, %reduce_max3A_375 masked %reduce_max3A_372 : vector<16xi32>, vector<16xi1> -> vector<16xi32>
                %reduce_max3A_377 = arith.xori %reduce_max3A_376, %reduce_max3A_374 : vector<16xi32>
                %reduce_max3A_378 = vector.extract %reduce_max3A_377[15] : i32 from vector<16xi32>
                %broadcast_in_dim3A_379 = vector.broadcast %reduce_max3A_378 : i32 to vector<16xi32>
                %reshape3A = vector.shape_cast %broadcast_in_dim3A_379 : vector<16xi32> to vector<16x1xi32>
                %gather3A = vector.shape_cast %reshape3A : vector<16x1xi32> to vector<16xi32>
                %gather3A_380 = tpu.dynamic_gather %get3A_257[%gather3A] in [0] : vector<16xi32>, vector<16xi32> -> vector<16xi32>
                %and3A_381 = arith.constant 16383 : i32
                %and3A_382 = vector.broadcast %and3A_381 : i32 to vector<16xi32>
                %and3A_383 = arith.andi %gather3A_380, %and3A_382 : vector<16xi32>
                %shift_right_logical3A_384 = arith.constant 14 : i32
                %shift_right_logical3A_385 = vector.broadcast %shift_right_logical3A_384 : i32 to vector<16xi32>
                %shift_right_logical3A_386 = arith.shrui %gather3A_380, %shift_right_logical3A_385 : vector<16xi32>
                %and3A_387 = arith.constant 127 : i32
                %and3A_388 = vector.broadcast %and3A_387 : i32 to vector<16xi32>
                %and3A_389 = arith.andi %shift_right_logical3A_386, %and3A_388 : vector<16xi32>
                %shift_right_logical3A_390 = arith.constant 21 : i32
                %shift_right_logical3A_391 = vector.broadcast %shift_right_logical3A_390 : i32 to vector<16xi32>
                %shift_right_logical3A_392 = arith.shrui %gather3A_380, %shift_right_logical3A_391 : vector<16xi32>
                %sub3A_393 = arith.subi %shift_right_logical3A_392, %broadcast_in_dim3A_224 : vector<16xi32>
                %get3A_394 = arith.constant 0 : index
                %get3A_395 = tpu.vector_load %arg14[%get3A_394] {strides = array<i32>} : memref<16xi32, #tpu.memory_space<vmem>>, vector<16xi32>,
                %reduce_max3A_396 = arith.constant true
                %reduce_max3A_397 = vector.broadcast %reduce_max3A_396 : i1 to vector<16xi1>
                %reduce_max3A_398 = arith.constant -2147483648 : i32
                %reduce_max3A_399 = vector.broadcast %reduce_max3A_398 : i32 to vector<16xi32>
                %reduce_max3A_400 = arith.xori %get3A_395, %reduce_max3A_399 : vector<16xi32>
                %reduce_max3A_401 = tpu.scan <max>, %reduce_max3A_400 masked %reduce_max3A_397 : vector<16xi32>, vector<16xi1> -> vector<16xi32>
                %reduce_max3A_402 = arith.xori %reduce_max3A_401, %reduce_max3A_399 : vector<16xi32>
                %reduce_max3A_403 = vector.extract %reduce_max3A_402[15] : i32 from vector<16xi32>
                %and3A_404 = arith.constant 15 : i32
                %and3A_405 = arith.andi %reduce_max3A_403, %and3A_404 : i32
                %ge3A_406 = arith.constant 16 : i32
                %ge3A_407 = arith.cmpi sge, %reduce_max3A_403, %ge3A_406 : i32
                %convert_element_type3A_408 = arith.extui %ge3A_407 : i1 to i32
                %cond3A_409 = arith.constant 0 : i32
                %cond3A_410 = arith.cmpi ne, %convert_element_type3A_408, %cond3A_409 : i32
                scf.if %cond3A_410 {
                  %dma_wait3A_461 = arith.constant 0 : i32
                  %dma_wait3A_462 = tpu.memref_slice %arg5[%dma_wait3A_461] : memref<1048576xf32, #tpu.memory_space<hbm>> -> memref<64xf32, #tpu.memory_space<hbm>>
                  %dma_wait3A_463 = arith.constant 0 : i32
                  %dma_wait3A_464 = tpu.memref_slice %arg5[%dma_wait3A_463] : memref<1048576xf32, #tpu.memory_space<hbm>> -> memref<64xf32, #tpu.memory_space<hbm>>
                  tpu.wait_dma2 semaphore(%arg17 : memref<!tpu.dma_semaphore, #tpu.memory_space<semaphore_mem>>) src(%dma_wait3A_464 : memref<64xf32, #tpu.memory_space<hbm>>) dst(%arg12 : memref<64xf32, #tpu.memory_space<vmem>>)
                } else {
                }
                %mul3A_411 = arith.constant 64 : i32
                %mul3A_412 = arith.muli %and3A_405, %mul3A_411 : i32
                %broadcast_in_dim3A_413 = vector.broadcast %mul3A_412 : i32 to vector<16xi32>
                %iota3A_414 = tpu.iota {dimensions = array<i32: 0>} : vector<16xi32>
                %add3A_415 = arith.constant 0 : i32
                %add3A_416 = vector.broadcast %add3A_415 : i32 to vector<16xi32>
                %add3A_417 = arith.addi %iota3A_414, %add3A_416 : vector<16xi32>
                %gather3A_418 = tpu.vector_load_idx %arg8[%sub3A_393, %add3A_417, %and3A_389] : memref<6x64x128xf32, #tpu.memory_space<vmem>>[vector<16xi32>, vector<16xi32>, vector<16xi32>], vector<16xf32>,
                %add3A_419 = arith.addi %broadcast_in_dim3A_413, %add3A_417 : vector<16xi32>
                tpu.vector_store_idx %arg11[%add3A_419], %gather3A_418 : memref<1024xf32, #tpu.memory_space<vmem>>[vector<16xi32>], vector<16xf32>,
                %iota3A_420 = tpu.iota {dimensions = array<i32: 0>} : vector<16xi32>
                %add3A_421 = arith.constant 16 : i32
                %add3A_422 = vector.broadcast %add3A_421 : i32 to vector<16xi32>
                %add3A_423 = arith.addi %iota3A_420, %add3A_422 : vector<16xi32>
                %gather3A_424 = tpu.vector_load_idx %arg8[%sub3A_393, %add3A_423, %and3A_389] : memref<6x64x128xf32, #tpu.memory_space<vmem>>[vector<16xi32>, vector<16xi32>, vector<16xi32>], vector<16xf32>,
                %add3A_425 = arith.addi %broadcast_in_dim3A_413, %add3A_423 : vector<16xi32>
                tpu.vector_store_idx %arg11[%add3A_425], %gather3A_424 : memref<1024xf32, #tpu.memory_space<vmem>>[vector<16xi32>], vector<16xf32>,
                %iota3A_426 = tpu.iota {dimensions = array<i32: 0>} : vector<16xi32>
                %add3A_427 = arith.constant 32 : i32
                %add3A_428 = vector.broadcast %add3A_427 : i32 to vector<16xi32>
                %add3A_429 = arith.addi %iota3A_426, %add3A_428 : vector<16xi32>
                %gather3A_430 = tpu.vector_load_idx %arg8[%sub3A_393, %add3A_429, %and3A_389] : memref<6x64x128xf32, #tpu.memory_space<vmem>>[vector<16xi32>, vector<16xi32>, vector<16xi32>], vector<16xf32>,
                %add3A_431 = arith.addi %broadcast_in_dim3A_413, %add3A_429 : vector<16xi32>
                tpu.vector_store_idx %arg11[%add3A_431], %gather3A_430 : memref<1024xf32, #tpu.memory_space<vmem>>[vector<16xi32>], vector<16xf32>,
                %iota3A_432 = tpu.iota {dimensions = array<i32: 0>} : vector<16xi32>
                %add3A_433 = arith.constant 48 : i32
                %add3A_434 = vector.broadcast %add3A_433 : i32 to vector<16xi32>
                %add3A_435 = arith.addi %iota3A_432, %add3A_434 : vector<16xi32>
                %gather3A_436 = tpu.vector_load_idx %arg8[%sub3A_393, %add3A_435, %and3A_389] : memref<6x64x128xf32, #tpu.memory_space<vmem>>[vector<16xi32>, vector<16xi32>, vector<16xi32>], vector<16xf32>,
                %add3A_437 = arith.addi %broadcast_in_dim3A_413, %add3A_435 : vector<16xi32>
                tpu.vector_store_idx %arg11[%add3A_437], %gather3A_436 : memref<1024xf32, #tpu.memory_space<vmem>>[vector<16xi32>], vector<16xf32>,
                %reduce_max3A_438 = arith.constant true
                %reduce_max3A_439 = vector.broadcast %reduce_max3A_438 : i1 to vector<16xi1>
                %reduce_max3A_440 = arith.constant -2147483648 : i32
                %reduce_max3A_441 = vector.broadcast %reduce_max3A_440 : i32 to vector<16xi32>
                %reduce_max3A_442 = arith.xori %and3A_383, %reduce_max3A_441 : vector<16xi32>
                %reduce_max3A_443 = tpu.scan <max>, %reduce_max3A_442 masked %reduce_max3A_439 : vector<16xi32>, vector<16xi1> -> vector<16xi32>
                %reduce_max3A_444 = arith.xori %reduce_max3A_443, %reduce_max3A_441 : vector<16xi32>
                %reduce_max3A_445 = vector.extract %reduce_max3A_444[15] : i32 from vector<16xi32>
                %mul3A_446 = arith.constant 64 : i32
                %mul3A_447 = arith.muli %and3A_405, %mul3A_446 : i32
                %mul3A_448 = arith.constant 64 : i32
                %mul3A_449 = arith.muli %reduce_max3A_445, %mul3A_448 : i32
                %dma_start3A = tpu.memref_slice %arg11[%mul3A_447] : memref<1024xf32, #tpu.memory_space<vmem>> -> memref<64xf32, #tpu.memory_space<vmem>>
                %dma_start3A_450 = tpu.memref_slice %arg5[%mul3A_449] : memref<1048576xf32, #tpu.memory_space<hbm>> -> memref<64xf32, #tpu.memory_space<hbm>>
                %dma_start3A_451 = tpu.memref_slice %arg5[%mul3A_449] : memref<1048576xf32, #tpu.memory_space<hbm>> -> memref<64xf32, #tpu.memory_space<hbm>>
                %dma_start3A_452 = tpu.memref_slice %arg11[%mul3A_447] : memref<1024xf32, #tpu.memory_space<vmem>> -> memref<64xf32, #tpu.memory_space<vmem>>
                tpu.enqueue_dma source(%dma_start3A_452 : memref<64xf32, #tpu.memory_space<vmem>>) target(%dma_start3A_451 : memref<64xf32, #tpu.memory_space<hbm>>) target_semaphore(%arg17 : memref<!tpu.dma_semaphore, #tpu.memory_space<semaphore_mem>>)
                %add3A_453 = arith.constant 1 : i32
                %add3A_454 = arith.addi %reduce_max3A_403, %add3A_453 : i32
                %broadcast_in_dim3A_455 = vector.broadcast %add3A_454 : i32 to vector<16xi32>
                %swap3A_456 = arith.constant 0 : index
                %swap3A_457 = tpu.vector_load %arg14[%swap3A_456] {strides = array<i32>} : memref<16xi32, #tpu.memory_space<vmem>>, vector<16xi32>,
                tpu.vector_store %arg14[%swap3A_456], %broadcast_in_dim3A_455 {strides = array<i32>} : memref<16xi32, #tpu.memory_space<vmem>>, vector<16xi32>,
                %iota3A_458 = tpu.iota {dimensions = array<i32: 0>} : vector<16xi32>
                %broadcast_in_dim3A_459 = vector.broadcast %reduce_max3A_378 : i32 to vector<16xi32>
                %ne3A = arith.cmpi ne, %iota3A_458, %broadcast_in_dim3A_459 : vector<16xi32>
                %and3A_460 = arith.andi %while3A_370, %ne3A : vector<16xi1>
                scf.yield %and3A_460 : vector<16xi1>
              }
            } else {
            }
            %reduce_or3A_327 = arith.constant 1.000000e+00 : f32
            %reduce_or3A_328 = arith.constant 0.000000e+00 : f32
            %reduce_or3A_329 = vector.broadcast %reduce_or3A_327 : f32 to vector<16xf32>
            %reduce_or3A_330 = vector.broadcast %reduce_or3A_328 : f32 to vector<16xf32>
            %reduce_or3A_331 = arith.select %and3A_272, %reduce_or3A_329, %reduce_or3A_330 : vector<16xi1>, vector<16xf32>
            %reduce_or3A_332 = arith.constant true
            %reduce_or3A_333 = vector.broadcast %reduce_or3A_332 : i1 to vector<16xi1>
            %reduce_or3A_334 = tpu.scan <max>, %reduce_or3A_331 masked %reduce_or3A_333 : vector<16xf32>, vector<16xi1> -> vector<16xf32>
            %reduce_or3A_335 = vector.extract %reduce_or3A_334[15] : f32 from vector<16xf32>
            %reduce_or3A_336 = arith.constant 0.000000e+00 : f32
            %reduce_or3A_337 = arith.cmpf ogt, %reduce_or3A_335, %reduce_or3A_336 : f32
            %convert_element_type3A_338 = arith.extui %reduce_or3A_337 : i1 to i32
            %cond3A_339 = arith.constant 0 : i32
            %cond3A_340 = arith.cmpi ne, %convert_element_type3A_338, %cond3A_339 : i32
            scf.if %cond3A_340 {
              %while3A_369 = scf.while (%while3A_370 = %and3A_272) : (vector<16xi1>) -> vector<16xi1> {
                %reduce_or3A_371 = arith.constant 1.000000e+00 : f32
                %reduce_or3A_372 = arith.constant 0.000000e+00 : f32
                %reduce_or3A_373 = vector.broadcast %reduce_or3A_371 : f32 to vector<16xf32>
                %reduce_or3A_374 = vector.broadcast %reduce_or3A_372 : f32 to vector<16xf32>
                %reduce_or3A_375 = arith.select %while3A_370, %reduce_or3A_373, %reduce_or3A_374 : vector<16xi1>, vector<16xf32>
                %reduce_or3A_376 = arith.constant true
                %reduce_or3A_377 = vector.broadcast %reduce_or3A_376 : i1 to vector<16xi1>
                %reduce_or3A_378 = tpu.scan <max>, %reduce_or3A_375 masked %reduce_or3A_377 : vector<16xf32>, vector<16xi1> -> vector<16xf32>
                %reduce_or3A_379 = vector.extract %reduce_or3A_378[15] : f32 from vector<16xf32>
                %reduce_or3A_380 = arith.constant 0.000000e+00 : f32
                %reduce_or3A_381 = arith.cmpf ogt, %reduce_or3A_379, %reduce_or3A_380 : f32
                scf.condition(%reduce_or3A_381) %while3A_370 : vector<16xi1>
              } do {
              ^bb0(%while3A_370: vector<16xi1>):
                %all_reduce_ffs3A = tpu.all_reduce %while3A_370 {dim = 0 : i64, kind = #tpu.reduction_kind<find_first_set>} : vector<16xi1> -> vector<16xi32>
                %reduce_max3A_371 = arith.constant true
                %reduce_max3A_372 = vector.broadcast %reduce_max3A_371 : i1 to vector<16xi1>
                %reduce_max3A_373 = arith.constant -2147483648 : i32
                %reduce_max3A_374 = vector.broadcast %reduce_max3A_373 : i32 to vector<16xi32>
                %reduce_max3A_375 = arith.xori %all_reduce_ffs3A, %reduce_max3A_374 : vector<16xi32>
                %reduce_max3A_376 = tpu.scan <max>, %reduce_max3A_375 masked %reduce_max3A_372 : vector<16xi32>, vector<16xi1> -> vector<16xi32>
                %reduce_max3A_377 = arith.xori %reduce_max3A_376, %reduce_max3A_374 : vector<16xi32>
                %reduce_max3A_378 = vector.extract %reduce_max3A_377[15] : i32 from vector<16xi32>
                %broadcast_in_dim3A_379 = vector.broadcast %reduce_max3A_378 : i32 to vector<16xi32>
                %reshape3A = vector.shape_cast %broadcast_in_dim3A_379 : vector<16xi32> to vector<16x1xi32>
                %gather3A = vector.shape_cast %reshape3A : vector<16x1xi32> to vector<16xi32>
                %gather3A_380 = tpu.dynamic_gather %get3A_266[%gather3A] in [0] : vector<16xi32>, vector<16xi32> -> vector<16xi32>
                %and3A_381 = arith.constant 16383 : i32
                %and3A_382 = vector.broadcast %and3A_381 : i32 to vector<16xi32>
                %and3A_383 = arith.andi %gather3A_380, %and3A_382 : vector<16xi32>
                %shift_right_logical3A_384 = arith.constant 14 : i32
                %shift_right_logical3A_385 = vector.broadcast %shift_right_logical3A_384 : i32 to vector<16xi32>
                %shift_right_logical3A_386 = arith.shrui %gather3A_380, %shift_right_logical3A_385 : vector<16xi32>
                %and3A_387 = arith.constant 127 : i32
                %and3A_388 = vector.broadcast %and3A_387 : i32 to vector<16xi32>
                %and3A_389 = arith.andi %shift_right_logical3A_386, %and3A_388 : vector<16xi32>
                %shift_right_logical3A_390 = arith.constant 21 : i32
                %shift_right_logical3A_391 = vector.broadcast %shift_right_logical3A_390 : i32 to vector<16xi32>
                %shift_right_logical3A_392 = arith.shrui %gather3A_380, %shift_right_logical3A_391 : vector<16xi32>
                %sub3A_393 = arith.subi %shift_right_logical3A_392, %broadcast_in_dim3A_224 : vector<16xi32>
                %get3A_394 = arith.constant 0 : index
                %get3A_395 = tpu.vector_load %arg14[%get3A_394] {strides = array<i32>} : memref<16xi32, #tpu.memory_space<vmem>>, vector<16xi32>,
                %reduce_max3A_396 = arith.constant true
                %reduce_max3A_397 = vector.broadcast %reduce_max3A_396 : i1 to vector<16xi1>
                %reduce_max3A_398 = arith.constant -2147483648 : i32
                %reduce_max3A_399 = vector.broadcast %reduce_max3A_398 : i32 to vector<16xi32>
                %reduce_max3A_400 = arith.xori %get3A_395, %reduce_max3A_399 : vector<16xi32>
                %reduce_max3A_401 = tpu.scan <max>, %reduce_max3A_400 masked %reduce_max3A_397 : vector<16xi32>, vector<16xi1> -> vector<16xi32>
                %reduce_max3A_402 = arith.xori %reduce_max3A_401, %reduce_max3A_399 : vector<16xi32>
                %reduce_max3A_403 = vector.extract %reduce_max3A_402[15] : i32 from vector<16xi32>
                %and3A_404 = arith.constant 15 : i32
                %and3A_405 = arith.andi %reduce_max3A_403, %and3A_404 : i32
                %ge3A_406 = arith.constant 16 : i32
                %ge3A_407 = arith.cmpi sge, %reduce_max3A_403, %ge3A_406 : i32
                %convert_element_type3A_408 = arith.extui %ge3A_407 : i1 to i32
                %cond3A_409 = arith.constant 0 : i32
                %cond3A_410 = arith.cmpi ne, %convert_element_type3A_408, %cond3A_409 : i32
                scf.if %cond3A_410 {
                  %dma_wait3A_461 = arith.constant 0 : i32
                  %dma_wait3A_462 = tpu.memref_slice %arg5[%dma_wait3A_461] : memref<1048576xf32, #tpu.memory_space<hbm>> -> memref<64xf32, #tpu.memory_space<hbm>>
                  %dma_wait3A_463 = arith.constant 0 : i32
                  %dma_wait3A_464 = tpu.memref_slice %arg5[%dma_wait3A_463] : memref<1048576xf32, #tpu.memory_space<hbm>> -> memref<64xf32, #tpu.memory_space<hbm>>
                  tpu.wait_dma2 semaphore(%arg17 : memref<!tpu.dma_semaphore, #tpu.memory_space<semaphore_mem>>) src(%dma_wait3A_464 : memref<64xf32, #tpu.memory_space<hbm>>) dst(%arg12 : memref<64xf32, #tpu.memory_space<vmem>>)
                } else {
                }
                %mul3A_411 = arith.constant 64 : i32
                %mul3A_412 = arith.muli %and3A_405, %mul3A_411 : i32
                %broadcast_in_dim3A_413 = vector.broadcast %mul3A_412 : i32 to vector<16xi32>
                %iota3A_414 = tpu.iota {dimensions = array<i32: 0>} : vector<16xi32>
                %add3A_415 = arith.constant 0 : i32
                %add3A_416 = vector.broadcast %add3A_415 : i32 to vector<16xi32>
                %add3A_417 = arith.addi %iota3A_414, %add3A_416 : vector<16xi32>
                %gather3A_418 = tpu.vector_load_idx %arg8[%sub3A_393, %add3A_417, %and3A_389] : memref<6x64x128xf32, #tpu.memory_space<vmem>>[vector<16xi32>, vector<16xi32>, vector<16xi32>], vector<16xf32>,
                %add3A_419 = arith.addi %broadcast_in_dim3A_413, %add3A_417 : vector<16xi32>
                tpu.vector_store_idx %arg11[%add3A_419], %gather3A_418 : memref<1024xf32, #tpu.memory_space<vmem>>[vector<16xi32>], vector<16xf32>,
                %iota3A_420 = tpu.iota {dimensions = array<i32: 0>} : vector<16xi32>
                %add3A_421 = arith.constant 16 : i32
                %add3A_422 = vector.broadcast %add3A_421 : i32 to vector<16xi32>
                %add3A_423 = arith.addi %iota3A_420, %add3A_422 : vector<16xi32>
                %gather3A_424 = tpu.vector_load_idx %arg8[%sub3A_393, %add3A_423, %and3A_389] : memref<6x64x128xf32, #tpu.memory_space<vmem>>[vector<16xi32>, vector<16xi32>, vector<16xi32>], vector<16xf32>,
                %add3A_425 = arith.addi %broadcast_in_dim3A_413, %add3A_423 : vector<16xi32>
                tpu.vector_store_idx %arg11[%add3A_425], %gather3A_424 : memref<1024xf32, #tpu.memory_space<vmem>>[vector<16xi32>], vector<16xf32>,
                %iota3A_426 = tpu.iota {dimensions = array<i32: 0>} : vector<16xi32>
                %add3A_427 = arith.constant 32 : i32
                %add3A_428 = vector.broadcast %add3A_427 : i32 to vector<16xi32>
                %add3A_429 = arith.addi %iota3A_426, %add3A_428 : vector<16xi32>
                %gather3A_430 = tpu.vector_load_idx %arg8[%sub3A_393, %add3A_429, %and3A_389] : memref<6x64x128xf32, #tpu.memory_space<vmem>>[vector<16xi32>, vector<16xi32>, vector<16xi32>], vector<16xf32>,
                %add3A_431 = arith.addi %broadcast_in_dim3A_413, %add3A_429 : vector<16xi32>
                tpu.vector_store_idx %arg11[%add3A_431], %gather3A_430 : memref<1024xf32, #tpu.memory_space<vmem>>[vector<16xi32>], vector<16xf32>,
                %iota3A_432 = tpu.iota {dimensions = array<i32: 0>} : vector<16xi32>
                %add3A_433 = arith.constant 48 : i32
                %add3A_434 = vector.broadcast %add3A_433 : i32 to vector<16xi32>
                %add3A_435 = arith.addi %iota3A_432, %add3A_434 : vector<16xi32>
                %gather3A_436 = tpu.vector_load_idx %arg8[%sub3A_393, %add3A_435, %and3A_389] : memref<6x64x128xf32, #tpu.memory_space<vmem>>[vector<16xi32>, vector<16xi32>, vector<16xi32>], vector<16xf32>,
                %add3A_437 = arith.addi %broadcast_in_dim3A_413, %add3A_435 : vector<16xi32>
                tpu.vector_store_idx %arg11[%add3A_437], %gather3A_436 : memref<1024xf32, #tpu.memory_space<vmem>>[vector<16xi32>], vector<16xf32>,
                %reduce_max3A_438 = arith.constant true
                %reduce_max3A_439 = vector.broadcast %reduce_max3A_438 : i1 to vector<16xi1>
                %reduce_max3A_440 = arith.constant -2147483648 : i32
                %reduce_max3A_441 = vector.broadcast %reduce_max3A_440 : i32 to vector<16xi32>
                %reduce_max3A_442 = arith.xori %and3A_383, %reduce_max3A_441 : vector<16xi32>
                %reduce_max3A_443 = tpu.scan <max>, %reduce_max3A_442 masked %reduce_max3A_439 : vector<16xi32>, vector<16xi1> -> vector<16xi32>
                %reduce_max3A_444 = arith.xori %reduce_max3A_443, %reduce_max3A_441 : vector<16xi32>
                %reduce_max3A_445 = vector.extract %reduce_max3A_444[15] : i32 from vector<16xi32>
                %mul3A_446 = arith.constant 64 : i32
                %mul3A_447 = arith.muli %and3A_405, %mul3A_446 : i32
                %mul3A_448 = arith.constant 64 : i32
                %mul3A_449 = arith.muli %reduce_max3A_445, %mul3A_448 : i32
                %dma_start3A = tpu.memref_slice %arg11[%mul3A_447] : memref<1024xf32, #tpu.memory_space<vmem>> -> memref<64xf32, #tpu.memory_space<vmem>>
                %dma_start3A_450 = tpu.memref_slice %arg5[%mul3A_449] : memref<1048576xf32, #tpu.memory_space<hbm>> -> memref<64xf32, #tpu.memory_space<hbm>>
                %dma_start3A_451 = tpu.memref_slice %arg5[%mul3A_449] : memref<1048576xf32, #tpu.memory_space<hbm>> -> memref<64xf32, #tpu.memory_space<hbm>>
                %dma_start3A_452 = tpu.memref_slice %arg11[%mul3A_447] : memref<1024xf32, #tpu.memory_space<vmem>> -> memref<64xf32, #tpu.memory_space<vmem>>
                tpu.enqueue_dma source(%dma_start3A_452 : memref<64xf32, #tpu.memory_space<vmem>>) target(%dma_start3A_451 : memref<64xf32, #tpu.memory_space<hbm>>) target_semaphore(%arg17 : memref<!tpu.dma_semaphore, #tpu.memory_space<semaphore_mem>>)
                %add3A_453 = arith.constant 1 : i32
                %add3A_454 = arith.addi %reduce_max3A_403, %add3A_453 : i32
                %broadcast_in_dim3A_455 = vector.broadcast %add3A_454 : i32 to vector<16xi32>
                %swap3A_456 = arith.constant 0 : index
                %swap3A_457 = tpu.vector_load %arg14[%swap3A_456] {strides = array<i32>} : memref<16xi32, #tpu.memory_space<vmem>>, vector<16xi32>,
                tpu.vector_store %arg14[%swap3A_456], %broadcast_in_dim3A_455 {strides = array<i32>} : memref<16xi32, #tpu.memory_space<vmem>>, vector<16xi32>,
                %iota3A_458 = tpu.iota {dimensions = array<i32: 0>} : vector<16xi32>
                %broadcast_in_dim3A_459 = vector.broadcast %reduce_max3A_378 : i32 to vector<16xi32>
                %ne3A = arith.cmpi ne, %iota3A_458, %broadcast_in_dim3A_459 : vector<16xi32>
                %and3A_460 = arith.andi %while3A_370, %ne3A : vector<16xi1>
                scf.yield %and3A_460 : vector<16xi1>
              }
            } else {
            }
            %reduce_or3A_341 = arith.constant 1.000000e+00 : f32
            %reduce_or3A_342 = arith.constant 0.000000e+00 : f32
            %reduce_or3A_343 = vector.broadcast %reduce_or3A_341 : f32 to vector<16xf32>
            %reduce_or3A_344 = vector.broadcast %reduce_or3A_342 : f32 to vector<16xf32>
            %reduce_or3A_345 = arith.select %and3A_284, %reduce_or3A_343, %reduce_or3A_344 : vector<16xi1>, vector<16xf32>
            %reduce_or3A_346 = arith.constant true
            %reduce_or3A_347 = vector.broadcast %reduce_or3A_346 : i1 to vector<16xi1>
            %reduce_or3A_348 = tpu.scan <max>, %reduce_or3A_345 masked %reduce_or3A_347 : vector<16xf32>, vector<16xi1> -> vector<16xf32>
            %reduce_or3A_349 = vector.extract %reduce_or3A_348[15] : f32 from vector<16xf32>
            %reduce_or3A_350 = arith.constant 0.000000e+00 : f32
            %reduce_or3A_351 = arith.cmpf ogt, %reduce_or3A_349, %reduce_or3A_350 : f32
            %convert_element_type3A_352 = arith.extui %reduce_or3A_351 : i1 to i32
            %cond3A_353 = arith.constant 0 : i32
            %cond3A_354 = arith.cmpi ne, %convert_element_type3A_352, %cond3A_353 : i32
            scf.if %cond3A_354 {
              %while3A_369 = scf.while (%while3A_370 = %and3A_284) : (vector<16xi1>) -> vector<16xi1> {
                %reduce_or3A_371 = arith.constant 1.000000e+00 : f32
                %reduce_or3A_372 = arith.constant 0.000000e+00 : f32
                %reduce_or3A_373 = vector.broadcast %reduce_or3A_371 : f32 to vector<16xf32>
                %reduce_or3A_374 = vector.broadcast %reduce_or3A_372 : f32 to vector<16xf32>
                %reduce_or3A_375 = arith.select %while3A_370, %reduce_or3A_373, %reduce_or3A_374 : vector<16xi1>, vector<16xf32>
                %reduce_or3A_376 = arith.constant true
                %reduce_or3A_377 = vector.broadcast %reduce_or3A_376 : i1 to vector<16xi1>
                %reduce_or3A_378 = tpu.scan <max>, %reduce_or3A_375 masked %reduce_or3A_377 : vector<16xf32>, vector<16xi1> -> vector<16xf32>
                %reduce_or3A_379 = vector.extract %reduce_or3A_378[15] : f32 from vector<16xf32>
                %reduce_or3A_380 = arith.constant 0.000000e+00 : f32
                %reduce_or3A_381 = arith.cmpf ogt, %reduce_or3A_379, %reduce_or3A_380 : f32
                scf.condition(%reduce_or3A_381) %while3A_370 : vector<16xi1>
              } do {
              ^bb0(%while3A_370: vector<16xi1>):
                %all_reduce_ffs3A = tpu.all_reduce %while3A_370 {dim = 0 : i64, kind = #tpu.reduction_kind<find_first_set>} : vector<16xi1> -> vector<16xi32>
                %reduce_max3A_371 = arith.constant true
                %reduce_max3A_372 = vector.broadcast %reduce_max3A_371 : i1 to vector<16xi1>
                %reduce_max3A_373 = arith.constant -2147483648 : i32
                %reduce_max3A_374 = vector.broadcast %reduce_max3A_373 : i32 to vector<16xi32>
                %reduce_max3A_375 = arith.xori %all_reduce_ffs3A, %reduce_max3A_374 : vector<16xi32>
                %reduce_max3A_376 = tpu.scan <max>, %reduce_max3A_375 masked %reduce_max3A_372 : vector<16xi32>, vector<16xi1> -> vector<16xi32>
                %reduce_max3A_377 = arith.xori %reduce_max3A_376, %reduce_max3A_374 : vector<16xi32>
                %reduce_max3A_378 = vector.extract %reduce_max3A_377[15] : i32 from vector<16xi32>
                %broadcast_in_dim3A_379 = vector.broadcast %reduce_max3A_378 : i32 to vector<16xi32>
                %reshape3A = vector.shape_cast %broadcast_in_dim3A_379 : vector<16xi32> to vector<16x1xi32>
                %gather3A = vector.shape_cast %reshape3A : vector<16x1xi32> to vector<16xi32>
                %gather3A_380 = tpu.dynamic_gather %get3A_278[%gather3A] in [0] : vector<16xi32>, vector<16xi32> -> vector<16xi32>
                %and3A_381 = arith.constant 16383 : i32
                %and3A_382 = vector.broadcast %and3A_381 : i32 to vector<16xi32>
                %and3A_383 = arith.andi %gather3A_380, %and3A_382 : vector<16xi32>
                %shift_right_logical3A_384 = arith.constant 14 : i32
                %shift_right_logical3A_385 = vector.broadcast %shift_right_logical3A_384 : i32 to vector<16xi32>
                %shift_right_logical3A_386 = arith.shrui %gather3A_380, %shift_right_logical3A_385 : vector<16xi32>
                %and3A_387 = arith.constant 127 : i32
                %and3A_388 = vector.broadcast %and3A_387 : i32 to vector<16xi32>
                %and3A_389 = arith.andi %shift_right_logical3A_386, %and3A_388 : vector<16xi32>
                %shift_right_logical3A_390 = arith.constant 21 : i32
                %shift_right_logical3A_391 = vector.broadcast %shift_right_logical3A_390 : i32 to vector<16xi32>
                %shift_right_logical3A_392 = arith.shrui %gather3A_380, %shift_right_logical3A_391 : vector<16xi32>
                %sub3A_393 = arith.subi %shift_right_logical3A_392, %broadcast_in_dim3A_224 : vector<16xi32>
                %get3A_394 = arith.constant 0 : index
                %get3A_395 = tpu.vector_load %arg14[%get3A_394] {strides = array<i32>} : memref<16xi32, #tpu.memory_space<vmem>>, vector<16xi32>,
                %reduce_max3A_396 = arith.constant true
                %reduce_max3A_397 = vector.broadcast %reduce_max3A_396 : i1 to vector<16xi1>
                %reduce_max3A_398 = arith.constant -2147483648 : i32
                %reduce_max3A_399 = vector.broadcast %reduce_max3A_398 : i32 to vector<16xi32>
                %reduce_max3A_400 = arith.xori %get3A_395, %reduce_max3A_399 : vector<16xi32>
                %reduce_max3A_401 = tpu.scan <max>, %reduce_max3A_400 masked %reduce_max3A_397 : vector<16xi32>, vector<16xi1> -> vector<16xi32>
                %reduce_max3A_402 = arith.xori %reduce_max3A_401, %reduce_max3A_399 : vector<16xi32>
                %reduce_max3A_403 = vector.extract %reduce_max3A_402[15] : i32 from vector<16xi32>
                %and3A_404 = arith.constant 15 : i32
                %and3A_405 = arith.andi %reduce_max3A_403, %and3A_404 : i32
                %ge3A_406 = arith.constant 16 : i32
                %ge3A_407 = arith.cmpi sge, %reduce_max3A_403, %ge3A_406 : i32
                %convert_element_type3A_408 = arith.extui %ge3A_407 : i1 to i32
                %cond3A_409 = arith.constant 0 : i32
                %cond3A_410 = arith.cmpi ne, %convert_element_type3A_408, %cond3A_409 : i32
                scf.if %cond3A_410 {
                  %dma_wait3A_461 = arith.constant 0 : i32
                  %dma_wait3A_462 = tpu.memref_slice %arg5[%dma_wait3A_461] : memref<1048576xf32, #tpu.memory_space<hbm>> -> memref<64xf32, #tpu.memory_space<hbm>>
                  %dma_wait3A_463 = arith.constant 0 : i32
                  %dma_wait3A_464 = tpu.memref_slice %arg5[%dma_wait3A_463] : memref<1048576xf32, #tpu.memory_space<hbm>> -> memref<64xf32, #tpu.memory_space<hbm>>
                  tpu.wait_dma2 semaphore(%arg17 : memref<!tpu.dma_semaphore, #tpu.memory_space<semaphore_mem>>) src(%dma_wait3A_464 : memref<64xf32, #tpu.memory_space<hbm>>) dst(%arg12 : memref<64xf32, #tpu.memory_space<vmem>>)
                } else {
                }
                %mul3A_411 = arith.constant 64 : i32
                %mul3A_412 = arith.muli %and3A_405, %mul3A_411 : i32
                %broadcast_in_dim3A_413 = vector.broadcast %mul3A_412 : i32 to vector<16xi32>
                %iota3A_414 = tpu.iota {dimensions = array<i32: 0>} : vector<16xi32>
                %add3A_415 = arith.constant 0 : i32
                %add3A_416 = vector.broadcast %add3A_415 : i32 to vector<16xi32>
                %add3A_417 = arith.addi %iota3A_414, %add3A_416 : vector<16xi32>
                %gather3A_418 = tpu.vector_load_idx %arg8[%sub3A_393, %add3A_417, %and3A_389] : memref<6x64x128xf32, #tpu.memory_space<vmem>>[vector<16xi32>, vector<16xi32>, vector<16xi32>], vector<16xf32>,
                %add3A_419 = arith.addi %broadcast_in_dim3A_413, %add3A_417 : vector<16xi32>
                tpu.vector_store_idx %arg11[%add3A_419], %gather3A_418 : memref<1024xf32, #tpu.memory_space<vmem>>[vector<16xi32>], vector<16xf32>,
                %iota3A_420 = tpu.iota {dimensions = array<i32: 0>} : vector<16xi32>
                %add3A_421 = arith.constant 16 : i32
                %add3A_422 = vector.broadcast %add3A_421 : i32 to vector<16xi32>
                %add3A_423 = arith.addi %iota3A_420, %add3A_422 : vector<16xi32>
                %gather3A_424 = tpu.vector_load_idx %arg8[%sub3A_393, %add3A_423, %and3A_389] : memref<6x64x128xf32, #tpu.memory_space<vmem>>[vector<16xi32>, vector<16xi32>, vector<16xi32>], vector<16xf32>,
                %add3A_425 = arith.addi %broadcast_in_dim3A_413, %add3A_423 : vector<16xi32>
                tpu.vector_store_idx %arg11[%add3A_425], %gather3A_424 : memref<1024xf32, #tpu.memory_space<vmem>>[vector<16xi32>], vector<16xf32>,
                %iota3A_426 = tpu.iota {dimensions = array<i32: 0>} : vector<16xi32>
                %add3A_427 = arith.constant 32 : i32
                %add3A_428 = vector.broadcast %add3A_427 : i32 to vector<16xi32>
                %add3A_429 = arith.addi %iota3A_426, %add3A_428 : vector<16xi32>
                %gather3A_430 = tpu.vector_load_idx %arg8[%sub3A_393, %add3A_429, %and3A_389] : memref<6x64x128xf32, #tpu.memory_space<vmem>>[vector<16xi32>, vector<16xi32>, vector<16xi32>], vector<16xf32>,
                %add3A_431 = arith.addi %broadcast_in_dim3A_413, %add3A_429 : vector<16xi32>
                tpu.vector_store_idx %arg11[%add3A_431], %gather3A_430 : memref<1024xf32, #tpu.memory_space<vmem>>[vector<16xi32>], vector<16xf32>,
                %iota3A_432 = tpu.iota {dimensions = array<i32: 0>} : vector<16xi32>
                %add3A_433 = arith.constant 48 : i32
                %add3A_434 = vector.broadcast %add3A_433 : i32 to vector<16xi32>
                %add3A_435 = arith.addi %iota3A_432, %add3A_434 : vector<16xi32>
                %gather3A_436 = tpu.vector_load_idx %arg8[%sub3A_393, %add3A_435, %and3A_389] : memref<6x64x128xf32, #tpu.memory_space<vmem>>[vector<16xi32>, vector<16xi32>, vector<16xi32>], vector<16xf32>,
                %add3A_437 = arith.addi %broadcast_in_dim3A_413, %add3A_435 : vector<16xi32>
                tpu.vector_store_idx %arg11[%add3A_437], %gather3A_436 : memref<1024xf32, #tpu.memory_space<vmem>>[vector<16xi32>], vector<16xf32>,
                %reduce_max3A_438 = arith.constant true
                %reduce_max3A_439 = vector.broadcast %reduce_max3A_438 : i1 to vector<16xi1>
                %reduce_max3A_440 = arith.constant -2147483648 : i32
                %reduce_max3A_441 = vector.broadcast %reduce_max3A_440 : i32 to vector<16xi32>
                %reduce_max3A_442 = arith.xori %and3A_383, %reduce_max3A_441 : vector<16xi32>
                %reduce_max3A_443 = tpu.scan <max>, %reduce_max3A_442 masked %reduce_max3A_439 : vector<16xi32>, vector<16xi1> -> vector<16xi32>
                %reduce_max3A_444 = arith.xori %reduce_max3A_443, %reduce_max3A_441 : vector<16xi32>
                %reduce_max3A_445 = vector.extract %reduce_max3A_444[15] : i32 from vector<16xi32>
                %mul3A_446 = arith.constant 64 : i32
                %mul3A_447 = arith.muli %and3A_405, %mul3A_446 : i32
                %mul3A_448 = arith.constant 64 : i32
                %mul3A_449 = arith.muli %reduce_max3A_445, %mul3A_448 : i32
                %dma_start3A = tpu.memref_slice %arg11[%mul3A_447] : memref<1024xf32, #tpu.memory_space<vmem>> -> memref<64xf32, #tpu.memory_space<vmem>>
                %dma_start3A_450 = tpu.memref_slice %arg5[%mul3A_449] : memref<1048576xf32, #tpu.memory_space<hbm>> -> memref<64xf32, #tpu.memory_space<hbm>>
                %dma_start3A_451 = tpu.memref_slice %arg5[%mul3A_449] : memref<1048576xf32, #tpu.memory_space<hbm>> -> memref<64xf32, #tpu.memory_space<hbm>>
                %dma_start3A_452 = tpu.memref_slice %arg11[%mul3A_447] : memref<1024xf32, #tpu.memory_space<vmem>> -> memref<64xf32, #tpu.memory_space<vmem>>
                tpu.enqueue_dma source(%dma_start3A_452 : memref<64xf32, #tpu.memory_space<vmem>>) target(%dma_start3A_451 : memref<64xf32, #tpu.memory_space<hbm>>) target_semaphore(%arg17 : memref<!tpu.dma_semaphore, #tpu.memory_space<semaphore_mem>>)
                %add3A_453 = arith.constant 1 : i32
                %add3A_454 = arith.addi %reduce_max3A_403, %add3A_453 : i32
                %broadcast_in_dim3A_455 = vector.broadcast %add3A_454 : i32 to vector<16xi32>
                %swap3A_456 = arith.constant 0 : index
                %swap3A_457 = tpu.vector_load %arg14[%swap3A_456] {strides = array<i32>} : memref<16xi32, #tpu.memory_space<vmem>>, vector<16xi32>,
                tpu.vector_store %arg14[%swap3A_456], %broadcast_in_dim3A_455 {strides = array<i32>} : memref<16xi32, #tpu.memory_space<vmem>>, vector<16xi32>,
                %iota3A_458 = tpu.iota {dimensions = array<i32: 0>} : vector<16xi32>
                %broadcast_in_dim3A_459 = vector.broadcast %reduce_max3A_378 : i32 to vector<16xi32>
                %ne3A = arith.cmpi ne, %iota3A_458, %broadcast_in_dim3A_459 : vector<16xi32>
                %and3A_460 = arith.andi %while3A_370, %ne3A : vector<16xi1>
                scf.yield %and3A_460 : vector<16xi1>
              }
            } else {
            }
            %reduce_or3A_355 = arith.constant 1.000000e+00 : f32
            %reduce_or3A_356 = arith.constant 0.000000e+00 : f32
            %reduce_or3A_357 = vector.broadcast %reduce_or3A_355 : f32 to vector<16xf32>
            %reduce_or3A_358 = vector.broadcast %reduce_or3A_356 : f32 to vector<16xf32>
            %reduce_or3A_359 = arith.select %and3A_296, %reduce_or3A_357, %reduce_or3A_358 : vector<16xi1>, vector<16xf32>
            %reduce_or3A_360 = arith.constant true
            %reduce_or3A_361 = vector.broadcast %reduce_or3A_360 : i1 to vector<16xi1>
            %reduce_or3A_362 = tpu.scan <max>, %reduce_or3A_359 masked %reduce_or3A_361 : vector<16xf32>, vector<16xi1> -> vector<16xf32>
            %reduce_or3A_363 = vector.extract %reduce_or3A_362[15] : f32 from vector<16xf32>
            %reduce_or3A_364 = arith.constant 0.000000e+00 : f32
            %reduce_or3A_365 = arith.cmpf ogt, %reduce_or3A_363, %reduce_or3A_364 : f32
            %convert_element_type3A_366 = arith.extui %reduce_or3A_365 : i1 to i32
            %cond3A_367 = arith.constant 0 : i32
            %cond3A_368 = arith.cmpi ne, %convert_element_type3A_366, %cond3A_367 : i32
            scf.if %cond3A_368 {
              %while3A_369 = scf.while (%while3A_370 = %and3A_296) : (vector<16xi1>) -> vector<16xi1> {
                %reduce_or3A_371 = arith.constant 1.000000e+00 : f32
                %reduce_or3A_372 = arith.constant 0.000000e+00 : f32
                %reduce_or3A_373 = vector.broadcast %reduce_or3A_371 : f32 to vector<16xf32>
                %reduce_or3A_374 = vector.broadcast %reduce_or3A_372 : f32 to vector<16xf32>
                %reduce_or3A_375 = arith.select %while3A_370, %reduce_or3A_373, %reduce_or3A_374 : vector<16xi1>, vector<16xf32>
                %reduce_or3A_376 = arith.constant true
                %reduce_or3A_377 = vector.broadcast %reduce_or3A_376 : i1 to vector<16xi1>
                %reduce_or3A_378 = tpu.scan <max>, %reduce_or3A_375 masked %reduce_or3A_377 : vector<16xf32>, vector<16xi1> -> vector<16xf32>
                %reduce_or3A_379 = vector.extract %reduce_or3A_378[15] : f32 from vector<16xf32>
                %reduce_or3A_380 = arith.constant 0.000000e+00 : f32
                %reduce_or3A_381 = arith.cmpf ogt, %reduce_or3A_379, %reduce_or3A_380 : f32
                scf.condition(%reduce_or3A_381) %while3A_370 : vector<16xi1>
              } do {
              ^bb0(%while3A_370: vector<16xi1>):
                %all_reduce_ffs3A = tpu.all_reduce %while3A_370 {dim = 0 : i64, kind = #tpu.reduction_kind<find_first_set>} : vector<16xi1> -> vector<16xi32>
                %reduce_max3A_371 = arith.constant true
                %reduce_max3A_372 = vector.broadcast %reduce_max3A_371 : i1 to vector<16xi1>
                %reduce_max3A_373 = arith.constant -2147483648 : i32
                %reduce_max3A_374 = vector.broadcast %reduce_max3A_373 : i32 to vector<16xi32>
                %reduce_max3A_375 = arith.xori %all_reduce_ffs3A, %reduce_max3A_374 : vector<16xi32>
                %reduce_max3A_376 = tpu.scan <max>, %reduce_max3A_375 masked %reduce_max3A_372 : vector<16xi32>, vector<16xi1> -> vector<16xi32>
                %reduce_max3A_377 = arith.xori %reduce_max3A_376, %reduce_max3A_374 : vector<16xi32>
                %reduce_max3A_378 = vector.extract %reduce_max3A_377[15] : i32 from vector<16xi32>
                %broadcast_in_dim3A_379 = vector.broadcast %reduce_max3A_378 : i32 to vector<16xi32>
                %reshape3A = vector.shape_cast %broadcast_in_dim3A_379 : vector<16xi32> to vector<16x1xi32>
                %gather3A = vector.shape_cast %reshape3A : vector<16x1xi32> to vector<16xi32>
                %gather3A_380 = tpu.dynamic_gather %get3A_290[%gather3A] in [0] : vector<16xi32>, vector<16xi32> -> vector<16xi32>
                %and3A_381 = arith.constant 16383 : i32
                %and3A_382 = vector.broadcast %and3A_381 : i32 to vector<16xi32>
                %and3A_383 = arith.andi %gather3A_380, %and3A_382 : vector<16xi32>
                %shift_right_logical3A_384 = arith.constant 14 : i32
                %shift_right_logical3A_385 = vector.broadcast %shift_right_logical3A_384 : i32 to vector<16xi32>
                %shift_right_logical3A_386 = arith.shrui %gather3A_380, %shift_right_logical3A_385 : vector<16xi32>
                %and3A_387 = arith.constant 127 : i32
                %and3A_388 = vector.broadcast %and3A_387 : i32 to vector<16xi32>
                %and3A_389 = arith.andi %shift_right_logical3A_386, %and3A_388 : vector<16xi32>
                %shift_right_logical3A_390 = arith.constant 21 : i32
                %shift_right_logical3A_391 = vector.broadcast %shift_right_logical3A_390 : i32 to vector<16xi32>
                %shift_right_logical3A_392 = arith.shrui %gather3A_380, %shift_right_logical3A_391 : vector<16xi32>
                %sub3A_393 = arith.subi %shift_right_logical3A_392, %broadcast_in_dim3A_224 : vector<16xi32>
                %get3A_394 = arith.constant 0 : index
                %get3A_395 = tpu.vector_load %arg14[%get3A_394] {strides = array<i32>} : memref<16xi32, #tpu.memory_space<vmem>>, vector<16xi32>,
                %reduce_max3A_396 = arith.constant true
                %reduce_max3A_397 = vector.broadcast %reduce_max3A_396 : i1 to vector<16xi1>
                %reduce_max3A_398 = arith.constant -2147483648 : i32
                %reduce_max3A_399 = vector.broadcast %reduce_max3A_398 : i32 to vector<16xi32>
                %reduce_max3A_400 = arith.xori %get3A_395, %reduce_max3A_399 : vector<16xi32>
                %reduce_max3A_401 = tpu.scan <max>, %reduce_max3A_400 masked %reduce_max3A_397 : vector<16xi32>, vector<16xi1> -> vector<16xi32>
                %reduce_max3A_402 = arith.xori %reduce_max3A_401, %reduce_max3A_399 : vector<16xi32>
                %reduce_max3A_403 = vector.extract %reduce_max3A_402[15] : i32 from vector<16xi32>
                %and3A_404 = arith.constant 15 : i32
                %and3A_405 = arith.andi %reduce_max3A_403, %and3A_404 : i32
                %ge3A_406 = arith.constant 16 : i32
                %ge3A_407 = arith.cmpi sge, %reduce_max3A_403, %ge3A_406 : i32
                %convert_element_type3A_408 = arith.extui %ge3A_407 : i1 to i32
                %cond3A_409 = arith.constant 0 : i32
                %cond3A_410 = arith.cmpi ne, %convert_element_type3A_408, %cond3A_409 : i32
                scf.if %cond3A_410 {
                  %dma_wait3A_461 = arith.constant 0 : i32
                  %dma_wait3A_462 = tpu.memref_slice %arg5[%dma_wait3A_461] : memref<1048576xf32, #tpu.memory_space<hbm>> -> memref<64xf32, #tpu.memory_space<hbm>>
                  %dma_wait3A_463 = arith.constant 0 : i32
                  %dma_wait3A_464 = tpu.memref_slice %arg5[%dma_wait3A_463] : memref<1048576xf32, #tpu.memory_space<hbm>> -> memref<64xf32, #tpu.memory_space<hbm>>
                  tpu.wait_dma2 semaphore(%arg17 : memref<!tpu.dma_semaphore, #tpu.memory_space<semaphore_mem>>) src(%dma_wait3A_464 : memref<64xf32, #tpu.memory_space<hbm>>) dst(%arg12 : memref<64xf32, #tpu.memory_space<vmem>>)
                } else {
                }
                %mul3A_411 = arith.constant 64 : i32
                %mul3A_412 = arith.muli %and3A_405, %mul3A_411 : i32
                %broadcast_in_dim3A_413 = vector.broadcast %mul3A_412 : i32 to vector<16xi32>
                %iota3A_414 = tpu.iota {dimensions = array<i32: 0>} : vector<16xi32>
                %add3A_415 = arith.constant 0 : i32
                %add3A_416 = vector.broadcast %add3A_415 : i32 to vector<16xi32>
                %add3A_417 = arith.addi %iota3A_414, %add3A_416 : vector<16xi32>
                %gather3A_418 = tpu.vector_load_idx %arg8[%sub3A_393, %add3A_417, %and3A_389] : memref<6x64x128xf32, #tpu.memory_space<vmem>>[vector<16xi32>, vector<16xi32>, vector<16xi32>], vector<16xf32>,
                %add3A_419 = arith.addi %broadcast_in_dim3A_413, %add3A_417 : vector<16xi32>
                tpu.vector_store_idx %arg11[%add3A_419], %gather3A_418 : memref<1024xf32, #tpu.memory_space<vmem>>[vector<16xi32>], vector<16xf32>,
                %iota3A_420 = tpu.iota {dimensions = array<i32: 0>} : vector<16xi32>
                %add3A_421 = arith.constant 16 : i32
                %add3A_422 = vector.broadcast %add3A_421 : i32 to vector<16xi32>
                %add3A_423 = arith.addi %iota3A_420, %add3A_422 : vector<16xi32>
                %gather3A_424 = tpu.vector_load_idx %arg8[%sub3A_393, %add3A_423, %and3A_389] : memref<6x64x128xf32, #tpu.memory_space<vmem>>[vector<16xi32>, vector<16xi32>, vector<16xi32>], vector<16xf32>,
                %add3A_425 = arith.addi %broadcast_in_dim3A_413, %add3A_423 : vector<16xi32>
                tpu.vector_store_idx %arg11[%add3A_425], %gather3A_424 : memref<1024xf32, #tpu.memory_space<vmem>>[vector<16xi32>], vector<16xf32>,
                %iota3A_426 = tpu.iota {dimensions = array<i32: 0>} : vector<16xi32>
                %add3A_427 = arith.constant 32 : i32
                %add3A_428 = vector.broadcast %add3A_427 : i32 to vector<16xi32>
                %add3A_429 = arith.addi %iota3A_426, %add3A_428 : vector<16xi32>
                %gather3A_430 = tpu.vector_load_idx %arg8[%sub3A_393, %add3A_429, %and3A_389] : memref<6x64x128xf32, #tpu.memory_space<vmem>>[vector<16xi32>, vector<16xi32>, vector<16xi32>], vector<16xf32>,
                %add3A_431 = arith.addi %broadcast_in_dim3A_413, %add3A_429 : vector<16xi32>
                tpu.vector_store_idx %arg11[%add3A_431], %gather3A_430 : memref<1024xf32, #tpu.memory_space<vmem>>[vector<16xi32>], vector<16xf32>,
                %iota3A_432 = tpu.iota {dimensions = array<i32: 0>} : vector<16xi32>
                %add3A_433 = arith.constant 48 : i32
                %add3A_434 = vector.broadcast %add3A_433 : i32 to vector<16xi32>
                %add3A_435 = arith.addi %iota3A_432, %add3A_434 : vector<16xi32>
                %gather3A_436 = tpu.vector_load_idx %arg8[%sub3A_393, %add3A_435, %and3A_389] : memref<6x64x128xf32, #tpu.memory_space<vmem>>[vector<16xi32>, vector<16xi32>, vector<16xi32>], vector<16xf32>,
                %add3A_437 = arith.addi %broadcast_in_dim3A_413, %add3A_435 : vector<16xi32>
                tpu.vector_store_idx %arg11[%add3A_437], %gather3A_436 : memref<1024xf32, #tpu.memory_space<vmem>>[vector<16xi32>], vector<16xf32>,
                %reduce_max3A_438 = arith.constant true
                %reduce_max3A_439 = vector.broadcast %reduce_max3A_438 : i1 to vector<16xi1>
                %reduce_max3A_440 = arith.constant -2147483648 : i32
                %reduce_max3A_441 = vector.broadcast %reduce_max3A_440 : i32 to vector<16xi32>
                %reduce_max3A_442 = arith.xori %and3A_383, %reduce_max3A_441 : vector<16xi32>
                %reduce_max3A_443 = tpu.scan <max>, %reduce_max3A_442 masked %reduce_max3A_439 : vector<16xi32>, vector<16xi1> -> vector<16xi32>
                %reduce_max3A_444 = arith.xori %reduce_max3A_443, %reduce_max3A_441 : vector<16xi32>
                %reduce_max3A_445 = vector.extract %reduce_max3A_444[15] : i32 from vector<16xi32>
                %mul3A_446 = arith.constant 64 : i32
                %mul3A_447 = arith.muli %and3A_405, %mul3A_446 : i32
                %mul3A_448 = arith.constant 64 : i32
                %mul3A_449 = arith.muli %reduce_max3A_445, %mul3A_448 : i32
                %dma_start3A = tpu.memref_slice %arg11[%mul3A_447] : memref<1024xf32, #tpu.memory_space<vmem>> -> memref<64xf32, #tpu.memory_space<vmem>>
                %dma_start3A_450 = tpu.memref_slice %arg5[%mul3A_449] : memref<1048576xf32, #tpu.memory_space<hbm>> -> memref<64xf32, #tpu.memory_space<hbm>>
                %dma_start3A_451 = tpu.memref_slice %arg5[%mul3A_449] : memref<1048576xf32, #tpu.memory_space<hbm>> -> memref<64xf32, #tpu.memory_space<hbm>>
                %dma_start3A_452 = tpu.memref_slice %arg11[%mul3A_447] : memref<1024xf32, #tpu.memory_space<vmem>> -> memref<64xf32, #tpu.memory_space<vmem>>
                tpu.enqueue_dma source(%dma_start3A_452 : memref<64xf32, #tpu.memory_space<vmem>>) target(%dma_start3A_451 : memref<64xf32, #tpu.memory_space<hbm>>) target_semaphore(%arg17 : memref<!tpu.dma_semaphore, #tpu.memory_space<semaphore_mem>>)
                %add3A_453 = arith.constant 1 : i32
                %add3A_454 = arith.addi %reduce_max3A_403, %add3A_453 : i32
                %broadcast_in_dim3A_455 = vector.broadcast %add3A_454 : i32 to vector<16xi32>
                %swap3A_456 = arith.constant 0 : index
                %swap3A_457 = tpu.vector_load %arg14[%swap3A_456] {strides = array<i32>} : memref<16xi32, #tpu.memory_space<vmem>>, vector<16xi32>,
                tpu.vector_store %arg14[%swap3A_456], %broadcast_in_dim3A_455 {strides = array<i32>} : memref<16xi32, #tpu.memory_space<vmem>>, vector<16xi32>,
                %iota3A_458 = tpu.iota {dimensions = array<i32: 0>} : vector<16xi32>
                %broadcast_in_dim3A_459 = vector.broadcast %reduce_max3A_378 : i32 to vector<16xi32>
                %ne3A = arith.cmpi ne, %iota3A_458, %broadcast_in_dim3A_459 : vector<16xi32>
                %and3A_460 = arith.andi %while3A_370, %ne3A : vector<16xi1>
                scf.yield %and3A_460 : vector<16xi1>
              }
            } else {
            }
          } else {
          }
          %while3A_312 = arith.constant 0 : i32
          scf.yield %while3A_312 : i32
        }
        %add3A_244 = arith.constant 2 : i32
        %add3A_245 = arith.addi %add3A_120, %add3A_244 : i32
        %lt3A_246 = arith.cmpi slt, %add3A_245, %div3A_9 : i32
        %convert_element_type3A_247 = arith.extui %lt3A_246 : i1 to i32
        %cond3A_248 = arith.constant 0 : i32
        %cond3A_249 = arith.cmpi ne, %convert_element_type3A_247, %cond3A_248 : i32
        scf.if %cond3A_249 {
          %add3A_250 = arith.constant 2 : i32
          %add3A_251 = arith.addi %add3A_120, %add3A_250 : i32
          %mul3A_252 = arith.constant 6 : i32
          %mul3A_253 = arith.muli %add3A_251, %mul3A_252 : i32
          %add3A_254 = arith.addi %mul3A_2, %mul3A_253 : i32
          %add3A_255 = arith.constant 0 : i32
          %add3A_256 = arith.addi %add3A_254, %add3A_255 : i32
          %mul3A_257 = arith.constant 128 : i32
          %mul3A_258 = arith.muli %add3A_256, %mul3A_257 : i32
          %dma_start3A = arith.constant 0 : i32
          %dma_start3A_259 = arith.constant 0 : i32
          %dma_start3A_260 = arith.constant 0 : i32
          %dma_start3A_261 = tpu.memref_slice %arg8[%dma_start3A, %dma_start3A_259, %dma_start3A_260] : memref<6x64x128xf32, #tpu.memory_space<vmem>> -> memref<1x64x128xf32, #tpu.memory_space<vmem>>
          %dma_start3A_262 = tpu.memref_squeeze %dma_start3A_261 : memref<1x64x128xf32, #tpu.memory_space<vmem>> -> memref<64x128xf32, #tpu.memory_space<vmem>>
          %dma_start3A_263 = arith.constant 0 : i32
          %dma_start3A_264 = tpu.memref_slice %arg2[%dma_start3A_263, %mul3A_258] : memref<64x1000000xf32, #tpu.memory_space<hbm>> -> memref<64x128xf32, #tpu.memory_space<hbm>>
          %dma_start3A_265 = arith.constant 0 : i32
          %dma_start3A_266 = arith.constant 0 : i32
          %dma_start3A_267 = tpu.memref_slice %arg8[%dma_start3A, %dma_start3A_265, %dma_start3A_266] : memref<6x64x128xf32, #tpu.memory_space<vmem>> -> memref<1x64x128xf32, #tpu.memory_space<vmem>>
          %dma_start3A_268 = tpu.memref_squeeze %dma_start3A_267 : memref<1x64x128xf32, #tpu.memory_space<vmem>> -> memref<64x128xf32, #tpu.memory_space<vmem>>
          %dma_start3A_269 = arith.constant 0 : i32
          %dma_start3A_270 = tpu.memref_slice %arg2[%dma_start3A_269, %mul3A_258] : memref<64x1000000xf32, #tpu.memory_space<hbm>> -> memref<64x128xf32, #tpu.memory_space<hbm>>
          tpu.enqueue_dma source(%dma_start3A_270 : memref<64x128xf32, #tpu.memory_space<hbm>>) target(%dma_start3A_268 : memref<64x128xf32, #tpu.memory_space<vmem>>) target_semaphore(%arg16 : memref<!tpu.dma_semaphore, #tpu.memory_space<semaphore_mem>>)
          %mul3A_271 = arith.constant 6 : i32
          %mul3A_272 = arith.muli %add3A_251, %mul3A_271 : i32
          %add3A_273 = arith.addi %mul3A_2, %mul3A_272 : i32
          %add3A_274 = arith.constant 1 : i32
          %add3A_275 = arith.addi %add3A_273, %add3A_274 : i32
          %mul3A_276 = arith.constant 128 : i32
          %mul3A_277 = arith.muli %add3A_275, %mul3A_276 : i32
          %dma_start3A_278 = arith.constant 1 : i32
          %dma_start3A_279 = arith.constant 0 : i32
          %dma_start3A_280 = arith.constant 0 : i32
          %dma_start3A_281 = tpu.memref_slice %arg8[%dma_start3A_278, %dma_start3A_279, %dma_start3A_280] : memref<6x64x128xf32, #tpu.memory_space<vmem>> -> memref<1x64x128xf32, #tpu.memory_space<vmem>>
          %dma_start3A_282 = tpu.memref_squeeze %dma_start3A_281 : memref<1x64x128xf32, #tpu.memory_space<vmem>> -> memref<64x128xf32, #tpu.memory_space<vmem>>
          %dma_start3A_283 = arith.constant 0 : i32
          %dma_start3A_284 = tpu.memref_slice %arg2[%dma_start3A_283, %mul3A_277] : memref<64x1000000xf32, #tpu.memory_space<hbm>> -> memref<64x128xf32, #tpu.memory_space<hbm>>
          %dma_start3A_285 = arith.constant 0 : i32
          %dma_start3A_286 = arith.constant 0 : i32
          %dma_start3A_287 = tpu.memref_slice %arg8[%dma_start3A_278, %dma_start3A_285, %dma_start3A_286] : memref<6x64x128xf32, #tpu.memory_space<vmem>> -> memref<1x64x128xf32, #tpu.memory_space<vmem>>
          %dma_start3A_288 = tpu.memref_squeeze %dma_start3A_287 : memref<1x64x128xf32, #tpu.memory_space<vmem>> -> memref<64x128xf32, #tpu.memory_space<vmem>>
          %dma_start3A_289 = arith.constant 0 : i32
          %dma_start3A_290 = tpu.memref_slice %arg2[%dma_start3A_289, %mul3A_277] : memref<64x1000000xf32, #tpu.memory_space<hbm>> -> memref<64x128xf32, #tpu.memory_space<hbm>>
          tpu.enqueue_dma source(%dma_start3A_290 : memref<64x128xf32, #tpu.memory_space<hbm>>) target(%dma_start3A_288 : memref<64x128xf32, #tpu.memory_space<vmem>>) target_semaphore(%arg16 : memref<!tpu.dma_semaphore, #tpu.memory_space<semaphore_mem>>)
          %mul3A_291 = arith.constant 6 : i32
          %mul3A_292 = arith.muli %add3A_251, %mul3A_291 : i32
          %add3A_293 = arith.addi %mul3A_2, %mul3A_292 : i32
          %add3A_294 = arith.constant 2 : i32
          %add3A_295 = arith.addi %add3A_293, %add3A_294 : i32
          %mul3A_296 = arith.constant 128 : i32
          %mul3A_297 = arith.muli %add3A_295, %mul3A_296 : i32
          %dma_start3A_298 = arith.constant 2 : i32
          %dma_start3A_299 = arith.constant 0 : i32
          %dma_start3A_300 = arith.constant 0 : i32
          %dma_start3A_301 = tpu.memref_slice %arg8[%dma_start3A_298, %dma_start3A_299, %dma_start3A_300] : memref<6x64x128xf32, #tpu.memory_space<vmem>> -> memref<1x64x128xf32, #tpu.memory_space<vmem>>
          %dma_start3A_302 = tpu.memref_squeeze %dma_start3A_301 : memref<1x64x128xf32, #tpu.memory_space<vmem>> -> memref<64x128xf32, #tpu.memory_space<vmem>>
          %dma_start3A_303 = arith.constant 0 : i32
          %dma_start3A_304 = tpu.memref_slice %arg2[%dma_start3A_303, %mul3A_297] : memref<64x1000000xf32, #tpu.memory_space<hbm>> -> memref<64x128xf32, #tpu.memory_space<hbm>>
          %dma_start3A_305 = arith.constant 0 : i32
          %dma_start3A_306 = arith.constant 0 : i32
          %dma_start3A_307 = tpu.memref_slice %arg8[%dma_start3A_298, %dma_start3A_305, %dma_start3A_306] : memref<6x64x128xf32, #tpu.memory_space<vmem>> -> memref<1x64x128xf32, #tpu.memory_space<vmem>>
          %dma_start3A_308 = tpu.memref_squeeze %dma_start3A_307 : memref<1x64x128xf32, #tpu.memory_space<vmem>> -> memref<64x128xf32, #tpu.memory_space<vmem>>
          %dma_start3A_309 = arith.constant 0 : i32
          %dma_start3A_310 = tpu.memref_slice %arg2[%dma_start3A_309, %mul3A_297] : memref<64x1000000xf32, #tpu.memory_space<hbm>> -> memref<64x128xf32, #tpu.memory_space<hbm>>
          tpu.enqueue_dma source(%dma_start3A_310 : memref<64x128xf32, #tpu.memory_space<hbm>>) target(%dma_start3A_308 : memref<64x128xf32, #tpu.memory_space<vmem>>) target_semaphore(%arg16 : memref<!tpu.dma_semaphore, #tpu.memory_space<semaphore_mem>>)
          %mul3A_311 = arith.constant 6 : i32
          %mul3A_312 = arith.muli %add3A_251, %mul3A_311 : i32
          %add3A_313 = arith.addi %mul3A_2, %mul3A_312 : i32
          %add3A_314 = arith.constant 3 : i32
          %add3A_315 = arith.addi %add3A_313, %add3A_314 : i32
          %mul3A_316 = arith.constant 128 : i32
          %mul3A_317 = arith.muli %add3A_315, %mul3A_316 : i32
          %dma_start3A_318 = arith.constant 3 : i32
          %dma_start3A_319 = arith.constant 0 : i32
          %dma_start3A_320 = arith.constant 0 : i32
          %dma_start3A_321 = tpu.memref_slice %arg8[%dma_start3A_318, %dma_start3A_319, %dma_start3A_320] : memref<6x64x128xf32, #tpu.memory_space<vmem>> -> memref<1x64x128xf32, #tpu.memory_space<vmem>>
          %dma_start3A_322 = tpu.memref_squeeze %dma_start3A_321 : memref<1x64x128xf32, #tpu.memory_space<vmem>> -> memref<64x128xf32, #tpu.memory_space<vmem>>
          %dma_start3A_323 = arith.constant 0 : i32
          %dma_start3A_324 = tpu.memref_slice %arg2[%dma_start3A_323, %mul3A_317] : memref<64x1000000xf32, #tpu.memory_space<hbm>> -> memref<64x128xf32, #tpu.memory_space<hbm>>
          %dma_start3A_325 = arith.constant 0 : i32
          %dma_start3A_326 = arith.constant 0 : i32
          %dma_start3A_327 = tpu.memref_slice %arg8[%dma_start3A_318, %dma_start3A_325, %dma_start3A_326] : memref<6x64x128xf32, #tpu.memory_space<vmem>> -> memref<1x64x128xf32, #tpu.memory_space<vmem>>
          %dma_start3A_328 = tpu.memref_squeeze %dma_start3A_327 : memref<1x64x128xf32, #tpu.memory_space<vmem>> -> memref<64x128xf32, #tpu.memory_space<vmem>>
          %dma_start3A_329 = arith.constant 0 : i32
          %dma_start3A_330 = tpu.memref_slice %arg2[%dma_start3A_329, %mul3A_317] : memref<64x1000000xf32, #tpu.memory_space<hbm>> -> memref<64x128xf32, #tpu.memory_space<hbm>>
          tpu.enqueue_dma source(%dma_start3A_330 : memref<64x128xf32, #tpu.memory_space<hbm>>) target(%dma_start3A_328 : memref<64x128xf32, #tpu.memory_space<vmem>>) target_semaphore(%arg16 : memref<!tpu.dma_semaphore, #tpu.memory_space<semaphore_mem>>)
          %mul3A_331 = arith.constant 6 : i32
          %mul3A_332 = arith.muli %add3A_251, %mul3A_331 : i32
          %add3A_333 = arith.addi %mul3A_2, %mul3A_332 : i32
          %add3A_334 = arith.constant 4 : i32
          %add3A_335 = arith.addi %add3A_333, %add3A_334 : i32
          %mul3A_336 = arith.constant 128 : i32
          %mul3A_337 = arith.muli %add3A_335, %mul3A_336 : i32
          %dma_start3A_338 = arith.constant 4 : i32
          %dma_start3A_339 = arith.constant 0 : i32
          %dma_start3A_340 = arith.constant 0 : i32
          %dma_start3A_341 = tpu.memref_slice %arg8[%dma_start3A_338, %dma_start3A_339, %dma_start3A_340] : memref<6x64x128xf32, #tpu.memory_space<vmem>> -> memref<1x64x128xf32, #tpu.memory_space<vmem>>
          %dma_start3A_342 = tpu.memref_squeeze %dma_start3A_341 : memref<1x64x128xf32, #tpu.memory_space<vmem>> -> memref<64x128xf32, #tpu.memory_space<vmem>>
          %dma_start3A_343 = arith.constant 0 : i32
          %dma_start3A_344 = tpu.memref_slice %arg2[%dma_start3A_343, %mul3A_337] : memref<64x1000000xf32, #tpu.memory_space<hbm>> -> memref<64x128xf32, #tpu.memory_space<hbm>>
          %dma_start3A_345 = arith.constant 0 : i32
          %dma_start3A_346 = arith.constant 0 : i32
          %dma_start3A_347 = tpu.memref_slice %arg8[%dma_start3A_338, %dma_start3A_345, %dma_start3A_346] : memref<6x64x128xf32, #tpu.memory_space<vmem>> -> memref<1x64x128xf32, #tpu.memory_space<vmem>>
          %dma_start3A_348 = tpu.memref_squeeze %dma_start3A_347 : memref<1x64x128xf32, #tpu.memory_space<vmem>> -> memref<64x128xf32, #tpu.memory_space<vmem>>
          %dma_start3A_349 = arith.constant 0 : i32
          %dma_start3A_350 = tpu.memref_slice %arg2[%dma_start3A_349, %mul3A_337] : memref<64x1000000xf32, #tpu.memory_space<hbm>> -> memref<64x128xf32, #tpu.memory_space<hbm>>
          tpu.enqueue_dma source(%dma_start3A_350 : memref<64x128xf32, #tpu.memory_space<hbm>>) target(%dma_start3A_348 : memref<64x128xf32, #tpu.memory_space<vmem>>) target_semaphore(%arg16 : memref<!tpu.dma_semaphore, #tpu.memory_space<semaphore_mem>>)
          %mul3A_351 = arith.constant 6 : i32
          %mul3A_352 = arith.muli %add3A_251, %mul3A_351 : i32
          %add3A_353 = arith.addi %mul3A_2, %mul3A_352 : i32
          %add3A_354 = arith.constant 5 : i32
          %add3A_355 = arith.addi %add3A_353, %add3A_354 : i32
          %mul3A_356 = arith.constant 128 : i32
          %mul3A_357 = arith.muli %add3A_355, %mul3A_356 : i32
          %dma_start3A_358 = arith.constant 5 : i32
          %dma_start3A_359 = arith.constant 0 : i32
          %dma_start3A_360 = arith.constant 0 : i32
          %dma_start3A_361 = tpu.memref_slice %arg8[%dma_start3A_358, %dma_start3A_359, %dma_start3A_360] : memref<6x64x128xf32, #tpu.memory_space<vmem>> -> memref<1x64x128xf32, #tpu.memory_space<vmem>>
          %dma_start3A_362 = tpu.memref_squeeze %dma_start3A_361 : memref<1x64x128xf32, #tpu.memory_space<vmem>> -> memref<64x128xf32, #tpu.memory_space<vmem>>
          %dma_start3A_363 = arith.constant 0 : i32
          %dma_start3A_364 = tpu.memref_slice %arg2[%dma_start3A_363, %mul3A_357] : memref<64x1000000xf32, #tpu.memory_space<hbm>> -> memref<64x128xf32, #tpu.memory_space<hbm>>
          %dma_start3A_365 = arith.constant 0 : i32
          %dma_start3A_366 = arith.constant 0 : i32
          %dma_start3A_367 = tpu.memref_slice %arg8[%dma_start3A_358, %dma_start3A_365, %dma_start3A_366] : memref<6x64x128xf32, #tpu.memory_space<vmem>> -> memref<1x64x128xf32, #tpu.memory_space<vmem>>
          %dma_start3A_368 = tpu.memref_squeeze %dma_start3A_367 : memref<1x64x128xf32, #tpu.memory_space<vmem>> -> memref<64x128xf32, #tpu.memory_space<vmem>>
          %dma_start3A_369 = arith.constant 0 : i32
          %dma_start3A_370 = tpu.memref_slice %arg2[%dma_start3A_369, %mul3A_357] : memref<64x1000000xf32, #tpu.memory_space<hbm>> -> memref<64x128xf32, #tpu.memory_space<hbm>>
          tpu.enqueue_dma source(%dma_start3A_370 : memref<64x128xf32, #tpu.memory_space<hbm>>) target(%dma_start3A_368 : memref<64x128xf32, #tpu.memory_space<vmem>>) target_semaphore(%arg16 : memref<!tpu.dma_semaphore, #tpu.memory_space<semaphore_mem>>)
        } else {
        }
      } else {
      }
      %mul3A_124 = arith.constant 2 : i32
      %mul3A_125 = arith.muli %scan3A_115, %mul3A_124 : i32
      %add3A_126 = arith.constant 1 : i32
      %add3A_127 = arith.addi %mul3A_125, %add3A_126 : i32
      %lt3A_128 = arith.cmpi slt, %add3A_127, %div3A_9 : i32
      %convert_element_type3A_129 = arith.extui %lt3A_128 : i1 to i32
      %cond3A_130 = arith.constant 0 : i32
      %cond3A_131 = arith.cmpi ne, %convert_element_type3A_129, %cond3A_130 : i32
      scf.if %cond3A_131 {
        %dma_wait3A = arith.constant 0 : i32
        %dma_wait3A_133 = arith.constant 0 : i32
        %dma_wait3A_134 = arith.constant 0 : i32
        %dma_wait3A_135 = tpu.memref_slice %arg9[%dma_wait3A, %dma_wait3A_133, %dma_wait3A_134] : memref<6x64x128xf32, #tpu.memory_space<vmem>> -> memref<1x64x128xf32, #tpu.memory_space<vmem>>
        %dma_wait3A_136 = tpu.memref_squeeze %dma_wait3A_135 : memref<1x64x128xf32, #tpu.memory_space<vmem>> -> memref<64x128xf32, #tpu.memory_space<vmem>>
        %dma_wait3A_137 = arith.constant 0 : i32
        %dma_wait3A_138 = arith.constant 0 : i32
        %dma_wait3A_139 = tpu.memref_slice %arg2[%dma_wait3A_137, %dma_wait3A_138] : memref<64x1000000xf32, #tpu.memory_space<hbm>> -> memref<64x128xf32, #tpu.memory_space<hbm>>
        %dma_wait3A_140 = arith.constant 0 : i32
        %dma_wait3A_141 = arith.constant 0 : i32
        %dma_wait3A_142 = tpu.memref_slice %arg9[%dma_wait3A, %dma_wait3A_140, %dma_wait3A_141] : memref<6x64x128xf32, #tpu.memory_space<vmem>> -> memref<1x64x128xf32, #tpu.memory_space<vmem>>
        %dma_wait3A_143 = tpu.memref_squeeze %dma_wait3A_142 : memref<1x64x128xf32, #tpu.memory_space<vmem>> -> memref<64x128xf32, #tpu.memory_space<vmem>>
        %dma_wait3A_144 = arith.constant 0 : i32
        %dma_wait3A_145 = arith.constant 0 : i32
        %dma_wait3A_146 = tpu.memref_slice %arg2[%dma_wait3A_144, %dma_wait3A_145] : memref<64x1000000xf32, #tpu.memory_space<hbm>> -> memref<64x128xf32, #tpu.memory_space<hbm>>
        tpu.wait_dma2 semaphore(%arg16 : memref<!tpu.dma_semaphore, #tpu.memory_space<semaphore_mem>>) src(%dma_wait3A_146 : memref<64x128xf32, #tpu.memory_space<hbm>>) dst(%dma_wait3A_143 : memref<64x128xf32, #tpu.memory_space<vmem>>)
        %dma_wait3A_147 = arith.constant 1 : i32
        %dma_wait3A_148 = arith.constant 0 : i32
        %dma_wait3A_149 = arith.constant 0 : i32
        %dma_wait3A_150 = tpu.memref_slice %arg9[%dma_wait3A_147, %dma_wait3A_148, %dma_wait3A_149] : memref<6x64x128xf32, #tpu.memory_space<vmem>> -> memref<1x64x128xf32, #tpu.memory_space<vmem>>
        %dma_wait3A_151 = tpu.memref_squeeze %dma_wait3A_150 : memref<1x64x128xf32, #tpu.memory_space<vmem>> -> memref<64x128xf32, #tpu.memory_space<vmem>>
        %dma_wait3A_152 = arith.constant 0 : i32
        %dma_wait3A_153 = arith.constant 0 : i32
        %dma_wait3A_154 = tpu.memref_slice %arg2[%dma_wait3A_152, %dma_wait3A_153] : memref<64x1000000xf32, #tpu.memory_space<hbm>> -> memref<64x128xf32, #tpu.memory_space<hbm>>
        %dma_wait3A_155 = arith.constant 0 : i32
        %dma_wait3A_156 = arith.constant 0 : i32
        %dma_wait3A_157 = tpu.memref_slice %arg9[%dma_wait3A_147, %dma_wait3A_155, %dma_wait3A_156] : memref<6x64x128xf32, #tpu.memory_space<vmem>> -> memref<1x64x128xf32, #tpu.memory_space<vmem>>
        %dma_wait3A_158 = tpu.memref_squeeze %dma_wait3A_157 : memref<1x64x128xf32, #tpu.memory_space<vmem>> -> memref<64x128xf32, #tpu.memory_space<vmem>>
        %dma_wait3A_159 = arith.constant 0 : i32
        %dma_wait3A_160 = arith.constant 0 : i32
        %dma_wait3A_161 = tpu.memref_slice %arg2[%dma_wait3A_159, %dma_wait3A_160] : memref<64x1000000xf32, #tpu.memory_space<hbm>> -> memref<64x128xf32, #tpu.memory_space<hbm>>
        tpu.wait_dma2 semaphore(%arg16 : memref<!tpu.dma_semaphore, #tpu.memory_space<semaphore_mem>>) src(%dma_wait3A_161 : memref<64x128xf32, #tpu.memory_space<hbm>>) dst(%dma_wait3A_158 : memref<64x128xf32, #tpu.memory_space<vmem>>)
        %dma_wait3A_162 = arith.constant 2 : i32
        %dma_wait3A_163 = arith.constant 0 : i32
        %dma_wait3A_164 = arith.constant 0 : i32
        %dma_wait3A_165 = tpu.memref_slice %arg9[%dma_wait3A_162, %dma_wait3A_163, %dma_wait3A_164] : memref<6x64x128xf32, #tpu.memory_space<vmem>> -> memref<1x64x128xf32, #tpu.memory_space<vmem>>
        %dma_wait3A_166 = tpu.memref_squeeze %dma_wait3A_165 : memref<1x64x128xf32, #tpu.memory_space<vmem>> -> memref<64x128xf32, #tpu.memory_space<vmem>>
        %dma_wait3A_167 = arith.constant 0 : i32
        %dma_wait3A_168 = arith.constant 0 : i32
        %dma_wait3A_169 = tpu.memref_slice %arg2[%dma_wait3A_167, %dma_wait3A_168] : memref<64x1000000xf32, #tpu.memory_space<hbm>> -> memref<64x128xf32, #tpu.memory_space<hbm>>
        %dma_wait3A_170 = arith.constant 0 : i32
        %dma_wait3A_171 = arith.constant 0 : i32
        %dma_wait3A_172 = tpu.memref_slice %arg9[%dma_wait3A_162, %dma_wait3A_170, %dma_wait3A_171] : memref<6x64x128xf32, #tpu.memory_space<vmem>> -> memref<1x64x128xf32, #tpu.memory_space<vmem>>
        %dma_wait3A_173 = tpu.memref_squeeze %dma_wait3A_172 : memref<1x64x128xf32, #tpu.memory_space<vmem>> -> memref<64x128xf32, #tpu.memory_space<vmem>>
        %dma_wait3A_174 = arith.constant 0 : i32
        %dma_wait3A_175 = arith.constant 0 : i32
        %dma_wait3A_176 = tpu.memref_slice %arg2[%dma_wait3A_174, %dma_wait3A_175] : memref<64x1000000xf32, #tpu.memory_space<hbm>> -> memref<64x128xf32, #tpu.memory_space<hbm>>
        tpu.wait_dma2 semaphore(%arg16 : memref<!tpu.dma_semaphore, #tpu.memory_space<semaphore_mem>>) src(%dma_wait3A_176 : memref<64x128xf32, #tpu.memory_space<hbm>>) dst(%dma_wait3A_173 : memref<64x128xf32, #tpu.memory_space<vmem>>)
        %dma_wait3A_177 = arith.constant 3 : i32
        %dma_wait3A_178 = arith.constant 0 : i32
        %dma_wait3A_179 = arith.constant 0 : i32
        %dma_wait3A_180 = tpu.memref_slice %arg9[%dma_wait3A_177, %dma_wait3A_178, %dma_wait3A_179] : memref<6x64x128xf32, #tpu.memory_space<vmem>> -> memref<1x64x128xf32, #tpu.memory_space<vmem>>
        %dma_wait3A_181 = tpu.memref_squeeze %dma_wait3A_180 : memref<1x64x128xf32, #tpu.memory_space<vmem>> -> memref<64x128xf32, #tpu.memory_space<vmem>>
        %dma_wait3A_182 = arith.constant 0 : i32
        %dma_wait3A_183 = arith.constant 0 : i32
        %dma_wait3A_184 = tpu.memref_slice %arg2[%dma_wait3A_182, %dma_wait3A_183] : memref<64x1000000xf32, #tpu.memory_space<hbm>> -> memref<64x128xf32, #tpu.memory_space<hbm>>
        %dma_wait3A_185 = arith.constant 0 : i32
        %dma_wait3A_186 = arith.constant 0 : i32
        %dma_wait3A_187 = tpu.memref_slice %arg9[%dma_wait3A_177, %dma_wait3A_185, %dma_wait3A_186] : memref<6x64x128xf32, #tpu.memory_space<vmem>> -> memref<1x64x128xf32, #tpu.memory_space<vmem>>
        %dma_wait3A_188 = tpu.memref_squeeze %dma_wait3A_187 : memref<1x64x128xf32, #tpu.memory_space<vmem>> -> memref<64x128xf32, #tpu.memory_space<vmem>>
        %dma_wait3A_189 = arith.constant 0 : i32
        %dma_wait3A_190 = arith.constant 0 : i32
        %dma_wait3A_191 = tpu.memref_slice %arg2[%dma_wait3A_189, %dma_wait3A_190] : memref<64x1000000xf32, #tpu.memory_space<hbm>> -> memref<64x128xf32, #tpu.memory_space<hbm>>
        tpu.wait_dma2 semaphore(%arg16 : memref<!tpu.dma_semaphore, #tpu.memory_space<semaphore_mem>>) src(%dma_wait3A_191 : memref<64x128xf32, #tpu.memory_space<hbm>>) dst(%dma_wait3A_188 : memref<64x128xf32, #tpu.memory_space<vmem>>)
        %dma_wait3A_192 = arith.constant 4 : i32
        %dma_wait3A_193 = arith.constant 0 : i32
        %dma_wait3A_194 = arith.constant 0 : i32
        %dma_wait3A_195 = tpu.memref_slice %arg9[%dma_wait3A_192, %dma_wait3A_193, %dma_wait3A_194] : memref<6x64x128xf32, #tpu.memory_space<vmem>> -> memref<1x64x128xf32, #tpu.memory_space<vmem>>
        %dma_wait3A_196 = tpu.memref_squeeze %dma_wait3A_195 : memref<1x64x128xf32, #tpu.memory_space<vmem>> -> memref<64x128xf32, #tpu.memory_space<vmem>>
        %dma_wait3A_197 = arith.constant 0 : i32
        %dma_wait3A_198 = arith.constant 0 : i32
        %dma_wait3A_199 = tpu.memref_slice %arg2[%dma_wait3A_197, %dma_wait3A_198] : memref<64x1000000xf32, #tpu.memory_space<hbm>> -> memref<64x128xf32, #tpu.memory_space<hbm>>
        %dma_wait3A_200 = arith.constant 0 : i32
        %dma_wait3A_201 = arith.constant 0 : i32
        %dma_wait3A_202 = tpu.memref_slice %arg9[%dma_wait3A_192, %dma_wait3A_200, %dma_wait3A_201] : memref<6x64x128xf32, #tpu.memory_space<vmem>> -> memref<1x64x128xf32, #tpu.memory_space<vmem>>
        %dma_wait3A_203 = tpu.memref_squeeze %dma_wait3A_202 : memref<1x64x128xf32, #tpu.memory_space<vmem>> -> memref<64x128xf32, #tpu.memory_space<vmem>>
        %dma_wait3A_204 = arith.constant 0 : i32
        %dma_wait3A_205 = arith.constant 0 : i32
        %dma_wait3A_206 = tpu.memref_slice %arg2[%dma_wait3A_204, %dma_wait3A_205] : memref<64x1000000xf32, #tpu.memory_space<hbm>> -> memref<64x128xf32, #tpu.memory_space<hbm>>
        tpu.wait_dma2 semaphore(%arg16 : memref<!tpu.dma_semaphore, #tpu.memory_space<semaphore_mem>>) src(%dma_wait3A_206 : memref<64x128xf32, #tpu.memory_space<hbm>>) dst(%dma_wait3A_203 : memref<64x128xf32, #tpu.memory_space<vmem>>)
        %dma_wait3A_207 = arith.constant 5 : i32
        %dma_wait3A_208 = arith.constant 0 : i32
        %dma_wait3A_209 = arith.constant 0 : i32
        %dma_wait3A_210 = tpu.memref_slice %arg9[%dma_wait3A_207, %dma_wait3A_208, %dma_wait3A_209] : memref<6x64x128xf32, #tpu.memory_space<vmem>> -> memref<1x64x128xf32, #tpu.memory_space<vmem>>
        %dma_wait3A_211 = tpu.memref_squeeze %dma_wait3A_210 : memref<1x64x128xf32, #tpu.memory_space<vmem>> -> memref<64x128xf32, #tpu.memory_space<vmem>>
        %dma_wait3A_212 = arith.constant 0 : i32
        %dma_wait3A_213 = arith.constant 0 : i32
        %dma_wait3A_214 = tpu.memref_slice %arg2[%dma_wait3A_212, %dma_wait3A_213] : memref<64x1000000xf32, #tpu.memory_space<hbm>> -> memref<64x128xf32, #tpu.memory_space<hbm>>
        %dma_wait3A_215 = arith.constant 0 : i32
        %dma_wait3A_216 = arith.constant 0 : i32
        %dma_wait3A_217 = tpu.memref_slice %arg9[%dma_wait3A_207, %dma_wait3A_215, %dma_wait3A_216] : memref<6x64x128xf32, #tpu.memory_space<vmem>> -> memref<1x64x128xf32, #tpu.memory_space<vmem>>
        %dma_wait3A_218 = tpu.memref_squeeze %dma_wait3A_217 : memref<1x64x128xf32, #tpu.memory_space<vmem>> -> memref<64x128xf32, #tpu.memory_space<vmem>>
        %dma_wait3A_219 = arith.constant 0 : i32
        %dma_wait3A_220 = arith.constant 0 : i32
        %dma_wait3A_221 = tpu.memref_slice %arg2[%dma_wait3A_219, %dma_wait3A_220] : memref<64x1000000xf32, #tpu.memory_space<hbm>> -> memref<64x128xf32, #tpu.memory_space<hbm>>
        tpu.wait_dma2 semaphore(%arg16 : memref<!tpu.dma_semaphore, #tpu.memory_space<semaphore_mem>>) src(%dma_wait3A_221 : memref<64x128xf32, #tpu.memory_space<hbm>>) dst(%dma_wait3A_218 : memref<64x128xf32, #tpu.memory_space<vmem>>)
        %mul3A_222 = arith.constant 6 : i32
        %mul3A_223 = arith.muli %add3A_127, %mul3A_222 : i32
        %broadcast_in_dim3A_224 = vector.broadcast %mul3A_223 : i32 to vector<16xi32>
        %add3A_225 = arith.constant 6 : i32
        %add3A_226 = arith.addi %mul3A_223, %add3A_225 : i32
        %broadcast_in_dim3A_227 = vector.broadcast %add3A_226 : i32 to vector<16xi32>
        %add3A_228 = arith.constant 63 : i32
        %add3A_229 = arith.addi %reduce_max3A_58, %add3A_228 : i32
        %div3A_230 = arith.constant 64 : i32
        %div3A_231 = arith.divsi %add3A_229, %div3A_230 : i32
        %while3A_232 = arith.constant 0 : i32
        %while3A_233 = arith.constant 0 : i32
        %while3A_234 = arith.subi %div3A_231, %while3A_232 : i32
        %while3A_235 = arith.addi %while3A_232, %while3A_234 : i32
        %while3A_236 = arith.constant 1 : i32
        %while3A_237 = arith.divsi %while3A_234, %while3A_236 : i32
        %while3A_238 = arith.muli %while3A_237, %while3A_236 : i32
        %while3A_239 = arith.addi %while3A_232, %while3A_238 : i32
        %while3A_240 = arith.constant 1 : i32
        %while3A_241 = scf.for %while3A_250 = %while3A_232 to %while3A_239 step %while3A_240 iter_args(%while3A_251 = %while3A_233) -> (i32)  : i32 {
          %mul3A_252 = arith.constant 64 : i32
          %mul3A_253 = arith.muli %while3A_250, %mul3A_252 : i32
          %add3A_254 = arith.constant 0 : i32
          %add3A_255 = arith.addi %mul3A_253, %add3A_254 : i32
          %get3A_256 = arith.index_cast %add3A_255 : i32 to index
          %get3A_257 = tpu.vector_load %arg7[%get3A_256] {strides = array<i32>} : memref<16480xi32, #tpu.memory_space<vmem>>, vector<16xi32>,
          %shift_right_logical3A = arith.constant 21 : i32
          %shift_right_logical3A_258 = vector.broadcast %shift_right_logical3A : i32 to vector<16xi32>
          %shift_right_logical3A_259 = arith.shrui %get3A_257, %shift_right_logical3A_258 : vector<16xi32>
          %ge3A = arith.cmpi sge, %shift_right_logical3A_259, %broadcast_in_dim3A_224 : vector<16xi32>
          %lt3A_260 = arith.cmpi slt, %shift_right_logical3A_259, %broadcast_in_dim3A_227 : vector<16xi32>
          %and3A = arith.andi %ge3A, %lt3A_260 : vector<16xi1>
          %mul3A_261 = arith.constant 64 : i32
          %mul3A_262 = arith.muli %while3A_250, %mul3A_261 : i32
          %add3A_263 = arith.constant 16 : i32
          %add3A_264 = arith.addi %mul3A_262, %add3A_263 : i32
          %get3A_265 = arith.index_cast %add3A_264 : i32 to index
          %get3A_266 = tpu.vector_load %arg7[%get3A_265] {strides = array<i32>} : memref<16480xi32, #tpu.memory_space<vmem>>, vector<16xi32>,
          %shift_right_logical3A_267 = arith.constant 21 : i32
          %shift_right_logical3A_268 = vector.broadcast %shift_right_logical3A_267 : i32 to vector<16xi32>
          %shift_right_logical3A_269 = arith.shrui %get3A_266, %shift_right_logical3A_268 : vector<16xi32>
          %ge3A_270 = arith.cmpi sge, %shift_right_logical3A_269, %broadcast_in_dim3A_224 : vector<16xi32>
          %lt3A_271 = arith.cmpi slt, %shift_right_logical3A_269, %broadcast_in_dim3A_227 : vector<16xi32>
          %and3A_272 = arith.andi %ge3A_270, %lt3A_271 : vector<16xi1>
          %mul3A_273 = arith.constant 64 : i32
          %mul3A_274 = arith.muli %while3A_250, %mul3A_273 : i32
          %add3A_275 = arith.constant 32 : i32
          %add3A_276 = arith.addi %mul3A_274, %add3A_275 : i32
          %get3A_277 = arith.index_cast %add3A_276 : i32 to index
          %get3A_278 = tpu.vector_load %arg7[%get3A_277] {strides = array<i32>} : memref<16480xi32, #tpu.memory_space<vmem>>, vector<16xi32>,
          %shift_right_logical3A_279 = arith.constant 21 : i32
          %shift_right_logical3A_280 = vector.broadcast %shift_right_logical3A_279 : i32 to vector<16xi32>
          %shift_right_logical3A_281 = arith.shrui %get3A_278, %shift_right_logical3A_280 : vector<16xi32>
          %ge3A_282 = arith.cmpi sge, %shift_right_logical3A_281, %broadcast_in_dim3A_224 : vector<16xi32>
          %lt3A_283 = arith.cmpi slt, %shift_right_logical3A_281, %broadcast_in_dim3A_227 : vector<16xi32>
          %and3A_284 = arith.andi %ge3A_282, %lt3A_283 : vector<16xi1>
          %mul3A_285 = arith.constant 64 : i32
          %mul3A_286 = arith.muli %while3A_250, %mul3A_285 : i32
          %add3A_287 = arith.constant 48 : i32
          %add3A_288 = arith.addi %mul3A_286, %add3A_287 : i32
          %get3A_289 = arith.index_cast %add3A_288 : i32 to index
          %get3A_290 = tpu.vector_load %arg7[%get3A_289] {strides = array<i32>} : memref<16480xi32, #tpu.memory_space<vmem>>, vector<16xi32>,
          %shift_right_logical3A_291 = arith.constant 21 : i32
          %shift_right_logical3A_292 = vector.broadcast %shift_right_logical3A_291 : i32 to vector<16xi32>
          %shift_right_logical3A_293 = arith.shrui %get3A_290, %shift_right_logical3A_292 : vector<16xi32>
          %ge3A_294 = arith.cmpi sge, %shift_right_logical3A_293, %broadcast_in_dim3A_224 : vector<16xi32>
          %lt3A_295 = arith.cmpi slt, %shift_right_logical3A_293, %broadcast_in_dim3A_227 : vector<16xi32>
          %and3A_296 = arith.andi %ge3A_294, %lt3A_295 : vector<16xi1>
          %or3A = arith.ori %and3A, %and3A_272 : vector<16xi1>
          %or3A_297 = arith.ori %and3A_284, %and3A_296 : vector<16xi1>
          %or3A_298 = arith.ori %or3A, %or3A_297 : vector<16xi1>
          %reduce_or3A = arith.constant 1.000000e+00 : f32
          %reduce_or3A_299 = arith.constant 0.000000e+00 : f32
          %reduce_or3A_300 = vector.broadcast %reduce_or3A : f32 to vector<16xf32>
          %reduce_or3A_301 = vector.broadcast %reduce_or3A_299 : f32 to vector<16xf32>
          %reduce_or3A_302 = arith.select %or3A_298, %reduce_or3A_300, %reduce_or3A_301 : vector<16xi1>, vector<16xf32>
          %reduce_or3A_303 = arith.constant true
          %reduce_or3A_304 = vector.broadcast %reduce_or3A_303 : i1 to vector<16xi1>
          %reduce_or3A_305 = tpu.scan <max>, %reduce_or3A_302 masked %reduce_or3A_304 : vector<16xf32>, vector<16xi1> -> vector<16xf32>
          %reduce_or3A_306 = vector.extract %reduce_or3A_305[15] : f32 from vector<16xf32>
          %reduce_or3A_307 = arith.constant 0.000000e+00 : f32
          %reduce_or3A_308 = arith.cmpf ogt, %reduce_or3A_306, %reduce_or3A_307 : f32
          %convert_element_type3A_309 = arith.extui %reduce_or3A_308 : i1 to i32
          %cond3A_310 = arith.constant 0 : i32
          %cond3A_311 = arith.cmpi ne, %convert_element_type3A_309, %cond3A_310 : i32
          scf.if %cond3A_311 {
            %reduce_or3A_313 = arith.constant 1.000000e+00 : f32
            %reduce_or3A_314 = arith.constant 0.000000e+00 : f32
            %reduce_or3A_315 = vector.broadcast %reduce_or3A_313 : f32 to vector<16xf32>
            %reduce_or3A_316 = vector.broadcast %reduce_or3A_314 : f32 to vector<16xf32>
            %reduce_or3A_317 = arith.select %and3A, %reduce_or3A_315, %reduce_or3A_316 : vector<16xi1>, vector<16xf32>
            %reduce_or3A_318 = arith.constant true
            %reduce_or3A_319 = vector.broadcast %reduce_or3A_318 : i1 to vector<16xi1>
            %reduce_or3A_320 = tpu.scan <max>, %reduce_or3A_317 masked %reduce_or3A_319 : vector<16xf32>, vector<16xi1> -> vector<16xf32>
            %reduce_or3A_321 = vector.extract %reduce_or3A_320[15] : f32 from vector<16xf32>
            %reduce_or3A_322 = arith.constant 0.000000e+00 : f32
            %reduce_or3A_323 = arith.cmpf ogt, %reduce_or3A_321, %reduce_or3A_322 : f32
            %convert_element_type3A_324 = arith.extui %reduce_or3A_323 : i1 to i32
            %cond3A_325 = arith.constant 0 : i32
            %cond3A_326 = arith.cmpi ne, %convert_element_type3A_324, %cond3A_325 : i32
            scf.if %cond3A_326 {
              %while3A_369 = scf.while (%while3A_370 = %and3A) : (vector<16xi1>) -> vector<16xi1> {
                %reduce_or3A_371 = arith.constant 1.000000e+00 : f32
                %reduce_or3A_372 = arith.constant 0.000000e+00 : f32
                %reduce_or3A_373 = vector.broadcast %reduce_or3A_371 : f32 to vector<16xf32>
                %reduce_or3A_374 = vector.broadcast %reduce_or3A_372 : f32 to vector<16xf32>
                %reduce_or3A_375 = arith.select %while3A_370, %reduce_or3A_373, %reduce_or3A_374 : vector<16xi1>, vector<16xf32>
                %reduce_or3A_376 = arith.constant true
                %reduce_or3A_377 = vector.broadcast %reduce_or3A_376 : i1 to vector<16xi1>
                %reduce_or3A_378 = tpu.scan <max>, %reduce_or3A_375 masked %reduce_or3A_377 : vector<16xf32>, vector<16xi1> -> vector<16xf32>
                %reduce_or3A_379 = vector.extract %reduce_or3A_378[15] : f32 from vector<16xf32>
                %reduce_or3A_380 = arith.constant 0.000000e+00 : f32
                %reduce_or3A_381 = arith.cmpf ogt, %reduce_or3A_379, %reduce_or3A_380 : f32
                scf.condition(%reduce_or3A_381) %while3A_370 : vector<16xi1>
              } do {
              ^bb0(%while3A_370: vector<16xi1>):
                %all_reduce_ffs3A = tpu.all_reduce %while3A_370 {dim = 0 : i64, kind = #tpu.reduction_kind<find_first_set>} : vector<16xi1> -> vector<16xi32>
                %reduce_max3A_371 = arith.constant true
                %reduce_max3A_372 = vector.broadcast %reduce_max3A_371 : i1 to vector<16xi1>
                %reduce_max3A_373 = arith.constant -2147483648 : i32
                %reduce_max3A_374 = vector.broadcast %reduce_max3A_373 : i32 to vector<16xi32>
                %reduce_max3A_375 = arith.xori %all_reduce_ffs3A, %reduce_max3A_374 : vector<16xi32>
                %reduce_max3A_376 = tpu.scan <max>, %reduce_max3A_375 masked %reduce_max3A_372 : vector<16xi32>, vector<16xi1> -> vector<16xi32>
                %reduce_max3A_377 = arith.xori %reduce_max3A_376, %reduce_max3A_374 : vector<16xi32>
                %reduce_max3A_378 = vector.extract %reduce_max3A_377[15] : i32 from vector<16xi32>
                %broadcast_in_dim3A_379 = vector.broadcast %reduce_max3A_378 : i32 to vector<16xi32>
                %reshape3A = vector.shape_cast %broadcast_in_dim3A_379 : vector<16xi32> to vector<16x1xi32>
                %gather3A = vector.shape_cast %reshape3A : vector<16x1xi32> to vector<16xi32>
                %gather3A_380 = tpu.dynamic_gather %get3A_257[%gather3A] in [0] : vector<16xi32>, vector<16xi32> -> vector<16xi32>
                %and3A_381 = arith.constant 16383 : i32
                %and3A_382 = vector.broadcast %and3A_381 : i32 to vector<16xi32>
                %and3A_383 = arith.andi %gather3A_380, %and3A_382 : vector<16xi32>
                %shift_right_logical3A_384 = arith.constant 14 : i32
                %shift_right_logical3A_385 = vector.broadcast %shift_right_logical3A_384 : i32 to vector<16xi32>
                %shift_right_logical3A_386 = arith.shrui %gather3A_380, %shift_right_logical3A_385 : vector<16xi32>
                %and3A_387 = arith.constant 127 : i32
                %and3A_388 = vector.broadcast %and3A_387 : i32 to vector<16xi32>
                %and3A_389 = arith.andi %shift_right_logical3A_386, %and3A_388 : vector<16xi32>
                %shift_right_logical3A_390 = arith.constant 21 : i32
                %shift_right_logical3A_391 = vector.broadcast %shift_right_logical3A_390 : i32 to vector<16xi32>
                %shift_right_logical3A_392 = arith.shrui %gather3A_380, %shift_right_logical3A_391 : vector<16xi32>
                %sub3A_393 = arith.subi %shift_right_logical3A_392, %broadcast_in_dim3A_224 : vector<16xi32>
                %get3A_394 = arith.constant 0 : index
                %get3A_395 = tpu.vector_load %arg14[%get3A_394] {strides = array<i32>} : memref<16xi32, #tpu.memory_space<vmem>>, vector<16xi32>,
                %reduce_max3A_396 = arith.constant true
                %reduce_max3A_397 = vector.broadcast %reduce_max3A_396 : i1 to vector<16xi1>
                %reduce_max3A_398 = arith.constant -2147483648 : i32
                %reduce_max3A_399 = vector.broadcast %reduce_max3A_398 : i32 to vector<16xi32>
                %reduce_max3A_400 = arith.xori %get3A_395, %reduce_max3A_399 : vector<16xi32>
                %reduce_max3A_401 = tpu.scan <max>, %reduce_max3A_400 masked %reduce_max3A_397 : vector<16xi32>, vector<16xi1> -> vector<16xi32>
                %reduce_max3A_402 = arith.xori %reduce_max3A_401, %reduce_max3A_399 : vector<16xi32>
                %reduce_max3A_403 = vector.extract %reduce_max3A_402[15] : i32 from vector<16xi32>
                %and3A_404 = arith.constant 15 : i32
                %and3A_405 = arith.andi %reduce_max3A_403, %and3A_404 : i32
                %ge3A_406 = arith.constant 16 : i32
                %ge3A_407 = arith.cmpi sge, %reduce_max3A_403, %ge3A_406 : i32
                %convert_element_type3A_408 = arith.extui %ge3A_407 : i1 to i32
                %cond3A_409 = arith.constant 0 : i32
                %cond3A_410 = arith.cmpi ne, %convert_element_type3A_408, %cond3A_409 : i32
                scf.if %cond3A_410 {
                  %dma_wait3A_461 = arith.constant 0 : i32
                  %dma_wait3A_462 = tpu.memref_slice %arg5[%dma_wait3A_461] : memref<1048576xf32, #tpu.memory_space<hbm>> -> memref<64xf32, #tpu.memory_space<hbm>>
                  %dma_wait3A_463 = arith.constant 0 : i32
                  %dma_wait3A_464 = tpu.memref_slice %arg5[%dma_wait3A_463] : memref<1048576xf32, #tpu.memory_space<hbm>> -> memref<64xf32, #tpu.memory_space<hbm>>
                  tpu.wait_dma2 semaphore(%arg17 : memref<!tpu.dma_semaphore, #tpu.memory_space<semaphore_mem>>) src(%dma_wait3A_464 : memref<64xf32, #tpu.memory_space<hbm>>) dst(%arg12 : memref<64xf32, #tpu.memory_space<vmem>>)
                } else {
                }
                %mul3A_411 = arith.constant 64 : i32
                %mul3A_412 = arith.muli %and3A_405, %mul3A_411 : i32
                %broadcast_in_dim3A_413 = vector.broadcast %mul3A_412 : i32 to vector<16xi32>
                %iota3A_414 = tpu.iota {dimensions = array<i32: 0>} : vector<16xi32>
                %add3A_415 = arith.constant 0 : i32
                %add3A_416 = vector.broadcast %add3A_415 : i32 to vector<16xi32>
                %add3A_417 = arith.addi %iota3A_414, %add3A_416 : vector<16xi32>
                %gather3A_418 = tpu.vector_load_idx %arg9[%sub3A_393, %add3A_417, %and3A_389] : memref<6x64x128xf32, #tpu.memory_space<vmem>>[vector<16xi32>, vector<16xi32>, vector<16xi32>], vector<16xf32>,
                %add3A_419 = arith.addi %broadcast_in_dim3A_413, %add3A_417 : vector<16xi32>
                tpu.vector_store_idx %arg11[%add3A_419], %gather3A_418 : memref<1024xf32, #tpu.memory_space<vmem>>[vector<16xi32>], vector<16xf32>,
                %iota3A_420 = tpu.iota {dimensions = array<i32: 0>} : vector<16xi32>
                %add3A_421 = arith.constant 16 : i32
                %add3A_422 = vector.broadcast %add3A_421 : i32 to vector<16xi32>
                %add3A_423 = arith.addi %iota3A_420, %add3A_422 : vector<16xi32>
                %gather3A_424 = tpu.vector_load_idx %arg9[%sub3A_393, %add3A_423, %and3A_389] : memref<6x64x128xf32, #tpu.memory_space<vmem>>[vector<16xi32>, vector<16xi32>, vector<16xi32>], vector<16xf32>,
                %add3A_425 = arith.addi %broadcast_in_dim3A_413, %add3A_423 : vector<16xi32>
                tpu.vector_store_idx %arg11[%add3A_425], %gather3A_424 : memref<1024xf32, #tpu.memory_space<vmem>>[vector<16xi32>], vector<16xf32>,
                %iota3A_426 = tpu.iota {dimensions = array<i32: 0>} : vector<16xi32>
                %add3A_427 = arith.constant 32 : i32
                %add3A_428 = vector.broadcast %add3A_427 : i32 to vector<16xi32>
                %add3A_429 = arith.addi %iota3A_426, %add3A_428 : vector<16xi32>
                %gather3A_430 = tpu.vector_load_idx %arg9[%sub3A_393, %add3A_429, %and3A_389] : memref<6x64x128xf32, #tpu.memory_space<vmem>>[vector<16xi32>, vector<16xi32>, vector<16xi32>], vector<16xf32>,
                %add3A_431 = arith.addi %broadcast_in_dim3A_413, %add3A_429 : vector<16xi32>
                tpu.vector_store_idx %arg11[%add3A_431], %gather3A_430 : memref<1024xf32, #tpu.memory_space<vmem>>[vector<16xi32>], vector<16xf32>,
                %iota3A_432 = tpu.iota {dimensions = array<i32: 0>} : vector<16xi32>
                %add3A_433 = arith.constant 48 : i32
                %add3A_434 = vector.broadcast %add3A_433 : i32 to vector<16xi32>
                %add3A_435 = arith.addi %iota3A_432, %add3A_434 : vector<16xi32>
                %gather3A_436 = tpu.vector_load_idx %arg9[%sub3A_393, %add3A_435, %and3A_389] : memref<6x64x128xf32, #tpu.memory_space<vmem>>[vector<16xi32>, vector<16xi32>, vector<16xi32>], vector<16xf32>,
                %add3A_437 = arith.addi %broadcast_in_dim3A_413, %add3A_435 : vector<16xi32>
                tpu.vector_store_idx %arg11[%add3A_437], %gather3A_436 : memref<1024xf32, #tpu.memory_space<vmem>>[vector<16xi32>], vector<16xf32>,
                %reduce_max3A_438 = arith.constant true
                %reduce_max3A_439 = vector.broadcast %reduce_max3A_438 : i1 to vector<16xi1>
                %reduce_max3A_440 = arith.constant -2147483648 : i32
                %reduce_max3A_441 = vector.broadcast %reduce_max3A_440 : i32 to vector<16xi32>
                %reduce_max3A_442 = arith.xori %and3A_383, %reduce_max3A_441 : vector<16xi32>
                %reduce_max3A_443 = tpu.scan <max>, %reduce_max3A_442 masked %reduce_max3A_439 : vector<16xi32>, vector<16xi1> -> vector<16xi32>
                %reduce_max3A_444 = arith.xori %reduce_max3A_443, %reduce_max3A_441 : vector<16xi32>
                %reduce_max3A_445 = vector.extract %reduce_max3A_444[15] : i32 from vector<16xi32>
                %mul3A_446 = arith.constant 64 : i32
                %mul3A_447 = arith.muli %and3A_405, %mul3A_446 : i32
                %mul3A_448 = arith.constant 64 : i32
                %mul3A_449 = arith.muli %reduce_max3A_445, %mul3A_448 : i32
                %dma_start3A = tpu.memref_slice %arg11[%mul3A_447] : memref<1024xf32, #tpu.memory_space<vmem>> -> memref<64xf32, #tpu.memory_space<vmem>>
                %dma_start3A_450 = tpu.memref_slice %arg5[%mul3A_449] : memref<1048576xf32, #tpu.memory_space<hbm>> -> memref<64xf32, #tpu.memory_space<hbm>>
                %dma_start3A_451 = tpu.memref_slice %arg5[%mul3A_449] : memref<1048576xf32, #tpu.memory_space<hbm>> -> memref<64xf32, #tpu.memory_space<hbm>>
                %dma_start3A_452 = tpu.memref_slice %arg11[%mul3A_447] : memref<1024xf32, #tpu.memory_space<vmem>> -> memref<64xf32, #tpu.memory_space<vmem>>
                tpu.enqueue_dma source(%dma_start3A_452 : memref<64xf32, #tpu.memory_space<vmem>>) target(%dma_start3A_451 : memref<64xf32, #tpu.memory_space<hbm>>) target_semaphore(%arg17 : memref<!tpu.dma_semaphore, #tpu.memory_space<semaphore_mem>>)
                %add3A_453 = arith.constant 1 : i32
                %add3A_454 = arith.addi %reduce_max3A_403, %add3A_453 : i32
                %broadcast_in_dim3A_455 = vector.broadcast %add3A_454 : i32 to vector<16xi32>
                %swap3A_456 = arith.constant 0 : index
                %swap3A_457 = tpu.vector_load %arg14[%swap3A_456] {strides = array<i32>} : memref<16xi32, #tpu.memory_space<vmem>>, vector<16xi32>,
                tpu.vector_store %arg14[%swap3A_456], %broadcast_in_dim3A_455 {strides = array<i32>} : memref<16xi32, #tpu.memory_space<vmem>>, vector<16xi32>,
                %iota3A_458 = tpu.iota {dimensions = array<i32: 0>} : vector<16xi32>
                %broadcast_in_dim3A_459 = vector.broadcast %reduce_max3A_378 : i32 to vector<16xi32>
                %ne3A = arith.cmpi ne, %iota3A_458, %broadcast_in_dim3A_459 : vector<16xi32>
                %and3A_460 = arith.andi %while3A_370, %ne3A : vector<16xi1>
                scf.yield %and3A_460 : vector<16xi1>
              }
            } else {
            }
            %reduce_or3A_327 = arith.constant 1.000000e+00 : f32
            %reduce_or3A_328 = arith.constant 0.000000e+00 : f32
            %reduce_or3A_329 = vector.broadcast %reduce_or3A_327 : f32 to vector<16xf32>
            %reduce_or3A_330 = vector.broadcast %reduce_or3A_328 : f32 to vector<16xf32>
            %reduce_or3A_331 = arith.select %and3A_272, %reduce_or3A_329, %reduce_or3A_330 : vector<16xi1>, vector<16xf32>
            %reduce_or3A_332 = arith.constant true
            %reduce_or3A_333 = vector.broadcast %reduce_or3A_332 : i1 to vector<16xi1>
            %reduce_or3A_334 = tpu.scan <max>, %reduce_or3A_331 masked %reduce_or3A_333 : vector<16xf32>, vector<16xi1> -> vector<16xf32>
            %reduce_or3A_335 = vector.extract %reduce_or3A_334[15] : f32 from vector<16xf32>
            %reduce_or3A_336 = arith.constant 0.000000e+00 : f32
            %reduce_or3A_337 = arith.cmpf ogt, %reduce_or3A_335, %reduce_or3A_336 : f32
            %convert_element_type3A_338 = arith.extui %reduce_or3A_337 : i1 to i32
            %cond3A_339 = arith.constant 0 : i32
            %cond3A_340 = arith.cmpi ne, %convert_element_type3A_338, %cond3A_339 : i32
            scf.if %cond3A_340 {
              %while3A_369 = scf.while (%while3A_370 = %and3A_272) : (vector<16xi1>) -> vector<16xi1> {
                %reduce_or3A_371 = arith.constant 1.000000e+00 : f32
                %reduce_or3A_372 = arith.constant 0.000000e+00 : f32
                %reduce_or3A_373 = vector.broadcast %reduce_or3A_371 : f32 to vector<16xf32>
                %reduce_or3A_374 = vector.broadcast %reduce_or3A_372 : f32 to vector<16xf32>
                %reduce_or3A_375 = arith.select %while3A_370, %reduce_or3A_373, %reduce_or3A_374 : vector<16xi1>, vector<16xf32>
                %reduce_or3A_376 = arith.constant true
                %reduce_or3A_377 = vector.broadcast %reduce_or3A_376 : i1 to vector<16xi1>
                %reduce_or3A_378 = tpu.scan <max>, %reduce_or3A_375 masked %reduce_or3A_377 : vector<16xf32>, vector<16xi1> -> vector<16xf32>
                %reduce_or3A_379 = vector.extract %reduce_or3A_378[15] : f32 from vector<16xf32>
                %reduce_or3A_380 = arith.constant 0.000000e+00 : f32
                %reduce_or3A_381 = arith.cmpf ogt, %reduce_or3A_379, %reduce_or3A_380 : f32
                scf.condition(%reduce_or3A_381) %while3A_370 : vector<16xi1>
              } do {
              ^bb0(%while3A_370: vector<16xi1>):
                %all_reduce_ffs3A = tpu.all_reduce %while3A_370 {dim = 0 : i64, kind = #tpu.reduction_kind<find_first_set>} : vector<16xi1> -> vector<16xi32>
                %reduce_max3A_371 = arith.constant true
                %reduce_max3A_372 = vector.broadcast %reduce_max3A_371 : i1 to vector<16xi1>
                %reduce_max3A_373 = arith.constant -2147483648 : i32
                %reduce_max3A_374 = vector.broadcast %reduce_max3A_373 : i32 to vector<16xi32>
                %reduce_max3A_375 = arith.xori %all_reduce_ffs3A, %reduce_max3A_374 : vector<16xi32>
                %reduce_max3A_376 = tpu.scan <max>, %reduce_max3A_375 masked %reduce_max3A_372 : vector<16xi32>, vector<16xi1> -> vector<16xi32>
                %reduce_max3A_377 = arith.xori %reduce_max3A_376, %reduce_max3A_374 : vector<16xi32>
                %reduce_max3A_378 = vector.extract %reduce_max3A_377[15] : i32 from vector<16xi32>
                %broadcast_in_dim3A_379 = vector.broadcast %reduce_max3A_378 : i32 to vector<16xi32>
                %reshape3A = vector.shape_cast %broadcast_in_dim3A_379 : vector<16xi32> to vector<16x1xi32>
                %gather3A = vector.shape_cast %reshape3A : vector<16x1xi32> to vector<16xi32>
                %gather3A_380 = tpu.dynamic_gather %get3A_266[%gather3A] in [0] : vector<16xi32>, vector<16xi32> -> vector<16xi32>
                %and3A_381 = arith.constant 16383 : i32
                %and3A_382 = vector.broadcast %and3A_381 : i32 to vector<16xi32>
                %and3A_383 = arith.andi %gather3A_380, %and3A_382 : vector<16xi32>
                %shift_right_logical3A_384 = arith.constant 14 : i32
                %shift_right_logical3A_385 = vector.broadcast %shift_right_logical3A_384 : i32 to vector<16xi32>
                %shift_right_logical3A_386 = arith.shrui %gather3A_380, %shift_right_logical3A_385 : vector<16xi32>
                %and3A_387 = arith.constant 127 : i32
                %and3A_388 = vector.broadcast %and3A_387 : i32 to vector<16xi32>
                %and3A_389 = arith.andi %shift_right_logical3A_386, %and3A_388 : vector<16xi32>
                %shift_right_logical3A_390 = arith.constant 21 : i32
                %shift_right_logical3A_391 = vector.broadcast %shift_right_logical3A_390 : i32 to vector<16xi32>
                %shift_right_logical3A_392 = arith.shrui %gather3A_380, %shift_right_logical3A_391 : vector<16xi32>
                %sub3A_393 = arith.subi %shift_right_logical3A_392, %broadcast_in_dim3A_224 : vector<16xi32>
                %get3A_394 = arith.constant 0 : index
                %get3A_395 = tpu.vector_load %arg14[%get3A_394] {strides = array<i32>} : memref<16xi32, #tpu.memory_space<vmem>>, vector<16xi32>,
                %reduce_max3A_396 = arith.constant true
                %reduce_max3A_397 = vector.broadcast %reduce_max3A_396 : i1 to vector<16xi1>
                %reduce_max3A_398 = arith.constant -2147483648 : i32
                %reduce_max3A_399 = vector.broadcast %reduce_max3A_398 : i32 to vector<16xi32>
                %reduce_max3A_400 = arith.xori %get3A_395, %reduce_max3A_399 : vector<16xi32>
                %reduce_max3A_401 = tpu.scan <max>, %reduce_max3A_400 masked %reduce_max3A_397 : vector<16xi32>, vector<16xi1> -> vector<16xi32>
                %reduce_max3A_402 = arith.xori %reduce_max3A_401, %reduce_max3A_399 : vector<16xi32>
                %reduce_max3A_403 = vector.extract %reduce_max3A_402[15] : i32 from vector<16xi32>
                %and3A_404 = arith.constant 15 : i32
                %and3A_405 = arith.andi %reduce_max3A_403, %and3A_404 : i32
                %ge3A_406 = arith.constant 16 : i32
                %ge3A_407 = arith.cmpi sge, %reduce_max3A_403, %ge3A_406 : i32
                %convert_element_type3A_408 = arith.extui %ge3A_407 : i1 to i32
                %cond3A_409 = arith.constant 0 : i32
                %cond3A_410 = arith.cmpi ne, %convert_element_type3A_408, %cond3A_409 : i32
                scf.if %cond3A_410 {
                  %dma_wait3A_461 = arith.constant 0 : i32
                  %dma_wait3A_462 = tpu.memref_slice %arg5[%dma_wait3A_461] : memref<1048576xf32, #tpu.memory_space<hbm>> -> memref<64xf32, #tpu.memory_space<hbm>>
                  %dma_wait3A_463 = arith.constant 0 : i32
                  %dma_wait3A_464 = tpu.memref_slice %arg5[%dma_wait3A_463] : memref<1048576xf32, #tpu.memory_space<hbm>> -> memref<64xf32, #tpu.memory_space<hbm>>
                  tpu.wait_dma2 semaphore(%arg17 : memref<!tpu.dma_semaphore, #tpu.memory_space<semaphore_mem>>) src(%dma_wait3A_464 : memref<64xf32, #tpu.memory_space<hbm>>) dst(%arg12 : memref<64xf32, #tpu.memory_space<vmem>>)
                } else {
                }
                %mul3A_411 = arith.constant 64 : i32
                %mul3A_412 = arith.muli %and3A_405, %mul3A_411 : i32
                %broadcast_in_dim3A_413 = vector.broadcast %mul3A_412 : i32 to vector<16xi32>
                %iota3A_414 = tpu.iota {dimensions = array<i32: 0>} : vector<16xi32>
                %add3A_415 = arith.constant 0 : i32
                %add3A_416 = vector.broadcast %add3A_415 : i32 to vector<16xi32>
                %add3A_417 = arith.addi %iota3A_414, %add3A_416 : vector<16xi32>
                %gather3A_418 = tpu.vector_load_idx %arg9[%sub3A_393, %add3A_417, %and3A_389] : memref<6x64x128xf32, #tpu.memory_space<vmem>>[vector<16xi32>, vector<16xi32>, vector<16xi32>], vector<16xf32>,
                %add3A_419 = arith.addi %broadcast_in_dim3A_413, %add3A_417 : vector<16xi32>
                tpu.vector_store_idx %arg11[%add3A_419], %gather3A_418 : memref<1024xf32, #tpu.memory_space<vmem>>[vector<16xi32>], vector<16xf32>,
                %iota3A_420 = tpu.iota {dimensions = array<i32: 0>} : vector<16xi32>
                %add3A_421 = arith.constant 16 : i32
                %add3A_422 = vector.broadcast %add3A_421 : i32 to vector<16xi32>
                %add3A_423 = arith.addi %iota3A_420, %add3A_422 : vector<16xi32>
                %gather3A_424 = tpu.vector_load_idx %arg9[%sub3A_393, %add3A_423, %and3A_389] : memref<6x64x128xf32, #tpu.memory_space<vmem>>[vector<16xi32>, vector<16xi32>, vector<16xi32>], vector<16xf32>,
                %add3A_425 = arith.addi %broadcast_in_dim3A_413, %add3A_423 : vector<16xi32>
                tpu.vector_store_idx %arg11[%add3A_425], %gather3A_424 : memref<1024xf32, #tpu.memory_space<vmem>>[vector<16xi32>], vector<16xf32>,
                %iota3A_426 = tpu.iota {dimensions = array<i32: 0>} : vector<16xi32>
                %add3A_427 = arith.constant 32 : i32
                %add3A_428 = vector.broadcast %add3A_427 : i32 to vector<16xi32>
                %add3A_429 = arith.addi %iota3A_426, %add3A_428 : vector<16xi32>
                %gather3A_430 = tpu.vector_load_idx %arg9[%sub3A_393, %add3A_429, %and3A_389] : memref<6x64x128xf32, #tpu.memory_space<vmem>>[vector<16xi32>, vector<16xi32>, vector<16xi32>], vector<16xf32>,
                %add3A_431 = arith.addi %broadcast_in_dim3A_413, %add3A_429 : vector<16xi32>
                tpu.vector_store_idx %arg11[%add3A_431], %gather3A_430 : memref<1024xf32, #tpu.memory_space<vmem>>[vector<16xi32>], vector<16xf32>,
                %iota3A_432 = tpu.iota {dimensions = array<i32: 0>} : vector<16xi32>
                %add3A_433 = arith.constant 48 : i32
                %add3A_434 = vector.broadcast %add3A_433 : i32 to vector<16xi32>
                %add3A_435 = arith.addi %iota3A_432, %add3A_434 : vector<16xi32>
                %gather3A_436 = tpu.vector_load_idx %arg9[%sub3A_393, %add3A_435, %and3A_389] : memref<6x64x128xf32, #tpu.memory_space<vmem>>[vector<16xi32>, vector<16xi32>, vector<16xi32>], vector<16xf32>,
                %add3A_437 = arith.addi %broadcast_in_dim3A_413, %add3A_435 : vector<16xi32>
                tpu.vector_store_idx %arg11[%add3A_437], %gather3A_436 : memref<1024xf32, #tpu.memory_space<vmem>>[vector<16xi32>], vector<16xf32>,
                %reduce_max3A_438 = arith.constant true
                %reduce_max3A_439 = vector.broadcast %reduce_max3A_438 : i1 to vector<16xi1>
                %reduce_max3A_440 = arith.constant -2147483648 : i32
                %reduce_max3A_441 = vector.broadcast %reduce_max3A_440 : i32 to vector<16xi32>
                %reduce_max3A_442 = arith.xori %and3A_383, %reduce_max3A_441 : vector<16xi32>
                %reduce_max3A_443 = tpu.scan <max>, %reduce_max3A_442 masked %reduce_max3A_439 : vector<16xi32>, vector<16xi1> -> vector<16xi32>
                %reduce_max3A_444 = arith.xori %reduce_max3A_443, %reduce_max3A_441 : vector<16xi32>
                %reduce_max3A_445 = vector.extract %reduce_max3A_444[15] : i32 from vector<16xi32>
                %mul3A_446 = arith.constant 64 : i32
                %mul3A_447 = arith.muli %and3A_405, %mul3A_446 : i32
                %mul3A_448 = arith.constant 64 : i32
                %mul3A_449 = arith.muli %reduce_max3A_445, %mul3A_448 : i32
                %dma_start3A = tpu.memref_slice %arg11[%mul3A_447] : memref<1024xf32, #tpu.memory_space<vmem>> -> memref<64xf32, #tpu.memory_space<vmem>>
                %dma_start3A_450 = tpu.memref_slice %arg5[%mul3A_449] : memref<1048576xf32, #tpu.memory_space<hbm>> -> memref<64xf32, #tpu.memory_space<hbm>>
                %dma_start3A_451 = tpu.memref_slice %arg5[%mul3A_449] : memref<1048576xf32, #tpu.memory_space<hbm>> -> memref<64xf32, #tpu.memory_space<hbm>>
                %dma_start3A_452 = tpu.memref_slice %arg11[%mul3A_447] : memref<1024xf32, #tpu.memory_space<vmem>> -> memref<64xf32, #tpu.memory_space<vmem>>
                tpu.enqueue_dma source(%dma_start3A_452 : memref<64xf32, #tpu.memory_space<vmem>>) target(%dma_start3A_451 : memref<64xf32, #tpu.memory_space<hbm>>) target_semaphore(%arg17 : memref<!tpu.dma_semaphore, #tpu.memory_space<semaphore_mem>>)
                %add3A_453 = arith.constant 1 : i32
                %add3A_454 = arith.addi %reduce_max3A_403, %add3A_453 : i32
                %broadcast_in_dim3A_455 = vector.broadcast %add3A_454 : i32 to vector<16xi32>
                %swap3A_456 = arith.constant 0 : index
                %swap3A_457 = tpu.vector_load %arg14[%swap3A_456] {strides = array<i32>} : memref<16xi32, #tpu.memory_space<vmem>>, vector<16xi32>,
                tpu.vector_store %arg14[%swap3A_456], %broadcast_in_dim3A_455 {strides = array<i32>} : memref<16xi32, #tpu.memory_space<vmem>>, vector<16xi32>,
                %iota3A_458 = tpu.iota {dimensions = array<i32: 0>} : vector<16xi32>
                %broadcast_in_dim3A_459 = vector.broadcast %reduce_max3A_378 : i32 to vector<16xi32>
                %ne3A = arith.cmpi ne, %iota3A_458, %broadcast_in_dim3A_459 : vector<16xi32>
                %and3A_460 = arith.andi %while3A_370, %ne3A : vector<16xi1>
                scf.yield %and3A_460 : vector<16xi1>
              }
            } else {
            }
            %reduce_or3A_341 = arith.constant 1.000000e+00 : f32
            %reduce_or3A_342 = arith.constant 0.000000e+00 : f32
            %reduce_or3A_343 = vector.broadcast %reduce_or3A_341 : f32 to vector<16xf32>
            %reduce_or3A_344 = vector.broadcast %reduce_or3A_342 : f32 to vector<16xf32>
            %reduce_or3A_345 = arith.select %and3A_284, %reduce_or3A_343, %reduce_or3A_344 : vector<16xi1>, vector<16xf32>
            %reduce_or3A_346 = arith.constant true
            %reduce_or3A_347 = vector.broadcast %reduce_or3A_346 : i1 to vector<16xi1>
            %reduce_or3A_348 = tpu.scan <max>, %reduce_or3A_345 masked %reduce_or3A_347 : vector<16xf32>, vector<16xi1> -> vector<16xf32>
            %reduce_or3A_349 = vector.extract %reduce_or3A_348[15] : f32 from vector<16xf32>
            %reduce_or3A_350 = arith.constant 0.000000e+00 : f32
            %reduce_or3A_351 = arith.cmpf ogt, %reduce_or3A_349, %reduce_or3A_350 : f32
            %convert_element_type3A_352 = arith.extui %reduce_or3A_351 : i1 to i32
            %cond3A_353 = arith.constant 0 : i32
            %cond3A_354 = arith.cmpi ne, %convert_element_type3A_352, %cond3A_353 : i32
            scf.if %cond3A_354 {
              %while3A_369 = scf.while (%while3A_370 = %and3A_284) : (vector<16xi1>) -> vector<16xi1> {
                %reduce_or3A_371 = arith.constant 1.000000e+00 : f32
                %reduce_or3A_372 = arith.constant 0.000000e+00 : f32
                %reduce_or3A_373 = vector.broadcast %reduce_or3A_371 : f32 to vector<16xf32>
                %reduce_or3A_374 = vector.broadcast %reduce_or3A_372 : f32 to vector<16xf32>
                %reduce_or3A_375 = arith.select %while3A_370, %reduce_or3A_373, %reduce_or3A_374 : vector<16xi1>, vector<16xf32>
                %reduce_or3A_376 = arith.constant true
                %reduce_or3A_377 = vector.broadcast %reduce_or3A_376 : i1 to vector<16xi1>
                %reduce_or3A_378 = tpu.scan <max>, %reduce_or3A_375 masked %reduce_or3A_377 : vector<16xf32>, vector<16xi1> -> vector<16xf32>
                %reduce_or3A_379 = vector.extract %reduce_or3A_378[15] : f32 from vector<16xf32>
                %reduce_or3A_380 = arith.constant 0.000000e+00 : f32
                %reduce_or3A_381 = arith.cmpf ogt, %reduce_or3A_379, %reduce_or3A_380 : f32
                scf.condition(%reduce_or3A_381) %while3A_370 : vector<16xi1>
              } do {
              ^bb0(%while3A_370: vector<16xi1>):
                %all_reduce_ffs3A = tpu.all_reduce %while3A_370 {dim = 0 : i64, kind = #tpu.reduction_kind<find_first_set>} : vector<16xi1> -> vector<16xi32>
                %reduce_max3A_371 = arith.constant true
                %reduce_max3A_372 = vector.broadcast %reduce_max3A_371 : i1 to vector<16xi1>
                %reduce_max3A_373 = arith.constant -2147483648 : i32
                %reduce_max3A_374 = vector.broadcast %reduce_max3A_373 : i32 to vector<16xi32>
                %reduce_max3A_375 = arith.xori %all_reduce_ffs3A, %reduce_max3A_374 : vector<16xi32>
                %reduce_max3A_376 = tpu.scan <max>, %reduce_max3A_375 masked %reduce_max3A_372 : vector<16xi32>, vector<16xi1> -> vector<16xi32>
                %reduce_max3A_377 = arith.xori %reduce_max3A_376, %reduce_max3A_374 : vector<16xi32>
                %reduce_max3A_378 = vector.extract %reduce_max3A_377[15] : i32 from vector<16xi32>
                %broadcast_in_dim3A_379 = vector.broadcast %reduce_max3A_378 : i32 to vector<16xi32>
                %reshape3A = vector.shape_cast %broadcast_in_dim3A_379 : vector<16xi32> to vector<16x1xi32>
                %gather3A = vector.shape_cast %reshape3A : vector<16x1xi32> to vector<16xi32>
                %gather3A_380 = tpu.dynamic_gather %get3A_278[%gather3A] in [0] : vector<16xi32>, vector<16xi32> -> vector<16xi32>
                %and3A_381 = arith.constant 16383 : i32
                %and3A_382 = vector.broadcast %and3A_381 : i32 to vector<16xi32>
                %and3A_383 = arith.andi %gather3A_380, %and3A_382 : vector<16xi32>
                %shift_right_logical3A_384 = arith.constant 14 : i32
                %shift_right_logical3A_385 = vector.broadcast %shift_right_logical3A_384 : i32 to vector<16xi32>
                %shift_right_logical3A_386 = arith.shrui %gather3A_380, %shift_right_logical3A_385 : vector<16xi32>
                %and3A_387 = arith.constant 127 : i32
                %and3A_388 = vector.broadcast %and3A_387 : i32 to vector<16xi32>
                %and3A_389 = arith.andi %shift_right_logical3A_386, %and3A_388 : vector<16xi32>
                %shift_right_logical3A_390 = arith.constant 21 : i32
                %shift_right_logical3A_391 = vector.broadcast %shift_right_logical3A_390 : i32 to vector<16xi32>
                %shift_right_logical3A_392 = arith.shrui %gather3A_380, %shift_right_logical3A_391 : vector<16xi32>
                %sub3A_393 = arith.subi %shift_right_logical3A_392, %broadcast_in_dim3A_224 : vector<16xi32>
                %get3A_394 = arith.constant 0 : index
                %get3A_395 = tpu.vector_load %arg14[%get3A_394] {strides = array<i32>} : memref<16xi32, #tpu.memory_space<vmem>>, vector<16xi32>,
                %reduce_max3A_396 = arith.constant true
                %reduce_max3A_397 = vector.broadcast %reduce_max3A_396 : i1 to vector<16xi1>
                %reduce_max3A_398 = arith.constant -2147483648 : i32
                %reduce_max3A_399 = vector.broadcast %reduce_max3A_398 : i32 to vector<16xi32>
                %reduce_max3A_400 = arith.xori %get3A_395, %reduce_max3A_399 : vector<16xi32>
                %reduce_max3A_401 = tpu.scan <max>, %reduce_max3A_400 masked %reduce_max3A_397 : vector<16xi32>, vector<16xi1> -> vector<16xi32>
                %reduce_max3A_402 = arith.xori %reduce_max3A_401, %reduce_max3A_399 : vector<16xi32>
                %reduce_max3A_403 = vector.extract %reduce_max3A_402[15] : i32 from vector<16xi32>
                %and3A_404 = arith.constant 15 : i32
                %and3A_405 = arith.andi %reduce_max3A_403, %and3A_404 : i32
                %ge3A_406 = arith.constant 16 : i32
                %ge3A_407 = arith.cmpi sge, %reduce_max3A_403, %ge3A_406 : i32
                %convert_element_type3A_408 = arith.extui %ge3A_407 : i1 to i32
                %cond3A_409 = arith.constant 0 : i32
                %cond3A_410 = arith.cmpi ne, %convert_element_type3A_408, %cond3A_409 : i32
                scf.if %cond3A_410 {
                  %dma_wait3A_461 = arith.constant 0 : i32
                  %dma_wait3A_462 = tpu.memref_slice %arg5[%dma_wait3A_461] : memref<1048576xf32, #tpu.memory_space<hbm>> -> memref<64xf32, #tpu.memory_space<hbm>>
                  %dma_wait3A_463 = arith.constant 0 : i32
                  %dma_wait3A_464 = tpu.memref_slice %arg5[%dma_wait3A_463] : memref<1048576xf32, #tpu.memory_space<hbm>> -> memref<64xf32, #tpu.memory_space<hbm>>
                  tpu.wait_dma2 semaphore(%arg17 : memref<!tpu.dma_semaphore, #tpu.memory_space<semaphore_mem>>) src(%dma_wait3A_464 : memref<64xf32, #tpu.memory_space<hbm>>) dst(%arg12 : memref<64xf32, #tpu.memory_space<vmem>>)
                } else {
                }
                %mul3A_411 = arith.constant 64 : i32
                %mul3A_412 = arith.muli %and3A_405, %mul3A_411 : i32
                %broadcast_in_dim3A_413 = vector.broadcast %mul3A_412 : i32 to vector<16xi32>
                %iota3A_414 = tpu.iota {dimensions = array<i32: 0>} : vector<16xi32>
                %add3A_415 = arith.constant 0 : i32
                %add3A_416 = vector.broadcast %add3A_415 : i32 to vector<16xi32>
                %add3A_417 = arith.addi %iota3A_414, %add3A_416 : vector<16xi32>
                %gather3A_418 = tpu.vector_load_idx %arg9[%sub3A_393, %add3A_417, %and3A_389] : memref<6x64x128xf32, #tpu.memory_space<vmem>>[vector<16xi32>, vector<16xi32>, vector<16xi32>], vector<16xf32>,
                %add3A_419 = arith.addi %broadcast_in_dim3A_413, %add3A_417 : vector<16xi32>
                tpu.vector_store_idx %arg11[%add3A_419], %gather3A_418 : memref<1024xf32, #tpu.memory_space<vmem>>[vector<16xi32>], vector<16xf32>,
                %iota3A_420 = tpu.iota {dimensions = array<i32: 0>} : vector<16xi32>
                %add3A_421 = arith.constant 16 : i32
                %add3A_422 = vector.broadcast %add3A_421 : i32 to vector<16xi32>
                %add3A_423 = arith.addi %iota3A_420, %add3A_422 : vector<16xi32>
                %gather3A_424 = tpu.vector_load_idx %arg9[%sub3A_393, %add3A_423, %and3A_389] : memref<6x64x128xf32, #tpu.memory_space<vmem>>[vector<16xi32>, vector<16xi32>, vector<16xi32>], vector<16xf32>,
                %add3A_425 = arith.addi %broadcast_in_dim3A_413, %add3A_423 : vector<16xi32>
                tpu.vector_store_idx %arg11[%add3A_425], %gather3A_424 : memref<1024xf32, #tpu.memory_space<vmem>>[vector<16xi32>], vector<16xf32>,
                %iota3A_426 = tpu.iota {dimensions = array<i32: 0>} : vector<16xi32>
                %add3A_427 = arith.constant 32 : i32
                %add3A_428 = vector.broadcast %add3A_427 : i32 to vector<16xi32>
                %add3A_429 = arith.addi %iota3A_426, %add3A_428 : vector<16xi32>
                %gather3A_430 = tpu.vector_load_idx %arg9[%sub3A_393, %add3A_429, %and3A_389] : memref<6x64x128xf32, #tpu.memory_space<vmem>>[vector<16xi32>, vector<16xi32>, vector<16xi32>], vector<16xf32>,
                %add3A_431 = arith.addi %broadcast_in_dim3A_413, %add3A_429 : vector<16xi32>
                tpu.vector_store_idx %arg11[%add3A_431], %gather3A_430 : memref<1024xf32, #tpu.memory_space<vmem>>[vector<16xi32>], vector<16xf32>,
                %iota3A_432 = tpu.iota {dimensions = array<i32: 0>} : vector<16xi32>
                %add3A_433 = arith.constant 48 : i32
                %add3A_434 = vector.broadcast %add3A_433 : i32 to vector<16xi32>
                %add3A_435 = arith.addi %iota3A_432, %add3A_434 : vector<16xi32>
                %gather3A_436 = tpu.vector_load_idx %arg9[%sub3A_393, %add3A_435, %and3A_389] : memref<6x64x128xf32, #tpu.memory_space<vmem>>[vector<16xi32>, vector<16xi32>, vector<16xi32>], vector<16xf32>,
                %add3A_437 = arith.addi %broadcast_in_dim3A_413, %add3A_435 : vector<16xi32>
                tpu.vector_store_idx %arg11[%add3A_437], %gather3A_436 : memref<1024xf32, #tpu.memory_space<vmem>>[vector<16xi32>], vector<16xf32>,
                %reduce_max3A_438 = arith.constant true
                %reduce_max3A_439 = vector.broadcast %reduce_max3A_438 : i1 to vector<16xi1>
                %reduce_max3A_440 = arith.constant -2147483648 : i32
                %reduce_max3A_441 = vector.broadcast %reduce_max3A_440 : i32 to vector<16xi32>
                %reduce_max3A_442 = arith.xori %and3A_383, %reduce_max3A_441 : vector<16xi32>
                %reduce_max3A_443 = tpu.scan <max>, %reduce_max3A_442 masked %reduce_max3A_439 : vector<16xi32>, vector<16xi1> -> vector<16xi32>
                %reduce_max3A_444 = arith.xori %reduce_max3A_443, %reduce_max3A_441 : vector<16xi32>
                %reduce_max3A_445 = vector.extract %reduce_max3A_444[15] : i32 from vector<16xi32>
                %mul3A_446 = arith.constant 64 : i32
                %mul3A_447 = arith.muli %and3A_405, %mul3A_446 : i32
                %mul3A_448 = arith.constant 64 : i32
                %mul3A_449 = arith.muli %reduce_max3A_445, %mul3A_448 : i32
                %dma_start3A = tpu.memref_slice %arg11[%mul3A_447] : memref<1024xf32, #tpu.memory_space<vmem>> -> memref<64xf32, #tpu.memory_space<vmem>>
                %dma_start3A_450 = tpu.memref_slice %arg5[%mul3A_449] : memref<1048576xf32, #tpu.memory_space<hbm>> -> memref<64xf32, #tpu.memory_space<hbm>>
                %dma_start3A_451 = tpu.memref_slice %arg5[%mul3A_449] : memref<1048576xf32, #tpu.memory_space<hbm>> -> memref<64xf32, #tpu.memory_space<hbm>>
                %dma_start3A_452 = tpu.memref_slice %arg11[%mul3A_447] : memref<1024xf32, #tpu.memory_space<vmem>> -> memref<64xf32, #tpu.memory_space<vmem>>
                tpu.enqueue_dma source(%dma_start3A_452 : memref<64xf32, #tpu.memory_space<vmem>>) target(%dma_start3A_451 : memref<64xf32, #tpu.memory_space<hbm>>) target_semaphore(%arg17 : memref<!tpu.dma_semaphore, #tpu.memory_space<semaphore_mem>>)
                %add3A_453 = arith.constant 1 : i32
                %add3A_454 = arith.addi %reduce_max3A_403, %add3A_453 : i32
                %broadcast_in_dim3A_455 = vector.broadcast %add3A_454 : i32 to vector<16xi32>
                %swap3A_456 = arith.constant 0 : index
                %swap3A_457 = tpu.vector_load %arg14[%swap3A_456] {strides = array<i32>} : memref<16xi32, #tpu.memory_space<vmem>>, vector<16xi32>,
                tpu.vector_store %arg14[%swap3A_456], %broadcast_in_dim3A_455 {strides = array<i32>} : memref<16xi32, #tpu.memory_space<vmem>>, vector<16xi32>,
                %iota3A_458 = tpu.iota {dimensions = array<i32: 0>} : vector<16xi32>
                %broadcast_in_dim3A_459 = vector.broadcast %reduce_max3A_378 : i32 to vector<16xi32>
                %ne3A = arith.cmpi ne, %iota3A_458, %broadcast_in_dim3A_459 : vector<16xi32>
                %and3A_460 = arith.andi %while3A_370, %ne3A : vector<16xi1>
                scf.yield %and3A_460 : vector<16xi1>
              }
            } else {
            }
            %reduce_or3A_355 = arith.constant 1.000000e+00 : f32
            %reduce_or3A_356 = arith.constant 0.000000e+00 : f32
            %reduce_or3A_357 = vector.broadcast %reduce_or3A_355 : f32 to vector<16xf32>
            %reduce_or3A_358 = vector.broadcast %reduce_or3A_356 : f32 to vector<16xf32>
            %reduce_or3A_359 = arith.select %and3A_296, %reduce_or3A_357, %reduce_or3A_358 : vector<16xi1>, vector<16xf32>
            %reduce_or3A_360 = arith.constant true
            %reduce_or3A_361 = vector.broadcast %reduce_or3A_360 : i1 to vector<16xi1>
            %reduce_or3A_362 = tpu.scan <max>, %reduce_or3A_359 masked %reduce_or3A_361 : vector<16xf32>, vector<16xi1> -> vector<16xf32>
            %reduce_or3A_363 = vector.extract %reduce_or3A_362[15] : f32 from vector<16xf32>
            %reduce_or3A_364 = arith.constant 0.000000e+00 : f32
            %reduce_or3A_365 = arith.cmpf ogt, %reduce_or3A_363, %reduce_or3A_364 : f32
            %convert_element_type3A_366 = arith.extui %reduce_or3A_365 : i1 to i32
            %cond3A_367 = arith.constant 0 : i32
            %cond3A_368 = arith.cmpi ne, %convert_element_type3A_366, %cond3A_367 : i32
            scf.if %cond3A_368 {
              %while3A_369 = scf.while (%while3A_370 = %and3A_296) : (vector<16xi1>) -> vector<16xi1> {
                %reduce_or3A_371 = arith.constant 1.000000e+00 : f32
                %reduce_or3A_372 = arith.constant 0.000000e+00 : f32
                %reduce_or3A_373 = vector.broadcast %reduce_or3A_371 : f32 to vector<16xf32>
                %reduce_or3A_374 = vector.broadcast %reduce_or3A_372 : f32 to vector<16xf32>
                %reduce_or3A_375 = arith.select %while3A_370, %reduce_or3A_373, %reduce_or3A_374 : vector<16xi1>, vector<16xf32>
                %reduce_or3A_376 = arith.constant true
                %reduce_or3A_377 = vector.broadcast %reduce_or3A_376 : i1 to vector<16xi1>
                %reduce_or3A_378 = tpu.scan <max>, %reduce_or3A_375 masked %reduce_or3A_377 : vector<16xf32>, vector<16xi1> -> vector<16xf32>
                %reduce_or3A_379 = vector.extract %reduce_or3A_378[15] : f32 from vector<16xf32>
                %reduce_or3A_380 = arith.constant 0.000000e+00 : f32
                %reduce_or3A_381 = arith.cmpf ogt, %reduce_or3A_379, %reduce_or3A_380 : f32
                scf.condition(%reduce_or3A_381) %while3A_370 : vector<16xi1>
              } do {
              ^bb0(%while3A_370: vector<16xi1>):
                %all_reduce_ffs3A = tpu.all_reduce %while3A_370 {dim = 0 : i64, kind = #tpu.reduction_kind<find_first_set>} : vector<16xi1> -> vector<16xi32>
                %reduce_max3A_371 = arith.constant true
                %reduce_max3A_372 = vector.broadcast %reduce_max3A_371 : i1 to vector<16xi1>
                %reduce_max3A_373 = arith.constant -2147483648 : i32
                %reduce_max3A_374 = vector.broadcast %reduce_max3A_373 : i32 to vector<16xi32>
                %reduce_max3A_375 = arith.xori %all_reduce_ffs3A, %reduce_max3A_374 : vector<16xi32>
                %reduce_max3A_376 = tpu.scan <max>, %reduce_max3A_375 masked %reduce_max3A_372 : vector<16xi32>, vector<16xi1> -> vector<16xi32>
                %reduce_max3A_377 = arith.xori %reduce_max3A_376, %reduce_max3A_374 : vector<16xi32>
                %reduce_max3A_378 = vector.extract %reduce_max3A_377[15] : i32 from vector<16xi32>
                %broadcast_in_dim3A_379 = vector.broadcast %reduce_max3A_378 : i32 to vector<16xi32>
                %reshape3A = vector.shape_cast %broadcast_in_dim3A_379 : vector<16xi32> to vector<16x1xi32>
                %gather3A = vector.shape_cast %reshape3A : vector<16x1xi32> to vector<16xi32>
                %gather3A_380 = tpu.dynamic_gather %get3A_290[%gather3A] in [0] : vector<16xi32>, vector<16xi32> -> vector<16xi32>
                %and3A_381 = arith.constant 16383 : i32
                %and3A_382 = vector.broadcast %and3A_381 : i32 to vector<16xi32>
                %and3A_383 = arith.andi %gather3A_380, %and3A_382 : vector<16xi32>
                %shift_right_logical3A_384 = arith.constant 14 : i32
                %shift_right_logical3A_385 = vector.broadcast %shift_right_logical3A_384 : i32 to vector<16xi32>
                %shift_right_logical3A_386 = arith.shrui %gather3A_380, %shift_right_logical3A_385 : vector<16xi32>
                %and3A_387 = arith.constant 127 : i32
                %and3A_388 = vector.broadcast %and3A_387 : i32 to vector<16xi32>
                %and3A_389 = arith.andi %shift_right_logical3A_386, %and3A_388 : vector<16xi32>
                %shift_right_logical3A_390 = arith.constant 21 : i32
                %shift_right_logical3A_391 = vector.broadcast %shift_right_logical3A_390 : i32 to vector<16xi32>
                %shift_right_logical3A_392 = arith.shrui %gather3A_380, %shift_right_logical3A_391 : vector<16xi32>
                %sub3A_393 = arith.subi %shift_right_logical3A_392, %broadcast_in_dim3A_224 : vector<16xi32>
                %get3A_394 = arith.constant 0 : index
                %get3A_395 = tpu.vector_load %arg14[%get3A_394] {strides = array<i32>} : memref<16xi32, #tpu.memory_space<vmem>>, vector<16xi32>,
                %reduce_max3A_396 = arith.constant true
                %reduce_max3A_397 = vector.broadcast %reduce_max3A_396 : i1 to vector<16xi1>
                %reduce_max3A_398 = arith.constant -2147483648 : i32
                %reduce_max3A_399 = vector.broadcast %reduce_max3A_398 : i32 to vector<16xi32>
                %reduce_max3A_400 = arith.xori %get3A_395, %reduce_max3A_399 : vector<16xi32>
                %reduce_max3A_401 = tpu.scan <max>, %reduce_max3A_400 masked %reduce_max3A_397 : vector<16xi32>, vector<16xi1> -> vector<16xi32>
                %reduce_max3A_402 = arith.xori %reduce_max3A_401, %reduce_max3A_399 : vector<16xi32>
                %reduce_max3A_403 = vector.extract %reduce_max3A_402[15] : i32 from vector<16xi32>
                %and3A_404 = arith.constant 15 : i32
                %and3A_405 = arith.andi %reduce_max3A_403, %and3A_404 : i32
                %ge3A_406 = arith.constant 16 : i32
                %ge3A_407 = arith.cmpi sge, %reduce_max3A_403, %ge3A_406 : i32
                %convert_element_type3A_408 = arith.extui %ge3A_407 : i1 to i32
                %cond3A_409 = arith.constant 0 : i32
                %cond3A_410 = arith.cmpi ne, %convert_element_type3A_408, %cond3A_409 : i32
                scf.if %cond3A_410 {
                  %dma_wait3A_461 = arith.constant 0 : i32
                  %dma_wait3A_462 = tpu.memref_slice %arg5[%dma_wait3A_461] : memref<1048576xf32, #tpu.memory_space<hbm>> -> memref<64xf32, #tpu.memory_space<hbm>>
                  %dma_wait3A_463 = arith.constant 0 : i32
                  %dma_wait3A_464 = tpu.memref_slice %arg5[%dma_wait3A_463] : memref<1048576xf32, #tpu.memory_space<hbm>> -> memref<64xf32, #tpu.memory_space<hbm>>
                  tpu.wait_dma2 semaphore(%arg17 : memref<!tpu.dma_semaphore, #tpu.memory_space<semaphore_mem>>) src(%dma_wait3A_464 : memref<64xf32, #tpu.memory_space<hbm>>) dst(%arg12 : memref<64xf32, #tpu.memory_space<vmem>>)
                } else {
                }
                %mul3A_411 = arith.constant 64 : i32
                %mul3A_412 = arith.muli %and3A_405, %mul3A_411 : i32
                %broadcast_in_dim3A_413 = vector.broadcast %mul3A_412 : i32 to vector<16xi32>
                %iota3A_414 = tpu.iota {dimensions = array<i32: 0>} : vector<16xi32>
                %add3A_415 = arith.constant 0 : i32
                %add3A_416 = vector.broadcast %add3A_415 : i32 to vector<16xi32>
                %add3A_417 = arith.addi %iota3A_414, %add3A_416 : vector<16xi32>
                %gather3A_418 = tpu.vector_load_idx %arg9[%sub3A_393, %add3A_417, %and3A_389] : memref<6x64x128xf32, #tpu.memory_space<vmem>>[vector<16xi32>, vector<16xi32>, vector<16xi32>], vector<16xf32>,
                %add3A_419 = arith.addi %broadcast_in_dim3A_413, %add3A_417 : vector<16xi32>
                tpu.vector_store_idx %arg11[%add3A_419], %gather3A_418 : memref<1024xf32, #tpu.memory_space<vmem>>[vector<16xi32>], vector<16xf32>,
                %iota3A_420 = tpu.iota {dimensions = array<i32: 0>} : vector<16xi32>
                %add3A_421 = arith.constant 16 : i32
                %add3A_422 = vector.broadcast %add3A_421 : i32 to vector<16xi32>
                %add3A_423 = arith.addi %iota3A_420, %add3A_422 : vector<16xi32>
                %gather3A_424 = tpu.vector_load_idx %arg9[%sub3A_393, %add3A_423, %and3A_389] : memref<6x64x128xf32, #tpu.memory_space<vmem>>[vector<16xi32>, vector<16xi32>, vector<16xi32>], vector<16xf32>,
                %add3A_425 = arith.addi %broadcast_in_dim3A_413, %add3A_423 : vector<16xi32>
                tpu.vector_store_idx %arg11[%add3A_425], %gather3A_424 : memref<1024xf32, #tpu.memory_space<vmem>>[vector<16xi32>], vector<16xf32>,
                %iota3A_426 = tpu.iota {dimensions = array<i32: 0>} : vector<16xi32>
                %add3A_427 = arith.constant 32 : i32
                %add3A_428 = vector.broadcast %add3A_427 : i32 to vector<16xi32>
                %add3A_429 = arith.addi %iota3A_426, %add3A_428 : vector<16xi32>
                %gather3A_430 = tpu.vector_load_idx %arg9[%sub3A_393, %add3A_429, %and3A_389] : memref<6x64x128xf32, #tpu.memory_space<vmem>>[vector<16xi32>, vector<16xi32>, vector<16xi32>], vector<16xf32>,
                %add3A_431 = arith.addi %broadcast_in_dim3A_413, %add3A_429 : vector<16xi32>
                tpu.vector_store_idx %arg11[%add3A_431], %gather3A_430 : memref<1024xf32, #tpu.memory_space<vmem>>[vector<16xi32>], vector<16xf32>,
                %iota3A_432 = tpu.iota {dimensions = array<i32: 0>} : vector<16xi32>
                %add3A_433 = arith.constant 48 : i32
                %add3A_434 = vector.broadcast %add3A_433 : i32 to vector<16xi32>
                %add3A_435 = arith.addi %iota3A_432, %add3A_434 : vector<16xi32>
                %gather3A_436 = tpu.vector_load_idx %arg9[%sub3A_393, %add3A_435, %and3A_389] : memref<6x64x128xf32, #tpu.memory_space<vmem>>[vector<16xi32>, vector<16xi32>, vector<16xi32>], vector<16xf32>,
                %add3A_437 = arith.addi %broadcast_in_dim3A_413, %add3A_435 : vector<16xi32>
                tpu.vector_store_idx %arg11[%add3A_437], %gather3A_436 : memref<1024xf32, #tpu.memory_space<vmem>>[vector<16xi32>], vector<16xf32>,
                %reduce_max3A_438 = arith.constant true
                %reduce_max3A_439 = vector.broadcast %reduce_max3A_438 : i1 to vector<16xi1>
                %reduce_max3A_440 = arith.constant -2147483648 : i32
                %reduce_max3A_441 = vector.broadcast %reduce_max3A_440 : i32 to vector<16xi32>
                %reduce_max3A_442 = arith.xori %and3A_383, %reduce_max3A_441 : vector<16xi32>
                %reduce_max3A_443 = tpu.scan <max>, %reduce_max3A_442 masked %reduce_max3A_439 : vector<16xi32>, vector<16xi1> -> vector<16xi32>
                %reduce_max3A_444 = arith.xori %reduce_max3A_443, %reduce_max3A_441 : vector<16xi32>
                %reduce_max3A_445 = vector.extract %reduce_max3A_444[15] : i32 from vector<16xi32>
                %mul3A_446 = arith.constant 64 : i32
                %mul3A_447 = arith.muli %and3A_405, %mul3A_446 : i32
                %mul3A_448 = arith.constant 64 : i32
                %mul3A_449 = arith.muli %reduce_max3A_445, %mul3A_448 : i32
                %dma_start3A = tpu.memref_slice %arg11[%mul3A_447] : memref<1024xf32, #tpu.memory_space<vmem>> -> memref<64xf32, #tpu.memory_space<vmem>>
                %dma_start3A_450 = tpu.memref_slice %arg5[%mul3A_449] : memref<1048576xf32, #tpu.memory_space<hbm>> -> memref<64xf32, #tpu.memory_space<hbm>>
                %dma_start3A_451 = tpu.memref_slice %arg5[%mul3A_449] : memref<1048576xf32, #tpu.memory_space<hbm>> -> memref<64xf32, #tpu.memory_space<hbm>>
                %dma_start3A_452 = tpu.memref_slice %arg11[%mul3A_447] : memref<1024xf32, #tpu.memory_space<vmem>> -> memref<64xf32, #tpu.memory_space<vmem>>
                tpu.enqueue_dma source(%dma_start3A_452 : memref<64xf32, #tpu.memory_space<vmem>>) target(%dma_start3A_451 : memref<64xf32, #tpu.memory_space<hbm>>) target_semaphore(%arg17 : memref<!tpu.dma_semaphore, #tpu.memory_space<semaphore_mem>>)
                %add3A_453 = arith.constant 1 : i32
                %add3A_454 = arith.addi %reduce_max3A_403, %add3A_453 : i32
                %broadcast_in_dim3A_455 = vector.broadcast %add3A_454 : i32 to vector<16xi32>
                %swap3A_456 = arith.constant 0 : index
                %swap3A_457 = tpu.vector_load %arg14[%swap3A_456] {strides = array<i32>} : memref<16xi32, #tpu.memory_space<vmem>>, vector<16xi32>,
                tpu.vector_store %arg14[%swap3A_456], %broadcast_in_dim3A_455 {strides = array<i32>} : memref<16xi32, #tpu.memory_space<vmem>>, vector<16xi32>,
                %iota3A_458 = tpu.iota {dimensions = array<i32: 0>} : vector<16xi32>
                %broadcast_in_dim3A_459 = vector.broadcast %reduce_max3A_378 : i32 to vector<16xi32>
                %ne3A = arith.cmpi ne, %iota3A_458, %broadcast_in_dim3A_459 : vector<16xi32>
                %and3A_460 = arith.andi %while3A_370, %ne3A : vector<16xi1>
                scf.yield %and3A_460 : vector<16xi1>
              }
            } else {
            }
          } else {
          }
          %while3A_312 = arith.constant 0 : i32
          scf.yield %while3A_312 : i32
        }
        %while3A_242 = arith.constant 1 : i32
        %while3A_243 = scf.for %while3A_250 = %while3A_239 to %while3A_235 step %while3A_242 iter_args(%while3A_251 = %while3A_241) -> (i32)  : i32 {
          %mul3A_252 = arith.constant 64 : i32
          %mul3A_253 = arith.muli %while3A_250, %mul3A_252 : i32
          %add3A_254 = arith.constant 0 : i32
          %add3A_255 = arith.addi %mul3A_253, %add3A_254 : i32
          %get3A_256 = arith.index_cast %add3A_255 : i32 to index
          %get3A_257 = tpu.vector_load %arg7[%get3A_256] {strides = array<i32>} : memref<16480xi32, #tpu.memory_space<vmem>>, vector<16xi32>,
          %shift_right_logical3A = arith.constant 21 : i32
          %shift_right_logical3A_258 = vector.broadcast %shift_right_logical3A : i32 to vector<16xi32>
          %shift_right_logical3A_259 = arith.shrui %get3A_257, %shift_right_logical3A_258 : vector<16xi32>
          %ge3A = arith.cmpi sge, %shift_right_logical3A_259, %broadcast_in_dim3A_224 : vector<16xi32>
          %lt3A_260 = arith.cmpi slt, %shift_right_logical3A_259, %broadcast_in_dim3A_227 : vector<16xi32>
          %and3A = arith.andi %ge3A, %lt3A_260 : vector<16xi1>
          %mul3A_261 = arith.constant 64 : i32
          %mul3A_262 = arith.muli %while3A_250, %mul3A_261 : i32
          %add3A_263 = arith.constant 16 : i32
          %add3A_264 = arith.addi %mul3A_262, %add3A_263 : i32
          %get3A_265 = arith.index_cast %add3A_264 : i32 to index
          %get3A_266 = tpu.vector_load %arg7[%get3A_265] {strides = array<i32>} : memref<16480xi32, #tpu.memory_space<vmem>>, vector<16xi32>,
          %shift_right_logical3A_267 = arith.constant 21 : i32
          %shift_right_logical3A_268 = vector.broadcast %shift_right_logical3A_267 : i32 to vector<16xi32>
          %shift_right_logical3A_269 = arith.shrui %get3A_266, %shift_right_logical3A_268 : vector<16xi32>
          %ge3A_270 = arith.cmpi sge, %shift_right_logical3A_269, %broadcast_in_dim3A_224 : vector<16xi32>
          %lt3A_271 = arith.cmpi slt, %shift_right_logical3A_269, %broadcast_in_dim3A_227 : vector<16xi32>
          %and3A_272 = arith.andi %ge3A_270, %lt3A_271 : vector<16xi1>
          %mul3A_273 = arith.constant 64 : i32
          %mul3A_274 = arith.muli %while3A_250, %mul3A_273 : i32
          %add3A_275 = arith.constant 32 : i32
          %add3A_276 = arith.addi %mul3A_274, %add3A_275 : i32
          %get3A_277 = arith.index_cast %add3A_276 : i32 to index
          %get3A_278 = tpu.vector_load %arg7[%get3A_277] {strides = array<i32>} : memref<16480xi32, #tpu.memory_space<vmem>>, vector<16xi32>,
          %shift_right_logical3A_279 = arith.constant 21 : i32
          %shift_right_logical3A_280 = vector.broadcast %shift_right_logical3A_279 : i32 to vector<16xi32>
          %shift_right_logical3A_281 = arith.shrui %get3A_278, %shift_right_logical3A_280 : vector<16xi32>
          %ge3A_282 = arith.cmpi sge, %shift_right_logical3A_281, %broadcast_in_dim3A_224 : vector<16xi32>
          %lt3A_283 = arith.cmpi slt, %shift_right_logical3A_281, %broadcast_in_dim3A_227 : vector<16xi32>
          %and3A_284 = arith.andi %ge3A_282, %lt3A_283 : vector<16xi1>
          %mul3A_285 = arith.constant 64 : i32
          %mul3A_286 = arith.muli %while3A_250, %mul3A_285 : i32
          %add3A_287 = arith.constant 48 : i32
          %add3A_288 = arith.addi %mul3A_286, %add3A_287 : i32
          %get3A_289 = arith.index_cast %add3A_288 : i32 to index
          %get3A_290 = tpu.vector_load %arg7[%get3A_289] {strides = array<i32>} : memref<16480xi32, #tpu.memory_space<vmem>>, vector<16xi32>,
          %shift_right_logical3A_291 = arith.constant 21 : i32
          %shift_right_logical3A_292 = vector.broadcast %shift_right_logical3A_291 : i32 to vector<16xi32>
          %shift_right_logical3A_293 = arith.shrui %get3A_290, %shift_right_logical3A_292 : vector<16xi32>
          %ge3A_294 = arith.cmpi sge, %shift_right_logical3A_293, %broadcast_in_dim3A_224 : vector<16xi32>
          %lt3A_295 = arith.cmpi slt, %shift_right_logical3A_293, %broadcast_in_dim3A_227 : vector<16xi32>
          %and3A_296 = arith.andi %ge3A_294, %lt3A_295 : vector<16xi1>
          %or3A = arith.ori %and3A, %and3A_272 : vector<16xi1>
          %or3A_297 = arith.ori %and3A_284, %and3A_296 : vector<16xi1>
          %or3A_298 = arith.ori %or3A, %or3A_297 : vector<16xi1>
          %reduce_or3A = arith.constant 1.000000e+00 : f32
          %reduce_or3A_299 = arith.constant 0.000000e+00 : f32
          %reduce_or3A_300 = vector.broadcast %reduce_or3A : f32 to vector<16xf32>
          %reduce_or3A_301 = vector.broadcast %reduce_or3A_299 : f32 to vector<16xf32>
          %reduce_or3A_302 = arith.select %or3A_298, %reduce_or3A_300, %reduce_or3A_301 : vector<16xi1>, vector<16xf32>
          %reduce_or3A_303 = arith.constant true
          %reduce_or3A_304 = vector.broadcast %reduce_or3A_303 : i1 to vector<16xi1>
          %reduce_or3A_305 = tpu.scan <max>, %reduce_or3A_302 masked %reduce_or3A_304 : vector<16xf32>, vector<16xi1> -> vector<16xf32>
          %reduce_or3A_306 = vector.extract %reduce_or3A_305[15] : f32 from vector<16xf32>
          %reduce_or3A_307 = arith.constant 0.000000e+00 : f32
          %reduce_or3A_308 = arith.cmpf ogt, %reduce_or3A_306, %reduce_or3A_307 : f32
          %convert_element_type3A_309 = arith.extui %reduce_or3A_308 : i1 to i32
          %cond3A_310 = arith.constant 0 : i32
          %cond3A_311 = arith.cmpi ne, %convert_element_type3A_309, %cond3A_310 : i32
          scf.if %cond3A_311 {
            %reduce_or3A_313 = arith.constant 1.000000e+00 : f32
            %reduce_or3A_314 = arith.constant 0.000000e+00 : f32
            %reduce_or3A_315 = vector.broadcast %reduce_or3A_313 : f32 to vector<16xf32>
            %reduce_or3A_316 = vector.broadcast %reduce_or3A_314 : f32 to vector<16xf32>
            %reduce_or3A_317 = arith.select %and3A, %reduce_or3A_315, %reduce_or3A_316 : vector<16xi1>, vector<16xf32>
            %reduce_or3A_318 = arith.constant true
            %reduce_or3A_319 = vector.broadcast %reduce_or3A_318 : i1 to vector<16xi1>
            %reduce_or3A_320 = tpu.scan <max>, %reduce_or3A_317 masked %reduce_or3A_319 : vector<16xf32>, vector<16xi1> -> vector<16xf32>
            %reduce_or3A_321 = vector.extract %reduce_or3A_320[15] : f32 from vector<16xf32>
            %reduce_or3A_322 = arith.constant 0.000000e+00 : f32
            %reduce_or3A_323 = arith.cmpf ogt, %reduce_or3A_321, %reduce_or3A_322 : f32
            %convert_element_type3A_324 = arith.extui %reduce_or3A_323 : i1 to i32
            %cond3A_325 = arith.constant 0 : i32
            %cond3A_326 = arith.cmpi ne, %convert_element_type3A_324, %cond3A_325 : i32
            scf.if %cond3A_326 {
              %while3A_369 = scf.while (%while3A_370 = %and3A) : (vector<16xi1>) -> vector<16xi1> {
                %reduce_or3A_371 = arith.constant 1.000000e+00 : f32
                %reduce_or3A_372 = arith.constant 0.000000e+00 : f32
                %reduce_or3A_373 = vector.broadcast %reduce_or3A_371 : f32 to vector<16xf32>
                %reduce_or3A_374 = vector.broadcast %reduce_or3A_372 : f32 to vector<16xf32>
                %reduce_or3A_375 = arith.select %while3A_370, %reduce_or3A_373, %reduce_or3A_374 : vector<16xi1>, vector<16xf32>
                %reduce_or3A_376 = arith.constant true
                %reduce_or3A_377 = vector.broadcast %reduce_or3A_376 : i1 to vector<16xi1>
                %reduce_or3A_378 = tpu.scan <max>, %reduce_or3A_375 masked %reduce_or3A_377 : vector<16xf32>, vector<16xi1> -> vector<16xf32>
                %reduce_or3A_379 = vector.extract %reduce_or3A_378[15] : f32 from vector<16xf32>
                %reduce_or3A_380 = arith.constant 0.000000e+00 : f32
                %reduce_or3A_381 = arith.cmpf ogt, %reduce_or3A_379, %reduce_or3A_380 : f32
                scf.condition(%reduce_or3A_381) %while3A_370 : vector<16xi1>
              } do {
              ^bb0(%while3A_370: vector<16xi1>):
                %all_reduce_ffs3A = tpu.all_reduce %while3A_370 {dim = 0 : i64, kind = #tpu.reduction_kind<find_first_set>} : vector<16xi1> -> vector<16xi32>
                %reduce_max3A_371 = arith.constant true
                %reduce_max3A_372 = vector.broadcast %reduce_max3A_371 : i1 to vector<16xi1>
                %reduce_max3A_373 = arith.constant -2147483648 : i32
                %reduce_max3A_374 = vector.broadcast %reduce_max3A_373 : i32 to vector<16xi32>
                %reduce_max3A_375 = arith.xori %all_reduce_ffs3A, %reduce_max3A_374 : vector<16xi32>
                %reduce_max3A_376 = tpu.scan <max>, %reduce_max3A_375 masked %reduce_max3A_372 : vector<16xi32>, vector<16xi1> -> vector<16xi32>
                %reduce_max3A_377 = arith.xori %reduce_max3A_376, %reduce_max3A_374 : vector<16xi32>
                %reduce_max3A_378 = vector.extract %reduce_max3A_377[15] : i32 from vector<16xi32>
                %broadcast_in_dim3A_379 = vector.broadcast %reduce_max3A_378 : i32 to vector<16xi32>
                %reshape3A = vector.shape_cast %broadcast_in_dim3A_379 : vector<16xi32> to vector<16x1xi32>
                %gather3A = vector.shape_cast %reshape3A : vector<16x1xi32> to vector<16xi32>
                %gather3A_380 = tpu.dynamic_gather %get3A_257[%gather3A] in [0] : vector<16xi32>, vector<16xi32> -> vector<16xi32>
                %and3A_381 = arith.constant 16383 : i32
                %and3A_382 = vector.broadcast %and3A_381 : i32 to vector<16xi32>
                %and3A_383 = arith.andi %gather3A_380, %and3A_382 : vector<16xi32>
                %shift_right_logical3A_384 = arith.constant 14 : i32
                %shift_right_logical3A_385 = vector.broadcast %shift_right_logical3A_384 : i32 to vector<16xi32>
                %shift_right_logical3A_386 = arith.shrui %gather3A_380, %shift_right_logical3A_385 : vector<16xi32>
                %and3A_387 = arith.constant 127 : i32
                %and3A_388 = vector.broadcast %and3A_387 : i32 to vector<16xi32>
                %and3A_389 = arith.andi %shift_right_logical3A_386, %and3A_388 : vector<16xi32>
                %shift_right_logical3A_390 = arith.constant 21 : i32
                %shift_right_logical3A_391 = vector.broadcast %shift_right_logical3A_390 : i32 to vector<16xi32>
                %shift_right_logical3A_392 = arith.shrui %gather3A_380, %shift_right_logical3A_391 : vector<16xi32>
                %sub3A_393 = arith.subi %shift_right_logical3A_392, %broadcast_in_dim3A_224 : vector<16xi32>
                %get3A_394 = arith.constant 0 : index
                %get3A_395 = tpu.vector_load %arg14[%get3A_394] {strides = array<i32>} : memref<16xi32, #tpu.memory_space<vmem>>, vector<16xi32>,
                %reduce_max3A_396 = arith.constant true
                %reduce_max3A_397 = vector.broadcast %reduce_max3A_396 : i1 to vector<16xi1>
                %reduce_max3A_398 = arith.constant -2147483648 : i32
                %reduce_max3A_399 = vector.broadcast %reduce_max3A_398 : i32 to vector<16xi32>
                %reduce_max3A_400 = arith.xori %get3A_395, %reduce_max3A_399 : vector<16xi32>
                %reduce_max3A_401 = tpu.scan <max>, %reduce_max3A_400 masked %reduce_max3A_397 : vector<16xi32>, vector<16xi1> -> vector<16xi32>
                %reduce_max3A_402 = arith.xori %reduce_max3A_401, %reduce_max3A_399 : vector<16xi32>
                %reduce_max3A_403 = vector.extract %reduce_max3A_402[15] : i32 from vector<16xi32>
                %and3A_404 = arith.constant 15 : i32
                %and3A_405 = arith.andi %reduce_max3A_403, %and3A_404 : i32
                %ge3A_406 = arith.constant 16 : i32
                %ge3A_407 = arith.cmpi sge, %reduce_max3A_403, %ge3A_406 : i32
                %convert_element_type3A_408 = arith.extui %ge3A_407 : i1 to i32
                %cond3A_409 = arith.constant 0 : i32
                %cond3A_410 = arith.cmpi ne, %convert_element_type3A_408, %cond3A_409 : i32
                scf.if %cond3A_410 {
                  %dma_wait3A_461 = arith.constant 0 : i32
                  %dma_wait3A_462 = tpu.memref_slice %arg5[%dma_wait3A_461] : memref<1048576xf32, #tpu.memory_space<hbm>> -> memref<64xf32, #tpu.memory_space<hbm>>
                  %dma_wait3A_463 = arith.constant 0 : i32
                  %dma_wait3A_464 = tpu.memref_slice %arg5[%dma_wait3A_463] : memref<1048576xf32, #tpu.memory_space<hbm>> -> memref<64xf32, #tpu.memory_space<hbm>>
                  tpu.wait_dma2 semaphore(%arg17 : memref<!tpu.dma_semaphore, #tpu.memory_space<semaphore_mem>>) src(%dma_wait3A_464 : memref<64xf32, #tpu.memory_space<hbm>>) dst(%arg12 : memref<64xf32, #tpu.memory_space<vmem>>)
                } else {
                }
                %mul3A_411 = arith.constant 64 : i32
                %mul3A_412 = arith.muli %and3A_405, %mul3A_411 : i32
                %broadcast_in_dim3A_413 = vector.broadcast %mul3A_412 : i32 to vector<16xi32>
                %iota3A_414 = tpu.iota {dimensions = array<i32: 0>} : vector<16xi32>
                %add3A_415 = arith.constant 0 : i32
                %add3A_416 = vector.broadcast %add3A_415 : i32 to vector<16xi32>
                %add3A_417 = arith.addi %iota3A_414, %add3A_416 : vector<16xi32>
                %gather3A_418 = tpu.vector_load_idx %arg9[%sub3A_393, %add3A_417, %and3A_389] : memref<6x64x128xf32, #tpu.memory_space<vmem>>[vector<16xi32>, vector<16xi32>, vector<16xi32>], vector<16xf32>,
                %add3A_419 = arith.addi %broadcast_in_dim3A_413, %add3A_417 : vector<16xi32>
                tpu.vector_store_idx %arg11[%add3A_419], %gather3A_418 : memref<1024xf32, #tpu.memory_space<vmem>>[vector<16xi32>], vector<16xf32>,
                %iota3A_420 = tpu.iota {dimensions = array<i32: 0>} : vector<16xi32>
                %add3A_421 = arith.constant 16 : i32
                %add3A_422 = vector.broadcast %add3A_421 : i32 to vector<16xi32>
                %add3A_423 = arith.addi %iota3A_420, %add3A_422 : vector<16xi32>
                %gather3A_424 = tpu.vector_load_idx %arg9[%sub3A_393, %add3A_423, %and3A_389] : memref<6x64x128xf32, #tpu.memory_space<vmem>>[vector<16xi32>, vector<16xi32>, vector<16xi32>], vector<16xf32>,
                %add3A_425 = arith.addi %broadcast_in_dim3A_413, %add3A_423 : vector<16xi32>
                tpu.vector_store_idx %arg11[%add3A_425], %gather3A_424 : memref<1024xf32, #tpu.memory_space<vmem>>[vector<16xi32>], vector<16xf32>,
                %iota3A_426 = tpu.iota {dimensions = array<i32: 0>} : vector<16xi32>
                %add3A_427 = arith.constant 32 : i32
                %add3A_428 = vector.broadcast %add3A_427 : i32 to vector<16xi32>
                %add3A_429 = arith.addi %iota3A_426, %add3A_428 : vector<16xi32>
                %gather3A_430 = tpu.vector_load_idx %arg9[%sub3A_393, %add3A_429, %and3A_389] : memref<6x64x128xf32, #tpu.memory_space<vmem>>[vector<16xi32>, vector<16xi32>, vector<16xi32>], vector<16xf32>,
                %add3A_431 = arith.addi %broadcast_in_dim3A_413, %add3A_429 : vector<16xi32>
                tpu.vector_store_idx %arg11[%add3A_431], %gather3A_430 : memref<1024xf32, #tpu.memory_space<vmem>>[vector<16xi32>], vector<16xf32>,
                %iota3A_432 = tpu.iota {dimensions = array<i32: 0>} : vector<16xi32>
                %add3A_433 = arith.constant 48 : i32
                %add3A_434 = vector.broadcast %add3A_433 : i32 to vector<16xi32>
                %add3A_435 = arith.addi %iota3A_432, %add3A_434 : vector<16xi32>
                %gather3A_436 = tpu.vector_load_idx %arg9[%sub3A_393, %add3A_435, %and3A_389] : memref<6x64x128xf32, #tpu.memory_space<vmem>>[vector<16xi32>, vector<16xi32>, vector<16xi32>], vector<16xf32>,
                %add3A_437 = arith.addi %broadcast_in_dim3A_413, %add3A_435 : vector<16xi32>
                tpu.vector_store_idx %arg11[%add3A_437], %gather3A_436 : memref<1024xf32, #tpu.memory_space<vmem>>[vector<16xi32>], vector<16xf32>,
                %reduce_max3A_438 = arith.constant true
                %reduce_max3A_439 = vector.broadcast %reduce_max3A_438 : i1 to vector<16xi1>
                %reduce_max3A_440 = arith.constant -2147483648 : i32
                %reduce_max3A_441 = vector.broadcast %reduce_max3A_440 : i32 to vector<16xi32>
                %reduce_max3A_442 = arith.xori %and3A_383, %reduce_max3A_441 : vector<16xi32>
                %reduce_max3A_443 = tpu.scan <max>, %reduce_max3A_442 masked %reduce_max3A_439 : vector<16xi32>, vector<16xi1> -> vector<16xi32>
                %reduce_max3A_444 = arith.xori %reduce_max3A_443, %reduce_max3A_441 : vector<16xi32>
                %reduce_max3A_445 = vector.extract %reduce_max3A_444[15] : i32 from vector<16xi32>
                %mul3A_446 = arith.constant 64 : i32
                %mul3A_447 = arith.muli %and3A_405, %mul3A_446 : i32
                %mul3A_448 = arith.constant 64 : i32
                %mul3A_449 = arith.muli %reduce_max3A_445, %mul3A_448 : i32
                %dma_start3A = tpu.memref_slice %arg11[%mul3A_447] : memref<1024xf32, #tpu.memory_space<vmem>> -> memref<64xf32, #tpu.memory_space<vmem>>
                %dma_start3A_450 = tpu.memref_slice %arg5[%mul3A_449] : memref<1048576xf32, #tpu.memory_space<hbm>> -> memref<64xf32, #tpu.memory_space<hbm>>
                %dma_start3A_451 = tpu.memref_slice %arg5[%mul3A_449] : memref<1048576xf32, #tpu.memory_space<hbm>> -> memref<64xf32, #tpu.memory_space<hbm>>
                %dma_start3A_452 = tpu.memref_slice %arg11[%mul3A_447] : memref<1024xf32, #tpu.memory_space<vmem>> -> memref<64xf32, #tpu.memory_space<vmem>>
                tpu.enqueue_dma source(%dma_start3A_452 : memref<64xf32, #tpu.memory_space<vmem>>) target(%dma_start3A_451 : memref<64xf32, #tpu.memory_space<hbm>>) target_semaphore(%arg17 : memref<!tpu.dma_semaphore, #tpu.memory_space<semaphore_mem>>)
                %add3A_453 = arith.constant 1 : i32
                %add3A_454 = arith.addi %reduce_max3A_403, %add3A_453 : i32
                %broadcast_in_dim3A_455 = vector.broadcast %add3A_454 : i32 to vector<16xi32>
                %swap3A_456 = arith.constant 0 : index
                %swap3A_457 = tpu.vector_load %arg14[%swap3A_456] {strides = array<i32>} : memref<16xi32, #tpu.memory_space<vmem>>, vector<16xi32>,
                tpu.vector_store %arg14[%swap3A_456], %broadcast_in_dim3A_455 {strides = array<i32>} : memref<16xi32, #tpu.memory_space<vmem>>, vector<16xi32>,
                %iota3A_458 = tpu.iota {dimensions = array<i32: 0>} : vector<16xi32>
                %broadcast_in_dim3A_459 = vector.broadcast %reduce_max3A_378 : i32 to vector<16xi32>
                %ne3A = arith.cmpi ne, %iota3A_458, %broadcast_in_dim3A_459 : vector<16xi32>
                %and3A_460 = arith.andi %while3A_370, %ne3A : vector<16xi1>
                scf.yield %and3A_460 : vector<16xi1>
              }
            } else {
            }
            %reduce_or3A_327 = arith.constant 1.000000e+00 : f32
            %reduce_or3A_328 = arith.constant 0.000000e+00 : f32
            %reduce_or3A_329 = vector.broadcast %reduce_or3A_327 : f32 to vector<16xf32>
            %reduce_or3A_330 = vector.broadcast %reduce_or3A_328 : f32 to vector<16xf32>
            %reduce_or3A_331 = arith.select %and3A_272, %reduce_or3A_329, %reduce_or3A_330 : vector<16xi1>, vector<16xf32>
            %reduce_or3A_332 = arith.constant true
            %reduce_or3A_333 = vector.broadcast %reduce_or3A_332 : i1 to vector<16xi1>
            %reduce_or3A_334 = tpu.scan <max>, %reduce_or3A_331 masked %reduce_or3A_333 : vector<16xf32>, vector<16xi1> -> vector<16xf32>
            %reduce_or3A_335 = vector.extract %reduce_or3A_334[15] : f32 from vector<16xf32>
            %reduce_or3A_336 = arith.constant 0.000000e+00 : f32
            %reduce_or3A_337 = arith.cmpf ogt, %reduce_or3A_335, %reduce_or3A_336 : f32
            %convert_element_type3A_338 = arith.extui %reduce_or3A_337 : i1 to i32
            %cond3A_339 = arith.constant 0 : i32
            %cond3A_340 = arith.cmpi ne, %convert_element_type3A_338, %cond3A_339 : i32
            scf.if %cond3A_340 {
              %while3A_369 = scf.while (%while3A_370 = %and3A_272) : (vector<16xi1>) -> vector<16xi1> {
                %reduce_or3A_371 = arith.constant 1.000000e+00 : f32
                %reduce_or3A_372 = arith.constant 0.000000e+00 : f32
                %reduce_or3A_373 = vector.broadcast %reduce_or3A_371 : f32 to vector<16xf32>
                %reduce_or3A_374 = vector.broadcast %reduce_or3A_372 : f32 to vector<16xf32>
                %reduce_or3A_375 = arith.select %while3A_370, %reduce_or3A_373, %reduce_or3A_374 : vector<16xi1>, vector<16xf32>
                %reduce_or3A_376 = arith.constant true
                %reduce_or3A_377 = vector.broadcast %reduce_or3A_376 : i1 to vector<16xi1>
                %reduce_or3A_378 = tpu.scan <max>, %reduce_or3A_375 masked %reduce_or3A_377 : vector<16xf32>, vector<16xi1> -> vector<16xf32>
                %reduce_or3A_379 = vector.extract %reduce_or3A_378[15] : f32 from vector<16xf32>
                %reduce_or3A_380 = arith.constant 0.000000e+00 : f32
                %reduce_or3A_381 = arith.cmpf ogt, %reduce_or3A_379, %reduce_or3A_380 : f32
                scf.condition(%reduce_or3A_381) %while3A_370 : vector<16xi1>
              } do {
              ^bb0(%while3A_370: vector<16xi1>):
                %all_reduce_ffs3A = tpu.all_reduce %while3A_370 {dim = 0 : i64, kind = #tpu.reduction_kind<find_first_set>} : vector<16xi1> -> vector<16xi32>
                %reduce_max3A_371 = arith.constant true
                %reduce_max3A_372 = vector.broadcast %reduce_max3A_371 : i1 to vector<16xi1>
                %reduce_max3A_373 = arith.constant -2147483648 : i32
                %reduce_max3A_374 = vector.broadcast %reduce_max3A_373 : i32 to vector<16xi32>
                %reduce_max3A_375 = arith.xori %all_reduce_ffs3A, %reduce_max3A_374 : vector<16xi32>
                %reduce_max3A_376 = tpu.scan <max>, %reduce_max3A_375 masked %reduce_max3A_372 : vector<16xi32>, vector<16xi1> -> vector<16xi32>
                %reduce_max3A_377 = arith.xori %reduce_max3A_376, %reduce_max3A_374 : vector<16xi32>
                %reduce_max3A_378 = vector.extract %reduce_max3A_377[15] : i32 from vector<16xi32>
                %broadcast_in_dim3A_379 = vector.broadcast %reduce_max3A_378 : i32 to vector<16xi32>
                %reshape3A = vector.shape_cast %broadcast_in_dim3A_379 : vector<16xi32> to vector<16x1xi32>
                %gather3A = vector.shape_cast %reshape3A : vector<16x1xi32> to vector<16xi32>
                %gather3A_380 = tpu.dynamic_gather %get3A_266[%gather3A] in [0] : vector<16xi32>, vector<16xi32> -> vector<16xi32>
                %and3A_381 = arith.constant 16383 : i32
                %and3A_382 = vector.broadcast %and3A_381 : i32 to vector<16xi32>
                %and3A_383 = arith.andi %gather3A_380, %and3A_382 : vector<16xi32>
                %shift_right_logical3A_384 = arith.constant 14 : i32
                %shift_right_logical3A_385 = vector.broadcast %shift_right_logical3A_384 : i32 to vector<16xi32>
                %shift_right_logical3A_386 = arith.shrui %gather3A_380, %shift_right_logical3A_385 : vector<16xi32>
                %and3A_387 = arith.constant 127 : i32
                %and3A_388 = vector.broadcast %and3A_387 : i32 to vector<16xi32>
                %and3A_389 = arith.andi %shift_right_logical3A_386, %and3A_388 : vector<16xi32>
                %shift_right_logical3A_390 = arith.constant 21 : i32
                %shift_right_logical3A_391 = vector.broadcast %shift_right_logical3A_390 : i32 to vector<16xi32>
                %shift_right_logical3A_392 = arith.shrui %gather3A_380, %shift_right_logical3A_391 : vector<16xi32>
                %sub3A_393 = arith.subi %shift_right_logical3A_392, %broadcast_in_dim3A_224 : vector<16xi32>
                %get3A_394 = arith.constant 0 : index
                %get3A_395 = tpu.vector_load %arg14[%get3A_394] {strides = array<i32>} : memref<16xi32, #tpu.memory_space<vmem>>, vector<16xi32>,
                %reduce_max3A_396 = arith.constant true
                %reduce_max3A_397 = vector.broadcast %reduce_max3A_396 : i1 to vector<16xi1>
                %reduce_max3A_398 = arith.constant -2147483648 : i32
                %reduce_max3A_399 = vector.broadcast %reduce_max3A_398 : i32 to vector<16xi32>
                %reduce_max3A_400 = arith.xori %get3A_395, %reduce_max3A_399 : vector<16xi32>
                %reduce_max3A_401 = tpu.scan <max>, %reduce_max3A_400 masked %reduce_max3A_397 : vector<16xi32>, vector<16xi1> -> vector<16xi32>
                %reduce_max3A_402 = arith.xori %reduce_max3A_401, %reduce_max3A_399 : vector<16xi32>
                %reduce_max3A_403 = vector.extract %reduce_max3A_402[15] : i32 from vector<16xi32>
                %and3A_404 = arith.constant 15 : i32
                %and3A_405 = arith.andi %reduce_max3A_403, %and3A_404 : i32
                %ge3A_406 = arith.constant 16 : i32
                %ge3A_407 = arith.cmpi sge, %reduce_max3A_403, %ge3A_406 : i32
                %convert_element_type3A_408 = arith.extui %ge3A_407 : i1 to i32
                %cond3A_409 = arith.constant 0 : i32
                %cond3A_410 = arith.cmpi ne, %convert_element_type3A_408, %cond3A_409 : i32
                scf.if %cond3A_410 {
                  %dma_wait3A_461 = arith.constant 0 : i32
                  %dma_wait3A_462 = tpu.memref_slice %arg5[%dma_wait3A_461] : memref<1048576xf32, #tpu.memory_space<hbm>> -> memref<64xf32, #tpu.memory_space<hbm>>
                  %dma_wait3A_463 = arith.constant 0 : i32
                  %dma_wait3A_464 = tpu.memref_slice %arg5[%dma_wait3A_463] : memref<1048576xf32, #tpu.memory_space<hbm>> -> memref<64xf32, #tpu.memory_space<hbm>>
                  tpu.wait_dma2 semaphore(%arg17 : memref<!tpu.dma_semaphore, #tpu.memory_space<semaphore_mem>>) src(%dma_wait3A_464 : memref<64xf32, #tpu.memory_space<hbm>>) dst(%arg12 : memref<64xf32, #tpu.memory_space<vmem>>)
                } else {
                }
                %mul3A_411 = arith.constant 64 : i32
                %mul3A_412 = arith.muli %and3A_405, %mul3A_411 : i32
                %broadcast_in_dim3A_413 = vector.broadcast %mul3A_412 : i32 to vector<16xi32>
                %iota3A_414 = tpu.iota {dimensions = array<i32: 0>} : vector<16xi32>
                %add3A_415 = arith.constant 0 : i32
                %add3A_416 = vector.broadcast %add3A_415 : i32 to vector<16xi32>
                %add3A_417 = arith.addi %iota3A_414, %add3A_416 : vector<16xi32>
                %gather3A_418 = tpu.vector_load_idx %arg9[%sub3A_393, %add3A_417, %and3A_389] : memref<6x64x128xf32, #tpu.memory_space<vmem>>[vector<16xi32>, vector<16xi32>, vector<16xi32>], vector<16xf32>,
                %add3A_419 = arith.addi %broadcast_in_dim3A_413, %add3A_417 : vector<16xi32>
                tpu.vector_store_idx %arg11[%add3A_419], %gather3A_418 : memref<1024xf32, #tpu.memory_space<vmem>>[vector<16xi32>], vector<16xf32>,
                %iota3A_420 = tpu.iota {dimensions = array<i32: 0>} : vector<16xi32>
                %add3A_421 = arith.constant 16 : i32
                %add3A_422 = vector.broadcast %add3A_421 : i32 to vector<16xi32>
                %add3A_423 = arith.addi %iota3A_420, %add3A_422 : vector<16xi32>
                %gather3A_424 = tpu.vector_load_idx %arg9[%sub3A_393, %add3A_423, %and3A_389] : memref<6x64x128xf32, #tpu.memory_space<vmem>>[vector<16xi32>, vector<16xi32>, vector<16xi32>], vector<16xf32>,
                %add3A_425 = arith.addi %broadcast_in_dim3A_413, %add3A_423 : vector<16xi32>
                tpu.vector_store_idx %arg11[%add3A_425], %gather3A_424 : memref<1024xf32, #tpu.memory_space<vmem>>[vector<16xi32>], vector<16xf32>,
                %iota3A_426 = tpu.iota {dimensions = array<i32: 0>} : vector<16xi32>
                %add3A_427 = arith.constant 32 : i32
                %add3A_428 = vector.broadcast %add3A_427 : i32 to vector<16xi32>
                %add3A_429 = arith.addi %iota3A_426, %add3A_428 : vector<16xi32>
                %gather3A_430 = tpu.vector_load_idx %arg9[%sub3A_393, %add3A_429, %and3A_389] : memref<6x64x128xf32, #tpu.memory_space<vmem>>[vector<16xi32>, vector<16xi32>, vector<16xi32>], vector<16xf32>,
                %add3A_431 = arith.addi %broadcast_in_dim3A_413, %add3A_429 : vector<16xi32>
                tpu.vector_store_idx %arg11[%add3A_431], %gather3A_430 : memref<1024xf32, #tpu.memory_space<vmem>>[vector<16xi32>], vector<16xf32>,
                %iota3A_432 = tpu.iota {dimensions = array<i32: 0>} : vector<16xi32>
                %add3A_433 = arith.constant 48 : i32
                %add3A_434 = vector.broadcast %add3A_433 : i32 to vector<16xi32>
                %add3A_435 = arith.addi %iota3A_432, %add3A_434 : vector<16xi32>
                %gather3A_436 = tpu.vector_load_idx %arg9[%sub3A_393, %add3A_435, %and3A_389] : memref<6x64x128xf32, #tpu.memory_space<vmem>>[vector<16xi32>, vector<16xi32>, vector<16xi32>], vector<16xf32>,
                %add3A_437 = arith.addi %broadcast_in_dim3A_413, %add3A_435 : vector<16xi32>
                tpu.vector_store_idx %arg11[%add3A_437], %gather3A_436 : memref<1024xf32, #tpu.memory_space<vmem>>[vector<16xi32>], vector<16xf32>,
                %reduce_max3A_438 = arith.constant true
                %reduce_max3A_439 = vector.broadcast %reduce_max3A_438 : i1 to vector<16xi1>
                %reduce_max3A_440 = arith.constant -2147483648 : i32
                %reduce_max3A_441 = vector.broadcast %reduce_max3A_440 : i32 to vector<16xi32>
                %reduce_max3A_442 = arith.xori %and3A_383, %reduce_max3A_441 : vector<16xi32>
                %reduce_max3A_443 = tpu.scan <max>, %reduce_max3A_442 masked %reduce_max3A_439 : vector<16xi32>, vector<16xi1> -> vector<16xi32>
                %reduce_max3A_444 = arith.xori %reduce_max3A_443, %reduce_max3A_441 : vector<16xi32>
                %reduce_max3A_445 = vector.extract %reduce_max3A_444[15] : i32 from vector<16xi32>
                %mul3A_446 = arith.constant 64 : i32
                %mul3A_447 = arith.muli %and3A_405, %mul3A_446 : i32
                %mul3A_448 = arith.constant 64 : i32
                %mul3A_449 = arith.muli %reduce_max3A_445, %mul3A_448 : i32
                %dma_start3A = tpu.memref_slice %arg11[%mul3A_447] : memref<1024xf32, #tpu.memory_space<vmem>> -> memref<64xf32, #tpu.memory_space<vmem>>
                %dma_start3A_450 = tpu.memref_slice %arg5[%mul3A_449] : memref<1048576xf32, #tpu.memory_space<hbm>> -> memref<64xf32, #tpu.memory_space<hbm>>
                %dma_start3A_451 = tpu.memref_slice %arg5[%mul3A_449] : memref<1048576xf32, #tpu.memory_space<hbm>> -> memref<64xf32, #tpu.memory_space<hbm>>
                %dma_start3A_452 = tpu.memref_slice %arg11[%mul3A_447] : memref<1024xf32, #tpu.memory_space<vmem>> -> memref<64xf32, #tpu.memory_space<vmem>>
                tpu.enqueue_dma source(%dma_start3A_452 : memref<64xf32, #tpu.memory_space<vmem>>) target(%dma_start3A_451 : memref<64xf32, #tpu.memory_space<hbm>>) target_semaphore(%arg17 : memref<!tpu.dma_semaphore, #tpu.memory_space<semaphore_mem>>)
                %add3A_453 = arith.constant 1 : i32
                %add3A_454 = arith.addi %reduce_max3A_403, %add3A_453 : i32
                %broadcast_in_dim3A_455 = vector.broadcast %add3A_454 : i32 to vector<16xi32>
                %swap3A_456 = arith.constant 0 : index
                %swap3A_457 = tpu.vector_load %arg14[%swap3A_456] {strides = array<i32>} : memref<16xi32, #tpu.memory_space<vmem>>, vector<16xi32>,
                tpu.vector_store %arg14[%swap3A_456], %broadcast_in_dim3A_455 {strides = array<i32>} : memref<16xi32, #tpu.memory_space<vmem>>, vector<16xi32>,
                %iota3A_458 = tpu.iota {dimensions = array<i32: 0>} : vector<16xi32>
                %broadcast_in_dim3A_459 = vector.broadcast %reduce_max3A_378 : i32 to vector<16xi32>
                %ne3A = arith.cmpi ne, %iota3A_458, %broadcast_in_dim3A_459 : vector<16xi32>
                %and3A_460 = arith.andi %while3A_370, %ne3A : vector<16xi1>
                scf.yield %and3A_460 : vector<16xi1>
              }
            } else {
            }
            %reduce_or3A_341 = arith.constant 1.000000e+00 : f32
            %reduce_or3A_342 = arith.constant 0.000000e+00 : f32
            %reduce_or3A_343 = vector.broadcast %reduce_or3A_341 : f32 to vector<16xf32>
            %reduce_or3A_344 = vector.broadcast %reduce_or3A_342 : f32 to vector<16xf32>
            %reduce_or3A_345 = arith.select %and3A_284, %reduce_or3A_343, %reduce_or3A_344 : vector<16xi1>, vector<16xf32>
            %reduce_or3A_346 = arith.constant true
            %reduce_or3A_347 = vector.broadcast %reduce_or3A_346 : i1 to vector<16xi1>
            %reduce_or3A_348 = tpu.scan <max>, %reduce_or3A_345 masked %reduce_or3A_347 : vector<16xf32>, vector<16xi1> -> vector<16xf32>
            %reduce_or3A_349 = vector.extract %reduce_or3A_348[15] : f32 from vector<16xf32>
            %reduce_or3A_350 = arith.constant 0.000000e+00 : f32
            %reduce_or3A_351 = arith.cmpf ogt, %reduce_or3A_349, %reduce_or3A_350 : f32
            %convert_element_type3A_352 = arith.extui %reduce_or3A_351 : i1 to i32
            %cond3A_353 = arith.constant 0 : i32
            %cond3A_354 = arith.cmpi ne, %convert_element_type3A_352, %cond3A_353 : i32
            scf.if %cond3A_354 {
              %while3A_369 = scf.while (%while3A_370 = %and3A_284) : (vector<16xi1>) -> vector<16xi1> {
                %reduce_or3A_371 = arith.constant 1.000000e+00 : f32
                %reduce_or3A_372 = arith.constant 0.000000e+00 : f32
                %reduce_or3A_373 = vector.broadcast %reduce_or3A_371 : f32 to vector<16xf32>
                %reduce_or3A_374 = vector.broadcast %reduce_or3A_372 : f32 to vector<16xf32>
                %reduce_or3A_375 = arith.select %while3A_370, %reduce_or3A_373, %reduce_or3A_374 : vector<16xi1>, vector<16xf32>
                %reduce_or3A_376 = arith.constant true
                %reduce_or3A_377 = vector.broadcast %reduce_or3A_376 : i1 to vector<16xi1>
                %reduce_or3A_378 = tpu.scan <max>, %reduce_or3A_375 masked %reduce_or3A_377 : vector<16xf32>, vector<16xi1> -> vector<16xf32>
                %reduce_or3A_379 = vector.extract %reduce_or3A_378[15] : f32 from vector<16xf32>
                %reduce_or3A_380 = arith.constant 0.000000e+00 : f32
                %reduce_or3A_381 = arith.cmpf ogt, %reduce_or3A_379, %reduce_or3A_380 : f32
                scf.condition(%reduce_or3A_381) %while3A_370 : vector<16xi1>
              } do {
              ^bb0(%while3A_370: vector<16xi1>):
                %all_reduce_ffs3A = tpu.all_reduce %while3A_370 {dim = 0 : i64, kind = #tpu.reduction_kind<find_first_set>} : vector<16xi1> -> vector<16xi32>
                %reduce_max3A_371 = arith.constant true
                %reduce_max3A_372 = vector.broadcast %reduce_max3A_371 : i1 to vector<16xi1>
                %reduce_max3A_373 = arith.constant -2147483648 : i32
                %reduce_max3A_374 = vector.broadcast %reduce_max3A_373 : i32 to vector<16xi32>
                %reduce_max3A_375 = arith.xori %all_reduce_ffs3A, %reduce_max3A_374 : vector<16xi32>
                %reduce_max3A_376 = tpu.scan <max>, %reduce_max3A_375 masked %reduce_max3A_372 : vector<16xi32>, vector<16xi1> -> vector<16xi32>
                %reduce_max3A_377 = arith.xori %reduce_max3A_376, %reduce_max3A_374 : vector<16xi32>
                %reduce_max3A_378 = vector.extract %reduce_max3A_377[15] : i32 from vector<16xi32>
                %broadcast_in_dim3A_379 = vector.broadcast %reduce_max3A_378 : i32 to vector<16xi32>
                %reshape3A = vector.shape_cast %broadcast_in_dim3A_379 : vector<16xi32> to vector<16x1xi32>
                %gather3A = vector.shape_cast %reshape3A : vector<16x1xi32> to vector<16xi32>
                %gather3A_380 = tpu.dynamic_gather %get3A_278[%gather3A] in [0] : vector<16xi32>, vector<16xi32> -> vector<16xi32>
                %and3A_381 = arith.constant 16383 : i32
                %and3A_382 = vector.broadcast %and3A_381 : i32 to vector<16xi32>
                %and3A_383 = arith.andi %gather3A_380, %and3A_382 : vector<16xi32>
                %shift_right_logical3A_384 = arith.constant 14 : i32
                %shift_right_logical3A_385 = vector.broadcast %shift_right_logical3A_384 : i32 to vector<16xi32>
                %shift_right_logical3A_386 = arith.shrui %gather3A_380, %shift_right_logical3A_385 : vector<16xi32>
                %and3A_387 = arith.constant 127 : i32
                %and3A_388 = vector.broadcast %and3A_387 : i32 to vector<16xi32>
                %and3A_389 = arith.andi %shift_right_logical3A_386, %and3A_388 : vector<16xi32>
                %shift_right_logical3A_390 = arith.constant 21 : i32
                %shift_right_logical3A_391 = vector.broadcast %shift_right_logical3A_390 : i32 to vector<16xi32>
                %shift_right_logical3A_392 = arith.shrui %gather3A_380, %shift_right_logical3A_391 : vector<16xi32>
                %sub3A_393 = arith.subi %shift_right_logical3A_392, %broadcast_in_dim3A_224 : vector<16xi32>
                %get3A_394 = arith.constant 0 : index
                %get3A_395 = tpu.vector_load %arg14[%get3A_394] {strides = array<i32>} : memref<16xi32, #tpu.memory_space<vmem>>, vector<16xi32>,
                %reduce_max3A_396 = arith.constant true
                %reduce_max3A_397 = vector.broadcast %reduce_max3A_396 : i1 to vector<16xi1>
                %reduce_max3A_398 = arith.constant -2147483648 : i32
                %reduce_max3A_399 = vector.broadcast %reduce_max3A_398 : i32 to vector<16xi32>
                %reduce_max3A_400 = arith.xori %get3A_395, %reduce_max3A_399 : vector<16xi32>
                %reduce_max3A_401 = tpu.scan <max>, %reduce_max3A_400 masked %reduce_max3A_397 : vector<16xi32>, vector<16xi1> -> vector<16xi32>
                %reduce_max3A_402 = arith.xori %reduce_max3A_401, %reduce_max3A_399 : vector<16xi32>
                %reduce_max3A_403 = vector.extract %reduce_max3A_402[15] : i32 from vector<16xi32>
                %and3A_404 = arith.constant 15 : i32
                %and3A_405 = arith.andi %reduce_max3A_403, %and3A_404 : i32
                %ge3A_406 = arith.constant 16 : i32
                %ge3A_407 = arith.cmpi sge, %reduce_max3A_403, %ge3A_406 : i32
                %convert_element_type3A_408 = arith.extui %ge3A_407 : i1 to i32
                %cond3A_409 = arith.constant 0 : i32
                %cond3A_410 = arith.cmpi ne, %convert_element_type3A_408, %cond3A_409 : i32
                scf.if %cond3A_410 {
                  %dma_wait3A_461 = arith.constant 0 : i32
                  %dma_wait3A_462 = tpu.memref_slice %arg5[%dma_wait3A_461] : memref<1048576xf32, #tpu.memory_space<hbm>> -> memref<64xf32, #tpu.memory_space<hbm>>
                  %dma_wait3A_463 = arith.constant 0 : i32
                  %dma_wait3A_464 = tpu.memref_slice %arg5[%dma_wait3A_463] : memref<1048576xf32, #tpu.memory_space<hbm>> -> memref<64xf32, #tpu.memory_space<hbm>>
                  tpu.wait_dma2 semaphore(%arg17 : memref<!tpu.dma_semaphore, #tpu.memory_space<semaphore_mem>>) src(%dma_wait3A_464 : memref<64xf32, #tpu.memory_space<hbm>>) dst(%arg12 : memref<64xf32, #tpu.memory_space<vmem>>)
                } else {
                }
                %mul3A_411 = arith.constant 64 : i32
                %mul3A_412 = arith.muli %and3A_405, %mul3A_411 : i32
                %broadcast_in_dim3A_413 = vector.broadcast %mul3A_412 : i32 to vector<16xi32>
                %iota3A_414 = tpu.iota {dimensions = array<i32: 0>} : vector<16xi32>
                %add3A_415 = arith.constant 0 : i32
                %add3A_416 = vector.broadcast %add3A_415 : i32 to vector<16xi32>
                %add3A_417 = arith.addi %iota3A_414, %add3A_416 : vector<16xi32>
                %gather3A_418 = tpu.vector_load_idx %arg9[%sub3A_393, %add3A_417, %and3A_389] : memref<6x64x128xf32, #tpu.memory_space<vmem>>[vector<16xi32>, vector<16xi32>, vector<16xi32>], vector<16xf32>,
                %add3A_419 = arith.addi %broadcast_in_dim3A_413, %add3A_417 : vector<16xi32>
                tpu.vector_store_idx %arg11[%add3A_419], %gather3A_418 : memref<1024xf32, #tpu.memory_space<vmem>>[vector<16xi32>], vector<16xf32>,
                %iota3A_420 = tpu.iota {dimensions = array<i32: 0>} : vector<16xi32>
                %add3A_421 = arith.constant 16 : i32
                %add3A_422 = vector.broadcast %add3A_421 : i32 to vector<16xi32>
                %add3A_423 = arith.addi %iota3A_420, %add3A_422 : vector<16xi32>
                %gather3A_424 = tpu.vector_load_idx %arg9[%sub3A_393, %add3A_423, %and3A_389] : memref<6x64x128xf32, #tpu.memory_space<vmem>>[vector<16xi32>, vector<16xi32>, vector<16xi32>], vector<16xf32>,
                %add3A_425 = arith.addi %broadcast_in_dim3A_413, %add3A_423 : vector<16xi32>
                tpu.vector_store_idx %arg11[%add3A_425], %gather3A_424 : memref<1024xf32, #tpu.memory_space<vmem>>[vector<16xi32>], vector<16xf32>,
                %iota3A_426 = tpu.iota {dimensions = array<i32: 0>} : vector<16xi32>
                %add3A_427 = arith.constant 32 : i32
                %add3A_428 = vector.broadcast %add3A_427 : i32 to vector<16xi32>
                %add3A_429 = arith.addi %iota3A_426, %add3A_428 : vector<16xi32>
                %gather3A_430 = tpu.vector_load_idx %arg9[%sub3A_393, %add3A_429, %and3A_389] : memref<6x64x128xf32, #tpu.memory_space<vmem>>[vector<16xi32>, vector<16xi32>, vector<16xi32>], vector<16xf32>,
                %add3A_431 = arith.addi %broadcast_in_dim3A_413, %add3A_429 : vector<16xi32>
                tpu.vector_store_idx %arg11[%add3A_431], %gather3A_430 : memref<1024xf32, #tpu.memory_space<vmem>>[vector<16xi32>], vector<16xf32>,
                %iota3A_432 = tpu.iota {dimensions = array<i32: 0>} : vector<16xi32>
                %add3A_433 = arith.constant 48 : i32
                %add3A_434 = vector.broadcast %add3A_433 : i32 to vector<16xi32>
                %add3A_435 = arith.addi %iota3A_432, %add3A_434 : vector<16xi32>
                %gather3A_436 = tpu.vector_load_idx %arg9[%sub3A_393, %add3A_435, %and3A_389] : memref<6x64x128xf32, #tpu.memory_space<vmem>>[vector<16xi32>, vector<16xi32>, vector<16xi32>], vector<16xf32>,
                %add3A_437 = arith.addi %broadcast_in_dim3A_413, %add3A_435 : vector<16xi32>
                tpu.vector_store_idx %arg11[%add3A_437], %gather3A_436 : memref<1024xf32, #tpu.memory_space<vmem>>[vector<16xi32>], vector<16xf32>,
                %reduce_max3A_438 = arith.constant true
                %reduce_max3A_439 = vector.broadcast %reduce_max3A_438 : i1 to vector<16xi1>
                %reduce_max3A_440 = arith.constant -2147483648 : i32
                %reduce_max3A_441 = vector.broadcast %reduce_max3A_440 : i32 to vector<16xi32>
                %reduce_max3A_442 = arith.xori %and3A_383, %reduce_max3A_441 : vector<16xi32>
                %reduce_max3A_443 = tpu.scan <max>, %reduce_max3A_442 masked %reduce_max3A_439 : vector<16xi32>, vector<16xi1> -> vector<16xi32>
                %reduce_max3A_444 = arith.xori %reduce_max3A_443, %reduce_max3A_441 : vector<16xi32>
                %reduce_max3A_445 = vector.extract %reduce_max3A_444[15] : i32 from vector<16xi32>
                %mul3A_446 = arith.constant 64 : i32
                %mul3A_447 = arith.muli %and3A_405, %mul3A_446 : i32
                %mul3A_448 = arith.constant 64 : i32
                %mul3A_449 = arith.muli %reduce_max3A_445, %mul3A_448 : i32
                %dma_start3A = tpu.memref_slice %arg11[%mul3A_447] : memref<1024xf32, #tpu.memory_space<vmem>> -> memref<64xf32, #tpu.memory_space<vmem>>
                %dma_start3A_450 = tpu.memref_slice %arg5[%mul3A_449] : memref<1048576xf32, #tpu.memory_space<hbm>> -> memref<64xf32, #tpu.memory_space<hbm>>
                %dma_start3A_451 = tpu.memref_slice %arg5[%mul3A_449] : memref<1048576xf32, #tpu.memory_space<hbm>> -> memref<64xf32, #tpu.memory_space<hbm>>
                %dma_start3A_452 = tpu.memref_slice %arg11[%mul3A_447] : memref<1024xf32, #tpu.memory_space<vmem>> -> memref<64xf32, #tpu.memory_space<vmem>>
                tpu.enqueue_dma source(%dma_start3A_452 : memref<64xf32, #tpu.memory_space<vmem>>) target(%dma_start3A_451 : memref<64xf32, #tpu.memory_space<hbm>>) target_semaphore(%arg17 : memref<!tpu.dma_semaphore, #tpu.memory_space<semaphore_mem>>)
                %add3A_453 = arith.constant 1 : i32
                %add3A_454 = arith.addi %reduce_max3A_403, %add3A_453 : i32
                %broadcast_in_dim3A_455 = vector.broadcast %add3A_454 : i32 to vector<16xi32>
                %swap3A_456 = arith.constant 0 : index
                %swap3A_457 = tpu.vector_load %arg14[%swap3A_456] {strides = array<i32>} : memref<16xi32, #tpu.memory_space<vmem>>, vector<16xi32>,
                tpu.vector_store %arg14[%swap3A_456], %broadcast_in_dim3A_455 {strides = array<i32>} : memref<16xi32, #tpu.memory_space<vmem>>, vector<16xi32>,
                %iota3A_458 = tpu.iota {dimensions = array<i32: 0>} : vector<16xi32>
                %broadcast_in_dim3A_459 = vector.broadcast %reduce_max3A_378 : i32 to vector<16xi32>
                %ne3A = arith.cmpi ne, %iota3A_458, %broadcast_in_dim3A_459 : vector<16xi32>
                %and3A_460 = arith.andi %while3A_370, %ne3A : vector<16xi1>
                scf.yield %and3A_460 : vector<16xi1>
              }
            } else {
            }
            %reduce_or3A_355 = arith.constant 1.000000e+00 : f32
            %reduce_or3A_356 = arith.constant 0.000000e+00 : f32
            %reduce_or3A_357 = vector.broadcast %reduce_or3A_355 : f32 to vector<16xf32>
            %reduce_or3A_358 = vector.broadcast %reduce_or3A_356 : f32 to vector<16xf32>
            %reduce_or3A_359 = arith.select %and3A_296, %reduce_or3A_357, %reduce_or3A_358 : vector<16xi1>, vector<16xf32>
            %reduce_or3A_360 = arith.constant true
            %reduce_or3A_361 = vector.broadcast %reduce_or3A_360 : i1 to vector<16xi1>
            %reduce_or3A_362 = tpu.scan <max>, %reduce_or3A_359 masked %reduce_or3A_361 : vector<16xf32>, vector<16xi1> -> vector<16xf32>
            %reduce_or3A_363 = vector.extract %reduce_or3A_362[15] : f32 from vector<16xf32>
            %reduce_or3A_364 = arith.constant 0.000000e+00 : f32
            %reduce_or3A_365 = arith.cmpf ogt, %reduce_or3A_363, %reduce_or3A_364 : f32
            %convert_element_type3A_366 = arith.extui %reduce_or3A_365 : i1 to i32
            %cond3A_367 = arith.constant 0 : i32
            %cond3A_368 = arith.cmpi ne, %convert_element_type3A_366, %cond3A_367 : i32
            scf.if %cond3A_368 {
              %while3A_369 = scf.while (%while3A_370 = %and3A_296) : (vector<16xi1>) -> vector<16xi1> {
                %reduce_or3A_371 = arith.constant 1.000000e+00 : f32
                %reduce_or3A_372 = arith.constant 0.000000e+00 : f32
                %reduce_or3A_373 = vector.broadcast %reduce_or3A_371 : f32 to vector<16xf32>
                %reduce_or3A_374 = vector.broadcast %reduce_or3A_372 : f32 to vector<16xf32>
                %reduce_or3A_375 = arith.select %while3A_370, %reduce_or3A_373, %reduce_or3A_374 : vector<16xi1>, vector<16xf32>
                %reduce_or3A_376 = arith.constant true
                %reduce_or3A_377 = vector.broadcast %reduce_or3A_376 : i1 to vector<16xi1>
                %reduce_or3A_378 = tpu.scan <max>, %reduce_or3A_375 masked %reduce_or3A_377 : vector<16xf32>, vector<16xi1> -> vector<16xf32>
                %reduce_or3A_379 = vector.extract %reduce_or3A_378[15] : f32 from vector<16xf32>
                %reduce_or3A_380 = arith.constant 0.000000e+00 : f32
                %reduce_or3A_381 = arith.cmpf ogt, %reduce_or3A_379, %reduce_or3A_380 : f32
                scf.condition(%reduce_or3A_381) %while3A_370 : vector<16xi1>
              } do {
              ^bb0(%while3A_370: vector<16xi1>):
                %all_reduce_ffs3A = tpu.all_reduce %while3A_370 {dim = 0 : i64, kind = #tpu.reduction_kind<find_first_set>} : vector<16xi1> -> vector<16xi32>
                %reduce_max3A_371 = arith.constant true
                %reduce_max3A_372 = vector.broadcast %reduce_max3A_371 : i1 to vector<16xi1>
                %reduce_max3A_373 = arith.constant -2147483648 : i32
                %reduce_max3A_374 = vector.broadcast %reduce_max3A_373 : i32 to vector<16xi32>
                %reduce_max3A_375 = arith.xori %all_reduce_ffs3A, %reduce_max3A_374 : vector<16xi32>
                %reduce_max3A_376 = tpu.scan <max>, %reduce_max3A_375 masked %reduce_max3A_372 : vector<16xi32>, vector<16xi1> -> vector<16xi32>
                %reduce_max3A_377 = arith.xori %reduce_max3A_376, %reduce_max3A_374 : vector<16xi32>
                %reduce_max3A_378 = vector.extract %reduce_max3A_377[15] : i32 from vector<16xi32>
                %broadcast_in_dim3A_379 = vector.broadcast %reduce_max3A_378 : i32 to vector<16xi32>
                %reshape3A = vector.shape_cast %broadcast_in_dim3A_379 : vector<16xi32> to vector<16x1xi32>
                %gather3A = vector.shape_cast %reshape3A : vector<16x1xi32> to vector<16xi32>
                %gather3A_380 = tpu.dynamic_gather %get3A_290[%gather3A] in [0] : vector<16xi32>, vector<16xi32> -> vector<16xi32>
                %and3A_381 = arith.constant 16383 : i32
                %and3A_382 = vector.broadcast %and3A_381 : i32 to vector<16xi32>
                %and3A_383 = arith.andi %gather3A_380, %and3A_382 : vector<16xi32>
                %shift_right_logical3A_384 = arith.constant 14 : i32
                %shift_right_logical3A_385 = vector.broadcast %shift_right_logical3A_384 : i32 to vector<16xi32>
                %shift_right_logical3A_386 = arith.shrui %gather3A_380, %shift_right_logical3A_385 : vector<16xi32>
                %and3A_387 = arith.constant 127 : i32
                %and3A_388 = vector.broadcast %and3A_387 : i32 to vector<16xi32>
                %and3A_389 = arith.andi %shift_right_logical3A_386, %and3A_388 : vector<16xi32>
                %shift_right_logical3A_390 = arith.constant 21 : i32
                %shift_right_logical3A_391 = vector.broadcast %shift_right_logical3A_390 : i32 to vector<16xi32>
                %shift_right_logical3A_392 = arith.shrui %gather3A_380, %shift_right_logical3A_391 : vector<16xi32>
                %sub3A_393 = arith.subi %shift_right_logical3A_392, %broadcast_in_dim3A_224 : vector<16xi32>
                %get3A_394 = arith.constant 0 : index
                %get3A_395 = tpu.vector_load %arg14[%get3A_394] {strides = array<i32>} : memref<16xi32, #tpu.memory_space<vmem>>, vector<16xi32>,
                %reduce_max3A_396 = arith.constant true
                %reduce_max3A_397 = vector.broadcast %reduce_max3A_396 : i1 to vector<16xi1>
                %reduce_max3A_398 = arith.constant -2147483648 : i32
                %reduce_max3A_399 = vector.broadcast %reduce_max3A_398 : i32 to vector<16xi32>
                %reduce_max3A_400 = arith.xori %get3A_395, %reduce_max3A_399 : vector<16xi32>
                %reduce_max3A_401 = tpu.scan <max>, %reduce_max3A_400 masked %reduce_max3A_397 : vector<16xi32>, vector<16xi1> -> vector<16xi32>
                %reduce_max3A_402 = arith.xori %reduce_max3A_401, %reduce_max3A_399 : vector<16xi32>
                %reduce_max3A_403 = vector.extract %reduce_max3A_402[15] : i32 from vector<16xi32>
                %and3A_404 = arith.constant 15 : i32
                %and3A_405 = arith.andi %reduce_max3A_403, %and3A_404 : i32
                %ge3A_406 = arith.constant 16 : i32
                %ge3A_407 = arith.cmpi sge, %reduce_max3A_403, %ge3A_406 : i32
                %convert_element_type3A_408 = arith.extui %ge3A_407 : i1 to i32
                %cond3A_409 = arith.constant 0 : i32
                %cond3A_410 = arith.cmpi ne, %convert_element_type3A_408, %cond3A_409 : i32
                scf.if %cond3A_410 {
                  %dma_wait3A_461 = arith.constant 0 : i32
                  %dma_wait3A_462 = tpu.memref_slice %arg5[%dma_wait3A_461] : memref<1048576xf32, #tpu.memory_space<hbm>> -> memref<64xf32, #tpu.memory_space<hbm>>
                  %dma_wait3A_463 = arith.constant 0 : i32
                  %dma_wait3A_464 = tpu.memref_slice %arg5[%dma_wait3A_463] : memref<1048576xf32, #tpu.memory_space<hbm>> -> memref<64xf32, #tpu.memory_space<hbm>>
                  tpu.wait_dma2 semaphore(%arg17 : memref<!tpu.dma_semaphore, #tpu.memory_space<semaphore_mem>>) src(%dma_wait3A_464 : memref<64xf32, #tpu.memory_space<hbm>>) dst(%arg12 : memref<64xf32, #tpu.memory_space<vmem>>)
                } else {
                }
                %mul3A_411 = arith.constant 64 : i32
                %mul3A_412 = arith.muli %and3A_405, %mul3A_411 : i32
                %broadcast_in_dim3A_413 = vector.broadcast %mul3A_412 : i32 to vector<16xi32>
                %iota3A_414 = tpu.iota {dimensions = array<i32: 0>} : vector<16xi32>
                %add3A_415 = arith.constant 0 : i32
                %add3A_416 = vector.broadcast %add3A_415 : i32 to vector<16xi32>
                %add3A_417 = arith.addi %iota3A_414, %add3A_416 : vector<16xi32>
                %gather3A_418 = tpu.vector_load_idx %arg9[%sub3A_393, %add3A_417, %and3A_389] : memref<6x64x128xf32, #tpu.memory_space<vmem>>[vector<16xi32>, vector<16xi32>, vector<16xi32>], vector<16xf32>,
                %add3A_419 = arith.addi %broadcast_in_dim3A_413, %add3A_417 : vector<16xi32>
                tpu.vector_store_idx %arg11[%add3A_419], %gather3A_418 : memref<1024xf32, #tpu.memory_space<vmem>>[vector<16xi32>], vector<16xf32>,
                %iota3A_420 = tpu.iota {dimensions = array<i32: 0>} : vector<16xi32>
                %add3A_421 = arith.constant 16 : i32
                %add3A_422 = vector.broadcast %add3A_421 : i32 to vector<16xi32>
                %add3A_423 = arith.addi %iota3A_420, %add3A_422 : vector<16xi32>
                %gather3A_424 = tpu.vector_load_idx %arg9[%sub3A_393, %add3A_423, %and3A_389] : memref<6x64x128xf32, #tpu.memory_space<vmem>>[vector<16xi32>, vector<16xi32>, vector<16xi32>], vector<16xf32>,
                %add3A_425 = arith.addi %broadcast_in_dim3A_413, %add3A_423 : vector<16xi32>
                tpu.vector_store_idx %arg11[%add3A_425], %gather3A_424 : memref<1024xf32, #tpu.memory_space<vmem>>[vector<16xi32>], vector<16xf32>,
                %iota3A_426 = tpu.iota {dimensions = array<i32: 0>} : vector<16xi32>
                %add3A_427 = arith.constant 32 : i32
                %add3A_428 = vector.broadcast %add3A_427 : i32 to vector<16xi32>
                %add3A_429 = arith.addi %iota3A_426, %add3A_428 : vector<16xi32>
                %gather3A_430 = tpu.vector_load_idx %arg9[%sub3A_393, %add3A_429, %and3A_389] : memref<6x64x128xf32, #tpu.memory_space<vmem>>[vector<16xi32>, vector<16xi32>, vector<16xi32>], vector<16xf32>,
                %add3A_431 = arith.addi %broadcast_in_dim3A_413, %add3A_429 : vector<16xi32>
                tpu.vector_store_idx %arg11[%add3A_431], %gather3A_430 : memref<1024xf32, #tpu.memory_space<vmem>>[vector<16xi32>], vector<16xf32>,
                %iota3A_432 = tpu.iota {dimensions = array<i32: 0>} : vector<16xi32>
                %add3A_433 = arith.constant 48 : i32
                %add3A_434 = vector.broadcast %add3A_433 : i32 to vector<16xi32>
                %add3A_435 = arith.addi %iota3A_432, %add3A_434 : vector<16xi32>
                %gather3A_436 = tpu.vector_load_idx %arg9[%sub3A_393, %add3A_435, %and3A_389] : memref<6x64x128xf32, #tpu.memory_space<vmem>>[vector<16xi32>, vector<16xi32>, vector<16xi32>], vector<16xf32>,
                %add3A_437 = arith.addi %broadcast_in_dim3A_413, %add3A_435 : vector<16xi32>
                tpu.vector_store_idx %arg11[%add3A_437], %gather3A_436 : memref<1024xf32, #tpu.memory_space<vmem>>[vector<16xi32>], vector<16xf32>,
                %reduce_max3A_438 = arith.constant true
                %reduce_max3A_439 = vector.broadcast %reduce_max3A_438 : i1 to vector<16xi1>
                %reduce_max3A_440 = arith.constant -2147483648 : i32
                %reduce_max3A_441 = vector.broadcast %reduce_max3A_440 : i32 to vector<16xi32>
                %reduce_max3A_442 = arith.xori %and3A_383, %reduce_max3A_441 : vector<16xi32>
                %reduce_max3A_443 = tpu.scan <max>, %reduce_max3A_442 masked %reduce_max3A_439 : vector<16xi32>, vector<16xi1> -> vector<16xi32>
                %reduce_max3A_444 = arith.xori %reduce_max3A_443, %reduce_max3A_441 : vector<16xi32>
                %reduce_max3A_445 = vector.extract %reduce_max3A_444[15] : i32 from vector<16xi32>
                %mul3A_446 = arith.constant 64 : i32
                %mul3A_447 = arith.muli %and3A_405, %mul3A_446 : i32
                %mul3A_448 = arith.constant 64 : i32
                %mul3A_449 = arith.muli %reduce_max3A_445, %mul3A_448 : i32
                %dma_start3A = tpu.memref_slice %arg11[%mul3A_447] : memref<1024xf32, #tpu.memory_space<vmem>> -> memref<64xf32, #tpu.memory_space<vmem>>
                %dma_start3A_450 = tpu.memref_slice %arg5[%mul3A_449] : memref<1048576xf32, #tpu.memory_space<hbm>> -> memref<64xf32, #tpu.memory_space<hbm>>
                %dma_start3A_451 = tpu.memref_slice %arg5[%mul3A_449] : memref<1048576xf32, #tpu.memory_space<hbm>> -> memref<64xf32, #tpu.memory_space<hbm>>
                %dma_start3A_452 = tpu.memref_slice %arg11[%mul3A_447] : memref<1024xf32, #tpu.memory_space<vmem>> -> memref<64xf32, #tpu.memory_space<vmem>>
                tpu.enqueue_dma source(%dma_start3A_452 : memref<64xf32, #tpu.memory_space<vmem>>) target(%dma_start3A_451 : memref<64xf32, #tpu.memory_space<hbm>>) target_semaphore(%arg17 : memref<!tpu.dma_semaphore, #tpu.memory_space<semaphore_mem>>)
                %add3A_453 = arith.constant 1 : i32
                %add3A_454 = arith.addi %reduce_max3A_403, %add3A_453 : i32
                %broadcast_in_dim3A_455 = vector.broadcast %add3A_454 : i32 to vector<16xi32>
                %swap3A_456 = arith.constant 0 : index
                %swap3A_457 = tpu.vector_load %arg14[%swap3A_456] {strides = array<i32>} : memref<16xi32, #tpu.memory_space<vmem>>, vector<16xi32>,
                tpu.vector_store %arg14[%swap3A_456], %broadcast_in_dim3A_455 {strides = array<i32>} : memref<16xi32, #tpu.memory_space<vmem>>, vector<16xi32>,
                %iota3A_458 = tpu.iota {dimensions = array<i32: 0>} : vector<16xi32>
                %broadcast_in_dim3A_459 = vector.broadcast %reduce_max3A_378 : i32 to vector<16xi32>
                %ne3A = arith.cmpi ne, %iota3A_458, %broadcast_in_dim3A_459 : vector<16xi32>
                %and3A_460 = arith.andi %while3A_370, %ne3A : vector<16xi1>
                scf.yield %and3A_460 : vector<16xi1>
              }
            } else {
            }
          } else {
          }
          %while3A_312 = arith.constant 0 : i32
          scf.yield %while3A_312 : i32
        }
        %add3A_244 = arith.constant 2 : i32
        %add3A_245 = arith.addi %add3A_127, %add3A_244 : i32
        %lt3A_246 = arith.cmpi slt, %add3A_245, %div3A_9 : i32
        %convert_element_type3A_247 = arith.extui %lt3A_246 : i1 to i32
        %cond3A_248 = arith.constant 0 : i32
        %cond3A_249 = arith.cmpi ne, %convert_element_type3A_247, %cond3A_248 : i32
        scf.if %cond3A_249 {
          %add3A_250 = arith.constant 2 : i32
          %add3A_251 = arith.addi %add3A_127, %add3A_250 : i32
          %mul3A_252 = arith.constant 6 : i32
          %mul3A_253 = arith.muli %add3A_251, %mul3A_252 : i32
          %add3A_254 = arith.addi %mul3A_2, %mul3A_253 : i32
          %add3A_255 = arith.constant 0 : i32
          %add3A_256 = arith.addi %add3A_254, %add3A_255 : i32
          %mul3A_257 = arith.constant 128 : i32
          %mul3A_258 = arith.muli %add3A_256, %mul3A_257 : i32
          %dma_start3A = arith.constant 0 : i32
          %dma_start3A_259 = arith.constant 0 : i32
          %dma_start3A_260 = arith.constant 0 : i32
          %dma_start3A_261 = tpu.memref_slice %arg9[%dma_start3A, %dma_start3A_259, %dma_start3A_260] : memref<6x64x128xf32, #tpu.memory_space<vmem>> -> memref<1x64x128xf32, #tpu.memory_space<vmem>>
          %dma_start3A_262 = tpu.memref_squeeze %dma_start3A_261 : memref<1x64x128xf32, #tpu.memory_space<vmem>> -> memref<64x128xf32, #tpu.memory_space<vmem>>
          %dma_start3A_263 = arith.constant 0 : i32
          %dma_start3A_264 = tpu.memref_slice %arg2[%dma_start3A_263, %mul3A_258] : memref<64x1000000xf32, #tpu.memory_space<hbm>> -> memref<64x128xf32, #tpu.memory_space<hbm>>
          %dma_start3A_265 = arith.constant 0 : i32
          %dma_start3A_266 = arith.constant 0 : i32
          %dma_start3A_267 = tpu.memref_slice %arg9[%dma_start3A, %dma_start3A_265, %dma_start3A_266] : memref<6x64x128xf32, #tpu.memory_space<vmem>> -> memref<1x64x128xf32, #tpu.memory_space<vmem>>
          %dma_start3A_268 = tpu.memref_squeeze %dma_start3A_267 : memref<1x64x128xf32, #tpu.memory_space<vmem>> -> memref<64x128xf32, #tpu.memory_space<vmem>>
          %dma_start3A_269 = arith.constant 0 : i32
          %dma_start3A_270 = tpu.memref_slice %arg2[%dma_start3A_269, %mul3A_258] : memref<64x1000000xf32, #tpu.memory_space<hbm>> -> memref<64x128xf32, #tpu.memory_space<hbm>>
          tpu.enqueue_dma source(%dma_start3A_270 : memref<64x128xf32, #tpu.memory_space<hbm>>) target(%dma_start3A_268 : memref<64x128xf32, #tpu.memory_space<vmem>>) target_semaphore(%arg16 : memref<!tpu.dma_semaphore, #tpu.memory_space<semaphore_mem>>)
          %mul3A_271 = arith.constant 6 : i32
          %mul3A_272 = arith.muli %add3A_251, %mul3A_271 : i32
          %add3A_273 = arith.addi %mul3A_2, %mul3A_272 : i32
          %add3A_274 = arith.constant 1 : i32
          %add3A_275 = arith.addi %add3A_273, %add3A_274 : i32
          %mul3A_276 = arith.constant 128 : i32
          %mul3A_277 = arith.muli %add3A_275, %mul3A_276 : i32
          %dma_start3A_278 = arith.constant 1 : i32
          %dma_start3A_279 = arith.constant 0 : i32
          %dma_start3A_280 = arith.constant 0 : i32
          %dma_start3A_281 = tpu.memref_slice %arg9[%dma_start3A_278, %dma_start3A_279, %dma_start3A_280] : memref<6x64x128xf32, #tpu.memory_space<vmem>> -> memref<1x64x128xf32, #tpu.memory_space<vmem>>
          %dma_start3A_282 = tpu.memref_squeeze %dma_start3A_281 : memref<1x64x128xf32, #tpu.memory_space<vmem>> -> memref<64x128xf32, #tpu.memory_space<vmem>>
          %dma_start3A_283 = arith.constant 0 : i32
          %dma_start3A_284 = tpu.memref_slice %arg2[%dma_start3A_283, %mul3A_277] : memref<64x1000000xf32, #tpu.memory_space<hbm>> -> memref<64x128xf32, #tpu.memory_space<hbm>>
          %dma_start3A_285 = arith.constant 0 : i32
          %dma_start3A_286 = arith.constant 0 : i32
          %dma_start3A_287 = tpu.memref_slice %arg9[%dma_start3A_278, %dma_start3A_285, %dma_start3A_286] : memref<6x64x128xf32, #tpu.memory_space<vmem>> -> memref<1x64x128xf32, #tpu.memory_space<vmem>>
          %dma_start3A_288 = tpu.memref_squeeze %dma_start3A_287 : memref<1x64x128xf32, #tpu.memory_space<vmem>> -> memref<64x128xf32, #tpu.memory_space<vmem>>
          %dma_start3A_289 = arith.constant 0 : i32
          %dma_start3A_290 = tpu.memref_slice %arg2[%dma_start3A_289, %mul3A_277] : memref<64x1000000xf32, #tpu.memory_space<hbm>> -> memref<64x128xf32, #tpu.memory_space<hbm>>
          tpu.enqueue_dma source(%dma_start3A_290 : memref<64x128xf32, #tpu.memory_space<hbm>>) target(%dma_start3A_288 : memref<64x128xf32, #tpu.memory_space<vmem>>) target_semaphore(%arg16 : memref<!tpu.dma_semaphore, #tpu.memory_space<semaphore_mem>>)
          %mul3A_291 = arith.constant 6 : i32
          %mul3A_292 = arith.muli %add3A_251, %mul3A_291 : i32
          %add3A_293 = arith.addi %mul3A_2, %mul3A_292 : i32
          %add3A_294 = arith.constant 2 : i32
          %add3A_295 = arith.addi %add3A_293, %add3A_294 : i32
          %mul3A_296 = arith.constant 128 : i32
          %mul3A_297 = arith.muli %add3A_295, %mul3A_296 : i32
          %dma_start3A_298 = arith.constant 2 : i32
          %dma_start3A_299 = arith.constant 0 : i32
          %dma_start3A_300 = arith.constant 0 : i32
          %dma_start3A_301 = tpu.memref_slice %arg9[%dma_start3A_298, %dma_start3A_299, %dma_start3A_300] : memref<6x64x128xf32, #tpu.memory_space<vmem>> -> memref<1x64x128xf32, #tpu.memory_space<vmem>>
          %dma_start3A_302 = tpu.memref_squeeze %dma_start3A_301 : memref<1x64x128xf32, #tpu.memory_space<vmem>> -> memref<64x128xf32, #tpu.memory_space<vmem>>
          %dma_start3A_303 = arith.constant 0 : i32
          %dma_start3A_304 = tpu.memref_slice %arg2[%dma_start3A_303, %mul3A_297] : memref<64x1000000xf32, #tpu.memory_space<hbm>> -> memref<64x128xf32, #tpu.memory_space<hbm>>
          %dma_start3A_305 = arith.constant 0 : i32
          %dma_start3A_306 = arith.constant 0 : i32
          %dma_start3A_307 = tpu.memref_slice %arg9[%dma_start3A_298, %dma_start3A_305, %dma_start3A_306] : memref<6x64x128xf32, #tpu.memory_space<vmem>> -> memref<1x64x128xf32, #tpu.memory_space<vmem>>
          %dma_start3A_308 = tpu.memref_squeeze %dma_start3A_307 : memref<1x64x128xf32, #tpu.memory_space<vmem>> -> memref<64x128xf32, #tpu.memory_space<vmem>>
          %dma_start3A_309 = arith.constant 0 : i32
          %dma_start3A_310 = tpu.memref_slice %arg2[%dma_start3A_309, %mul3A_297] : memref<64x1000000xf32, #tpu.memory_space<hbm>> -> memref<64x128xf32, #tpu.memory_space<hbm>>
          tpu.enqueue_dma source(%dma_start3A_310 : memref<64x128xf32, #tpu.memory_space<hbm>>) target(%dma_start3A_308 : memref<64x128xf32, #tpu.memory_space<vmem>>) target_semaphore(%arg16 : memref<!tpu.dma_semaphore, #tpu.memory_space<semaphore_mem>>)
          %mul3A_311 = arith.constant 6 : i32
          %mul3A_312 = arith.muli %add3A_251, %mul3A_311 : i32
          %add3A_313 = arith.addi %mul3A_2, %mul3A_312 : i32
          %add3A_314 = arith.constant 3 : i32
          %add3A_315 = arith.addi %add3A_313, %add3A_314 : i32
          %mul3A_316 = arith.constant 128 : i32
          %mul3A_317 = arith.muli %add3A_315, %mul3A_316 : i32
          %dma_start3A_318 = arith.constant 3 : i32
          %dma_start3A_319 = arith.constant 0 : i32
          %dma_start3A_320 = arith.constant 0 : i32
          %dma_start3A_321 = tpu.memref_slice %arg9[%dma_start3A_318, %dma_start3A_319, %dma_start3A_320] : memref<6x64x128xf32, #tpu.memory_space<vmem>> -> memref<1x64x128xf32, #tpu.memory_space<vmem>>
          %dma_start3A_322 = tpu.memref_squeeze %dma_start3A_321 : memref<1x64x128xf32, #tpu.memory_space<vmem>> -> memref<64x128xf32, #tpu.memory_space<vmem>>
          %dma_start3A_323 = arith.constant 0 : i32
          %dma_start3A_324 = tpu.memref_slice %arg2[%dma_start3A_323, %mul3A_317] : memref<64x1000000xf32, #tpu.memory_space<hbm>> -> memref<64x128xf32, #tpu.memory_space<hbm>>
          %dma_start3A_325 = arith.constant 0 : i32
          %dma_start3A_326 = arith.constant 0 : i32
          %dma_start3A_327 = tpu.memref_slice %arg9[%dma_start3A_318, %dma_start3A_325, %dma_start3A_326] : memref<6x64x128xf32, #tpu.memory_space<vmem>> -> memref<1x64x128xf32, #tpu.memory_space<vmem>>
          %dma_start3A_328 = tpu.memref_squeeze %dma_start3A_327 : memref<1x64x128xf32, #tpu.memory_space<vmem>> -> memref<64x128xf32, #tpu.memory_space<vmem>>
          %dma_start3A_329 = arith.constant 0 : i32
          %dma_start3A_330 = tpu.memref_slice %arg2[%dma_start3A_329, %mul3A_317] : memref<64x1000000xf32, #tpu.memory_space<hbm>> -> memref<64x128xf32, #tpu.memory_space<hbm>>
          tpu.enqueue_dma source(%dma_start3A_330 : memref<64x128xf32, #tpu.memory_space<hbm>>) target(%dma_start3A_328 : memref<64x128xf32, #tpu.memory_space<vmem>>) target_semaphore(%arg16 : memref<!tpu.dma_semaphore, #tpu.memory_space<semaphore_mem>>)
          %mul3A_331 = arith.constant 6 : i32
          %mul3A_332 = arith.muli %add3A_251, %mul3A_331 : i32
          %add3A_333 = arith.addi %mul3A_2, %mul3A_332 : i32
          %add3A_334 = arith.constant 4 : i32
          %add3A_335 = arith.addi %add3A_333, %add3A_334 : i32
          %mul3A_336 = arith.constant 128 : i32
          %mul3A_337 = arith.muli %add3A_335, %mul3A_336 : i32
          %dma_start3A_338 = arith.constant 4 : i32
          %dma_start3A_339 = arith.constant 0 : i32
          %dma_start3A_340 = arith.constant 0 : i32
          %dma_start3A_341 = tpu.memref_slice %arg9[%dma_start3A_338, %dma_start3A_339, %dma_start3A_340] : memref<6x64x128xf32, #tpu.memory_space<vmem>> -> memref<1x64x128xf32, #tpu.memory_space<vmem>>
          %dma_start3A_342 = tpu.memref_squeeze %dma_start3A_341 : memref<1x64x128xf32, #tpu.memory_space<vmem>> -> memref<64x128xf32, #tpu.memory_space<vmem>>
          %dma_start3A_343 = arith.constant 0 : i32
          %dma_start3A_344 = tpu.memref_slice %arg2[%dma_start3A_343, %mul3A_337] : memref<64x1000000xf32, #tpu.memory_space<hbm>> -> memref<64x128xf32, #tpu.memory_space<hbm>>
          %dma_start3A_345 = arith.constant 0 : i32
          %dma_start3A_346 = arith.constant 0 : i32
          %dma_start3A_347 = tpu.memref_slice %arg9[%dma_start3A_338, %dma_start3A_345, %dma_start3A_346] : memref<6x64x128xf32, #tpu.memory_space<vmem>> -> memref<1x64x128xf32, #tpu.memory_space<vmem>>
          %dma_start3A_348 = tpu.memref_squeeze %dma_start3A_347 : memref<1x64x128xf32, #tpu.memory_space<vmem>> -> memref<64x128xf32, #tpu.memory_space<vmem>>
          %dma_start3A_349 = arith.constant 0 : i32
          %dma_start3A_350 = tpu.memref_slice %arg2[%dma_start3A_349, %mul3A_337] : memref<64x1000000xf32, #tpu.memory_space<hbm>> -> memref<64x128xf32, #tpu.memory_space<hbm>>
          tpu.enqueue_dma source(%dma_start3A_350 : memref<64x128xf32, #tpu.memory_space<hbm>>) target(%dma_start3A_348 : memref<64x128xf32, #tpu.memory_space<vmem>>) target_semaphore(%arg16 : memref<!tpu.dma_semaphore, #tpu.memory_space<semaphore_mem>>)
          %mul3A_351 = arith.constant 6 : i32
          %mul3A_352 = arith.muli %add3A_251, %mul3A_351 : i32
          %add3A_353 = arith.addi %mul3A_2, %mul3A_352 : i32
          %add3A_354 = arith.constant 5 : i32
          %add3A_355 = arith.addi %add3A_353, %add3A_354 : i32
          %mul3A_356 = arith.constant 128 : i32
          %mul3A_357 = arith.muli %add3A_355, %mul3A_356 : i32
          %dma_start3A_358 = arith.constant 5 : i32
          %dma_start3A_359 = arith.constant 0 : i32
          %dma_start3A_360 = arith.constant 0 : i32
          %dma_start3A_361 = tpu.memref_slice %arg9[%dma_start3A_358, %dma_start3A_359, %dma_start3A_360] : memref<6x64x128xf32, #tpu.memory_space<vmem>> -> memref<1x64x128xf32, #tpu.memory_space<vmem>>
          %dma_start3A_362 = tpu.memref_squeeze %dma_start3A_361 : memref<1x64x128xf32, #tpu.memory_space<vmem>> -> memref<64x128xf32, #tpu.memory_space<vmem>>
          %dma_start3A_363 = arith.constant 0 : i32
          %dma_start3A_364 = tpu.memref_slice %arg2[%dma_start3A_363, %mul3A_357] : memref<64x1000000xf32, #tpu.memory_space<hbm>> -> memref<64x128xf32, #tpu.memory_space<hbm>>
          %dma_start3A_365 = arith.constant 0 : i32
          %dma_start3A_366 = arith.constant 0 : i32
          %dma_start3A_367 = tpu.memref_slice %arg9[%dma_start3A_358, %dma_start3A_365, %dma_start3A_366] : memref<6x64x128xf32, #tpu.memory_space<vmem>> -> memref<1x64x128xf32, #tpu.memory_space<vmem>>
          %dma_start3A_368 = tpu.memref_squeeze %dma_start3A_367 : memref<1x64x128xf32, #tpu.memory_space<vmem>> -> memref<64x128xf32, #tpu.memory_space<vmem>>
          %dma_start3A_369 = arith.constant 0 : i32
          %dma_start3A_370 = tpu.memref_slice %arg2[%dma_start3A_369, %mul3A_357] : memref<64x1000000xf32, #tpu.memory_space<hbm>> -> memref<64x128xf32, #tpu.memory_space<hbm>>
          tpu.enqueue_dma source(%dma_start3A_370 : memref<64x128xf32, #tpu.memory_space<hbm>>) target(%dma_start3A_368 : memref<64x128xf32, #tpu.memory_space<vmem>>) target_semaphore(%arg16 : memref<!tpu.dma_semaphore, #tpu.memory_space<semaphore_mem>>)
        } else {
        }
      } else {
      }
      %scan3A_132 = arith.constant 0 : i32
      scf.yield %scan3A_132 : i32
    }
    %scan3A_88 = arith.constant 21 : i32
    %convert_element_type3A_89 = arith.extui %eq3A_5 : i1 to i32
    %cond3A_90 = arith.constant 0 : i32
    %cond3A_91 = arith.cmpi ne, %convert_element_type3A_89, %cond3A_90 : i32
    scf.if %cond3A_91 {
      tpu.enqueue_dma source(%arg3 : memref<4096xf32, #tpu.memory_space<hbm>>) target(%arg10 : memref<4096xf32, #tpu.memory_space<vmem>>) target_semaphore(%arg16 : memref<!tpu.dma_semaphore, #tpu.memory_space<semaphore_mem>>)
      tpu.wait_dma2 semaphore(%arg16 : memref<!tpu.dma_semaphore, #tpu.memory_space<semaphore_mem>>) src(%arg3 : memref<4096xf32, #tpu.memory_space<hbm>>) dst(%arg10 : memref<4096xf32, #tpu.memory_space<vmem>>)
      %sub3A_115 = arith.constant 7812 : i32
      %sub3A_116 = arith.subi %sub3A_115, %mul3A_2 : i32
      %broadcast_in_dim3A_117 = vector.broadcast %sub3A_116 : i32 to vector<16xi32>
      %add3A_118 = arith.constant 1 : i32
      %add3A_119 = arith.addi %sub3A_116, %add3A_118 : i32
      %broadcast_in_dim3A_120 = vector.broadcast %add3A_119 : i32 to vector<16xi32>
      %add3A_121 = arith.constant 63 : i32
      %add3A_122 = arith.addi %reduce_max3A_58, %add3A_121 : i32
      %div3A_123 = arith.constant 64 : i32
      %div3A_124 = arith.divsi %add3A_122, %div3A_123 : i32
      %while3A_125 = arith.constant 0 : i32
      %while3A_126 = arith.constant 0 : i32
      %while3A_127 = arith.subi %div3A_124, %while3A_125 : i32
      %while3A_128 = arith.addi %while3A_125, %while3A_127 : i32
      %while3A_129 = arith.constant 1 : i32
      %while3A_130 = arith.divsi %while3A_127, %while3A_129 : i32
      %while3A_131 = arith.muli %while3A_130, %while3A_129 : i32
      %while3A_132 = arith.addi %while3A_125, %while3A_131 : i32
      %while3A_133 = arith.constant 1 : i32
      %while3A_134 = scf.for %while3A_137 = %while3A_125 to %while3A_132 step %while3A_133 iter_args(%while3A_138 = %while3A_126) -> (i32)  : i32 {
        %mul3A_139 = arith.constant 64 : i32
        %mul3A_140 = arith.muli %while3A_137, %mul3A_139 : i32
        %add3A_141 = arith.constant 0 : i32
        %add3A_142 = arith.addi %mul3A_140, %add3A_141 : i32
        %get3A_143 = arith.index_cast %add3A_142 : i32 to index
        %get3A_144 = tpu.vector_load %arg7[%get3A_143] {strides = array<i32>} : memref<16480xi32, #tpu.memory_space<vmem>>, vector<16xi32>,
        %shift_right_logical3A = arith.constant 21 : i32
        %shift_right_logical3A_145 = vector.broadcast %shift_right_logical3A : i32 to vector<16xi32>
        %shift_right_logical3A_146 = arith.shrui %get3A_144, %shift_right_logical3A_145 : vector<16xi32>
        %ge3A = arith.cmpi sge, %shift_right_logical3A_146, %broadcast_in_dim3A_117 : vector<16xi32>
        %lt3A = arith.cmpi slt, %shift_right_logical3A_146, %broadcast_in_dim3A_120 : vector<16xi32>
        %and3A = arith.andi %ge3A, %lt3A : vector<16xi1>
        %mul3A_147 = arith.constant 64 : i32
        %mul3A_148 = arith.muli %while3A_137, %mul3A_147 : i32
        %add3A_149 = arith.constant 16 : i32
        %add3A_150 = arith.addi %mul3A_148, %add3A_149 : i32
        %get3A_151 = arith.index_cast %add3A_150 : i32 to index
        %get3A_152 = tpu.vector_load %arg7[%get3A_151] {strides = array<i32>} : memref<16480xi32, #tpu.memory_space<vmem>>, vector<16xi32>,
        %shift_right_logical3A_153 = arith.constant 21 : i32
        %shift_right_logical3A_154 = vector.broadcast %shift_right_logical3A_153 : i32 to vector<16xi32>
        %shift_right_logical3A_155 = arith.shrui %get3A_152, %shift_right_logical3A_154 : vector<16xi32>
        %ge3A_156 = arith.cmpi sge, %shift_right_logical3A_155, %broadcast_in_dim3A_117 : vector<16xi32>
        %lt3A_157 = arith.cmpi slt, %shift_right_logical3A_155, %broadcast_in_dim3A_120 : vector<16xi32>
        %and3A_158 = arith.andi %ge3A_156, %lt3A_157 : vector<16xi1>
        %mul3A_159 = arith.constant 64 : i32
        %mul3A_160 = arith.muli %while3A_137, %mul3A_159 : i32
        %add3A_161 = arith.constant 32 : i32
        %add3A_162 = arith.addi %mul3A_160, %add3A_161 : i32
        %get3A_163 = arith.index_cast %add3A_162 : i32 to index
        %get3A_164 = tpu.vector_load %arg7[%get3A_163] {strides = array<i32>} : memref<16480xi32, #tpu.memory_space<vmem>>, vector<16xi32>,
        %shift_right_logical3A_165 = arith.constant 21 : i32
        %shift_right_logical3A_166 = vector.broadcast %shift_right_logical3A_165 : i32 to vector<16xi32>
        %shift_right_logical3A_167 = arith.shrui %get3A_164, %shift_right_logical3A_166 : vector<16xi32>
        %ge3A_168 = arith.cmpi sge, %shift_right_logical3A_167, %broadcast_in_dim3A_117 : vector<16xi32>
        %lt3A_169 = arith.cmpi slt, %shift_right_logical3A_167, %broadcast_in_dim3A_120 : vector<16xi32>
        %and3A_170 = arith.andi %ge3A_168, %lt3A_169 : vector<16xi1>
        %mul3A_171 = arith.constant 64 : i32
        %mul3A_172 = arith.muli %while3A_137, %mul3A_171 : i32
        %add3A_173 = arith.constant 48 : i32
        %add3A_174 = arith.addi %mul3A_172, %add3A_173 : i32
        %get3A_175 = arith.index_cast %add3A_174 : i32 to index
        %get3A_176 = tpu.vector_load %arg7[%get3A_175] {strides = array<i32>} : memref<16480xi32, #tpu.memory_space<vmem>>, vector<16xi32>,
        %shift_right_logical3A_177 = arith.constant 21 : i32
        %shift_right_logical3A_178 = vector.broadcast %shift_right_logical3A_177 : i32 to vector<16xi32>
        %shift_right_logical3A_179 = arith.shrui %get3A_176, %shift_right_logical3A_178 : vector<16xi32>
        %ge3A_180 = arith.cmpi sge, %shift_right_logical3A_179, %broadcast_in_dim3A_117 : vector<16xi32>
        %lt3A_181 = arith.cmpi slt, %shift_right_logical3A_179, %broadcast_in_dim3A_120 : vector<16xi32>
        %and3A_182 = arith.andi %ge3A_180, %lt3A_181 : vector<16xi1>
        %or3A = arith.ori %and3A, %and3A_158 : vector<16xi1>
        %or3A_183 = arith.ori %and3A_170, %and3A_182 : vector<16xi1>
        %or3A_184 = arith.ori %or3A, %or3A_183 : vector<16xi1>
        %reduce_or3A = arith.constant 1.000000e+00 : f32
        %reduce_or3A_185 = arith.constant 0.000000e+00 : f32
        %reduce_or3A_186 = vector.broadcast %reduce_or3A : f32 to vector<16xf32>
        %reduce_or3A_187 = vector.broadcast %reduce_or3A_185 : f32 to vector<16xf32>
        %reduce_or3A_188 = arith.select %or3A_184, %reduce_or3A_186, %reduce_or3A_187 : vector<16xi1>, vector<16xf32>
        %reduce_or3A_189 = arith.constant true
        %reduce_or3A_190 = vector.broadcast %reduce_or3A_189 : i1 to vector<16xi1>
        %reduce_or3A_191 = tpu.scan <max>, %reduce_or3A_188 masked %reduce_or3A_190 : vector<16xf32>, vector<16xi1> -> vector<16xf32>
        %reduce_or3A_192 = vector.extract %reduce_or3A_191[15] : f32 from vector<16xf32>
        %reduce_or3A_193 = arith.constant 0.000000e+00 : f32
        %reduce_or3A_194 = arith.cmpf ogt, %reduce_or3A_192, %reduce_or3A_193 : f32
        %convert_element_type3A_195 = arith.extui %reduce_or3A_194 : i1 to i32
        %cond3A_196 = arith.constant 0 : i32
        %cond3A_197 = arith.cmpi ne, %convert_element_type3A_195, %cond3A_196 : i32
        scf.if %cond3A_197 {
          %reduce_or3A_199 = arith.constant 1.000000e+00 : f32
          %reduce_or3A_200 = arith.constant 0.000000e+00 : f32
          %reduce_or3A_201 = vector.broadcast %reduce_or3A_199 : f32 to vector<16xf32>
          %reduce_or3A_202 = vector.broadcast %reduce_or3A_200 : f32 to vector<16xf32>
          %reduce_or3A_203 = arith.select %and3A, %reduce_or3A_201, %reduce_or3A_202 : vector<16xi1>, vector<16xf32>
          %reduce_or3A_204 = arith.constant true
          %reduce_or3A_205 = vector.broadcast %reduce_or3A_204 : i1 to vector<16xi1>
          %reduce_or3A_206 = tpu.scan <max>, %reduce_or3A_203 masked %reduce_or3A_205 : vector<16xf32>, vector<16xi1> -> vector<16xf32>
          %reduce_or3A_207 = vector.extract %reduce_or3A_206[15] : f32 from vector<16xf32>
          %reduce_or3A_208 = arith.constant 0.000000e+00 : f32
          %reduce_or3A_209 = arith.cmpf ogt, %reduce_or3A_207, %reduce_or3A_208 : f32
          %convert_element_type3A_210 = arith.extui %reduce_or3A_209 : i1 to i32
          %cond3A_211 = arith.constant 0 : i32
          %cond3A_212 = arith.cmpi ne, %convert_element_type3A_210, %cond3A_211 : i32
          scf.if %cond3A_212 {
            %while3A_255 = scf.while (%while3A_256 = %and3A) : (vector<16xi1>) -> vector<16xi1> {
              %reduce_or3A_257 = arith.constant 1.000000e+00 : f32
              %reduce_or3A_258 = arith.constant 0.000000e+00 : f32
              %reduce_or3A_259 = vector.broadcast %reduce_or3A_257 : f32 to vector<16xf32>
              %reduce_or3A_260 = vector.broadcast %reduce_or3A_258 : f32 to vector<16xf32>
              %reduce_or3A_261 = arith.select %while3A_256, %reduce_or3A_259, %reduce_or3A_260 : vector<16xi1>, vector<16xf32>
              %reduce_or3A_262 = arith.constant true
              %reduce_or3A_263 = vector.broadcast %reduce_or3A_262 : i1 to vector<16xi1>
              %reduce_or3A_264 = tpu.scan <max>, %reduce_or3A_261 masked %reduce_or3A_263 : vector<16xf32>, vector<16xi1> -> vector<16xf32>
              %reduce_or3A_265 = vector.extract %reduce_or3A_264[15] : f32 from vector<16xf32>
              %reduce_or3A_266 = arith.constant 0.000000e+00 : f32
              %reduce_or3A_267 = arith.cmpf ogt, %reduce_or3A_265, %reduce_or3A_266 : f32
              scf.condition(%reduce_or3A_267) %while3A_256 : vector<16xi1>
            } do {
            ^bb0(%while3A_256: vector<16xi1>):
              %all_reduce_ffs3A = tpu.all_reduce %while3A_256 {dim = 0 : i64, kind = #tpu.reduction_kind<find_first_set>} : vector<16xi1> -> vector<16xi32>
              %reduce_max3A_257 = arith.constant true
              %reduce_max3A_258 = vector.broadcast %reduce_max3A_257 : i1 to vector<16xi1>
              %reduce_max3A_259 = arith.constant -2147483648 : i32
              %reduce_max3A_260 = vector.broadcast %reduce_max3A_259 : i32 to vector<16xi32>
              %reduce_max3A_261 = arith.xori %all_reduce_ffs3A, %reduce_max3A_260 : vector<16xi32>
              %reduce_max3A_262 = tpu.scan <max>, %reduce_max3A_261 masked %reduce_max3A_258 : vector<16xi32>, vector<16xi1> -> vector<16xi32>
              %reduce_max3A_263 = arith.xori %reduce_max3A_262, %reduce_max3A_260 : vector<16xi32>
              %reduce_max3A_264 = vector.extract %reduce_max3A_263[15] : i32 from vector<16xi32>
              %broadcast_in_dim3A_265 = vector.broadcast %reduce_max3A_264 : i32 to vector<16xi32>
              %reshape3A = vector.shape_cast %broadcast_in_dim3A_265 : vector<16xi32> to vector<16x1xi32>
              %gather3A = vector.shape_cast %reshape3A : vector<16x1xi32> to vector<16xi32>
              %gather3A_266 = tpu.dynamic_gather %get3A_144[%gather3A] in [0] : vector<16xi32>, vector<16xi32> -> vector<16xi32>
              %and3A_267 = arith.constant 16383 : i32
              %and3A_268 = vector.broadcast %and3A_267 : i32 to vector<16xi32>
              %and3A_269 = arith.andi %gather3A_266, %and3A_268 : vector<16xi32>
              %shift_right_logical3A_270 = arith.constant 14 : i32
              %shift_right_logical3A_271 = vector.broadcast %shift_right_logical3A_270 : i32 to vector<16xi32>
              %shift_right_logical3A_272 = arith.shrui %gather3A_266, %shift_right_logical3A_271 : vector<16xi32>
              %and3A_273 = arith.constant 127 : i32
              %and3A_274 = vector.broadcast %and3A_273 : i32 to vector<16xi32>
              %and3A_275 = arith.andi %shift_right_logical3A_272, %and3A_274 : vector<16xi32>
              %get3A_276 = arith.constant 0 : index
              %get3A_277 = tpu.vector_load %arg14[%get3A_276] {strides = array<i32>} : memref<16xi32, #tpu.memory_space<vmem>>, vector<16xi32>,
              %reduce_max3A_278 = arith.constant true
              %reduce_max3A_279 = vector.broadcast %reduce_max3A_278 : i1 to vector<16xi1>
              %reduce_max3A_280 = arith.constant -2147483648 : i32
              %reduce_max3A_281 = vector.broadcast %reduce_max3A_280 : i32 to vector<16xi32>
              %reduce_max3A_282 = arith.xori %get3A_277, %reduce_max3A_281 : vector<16xi32>
              %reduce_max3A_283 = tpu.scan <max>, %reduce_max3A_282 masked %reduce_max3A_279 : vector<16xi32>, vector<16xi1> -> vector<16xi32>
              %reduce_max3A_284 = arith.xori %reduce_max3A_283, %reduce_max3A_281 : vector<16xi32>
              %reduce_max3A_285 = vector.extract %reduce_max3A_284[15] : i32 from vector<16xi32>
              %and3A_286 = arith.constant 15 : i32
              %and3A_287 = arith.andi %reduce_max3A_285, %and3A_286 : i32
              %ge3A_288 = arith.constant 16 : i32
              %ge3A_289 = arith.cmpi sge, %reduce_max3A_285, %ge3A_288 : i32
              %convert_element_type3A_290 = arith.extui %ge3A_289 : i1 to i32
              %cond3A_291 = arith.constant 0 : i32
              %cond3A_292 = arith.cmpi ne, %convert_element_type3A_290, %cond3A_291 : i32
              scf.if %cond3A_292 {
                %dma_wait3A = arith.constant 0 : i32
                %dma_wait3A_359 = tpu.memref_slice %arg5[%dma_wait3A] : memref<1048576xf32, #tpu.memory_space<hbm>> -> memref<64xf32, #tpu.memory_space<hbm>>
                %dma_wait3A_360 = arith.constant 0 : i32
                %dma_wait3A_361 = tpu.memref_slice %arg5[%dma_wait3A_360] : memref<1048576xf32, #tpu.memory_space<hbm>> -> memref<64xf32, #tpu.memory_space<hbm>>
                tpu.wait_dma2 semaphore(%arg17 : memref<!tpu.dma_semaphore, #tpu.memory_space<semaphore_mem>>) src(%dma_wait3A_361 : memref<64xf32, #tpu.memory_space<hbm>>) dst(%arg12 : memref<64xf32, #tpu.memory_space<vmem>>)
              } else {
              }
              %mul3A_293 = arith.constant 64 : i32
              %mul3A_294 = arith.muli %and3A_287, %mul3A_293 : i32
              %broadcast_in_dim3A_295 = vector.broadcast %mul3A_294 : i32 to vector<16xi32>
              %iota3A_296 = tpu.iota {dimensions = array<i32: 0>} : vector<16xi32>
              %add3A_297 = arith.constant 0 : i32
              %add3A_298 = vector.broadcast %add3A_297 : i32 to vector<16xi32>
              %add3A_299 = arith.addi %iota3A_296, %add3A_298 : vector<16xi32>
              %mul3A_300 = arith.constant 64 : i32
              %mul3A_301 = vector.broadcast %mul3A_300 : i32 to vector<16xi32>
              %mul3A_302 = arith.muli %add3A_299, %mul3A_301 : vector<16xi32>
              %add3A_303 = arith.addi %mul3A_302, %and3A_275 : vector<16xi32>
              %gather3A_304 = tpu.vector_load_idx %arg10[%add3A_303] : memref<4096xf32, #tpu.memory_space<vmem>>[vector<16xi32>], vector<16xf32>,
              %add3A_305 = arith.addi %broadcast_in_dim3A_295, %add3A_299 : vector<16xi32>
              tpu.vector_store_idx %arg11[%add3A_305], %gather3A_304 : memref<1024xf32, #tpu.memory_space<vmem>>[vector<16xi32>], vector<16xf32>,
              %iota3A_306 = tpu.iota {dimensions = array<i32: 0>} : vector<16xi32>
              %add3A_307 = arith.constant 16 : i32
              %add3A_308 = vector.broadcast %add3A_307 : i32 to vector<16xi32>
              %add3A_309 = arith.addi %iota3A_306, %add3A_308 : vector<16xi32>
              %mul3A_310 = arith.constant 64 : i32
              %mul3A_311 = vector.broadcast %mul3A_310 : i32 to vector<16xi32>
              %mul3A_312 = arith.muli %add3A_309, %mul3A_311 : vector<16xi32>
              %add3A_313 = arith.addi %mul3A_312, %and3A_275 : vector<16xi32>
              %gather3A_314 = tpu.vector_load_idx %arg10[%add3A_313] : memref<4096xf32, #tpu.memory_space<vmem>>[vector<16xi32>], vector<16xf32>,
              %add3A_315 = arith.addi %broadcast_in_dim3A_295, %add3A_309 : vector<16xi32>
              tpu.vector_store_idx %arg11[%add3A_315], %gather3A_314 : memref<1024xf32, #tpu.memory_space<vmem>>[vector<16xi32>], vector<16xf32>,
              %iota3A_316 = tpu.iota {dimensions = array<i32: 0>} : vector<16xi32>
              %add3A_317 = arith.constant 32 : i32
              %add3A_318 = vector.broadcast %add3A_317 : i32 to vector<16xi32>
              %add3A_319 = arith.addi %iota3A_316, %add3A_318 : vector<16xi32>
              %mul3A_320 = arith.constant 64 : i32
              %mul3A_321 = vector.broadcast %mul3A_320 : i32 to vector<16xi32>
              %mul3A_322 = arith.muli %add3A_319, %mul3A_321 : vector<16xi32>
              %add3A_323 = arith.addi %mul3A_322, %and3A_275 : vector<16xi32>
              %gather3A_324 = tpu.vector_load_idx %arg10[%add3A_323] : memref<4096xf32, #tpu.memory_space<vmem>>[vector<16xi32>], vector<16xf32>,
              %add3A_325 = arith.addi %broadcast_in_dim3A_295, %add3A_319 : vector<16xi32>
              tpu.vector_store_idx %arg11[%add3A_325], %gather3A_324 : memref<1024xf32, #tpu.memory_space<vmem>>[vector<16xi32>], vector<16xf32>,
              %iota3A_326 = tpu.iota {dimensions = array<i32: 0>} : vector<16xi32>
              %add3A_327 = arith.constant 48 : i32
              %add3A_328 = vector.broadcast %add3A_327 : i32 to vector<16xi32>
              %add3A_329 = arith.addi %iota3A_326, %add3A_328 : vector<16xi32>
              %mul3A_330 = arith.constant 64 : i32
              %mul3A_331 = vector.broadcast %mul3A_330 : i32 to vector<16xi32>
              %mul3A_332 = arith.muli %add3A_329, %mul3A_331 : vector<16xi32>
              %add3A_333 = arith.addi %mul3A_332, %and3A_275 : vector<16xi32>
              %gather3A_334 = tpu.vector_load_idx %arg10[%add3A_333] : memref<4096xf32, #tpu.memory_space<vmem>>[vector<16xi32>], vector<16xf32>,
              %add3A_335 = arith.addi %broadcast_in_dim3A_295, %add3A_329 : vector<16xi32>
              tpu.vector_store_idx %arg11[%add3A_335], %gather3A_334 : memref<1024xf32, #tpu.memory_space<vmem>>[vector<16xi32>], vector<16xf32>,
              %reduce_max3A_336 = arith.constant true
              %reduce_max3A_337 = vector.broadcast %reduce_max3A_336 : i1 to vector<16xi1>
              %reduce_max3A_338 = arith.constant -2147483648 : i32
              %reduce_max3A_339 = vector.broadcast %reduce_max3A_338 : i32 to vector<16xi32>
              %reduce_max3A_340 = arith.xori %and3A_269, %reduce_max3A_339 : vector<16xi32>
              %reduce_max3A_341 = tpu.scan <max>, %reduce_max3A_340 masked %reduce_max3A_337 : vector<16xi32>, vector<16xi1> -> vector<16xi32>
              %reduce_max3A_342 = arith.xori %reduce_max3A_341, %reduce_max3A_339 : vector<16xi32>
              %reduce_max3A_343 = vector.extract %reduce_max3A_342[15] : i32 from vector<16xi32>
              %mul3A_344 = arith.constant 64 : i32
              %mul3A_345 = arith.muli %and3A_287, %mul3A_344 : i32
              %mul3A_346 = arith.constant 64 : i32
              %mul3A_347 = arith.muli %reduce_max3A_343, %mul3A_346 : i32
              %dma_start3A = tpu.memref_slice %arg11[%mul3A_345] : memref<1024xf32, #tpu.memory_space<vmem>> -> memref<64xf32, #tpu.memory_space<vmem>>
              %dma_start3A_348 = tpu.memref_slice %arg5[%mul3A_347] : memref<1048576xf32, #tpu.memory_space<hbm>> -> memref<64xf32, #tpu.memory_space<hbm>>
              %dma_start3A_349 = tpu.memref_slice %arg5[%mul3A_347] : memref<1048576xf32, #tpu.memory_space<hbm>> -> memref<64xf32, #tpu.memory_space<hbm>>
              %dma_start3A_350 = tpu.memref_slice %arg11[%mul3A_345] : memref<1024xf32, #tpu.memory_space<vmem>> -> memref<64xf32, #tpu.memory_space<vmem>>
              tpu.enqueue_dma source(%dma_start3A_350 : memref<64xf32, #tpu.memory_space<vmem>>) target(%dma_start3A_349 : memref<64xf32, #tpu.memory_space<hbm>>) target_semaphore(%arg17 : memref<!tpu.dma_semaphore, #tpu.memory_space<semaphore_mem>>)
              %add3A_351 = arith.constant 1 : i32
              %add3A_352 = arith.addi %reduce_max3A_285, %add3A_351 : i32
              %broadcast_in_dim3A_353 = vector.broadcast %add3A_352 : i32 to vector<16xi32>
              %swap3A_354 = arith.constant 0 : index
              %swap3A_355 = tpu.vector_load %arg14[%swap3A_354] {strides = array<i32>} : memref<16xi32, #tpu.memory_space<vmem>>, vector<16xi32>,
              tpu.vector_store %arg14[%swap3A_354], %broadcast_in_dim3A_353 {strides = array<i32>} : memref<16xi32, #tpu.memory_space<vmem>>, vector<16xi32>,
              %iota3A_356 = tpu.iota {dimensions = array<i32: 0>} : vector<16xi32>
              %broadcast_in_dim3A_357 = vector.broadcast %reduce_max3A_264 : i32 to vector<16xi32>
              %ne3A = arith.cmpi ne, %iota3A_356, %broadcast_in_dim3A_357 : vector<16xi32>
              %and3A_358 = arith.andi %while3A_256, %ne3A : vector<16xi1>
              scf.yield %and3A_358 : vector<16xi1>
            }
          } else {
          }
          %reduce_or3A_213 = arith.constant 1.000000e+00 : f32
          %reduce_or3A_214 = arith.constant 0.000000e+00 : f32
          %reduce_or3A_215 = vector.broadcast %reduce_or3A_213 : f32 to vector<16xf32>
          %reduce_or3A_216 = vector.broadcast %reduce_or3A_214 : f32 to vector<16xf32>
          %reduce_or3A_217 = arith.select %and3A_158, %reduce_or3A_215, %reduce_or3A_216 : vector<16xi1>, vector<16xf32>
          %reduce_or3A_218 = arith.constant true
          %reduce_or3A_219 = vector.broadcast %reduce_or3A_218 : i1 to vector<16xi1>
          %reduce_or3A_220 = tpu.scan <max>, %reduce_or3A_217 masked %reduce_or3A_219 : vector<16xf32>, vector<16xi1> -> vector<16xf32>
          %reduce_or3A_221 = vector.extract %reduce_or3A_220[15] : f32 from vector<16xf32>
          %reduce_or3A_222 = arith.constant 0.000000e+00 : f32
          %reduce_or3A_223 = arith.cmpf ogt, %reduce_or3A_221, %reduce_or3A_222 : f32
          %convert_element_type3A_224 = arith.extui %reduce_or3A_223 : i1 to i32
          %cond3A_225 = arith.constant 0 : i32
          %cond3A_226 = arith.cmpi ne, %convert_element_type3A_224, %cond3A_225 : i32
          scf.if %cond3A_226 {
            %while3A_255 = scf.while (%while3A_256 = %and3A_158) : (vector<16xi1>) -> vector<16xi1> {
              %reduce_or3A_257 = arith.constant 1.000000e+00 : f32
              %reduce_or3A_258 = arith.constant 0.000000e+00 : f32
              %reduce_or3A_259 = vector.broadcast %reduce_or3A_257 : f32 to vector<16xf32>
              %reduce_or3A_260 = vector.broadcast %reduce_or3A_258 : f32 to vector<16xf32>
              %reduce_or3A_261 = arith.select %while3A_256, %reduce_or3A_259, %reduce_or3A_260 : vector<16xi1>, vector<16xf32>
              %reduce_or3A_262 = arith.constant true
              %reduce_or3A_263 = vector.broadcast %reduce_or3A_262 : i1 to vector<16xi1>
              %reduce_or3A_264 = tpu.scan <max>, %reduce_or3A_261 masked %reduce_or3A_263 : vector<16xf32>, vector<16xi1> -> vector<16xf32>
              %reduce_or3A_265 = vector.extract %reduce_or3A_264[15] : f32 from vector<16xf32>
              %reduce_or3A_266 = arith.constant 0.000000e+00 : f32
              %reduce_or3A_267 = arith.cmpf ogt, %reduce_or3A_265, %reduce_or3A_266 : f32
              scf.condition(%reduce_or3A_267) %while3A_256 : vector<16xi1>
            } do {
            ^bb0(%while3A_256: vector<16xi1>):
              %all_reduce_ffs3A = tpu.all_reduce %while3A_256 {dim = 0 : i64, kind = #tpu.reduction_kind<find_first_set>} : vector<16xi1> -> vector<16xi32>
              %reduce_max3A_257 = arith.constant true
              %reduce_max3A_258 = vector.broadcast %reduce_max3A_257 : i1 to vector<16xi1>
              %reduce_max3A_259 = arith.constant -2147483648 : i32
              %reduce_max3A_260 = vector.broadcast %reduce_max3A_259 : i32 to vector<16xi32>
              %reduce_max3A_261 = arith.xori %all_reduce_ffs3A, %reduce_max3A_260 : vector<16xi32>
              %reduce_max3A_262 = tpu.scan <max>, %reduce_max3A_261 masked %reduce_max3A_258 : vector<16xi32>, vector<16xi1> -> vector<16xi32>
              %reduce_max3A_263 = arith.xori %reduce_max3A_262, %reduce_max3A_260 : vector<16xi32>
              %reduce_max3A_264 = vector.extract %reduce_max3A_263[15] : i32 from vector<16xi32>
              %broadcast_in_dim3A_265 = vector.broadcast %reduce_max3A_264 : i32 to vector<16xi32>
              %reshape3A = vector.shape_cast %broadcast_in_dim3A_265 : vector<16xi32> to vector<16x1xi32>
              %gather3A = vector.shape_cast %reshape3A : vector<16x1xi32> to vector<16xi32>
              %gather3A_266 = tpu.dynamic_gather %get3A_152[%gather3A] in [0] : vector<16xi32>, vector<16xi32> -> vector<16xi32>
              %and3A_267 = arith.constant 16383 : i32
              %and3A_268 = vector.broadcast %and3A_267 : i32 to vector<16xi32>
              %and3A_269 = arith.andi %gather3A_266, %and3A_268 : vector<16xi32>
              %shift_right_logical3A_270 = arith.constant 14 : i32
              %shift_right_logical3A_271 = vector.broadcast %shift_right_logical3A_270 : i32 to vector<16xi32>
              %shift_right_logical3A_272 = arith.shrui %gather3A_266, %shift_right_logical3A_271 : vector<16xi32>
              %and3A_273 = arith.constant 127 : i32
              %and3A_274 = vector.broadcast %and3A_273 : i32 to vector<16xi32>
              %and3A_275 = arith.andi %shift_right_logical3A_272, %and3A_274 : vector<16xi32>
              %get3A_276 = arith.constant 0 : index
              %get3A_277 = tpu.vector_load %arg14[%get3A_276] {strides = array<i32>} : memref<16xi32, #tpu.memory_space<vmem>>, vector<16xi32>,
              %reduce_max3A_278 = arith.constant true
              %reduce_max3A_279 = vector.broadcast %reduce_max3A_278 : i1 to vector<16xi1>
              %reduce_max3A_280 = arith.constant -2147483648 : i32
              %reduce_max3A_281 = vector.broadcast %reduce_max3A_280 : i32 to vector<16xi32>
              %reduce_max3A_282 = arith.xori %get3A_277, %reduce_max3A_281 : vector<16xi32>
              %reduce_max3A_283 = tpu.scan <max>, %reduce_max3A_282 masked %reduce_max3A_279 : vector<16xi32>, vector<16xi1> -> vector<16xi32>
              %reduce_max3A_284 = arith.xori %reduce_max3A_283, %reduce_max3A_281 : vector<16xi32>
              %reduce_max3A_285 = vector.extract %reduce_max3A_284[15] : i32 from vector<16xi32>
              %and3A_286 = arith.constant 15 : i32
              %and3A_287 = arith.andi %reduce_max3A_285, %and3A_286 : i32
              %ge3A_288 = arith.constant 16 : i32
              %ge3A_289 = arith.cmpi sge, %reduce_max3A_285, %ge3A_288 : i32
              %convert_element_type3A_290 = arith.extui %ge3A_289 : i1 to i32
              %cond3A_291 = arith.constant 0 : i32
              %cond3A_292 = arith.cmpi ne, %convert_element_type3A_290, %cond3A_291 : i32
              scf.if %cond3A_292 {
                %dma_wait3A = arith.constant 0 : i32
                %dma_wait3A_359 = tpu.memref_slice %arg5[%dma_wait3A] : memref<1048576xf32, #tpu.memory_space<hbm>> -> memref<64xf32, #tpu.memory_space<hbm>>
                %dma_wait3A_360 = arith.constant 0 : i32
                %dma_wait3A_361 = tpu.memref_slice %arg5[%dma_wait3A_360] : memref<1048576xf32, #tpu.memory_space<hbm>> -> memref<64xf32, #tpu.memory_space<hbm>>
                tpu.wait_dma2 semaphore(%arg17 : memref<!tpu.dma_semaphore, #tpu.memory_space<semaphore_mem>>) src(%dma_wait3A_361 : memref<64xf32, #tpu.memory_space<hbm>>) dst(%arg12 : memref<64xf32, #tpu.memory_space<vmem>>)
              } else {
              }
              %mul3A_293 = arith.constant 64 : i32
              %mul3A_294 = arith.muli %and3A_287, %mul3A_293 : i32
              %broadcast_in_dim3A_295 = vector.broadcast %mul3A_294 : i32 to vector<16xi32>
              %iota3A_296 = tpu.iota {dimensions = array<i32: 0>} : vector<16xi32>
              %add3A_297 = arith.constant 0 : i32
              %add3A_298 = vector.broadcast %add3A_297 : i32 to vector<16xi32>
              %add3A_299 = arith.addi %iota3A_296, %add3A_298 : vector<16xi32>
              %mul3A_300 = arith.constant 64 : i32
              %mul3A_301 = vector.broadcast %mul3A_300 : i32 to vector<16xi32>
              %mul3A_302 = arith.muli %add3A_299, %mul3A_301 : vector<16xi32>
              %add3A_303 = arith.addi %mul3A_302, %and3A_275 : vector<16xi32>
              %gather3A_304 = tpu.vector_load_idx %arg10[%add3A_303] : memref<4096xf32, #tpu.memory_space<vmem>>[vector<16xi32>], vector<16xf32>,
              %add3A_305 = arith.addi %broadcast_in_dim3A_295, %add3A_299 : vector<16xi32>
              tpu.vector_store_idx %arg11[%add3A_305], %gather3A_304 : memref<1024xf32, #tpu.memory_space<vmem>>[vector<16xi32>], vector<16xf32>,
              %iota3A_306 = tpu.iota {dimensions = array<i32: 0>} : vector<16xi32>
              %add3A_307 = arith.constant 16 : i32
              %add3A_308 = vector.broadcast %add3A_307 : i32 to vector<16xi32>
              %add3A_309 = arith.addi %iota3A_306, %add3A_308 : vector<16xi32>
              %mul3A_310 = arith.constant 64 : i32
              %mul3A_311 = vector.broadcast %mul3A_310 : i32 to vector<16xi32>
              %mul3A_312 = arith.muli %add3A_309, %mul3A_311 : vector<16xi32>
              %add3A_313 = arith.addi %mul3A_312, %and3A_275 : vector<16xi32>
              %gather3A_314 = tpu.vector_load_idx %arg10[%add3A_313] : memref<4096xf32, #tpu.memory_space<vmem>>[vector<16xi32>], vector<16xf32>,
              %add3A_315 = arith.addi %broadcast_in_dim3A_295, %add3A_309 : vector<16xi32>
              tpu.vector_store_idx %arg11[%add3A_315], %gather3A_314 : memref<1024xf32, #tpu.memory_space<vmem>>[vector<16xi32>], vector<16xf32>,
              %iota3A_316 = tpu.iota {dimensions = array<i32: 0>} : vector<16xi32>
              %add3A_317 = arith.constant 32 : i32
              %add3A_318 = vector.broadcast %add3A_317 : i32 to vector<16xi32>
              %add3A_319 = arith.addi %iota3A_316, %add3A_318 : vector<16xi32>
              %mul3A_320 = arith.constant 64 : i32
              %mul3A_321 = vector.broadcast %mul3A_320 : i32 to vector<16xi32>
              %mul3A_322 = arith.muli %add3A_319, %mul3A_321 : vector<16xi32>
              %add3A_323 = arith.addi %mul3A_322, %and3A_275 : vector<16xi32>
              %gather3A_324 = tpu.vector_load_idx %arg10[%add3A_323] : memref<4096xf32, #tpu.memory_space<vmem>>[vector<16xi32>], vector<16xf32>,
              %add3A_325 = arith.addi %broadcast_in_dim3A_295, %add3A_319 : vector<16xi32>
              tpu.vector_store_idx %arg11[%add3A_325], %gather3A_324 : memref<1024xf32, #tpu.memory_space<vmem>>[vector<16xi32>], vector<16xf32>,
              %iota3A_326 = tpu.iota {dimensions = array<i32: 0>} : vector<16xi32>
              %add3A_327 = arith.constant 48 : i32
              %add3A_328 = vector.broadcast %add3A_327 : i32 to vector<16xi32>
              %add3A_329 = arith.addi %iota3A_326, %add3A_328 : vector<16xi32>
              %mul3A_330 = arith.constant 64 : i32
              %mul3A_331 = vector.broadcast %mul3A_330 : i32 to vector<16xi32>
              %mul3A_332 = arith.muli %add3A_329, %mul3A_331 : vector<16xi32>
              %add3A_333 = arith.addi %mul3A_332, %and3A_275 : vector<16xi32>
              %gather3A_334 = tpu.vector_load_idx %arg10[%add3A_333] : memref<4096xf32, #tpu.memory_space<vmem>>[vector<16xi32>], vector<16xf32>,
              %add3A_335 = arith.addi %broadcast_in_dim3A_295, %add3A_329 : vector<16xi32>
              tpu.vector_store_idx %arg11[%add3A_335], %gather3A_334 : memref<1024xf32, #tpu.memory_space<vmem>>[vector<16xi32>], vector<16xf32>,
              %reduce_max3A_336 = arith.constant true
              %reduce_max3A_337 = vector.broadcast %reduce_max3A_336 : i1 to vector<16xi1>
              %reduce_max3A_338 = arith.constant -2147483648 : i32
              %reduce_max3A_339 = vector.broadcast %reduce_max3A_338 : i32 to vector<16xi32>
              %reduce_max3A_340 = arith.xori %and3A_269, %reduce_max3A_339 : vector<16xi32>
              %reduce_max3A_341 = tpu.scan <max>, %reduce_max3A_340 masked %reduce_max3A_337 : vector<16xi32>, vector<16xi1> -> vector<16xi32>
              %reduce_max3A_342 = arith.xori %reduce_max3A_341, %reduce_max3A_339 : vector<16xi32>
              %reduce_max3A_343 = vector.extract %reduce_max3A_342[15] : i32 from vector<16xi32>
              %mul3A_344 = arith.constant 64 : i32
              %mul3A_345 = arith.muli %and3A_287, %mul3A_344 : i32
              %mul3A_346 = arith.constant 64 : i32
              %mul3A_347 = arith.muli %reduce_max3A_343, %mul3A_346 : i32
              %dma_start3A = tpu.memref_slice %arg11[%mul3A_345] : memref<1024xf32, #tpu.memory_space<vmem>> -> memref<64xf32, #tpu.memory_space<vmem>>
              %dma_start3A_348 = tpu.memref_slice %arg5[%mul3A_347] : memref<1048576xf32, #tpu.memory_space<hbm>> -> memref<64xf32, #tpu.memory_space<hbm>>
              %dma_start3A_349 = tpu.memref_slice %arg5[%mul3A_347] : memref<1048576xf32, #tpu.memory_space<hbm>> -> memref<64xf32, #tpu.memory_space<hbm>>
              %dma_start3A_350 = tpu.memref_slice %arg11[%mul3A_345] : memref<1024xf32, #tpu.memory_space<vmem>> -> memref<64xf32, #tpu.memory_space<vmem>>
              tpu.enqueue_dma source(%dma_start3A_350 : memref<64xf32, #tpu.memory_space<vmem>>) target(%dma_start3A_349 : memref<64xf32, #tpu.memory_space<hbm>>) target_semaphore(%arg17 : memref<!tpu.dma_semaphore, #tpu.memory_space<semaphore_mem>>)
              %add3A_351 = arith.constant 1 : i32
              %add3A_352 = arith.addi %reduce_max3A_285, %add3A_351 : i32
              %broadcast_in_dim3A_353 = vector.broadcast %add3A_352 : i32 to vector<16xi32>
              %swap3A_354 = arith.constant 0 : index
              %swap3A_355 = tpu.vector_load %arg14[%swap3A_354] {strides = array<i32>} : memref<16xi32, #tpu.memory_space<vmem>>, vector<16xi32>,
              tpu.vector_store %arg14[%swap3A_354], %broadcast_in_dim3A_353 {strides = array<i32>} : memref<16xi32, #tpu.memory_space<vmem>>, vector<16xi32>,
              %iota3A_356 = tpu.iota {dimensions = array<i32: 0>} : vector<16xi32>
              %broadcast_in_dim3A_357 = vector.broadcast %reduce_max3A_264 : i32 to vector<16xi32>
              %ne3A = arith.cmpi ne, %iota3A_356, %broadcast_in_dim3A_357 : vector<16xi32>
              %and3A_358 = arith.andi %while3A_256, %ne3A : vector<16xi1>
              scf.yield %and3A_358 : vector<16xi1>
            }
          } else {
          }
          %reduce_or3A_227 = arith.constant 1.000000e+00 : f32
          %reduce_or3A_228 = arith.constant 0.000000e+00 : f32
          %reduce_or3A_229 = vector.broadcast %reduce_or3A_227 : f32 to vector<16xf32>
          %reduce_or3A_230 = vector.broadcast %reduce_or3A_228 : f32 to vector<16xf32>
          %reduce_or3A_231 = arith.select %and3A_170, %reduce_or3A_229, %reduce_or3A_230 : vector<16xi1>, vector<16xf32>
          %reduce_or3A_232 = arith.constant true
          %reduce_or3A_233 = vector.broadcast %reduce_or3A_232 : i1 to vector<16xi1>
          %reduce_or3A_234 = tpu.scan <max>, %reduce_or3A_231 masked %reduce_or3A_233 : vector<16xf32>, vector<16xi1> -> vector<16xf32>
          %reduce_or3A_235 = vector.extract %reduce_or3A_234[15] : f32 from vector<16xf32>
          %reduce_or3A_236 = arith.constant 0.000000e+00 : f32
          %reduce_or3A_237 = arith.cmpf ogt, %reduce_or3A_235, %reduce_or3A_236 : f32
          %convert_element_type3A_238 = arith.extui %reduce_or3A_237 : i1 to i32
          %cond3A_239 = arith.constant 0 : i32
          %cond3A_240 = arith.cmpi ne, %convert_element_type3A_238, %cond3A_239 : i32
          scf.if %cond3A_240 {
            %while3A_255 = scf.while (%while3A_256 = %and3A_170) : (vector<16xi1>) -> vector<16xi1> {
              %reduce_or3A_257 = arith.constant 1.000000e+00 : f32
              %reduce_or3A_258 = arith.constant 0.000000e+00 : f32
              %reduce_or3A_259 = vector.broadcast %reduce_or3A_257 : f32 to vector<16xf32>
              %reduce_or3A_260 = vector.broadcast %reduce_or3A_258 : f32 to vector<16xf32>
              %reduce_or3A_261 = arith.select %while3A_256, %reduce_or3A_259, %reduce_or3A_260 : vector<16xi1>, vector<16xf32>
              %reduce_or3A_262 = arith.constant true
              %reduce_or3A_263 = vector.broadcast %reduce_or3A_262 : i1 to vector<16xi1>
              %reduce_or3A_264 = tpu.scan <max>, %reduce_or3A_261 masked %reduce_or3A_263 : vector<16xf32>, vector<16xi1> -> vector<16xf32>
              %reduce_or3A_265 = vector.extract %reduce_or3A_264[15] : f32 from vector<16xf32>
              %reduce_or3A_266 = arith.constant 0.000000e+00 : f32
              %reduce_or3A_267 = arith.cmpf ogt, %reduce_or3A_265, %reduce_or3A_266 : f32
              scf.condition(%reduce_or3A_267) %while3A_256 : vector<16xi1>
            } do {
            ^bb0(%while3A_256: vector<16xi1>):
              %all_reduce_ffs3A = tpu.all_reduce %while3A_256 {dim = 0 : i64, kind = #tpu.reduction_kind<find_first_set>} : vector<16xi1> -> vector<16xi32>
              %reduce_max3A_257 = arith.constant true
              %reduce_max3A_258 = vector.broadcast %reduce_max3A_257 : i1 to vector<16xi1>
              %reduce_max3A_259 = arith.constant -2147483648 : i32
              %reduce_max3A_260 = vector.broadcast %reduce_max3A_259 : i32 to vector<16xi32>
              %reduce_max3A_261 = arith.xori %all_reduce_ffs3A, %reduce_max3A_260 : vector<16xi32>
              %reduce_max3A_262 = tpu.scan <max>, %reduce_max3A_261 masked %reduce_max3A_258 : vector<16xi32>, vector<16xi1> -> vector<16xi32>
              %reduce_max3A_263 = arith.xori %reduce_max3A_262, %reduce_max3A_260 : vector<16xi32>
              %reduce_max3A_264 = vector.extract %reduce_max3A_263[15] : i32 from vector<16xi32>
              %broadcast_in_dim3A_265 = vector.broadcast %reduce_max3A_264 : i32 to vector<16xi32>
              %reshape3A = vector.shape_cast %broadcast_in_dim3A_265 : vector<16xi32> to vector<16x1xi32>
              %gather3A = vector.shape_cast %reshape3A : vector<16x1xi32> to vector<16xi32>
              %gather3A_266 = tpu.dynamic_gather %get3A_164[%gather3A] in [0] : vector<16xi32>, vector<16xi32> -> vector<16xi32>
              %and3A_267 = arith.constant 16383 : i32
              %and3A_268 = vector.broadcast %and3A_267 : i32 to vector<16xi32>
              %and3A_269 = arith.andi %gather3A_266, %and3A_268 : vector<16xi32>
              %shift_right_logical3A_270 = arith.constant 14 : i32
              %shift_right_logical3A_271 = vector.broadcast %shift_right_logical3A_270 : i32 to vector<16xi32>
              %shift_right_logical3A_272 = arith.shrui %gather3A_266, %shift_right_logical3A_271 : vector<16xi32>
              %and3A_273 = arith.constant 127 : i32
              %and3A_274 = vector.broadcast %and3A_273 : i32 to vector<16xi32>
              %and3A_275 = arith.andi %shift_right_logical3A_272, %and3A_274 : vector<16xi32>
              %get3A_276 = arith.constant 0 : index
              %get3A_277 = tpu.vector_load %arg14[%get3A_276] {strides = array<i32>} : memref<16xi32, #tpu.memory_space<vmem>>, vector<16xi32>,
              %reduce_max3A_278 = arith.constant true
              %reduce_max3A_279 = vector.broadcast %reduce_max3A_278 : i1 to vector<16xi1>
              %reduce_max3A_280 = arith.constant -2147483648 : i32
              %reduce_max3A_281 = vector.broadcast %reduce_max3A_280 : i32 to vector<16xi32>
              %reduce_max3A_282 = arith.xori %get3A_277, %reduce_max3A_281 : vector<16xi32>
              %reduce_max3A_283 = tpu.scan <max>, %reduce_max3A_282 masked %reduce_max3A_279 : vector<16xi32>, vector<16xi1> -> vector<16xi32>
              %reduce_max3A_284 = arith.xori %reduce_max3A_283, %reduce_max3A_281 : vector<16xi32>
              %reduce_max3A_285 = vector.extract %reduce_max3A_284[15] : i32 from vector<16xi32>
              %and3A_286 = arith.constant 15 : i32
              %and3A_287 = arith.andi %reduce_max3A_285, %and3A_286 : i32
              %ge3A_288 = arith.constant 16 : i32
              %ge3A_289 = arith.cmpi sge, %reduce_max3A_285, %ge3A_288 : i32
              %convert_element_type3A_290 = arith.extui %ge3A_289 : i1 to i32
              %cond3A_291 = arith.constant 0 : i32
              %cond3A_292 = arith.cmpi ne, %convert_element_type3A_290, %cond3A_291 : i32
              scf.if %cond3A_292 {
                %dma_wait3A = arith.constant 0 : i32
                %dma_wait3A_359 = tpu.memref_slice %arg5[%dma_wait3A] : memref<1048576xf32, #tpu.memory_space<hbm>> -> memref<64xf32, #tpu.memory_space<hbm>>
                %dma_wait3A_360 = arith.constant 0 : i32
                %dma_wait3A_361 = tpu.memref_slice %arg5[%dma_wait3A_360] : memref<1048576xf32, #tpu.memory_space<hbm>> -> memref<64xf32, #tpu.memory_space<hbm>>
                tpu.wait_dma2 semaphore(%arg17 : memref<!tpu.dma_semaphore, #tpu.memory_space<semaphore_mem>>) src(%dma_wait3A_361 : memref<64xf32, #tpu.memory_space<hbm>>) dst(%arg12 : memref<64xf32, #tpu.memory_space<vmem>>)
              } else {
              }
              %mul3A_293 = arith.constant 64 : i32
              %mul3A_294 = arith.muli %and3A_287, %mul3A_293 : i32
              %broadcast_in_dim3A_295 = vector.broadcast %mul3A_294 : i32 to vector<16xi32>
              %iota3A_296 = tpu.iota {dimensions = array<i32: 0>} : vector<16xi32>
              %add3A_297 = arith.constant 0 : i32
              %add3A_298 = vector.broadcast %add3A_297 : i32 to vector<16xi32>
              %add3A_299 = arith.addi %iota3A_296, %add3A_298 : vector<16xi32>
              %mul3A_300 = arith.constant 64 : i32
              %mul3A_301 = vector.broadcast %mul3A_300 : i32 to vector<16xi32>
              %mul3A_302 = arith.muli %add3A_299, %mul3A_301 : vector<16xi32>
              %add3A_303 = arith.addi %mul3A_302, %and3A_275 : vector<16xi32>
              %gather3A_304 = tpu.vector_load_idx %arg10[%add3A_303] : memref<4096xf32, #tpu.memory_space<vmem>>[vector<16xi32>], vector<16xf32>,
              %add3A_305 = arith.addi %broadcast_in_dim3A_295, %add3A_299 : vector<16xi32>
              tpu.vector_store_idx %arg11[%add3A_305], %gather3A_304 : memref<1024xf32, #tpu.memory_space<vmem>>[vector<16xi32>], vector<16xf32>,
              %iota3A_306 = tpu.iota {dimensions = array<i32: 0>} : vector<16xi32>
              %add3A_307 = arith.constant 16 : i32
              %add3A_308 = vector.broadcast %add3A_307 : i32 to vector<16xi32>
              %add3A_309 = arith.addi %iota3A_306, %add3A_308 : vector<16xi32>
              %mul3A_310 = arith.constant 64 : i32
              %mul3A_311 = vector.broadcast %mul3A_310 : i32 to vector<16xi32>
              %mul3A_312 = arith.muli %add3A_309, %mul3A_311 : vector<16xi32>
              %add3A_313 = arith.addi %mul3A_312, %and3A_275 : vector<16xi32>
              %gather3A_314 = tpu.vector_load_idx %arg10[%add3A_313] : memref<4096xf32, #tpu.memory_space<vmem>>[vector<16xi32>], vector<16xf32>,
              %add3A_315 = arith.addi %broadcast_in_dim3A_295, %add3A_309 : vector<16xi32>
              tpu.vector_store_idx %arg11[%add3A_315], %gather3A_314 : memref<1024xf32, #tpu.memory_space<vmem>>[vector<16xi32>], vector<16xf32>,
              %iota3A_316 = tpu.iota {dimensions = array<i32: 0>} : vector<16xi32>
              %add3A_317 = arith.constant 32 : i32
              %add3A_318 = vector.broadcast %add3A_317 : i32 to vector<16xi32>
              %add3A_319 = arith.addi %iota3A_316, %add3A_318 : vector<16xi32>
              %mul3A_320 = arith.constant 64 : i32
              %mul3A_321 = vector.broadcast %mul3A_320 : i32 to vector<16xi32>
              %mul3A_322 = arith.muli %add3A_319, %mul3A_321 : vector<16xi32>
              %add3A_323 = arith.addi %mul3A_322, %and3A_275 : vector<16xi32>
              %gather3A_324 = tpu.vector_load_idx %arg10[%add3A_323] : memref<4096xf32, #tpu.memory_space<vmem>>[vector<16xi32>], vector<16xf32>,
              %add3A_325 = arith.addi %broadcast_in_dim3A_295, %add3A_319 : vector<16xi32>
              tpu.vector_store_idx %arg11[%add3A_325], %gather3A_324 : memref<1024xf32, #tpu.memory_space<vmem>>[vector<16xi32>], vector<16xf32>,
              %iota3A_326 = tpu.iota {dimensions = array<i32: 0>} : vector<16xi32>
              %add3A_327 = arith.constant 48 : i32
              %add3A_328 = vector.broadcast %add3A_327 : i32 to vector<16xi32>
              %add3A_329 = arith.addi %iota3A_326, %add3A_328 : vector<16xi32>
              %mul3A_330 = arith.constant 64 : i32
              %mul3A_331 = vector.broadcast %mul3A_330 : i32 to vector<16xi32>
              %mul3A_332 = arith.muli %add3A_329, %mul3A_331 : vector<16xi32>
              %add3A_333 = arith.addi %mul3A_332, %and3A_275 : vector<16xi32>
              %gather3A_334 = tpu.vector_load_idx %arg10[%add3A_333] : memref<4096xf32, #tpu.memory_space<vmem>>[vector<16xi32>], vector<16xf32>,
              %add3A_335 = arith.addi %broadcast_in_dim3A_295, %add3A_329 : vector<16xi32>
              tpu.vector_store_idx %arg11[%add3A_335], %gather3A_334 : memref<1024xf32, #tpu.memory_space<vmem>>[vector<16xi32>], vector<16xf32>,
              %reduce_max3A_336 = arith.constant true
              %reduce_max3A_337 = vector.broadcast %reduce_max3A_336 : i1 to vector<16xi1>
              %reduce_max3A_338 = arith.constant -2147483648 : i32
              %reduce_max3A_339 = vector.broadcast %reduce_max3A_338 : i32 to vector<16xi32>
              %reduce_max3A_340 = arith.xori %and3A_269, %reduce_max3A_339 : vector<16xi32>
              %reduce_max3A_341 = tpu.scan <max>, %reduce_max3A_340 masked %reduce_max3A_337 : vector<16xi32>, vector<16xi1> -> vector<16xi32>
              %reduce_max3A_342 = arith.xori %reduce_max3A_341, %reduce_max3A_339 : vector<16xi32>
              %reduce_max3A_343 = vector.extract %reduce_max3A_342[15] : i32 from vector<16xi32>
              %mul3A_344 = arith.constant 64 : i32
              %mul3A_345 = arith.muli %and3A_287, %mul3A_344 : i32
              %mul3A_346 = arith.constant 64 : i32
              %mul3A_347 = arith.muli %reduce_max3A_343, %mul3A_346 : i32
              %dma_start3A = tpu.memref_slice %arg11[%mul3A_345] : memref<1024xf32, #tpu.memory_space<vmem>> -> memref<64xf32, #tpu.memory_space<vmem>>
              %dma_start3A_348 = tpu.memref_slice %arg5[%mul3A_347] : memref<1048576xf32, #tpu.memory_space<hbm>> -> memref<64xf32, #tpu.memory_space<hbm>>
              %dma_start3A_349 = tpu.memref_slice %arg5[%mul3A_347] : memref<1048576xf32, #tpu.memory_space<hbm>> -> memref<64xf32, #tpu.memory_space<hbm>>
              %dma_start3A_350 = tpu.memref_slice %arg11[%mul3A_345] : memref<1024xf32, #tpu.memory_space<vmem>> -> memref<64xf32, #tpu.memory_space<vmem>>
              tpu.enqueue_dma source(%dma_start3A_350 : memref<64xf32, #tpu.memory_space<vmem>>) target(%dma_start3A_349 : memref<64xf32, #tpu.memory_space<hbm>>) target_semaphore(%arg17 : memref<!tpu.dma_semaphore, #tpu.memory_space<semaphore_mem>>)
              %add3A_351 = arith.constant 1 : i32
              %add3A_352 = arith.addi %reduce_max3A_285, %add3A_351 : i32
              %broadcast_in_dim3A_353 = vector.broadcast %add3A_352 : i32 to vector<16xi32>
              %swap3A_354 = arith.constant 0 : index
              %swap3A_355 = tpu.vector_load %arg14[%swap3A_354] {strides = array<i32>} : memref<16xi32, #tpu.memory_space<vmem>>, vector<16xi32>,
              tpu.vector_store %arg14[%swap3A_354], %broadcast_in_dim3A_353 {strides = array<i32>} : memref<16xi32, #tpu.memory_space<vmem>>, vector<16xi32>,
              %iota3A_356 = tpu.iota {dimensions = array<i32: 0>} : vector<16xi32>
              %broadcast_in_dim3A_357 = vector.broadcast %reduce_max3A_264 : i32 to vector<16xi32>
              %ne3A = arith.cmpi ne, %iota3A_356, %broadcast_in_dim3A_357 : vector<16xi32>
              %and3A_358 = arith.andi %while3A_256, %ne3A : vector<16xi1>
              scf.yield %and3A_358 : vector<16xi1>
            }
          } else {
          }
          %reduce_or3A_241 = arith.constant 1.000000e+00 : f32
          %reduce_or3A_242 = arith.constant 0.000000e+00 : f32
          %reduce_or3A_243 = vector.broadcast %reduce_or3A_241 : f32 to vector<16xf32>
          %reduce_or3A_244 = vector.broadcast %reduce_or3A_242 : f32 to vector<16xf32>
          %reduce_or3A_245 = arith.select %and3A_182, %reduce_or3A_243, %reduce_or3A_244 : vector<16xi1>, vector<16xf32>
          %reduce_or3A_246 = arith.constant true
          %reduce_or3A_247 = vector.broadcast %reduce_or3A_246 : i1 to vector<16xi1>
          %reduce_or3A_248 = tpu.scan <max>, %reduce_or3A_245 masked %reduce_or3A_247 : vector<16xf32>, vector<16xi1> -> vector<16xf32>
          %reduce_or3A_249 = vector.extract %reduce_or3A_248[15] : f32 from vector<16xf32>
          %reduce_or3A_250 = arith.constant 0.000000e+00 : f32
          %reduce_or3A_251 = arith.cmpf ogt, %reduce_or3A_249, %reduce_or3A_250 : f32
          %convert_element_type3A_252 = arith.extui %reduce_or3A_251 : i1 to i32
          %cond3A_253 = arith.constant 0 : i32
          %cond3A_254 = arith.cmpi ne, %convert_element_type3A_252, %cond3A_253 : i32
          scf.if %cond3A_254 {
            %while3A_255 = scf.while (%while3A_256 = %and3A_182) : (vector<16xi1>) -> vector<16xi1> {
              %reduce_or3A_257 = arith.constant 1.000000e+00 : f32
              %reduce_or3A_258 = arith.constant 0.000000e+00 : f32
              %reduce_or3A_259 = vector.broadcast %reduce_or3A_257 : f32 to vector<16xf32>
              %reduce_or3A_260 = vector.broadcast %reduce_or3A_258 : f32 to vector<16xf32>
              %reduce_or3A_261 = arith.select %while3A_256, %reduce_or3A_259, %reduce_or3A_260 : vector<16xi1>, vector<16xf32>
              %reduce_or3A_262 = arith.constant true
              %reduce_or3A_263 = vector.broadcast %reduce_or3A_262 : i1 to vector<16xi1>
              %reduce_or3A_264 = tpu.scan <max>, %reduce_or3A_261 masked %reduce_or3A_263 : vector<16xf32>, vector<16xi1> -> vector<16xf32>
              %reduce_or3A_265 = vector.extract %reduce_or3A_264[15] : f32 from vector<16xf32>
              %reduce_or3A_266 = arith.constant 0.000000e+00 : f32
              %reduce_or3A_267 = arith.cmpf ogt, %reduce_or3A_265, %reduce_or3A_266 : f32
              scf.condition(%reduce_or3A_267) %while3A_256 : vector<16xi1>
            } do {
            ^bb0(%while3A_256: vector<16xi1>):
              %all_reduce_ffs3A = tpu.all_reduce %while3A_256 {dim = 0 : i64, kind = #tpu.reduction_kind<find_first_set>} : vector<16xi1> -> vector<16xi32>
              %reduce_max3A_257 = arith.constant true
              %reduce_max3A_258 = vector.broadcast %reduce_max3A_257 : i1 to vector<16xi1>
              %reduce_max3A_259 = arith.constant -2147483648 : i32
              %reduce_max3A_260 = vector.broadcast %reduce_max3A_259 : i32 to vector<16xi32>
              %reduce_max3A_261 = arith.xori %all_reduce_ffs3A, %reduce_max3A_260 : vector<16xi32>
              %reduce_max3A_262 = tpu.scan <max>, %reduce_max3A_261 masked %reduce_max3A_258 : vector<16xi32>, vector<16xi1> -> vector<16xi32>
              %reduce_max3A_263 = arith.xori %reduce_max3A_262, %reduce_max3A_260 : vector<16xi32>
              %reduce_max3A_264 = vector.extract %reduce_max3A_263[15] : i32 from vector<16xi32>
              %broadcast_in_dim3A_265 = vector.broadcast %reduce_max3A_264 : i32 to vector<16xi32>
              %reshape3A = vector.shape_cast %broadcast_in_dim3A_265 : vector<16xi32> to vector<16x1xi32>
              %gather3A = vector.shape_cast %reshape3A : vector<16x1xi32> to vector<16xi32>
              %gather3A_266 = tpu.dynamic_gather %get3A_176[%gather3A] in [0] : vector<16xi32>, vector<16xi32> -> vector<16xi32>
              %and3A_267 = arith.constant 16383 : i32
              %and3A_268 = vector.broadcast %and3A_267 : i32 to vector<16xi32>
              %and3A_269 = arith.andi %gather3A_266, %and3A_268 : vector<16xi32>
              %shift_right_logical3A_270 = arith.constant 14 : i32
              %shift_right_logical3A_271 = vector.broadcast %shift_right_logical3A_270 : i32 to vector<16xi32>
              %shift_right_logical3A_272 = arith.shrui %gather3A_266, %shift_right_logical3A_271 : vector<16xi32>
              %and3A_273 = arith.constant 127 : i32
              %and3A_274 = vector.broadcast %and3A_273 : i32 to vector<16xi32>
              %and3A_275 = arith.andi %shift_right_logical3A_272, %and3A_274 : vector<16xi32>
              %get3A_276 = arith.constant 0 : index
              %get3A_277 = tpu.vector_load %arg14[%get3A_276] {strides = array<i32>} : memref<16xi32, #tpu.memory_space<vmem>>, vector<16xi32>,
              %reduce_max3A_278 = arith.constant true
              %reduce_max3A_279 = vector.broadcast %reduce_max3A_278 : i1 to vector<16xi1>
              %reduce_max3A_280 = arith.constant -2147483648 : i32
              %reduce_max3A_281 = vector.broadcast %reduce_max3A_280 : i32 to vector<16xi32>
              %reduce_max3A_282 = arith.xori %get3A_277, %reduce_max3A_281 : vector<16xi32>
              %reduce_max3A_283 = tpu.scan <max>, %reduce_max3A_282 masked %reduce_max3A_279 : vector<16xi32>, vector<16xi1> -> vector<16xi32>
              %reduce_max3A_284 = arith.xori %reduce_max3A_283, %reduce_max3A_281 : vector<16xi32>
              %reduce_max3A_285 = vector.extract %reduce_max3A_284[15] : i32 from vector<16xi32>
              %and3A_286 = arith.constant 15 : i32
              %and3A_287 = arith.andi %reduce_max3A_285, %and3A_286 : i32
              %ge3A_288 = arith.constant 16 : i32
              %ge3A_289 = arith.cmpi sge, %reduce_max3A_285, %ge3A_288 : i32
              %convert_element_type3A_290 = arith.extui %ge3A_289 : i1 to i32
              %cond3A_291 = arith.constant 0 : i32
              %cond3A_292 = arith.cmpi ne, %convert_element_type3A_290, %cond3A_291 : i32
              scf.if %cond3A_292 {
                %dma_wait3A = arith.constant 0 : i32
                %dma_wait3A_359 = tpu.memref_slice %arg5[%dma_wait3A] : memref<1048576xf32, #tpu.memory_space<hbm>> -> memref<64xf32, #tpu.memory_space<hbm>>
                %dma_wait3A_360 = arith.constant 0 : i32
                %dma_wait3A_361 = tpu.memref_slice %arg5[%dma_wait3A_360] : memref<1048576xf32, #tpu.memory_space<hbm>> -> memref<64xf32, #tpu.memory_space<hbm>>
                tpu.wait_dma2 semaphore(%arg17 : memref<!tpu.dma_semaphore, #tpu.memory_space<semaphore_mem>>) src(%dma_wait3A_361 : memref<64xf32, #tpu.memory_space<hbm>>) dst(%arg12 : memref<64xf32, #tpu.memory_space<vmem>>)
              } else {
              }
              %mul3A_293 = arith.constant 64 : i32
              %mul3A_294 = arith.muli %and3A_287, %mul3A_293 : i32
              %broadcast_in_dim3A_295 = vector.broadcast %mul3A_294 : i32 to vector<16xi32>
              %iota3A_296 = tpu.iota {dimensions = array<i32: 0>} : vector<16xi32>
              %add3A_297 = arith.constant 0 : i32
              %add3A_298 = vector.broadcast %add3A_297 : i32 to vector<16xi32>
              %add3A_299 = arith.addi %iota3A_296, %add3A_298 : vector<16xi32>
              %mul3A_300 = arith.constant 64 : i32
              %mul3A_301 = vector.broadcast %mul3A_300 : i32 to vector<16xi32>
              %mul3A_302 = arith.muli %add3A_299, %mul3A_301 : vector<16xi32>
              %add3A_303 = arith.addi %mul3A_302, %and3A_275 : vector<16xi32>
              %gather3A_304 = tpu.vector_load_idx %arg10[%add3A_303] : memref<4096xf32, #tpu.memory_space<vmem>>[vector<16xi32>], vector<16xf32>,
              %add3A_305 = arith.addi %broadcast_in_dim3A_295, %add3A_299 : vector<16xi32>
              tpu.vector_store_idx %arg11[%add3A_305], %gather3A_304 : memref<1024xf32, #tpu.memory_space<vmem>>[vector<16xi32>], vector<16xf32>,
              %iota3A_306 = tpu.iota {dimensions = array<i32: 0>} : vector<16xi32>
              %add3A_307 = arith.constant 16 : i32
              %add3A_308 = vector.broadcast %add3A_307 : i32 to vector<16xi32>
              %add3A_309 = arith.addi %iota3A_306, %add3A_308 : vector<16xi32>
              %mul3A_310 = arith.constant 64 : i32
              %mul3A_311 = vector.broadcast %mul3A_310 : i32 to vector<16xi32>
              %mul3A_312 = arith.muli %add3A_309, %mul3A_311 : vector<16xi32>
              %add3A_313 = arith.addi %mul3A_312, %and3A_275 : vector<16xi32>
              %gather3A_314 = tpu.vector_load_idx %arg10[%add3A_313] : memref<4096xf32, #tpu.memory_space<vmem>>[vector<16xi32>], vector<16xf32>,
              %add3A_315 = arith.addi %broadcast_in_dim3A_295, %add3A_309 : vector<16xi32>
              tpu.vector_store_idx %arg11[%add3A_315], %gather3A_314 : memref<1024xf32, #tpu.memory_space<vmem>>[vector<16xi32>], vector<16xf32>,
              %iota3A_316 = tpu.iota {dimensions = array<i32: 0>} : vector<16xi32>
              %add3A_317 = arith.constant 32 : i32
              %add3A_318 = vector.broadcast %add3A_317 : i32 to vector<16xi32>
              %add3A_319 = arith.addi %iota3A_316, %add3A_318 : vector<16xi32>
              %mul3A_320 = arith.constant 64 : i32
              %mul3A_321 = vector.broadcast %mul3A_320 : i32 to vector<16xi32>
              %mul3A_322 = arith.muli %add3A_319, %mul3A_321 : vector<16xi32>
              %add3A_323 = arith.addi %mul3A_322, %and3A_275 : vector<16xi32>
              %gather3A_324 = tpu.vector_load_idx %arg10[%add3A_323] : memref<4096xf32, #tpu.memory_space<vmem>>[vector<16xi32>], vector<16xf32>,
              %add3A_325 = arith.addi %broadcast_in_dim3A_295, %add3A_319 : vector<16xi32>
              tpu.vector_store_idx %arg11[%add3A_325], %gather3A_324 : memref<1024xf32, #tpu.memory_space<vmem>>[vector<16xi32>], vector<16xf32>,
              %iota3A_326 = tpu.iota {dimensions = array<i32: 0>} : vector<16xi32>
              %add3A_327 = arith.constant 48 : i32
              %add3A_328 = vector.broadcast %add3A_327 : i32 to vector<16xi32>
              %add3A_329 = arith.addi %iota3A_326, %add3A_328 : vector<16xi32>
              %mul3A_330 = arith.constant 64 : i32
              %mul3A_331 = vector.broadcast %mul3A_330 : i32 to vector<16xi32>
              %mul3A_332 = arith.muli %add3A_329, %mul3A_331 : vector<16xi32>
              %add3A_333 = arith.addi %mul3A_332, %and3A_275 : vector<16xi32>
              %gather3A_334 = tpu.vector_load_idx %arg10[%add3A_333] : memref<4096xf32, #tpu.memory_space<vmem>>[vector<16xi32>], vector<16xf32>,
              %add3A_335 = arith.addi %broadcast_in_dim3A_295, %add3A_329 : vector<16xi32>
              tpu.vector_store_idx %arg11[%add3A_335], %gather3A_334 : memref<1024xf32, #tpu.memory_space<vmem>>[vector<16xi32>], vector<16xf32>,
              %reduce_max3A_336 = arith.constant true
              %reduce_max3A_337 = vector.broadcast %reduce_max3A_336 : i1 to vector<16xi1>
              %reduce_max3A_338 = arith.constant -2147483648 : i32
              %reduce_max3A_339 = vector.broadcast %reduce_max3A_338 : i32 to vector<16xi32>
              %reduce_max3A_340 = arith.xori %and3A_269, %reduce_max3A_339 : vector<16xi32>
              %reduce_max3A_341 = tpu.scan <max>, %reduce_max3A_340 masked %reduce_max3A_337 : vector<16xi32>, vector<16xi1> -> vector<16xi32>
              %reduce_max3A_342 = arith.xori %reduce_max3A_341, %reduce_max3A_339 : vector<16xi32>
              %reduce_max3A_343 = vector.extract %reduce_max3A_342[15] : i32 from vector<16xi32>
              %mul3A_344 = arith.constant 64 : i32
              %mul3A_345 = arith.muli %and3A_287, %mul3A_344 : i32
              %mul3A_346 = arith.constant 64 : i32
              %mul3A_347 = arith.muli %reduce_max3A_343, %mul3A_346 : i32
              %dma_start3A = tpu.memref_slice %arg11[%mul3A_345] : memref<1024xf32, #tpu.memory_space<vmem>> -> memref<64xf32, #tpu.memory_space<vmem>>
              %dma_start3A_348 = tpu.memref_slice %arg5[%mul3A_347] : memref<1048576xf32, #tpu.memory_space<hbm>> -> memref<64xf32, #tpu.memory_space<hbm>>
              %dma_start3A_349 = tpu.memref_slice %arg5[%mul3A_347] : memref<1048576xf32, #tpu.memory_space<hbm>> -> memref<64xf32, #tpu.memory_space<hbm>>
              %dma_start3A_350 = tpu.memref_slice %arg11[%mul3A_345] : memref<1024xf32, #tpu.memory_space<vmem>> -> memref<64xf32, #tpu.memory_space<vmem>>
              tpu.enqueue_dma source(%dma_start3A_350 : memref<64xf32, #tpu.memory_space<vmem>>) target(%dma_start3A_349 : memref<64xf32, #tpu.memory_space<hbm>>) target_semaphore(%arg17 : memref<!tpu.dma_semaphore, #tpu.memory_space<semaphore_mem>>)
              %add3A_351 = arith.constant 1 : i32
              %add3A_352 = arith.addi %reduce_max3A_285, %add3A_351 : i32
              %broadcast_in_dim3A_353 = vector.broadcast %add3A_352 : i32 to vector<16xi32>
              %swap3A_354 = arith.constant 0 : index
              %swap3A_355 = tpu.vector_load %arg14[%swap3A_354] {strides = array<i32>} : memref<16xi32, #tpu.memory_space<vmem>>, vector<16xi32>,
              tpu.vector_store %arg14[%swap3A_354], %broadcast_in_dim3A_353 {strides = array<i32>} : memref<16xi32, #tpu.memory_space<vmem>>, vector<16xi32>,
              %iota3A_356 = tpu.iota {dimensions = array<i32: 0>} : vector<16xi32>
              %broadcast_in_dim3A_357 = vector.broadcast %reduce_max3A_264 : i32 to vector<16xi32>
              %ne3A = arith.cmpi ne, %iota3A_356, %broadcast_in_dim3A_357 : vector<16xi32>
              %and3A_358 = arith.andi %while3A_256, %ne3A : vector<16xi1>
              scf.yield %and3A_358 : vector<16xi1>
            }
          } else {
          }
        } else {
        }
        %while3A_198 = arith.constant 0 : i32
        scf.yield %while3A_198 : i32
      }
      %while3A_135 = arith.constant 1 : i32
      %while3A_136 = scf.for %while3A_137 = %while3A_132 to %while3A_128 step %while3A_135 iter_args(%while3A_138 = %while3A_134) -> (i32)  : i32 {
        %mul3A_139 = arith.constant 64 : i32
        %mul3A_140 = arith.muli %while3A_137, %mul3A_139 : i32
        %add3A_141 = arith.constant 0 : i32
        %add3A_142 = arith.addi %mul3A_140, %add3A_141 : i32
        %get3A_143 = arith.index_cast %add3A_142 : i32 to index
        %get3A_144 = tpu.vector_load %arg7[%get3A_143] {strides = array<i32>} : memref<16480xi32, #tpu.memory_space<vmem>>, vector<16xi32>,
        %shift_right_logical3A = arith.constant 21 : i32
        %shift_right_logical3A_145 = vector.broadcast %shift_right_logical3A : i32 to vector<16xi32>
        %shift_right_logical3A_146 = arith.shrui %get3A_144, %shift_right_logical3A_145 : vector<16xi32>
        %ge3A = arith.cmpi sge, %shift_right_logical3A_146, %broadcast_in_dim3A_117 : vector<16xi32>
        %lt3A = arith.cmpi slt, %shift_right_logical3A_146, %broadcast_in_dim3A_120 : vector<16xi32>
        %and3A = arith.andi %ge3A, %lt3A : vector<16xi1>
        %mul3A_147 = arith.constant 64 : i32
        %mul3A_148 = arith.muli %while3A_137, %mul3A_147 : i32
        %add3A_149 = arith.constant 16 : i32
        %add3A_150 = arith.addi %mul3A_148, %add3A_149 : i32
        %get3A_151 = arith.index_cast %add3A_150 : i32 to index
        %get3A_152 = tpu.vector_load %arg7[%get3A_151] {strides = array<i32>} : memref<16480xi32, #tpu.memory_space<vmem>>, vector<16xi32>,
        %shift_right_logical3A_153 = arith.constant 21 : i32
        %shift_right_logical3A_154 = vector.broadcast %shift_right_logical3A_153 : i32 to vector<16xi32>
        %shift_right_logical3A_155 = arith.shrui %get3A_152, %shift_right_logical3A_154 : vector<16xi32>
        %ge3A_156 = arith.cmpi sge, %shift_right_logical3A_155, %broadcast_in_dim3A_117 : vector<16xi32>
        %lt3A_157 = arith.cmpi slt, %shift_right_logical3A_155, %broadcast_in_dim3A_120 : vector<16xi32>
        %and3A_158 = arith.andi %ge3A_156, %lt3A_157 : vector<16xi1>
        %mul3A_159 = arith.constant 64 : i32
        %mul3A_160 = arith.muli %while3A_137, %mul3A_159 : i32
        %add3A_161 = arith.constant 32 : i32
        %add3A_162 = arith.addi %mul3A_160, %add3A_161 : i32
        %get3A_163 = arith.index_cast %add3A_162 : i32 to index
        %get3A_164 = tpu.vector_load %arg7[%get3A_163] {strides = array<i32>} : memref<16480xi32, #tpu.memory_space<vmem>>, vector<16xi32>,
        %shift_right_logical3A_165 = arith.constant 21 : i32
        %shift_right_logical3A_166 = vector.broadcast %shift_right_logical3A_165 : i32 to vector<16xi32>
        %shift_right_logical3A_167 = arith.shrui %get3A_164, %shift_right_logical3A_166 : vector<16xi32>
        %ge3A_168 = arith.cmpi sge, %shift_right_logical3A_167, %broadcast_in_dim3A_117 : vector<16xi32>
        %lt3A_169 = arith.cmpi slt, %shift_right_logical3A_167, %broadcast_in_dim3A_120 : vector<16xi32>
        %and3A_170 = arith.andi %ge3A_168, %lt3A_169 : vector<16xi1>
        %mul3A_171 = arith.constant 64 : i32
        %mul3A_172 = arith.muli %while3A_137, %mul3A_171 : i32
        %add3A_173 = arith.constant 48 : i32
        %add3A_174 = arith.addi %mul3A_172, %add3A_173 : i32
        %get3A_175 = arith.index_cast %add3A_174 : i32 to index
        %get3A_176 = tpu.vector_load %arg7[%get3A_175] {strides = array<i32>} : memref<16480xi32, #tpu.memory_space<vmem>>, vector<16xi32>,
        %shift_right_logical3A_177 = arith.constant 21 : i32
        %shift_right_logical3A_178 = vector.broadcast %shift_right_logical3A_177 : i32 to vector<16xi32>
        %shift_right_logical3A_179 = arith.shrui %get3A_176, %shift_right_logical3A_178 : vector<16xi32>
        %ge3A_180 = arith.cmpi sge, %shift_right_logical3A_179, %broadcast_in_dim3A_117 : vector<16xi32>
        %lt3A_181 = arith.cmpi slt, %shift_right_logical3A_179, %broadcast_in_dim3A_120 : vector<16xi32>
        %and3A_182 = arith.andi %ge3A_180, %lt3A_181 : vector<16xi1>
        %or3A = arith.ori %and3A, %and3A_158 : vector<16xi1>
        %or3A_183 = arith.ori %and3A_170, %and3A_182 : vector<16xi1>
        %or3A_184 = arith.ori %or3A, %or3A_183 : vector<16xi1>
        %reduce_or3A = arith.constant 1.000000e+00 : f32
        %reduce_or3A_185 = arith.constant 0.000000e+00 : f32
        %reduce_or3A_186 = vector.broadcast %reduce_or3A : f32 to vector<16xf32>
        %reduce_or3A_187 = vector.broadcast %reduce_or3A_185 : f32 to vector<16xf32>
        %reduce_or3A_188 = arith.select %or3A_184, %reduce_or3A_186, %reduce_or3A_187 : vector<16xi1>, vector<16xf32>
        %reduce_or3A_189 = arith.constant true
        %reduce_or3A_190 = vector.broadcast %reduce_or3A_189 : i1 to vector<16xi1>
        %reduce_or3A_191 = tpu.scan <max>, %reduce_or3A_188 masked %reduce_or3A_190 : vector<16xf32>, vector<16xi1> -> vector<16xf32>
        %reduce_or3A_192 = vector.extract %reduce_or3A_191[15] : f32 from vector<16xf32>
        %reduce_or3A_193 = arith.constant 0.000000e+00 : f32
        %reduce_or3A_194 = arith.cmpf ogt, %reduce_or3A_192, %reduce_or3A_193 : f32
        %convert_element_type3A_195 = arith.extui %reduce_or3A_194 : i1 to i32
        %cond3A_196 = arith.constant 0 : i32
        %cond3A_197 = arith.cmpi ne, %convert_element_type3A_195, %cond3A_196 : i32
        scf.if %cond3A_197 {
          %reduce_or3A_199 = arith.constant 1.000000e+00 : f32
          %reduce_or3A_200 = arith.constant 0.000000e+00 : f32
          %reduce_or3A_201 = vector.broadcast %reduce_or3A_199 : f32 to vector<16xf32>
          %reduce_or3A_202 = vector.broadcast %reduce_or3A_200 : f32 to vector<16xf32>
          %reduce_or3A_203 = arith.select %and3A, %reduce_or3A_201, %reduce_or3A_202 : vector<16xi1>, vector<16xf32>
          %reduce_or3A_204 = arith.constant true
          %reduce_or3A_205 = vector.broadcast %reduce_or3A_204 : i1 to vector<16xi1>
          %reduce_or3A_206 = tpu.scan <max>, %reduce_or3A_203 masked %reduce_or3A_205 : vector<16xf32>, vector<16xi1> -> vector<16xf32>
          %reduce_or3A_207 = vector.extract %reduce_or3A_206[15] : f32 from vector<16xf32>
          %reduce_or3A_208 = arith.constant 0.000000e+00 : f32
          %reduce_or3A_209 = arith.cmpf ogt, %reduce_or3A_207, %reduce_or3A_208 : f32
          %convert_element_type3A_210 = arith.extui %reduce_or3A_209 : i1 to i32
          %cond3A_211 = arith.constant 0 : i32
          %cond3A_212 = arith.cmpi ne, %convert_element_type3A_210, %cond3A_211 : i32
          scf.if %cond3A_212 {
            %while3A_255 = scf.while (%while3A_256 = %and3A) : (vector<16xi1>) -> vector<16xi1> {
              %reduce_or3A_257 = arith.constant 1.000000e+00 : f32
              %reduce_or3A_258 = arith.constant 0.000000e+00 : f32
              %reduce_or3A_259 = vector.broadcast %reduce_or3A_257 : f32 to vector<16xf32>
              %reduce_or3A_260 = vector.broadcast %reduce_or3A_258 : f32 to vector<16xf32>
              %reduce_or3A_261 = arith.select %while3A_256, %reduce_or3A_259, %reduce_or3A_260 : vector<16xi1>, vector<16xf32>
              %reduce_or3A_262 = arith.constant true
              %reduce_or3A_263 = vector.broadcast %reduce_or3A_262 : i1 to vector<16xi1>
              %reduce_or3A_264 = tpu.scan <max>, %reduce_or3A_261 masked %reduce_or3A_263 : vector<16xf32>, vector<16xi1> -> vector<16xf32>
              %reduce_or3A_265 = vector.extract %reduce_or3A_264[15] : f32 from vector<16xf32>
              %reduce_or3A_266 = arith.constant 0.000000e+00 : f32
              %reduce_or3A_267 = arith.cmpf ogt, %reduce_or3A_265, %reduce_or3A_266 : f32
              scf.condition(%reduce_or3A_267) %while3A_256 : vector<16xi1>
            } do {
            ^bb0(%while3A_256: vector<16xi1>):
              %all_reduce_ffs3A = tpu.all_reduce %while3A_256 {dim = 0 : i64, kind = #tpu.reduction_kind<find_first_set>} : vector<16xi1> -> vector<16xi32>
              %reduce_max3A_257 = arith.constant true
              %reduce_max3A_258 = vector.broadcast %reduce_max3A_257 : i1 to vector<16xi1>
              %reduce_max3A_259 = arith.constant -2147483648 : i32
              %reduce_max3A_260 = vector.broadcast %reduce_max3A_259 : i32 to vector<16xi32>
              %reduce_max3A_261 = arith.xori %all_reduce_ffs3A, %reduce_max3A_260 : vector<16xi32>
              %reduce_max3A_262 = tpu.scan <max>, %reduce_max3A_261 masked %reduce_max3A_258 : vector<16xi32>, vector<16xi1> -> vector<16xi32>
              %reduce_max3A_263 = arith.xori %reduce_max3A_262, %reduce_max3A_260 : vector<16xi32>
              %reduce_max3A_264 = vector.extract %reduce_max3A_263[15] : i32 from vector<16xi32>
              %broadcast_in_dim3A_265 = vector.broadcast %reduce_max3A_264 : i32 to vector<16xi32>
              %reshape3A = vector.shape_cast %broadcast_in_dim3A_265 : vector<16xi32> to vector<16x1xi32>
              %gather3A = vector.shape_cast %reshape3A : vector<16x1xi32> to vector<16xi32>
              %gather3A_266 = tpu.dynamic_gather %get3A_144[%gather3A] in [0] : vector<16xi32>, vector<16xi32> -> vector<16xi32>
              %and3A_267 = arith.constant 16383 : i32
              %and3A_268 = vector.broadcast %and3A_267 : i32 to vector<16xi32>
              %and3A_269 = arith.andi %gather3A_266, %and3A_268 : vector<16xi32>
              %shift_right_logical3A_270 = arith.constant 14 : i32
              %shift_right_logical3A_271 = vector.broadcast %shift_right_logical3A_270 : i32 to vector<16xi32>
              %shift_right_logical3A_272 = arith.shrui %gather3A_266, %shift_right_logical3A_271 : vector<16xi32>
              %and3A_273 = arith.constant 127 : i32
              %and3A_274 = vector.broadcast %and3A_273 : i32 to vector<16xi32>
              %and3A_275 = arith.andi %shift_right_logical3A_272, %and3A_274 : vector<16xi32>
              %get3A_276 = arith.constant 0 : index
              %get3A_277 = tpu.vector_load %arg14[%get3A_276] {strides = array<i32>} : memref<16xi32, #tpu.memory_space<vmem>>, vector<16xi32>,
              %reduce_max3A_278 = arith.constant true
              %reduce_max3A_279 = vector.broadcast %reduce_max3A_278 : i1 to vector<16xi1>
              %reduce_max3A_280 = arith.constant -2147483648 : i32
              %reduce_max3A_281 = vector.broadcast %reduce_max3A_280 : i32 to vector<16xi32>
              %reduce_max3A_282 = arith.xori %get3A_277, %reduce_max3A_281 : vector<16xi32>
              %reduce_max3A_283 = tpu.scan <max>, %reduce_max3A_282 masked %reduce_max3A_279 : vector<16xi32>, vector<16xi1> -> vector<16xi32>
              %reduce_max3A_284 = arith.xori %reduce_max3A_283, %reduce_max3A_281 : vector<16xi32>
              %reduce_max3A_285 = vector.extract %reduce_max3A_284[15] : i32 from vector<16xi32>
              %and3A_286 = arith.constant 15 : i32
              %and3A_287 = arith.andi %reduce_max3A_285, %and3A_286 : i32
              %ge3A_288 = arith.constant 16 : i32
              %ge3A_289 = arith.cmpi sge, %reduce_max3A_285, %ge3A_288 : i32
              %convert_element_type3A_290 = arith.extui %ge3A_289 : i1 to i32
              %cond3A_291 = arith.constant 0 : i32
              %cond3A_292 = arith.cmpi ne, %convert_element_type3A_290, %cond3A_291 : i32
              scf.if %cond3A_292 {
                %dma_wait3A = arith.constant 0 : i32
                %dma_wait3A_359 = tpu.memref_slice %arg5[%dma_wait3A] : memref<1048576xf32, #tpu.memory_space<hbm>> -> memref<64xf32, #tpu.memory_space<hbm>>
                %dma_wait3A_360 = arith.constant 0 : i32
                %dma_wait3A_361 = tpu.memref_slice %arg5[%dma_wait3A_360] : memref<1048576xf32, #tpu.memory_space<hbm>> -> memref<64xf32, #tpu.memory_space<hbm>>
                tpu.wait_dma2 semaphore(%arg17 : memref<!tpu.dma_semaphore, #tpu.memory_space<semaphore_mem>>) src(%dma_wait3A_361 : memref<64xf32, #tpu.memory_space<hbm>>) dst(%arg12 : memref<64xf32, #tpu.memory_space<vmem>>)
              } else {
              }
              %mul3A_293 = arith.constant 64 : i32
              %mul3A_294 = arith.muli %and3A_287, %mul3A_293 : i32
              %broadcast_in_dim3A_295 = vector.broadcast %mul3A_294 : i32 to vector<16xi32>
              %iota3A_296 = tpu.iota {dimensions = array<i32: 0>} : vector<16xi32>
              %add3A_297 = arith.constant 0 : i32
              %add3A_298 = vector.broadcast %add3A_297 : i32 to vector<16xi32>
              %add3A_299 = arith.addi %iota3A_296, %add3A_298 : vector<16xi32>
              %mul3A_300 = arith.constant 64 : i32
              %mul3A_301 = vector.broadcast %mul3A_300 : i32 to vector<16xi32>
              %mul3A_302 = arith.muli %add3A_299, %mul3A_301 : vector<16xi32>
              %add3A_303 = arith.addi %mul3A_302, %and3A_275 : vector<16xi32>
              %gather3A_304 = tpu.vector_load_idx %arg10[%add3A_303] : memref<4096xf32, #tpu.memory_space<vmem>>[vector<16xi32>], vector<16xf32>,
              %add3A_305 = arith.addi %broadcast_in_dim3A_295, %add3A_299 : vector<16xi32>
              tpu.vector_store_idx %arg11[%add3A_305], %gather3A_304 : memref<1024xf32, #tpu.memory_space<vmem>>[vector<16xi32>], vector<16xf32>,
              %iota3A_306 = tpu.iota {dimensions = array<i32: 0>} : vector<16xi32>
              %add3A_307 = arith.constant 16 : i32
              %add3A_308 = vector.broadcast %add3A_307 : i32 to vector<16xi32>
              %add3A_309 = arith.addi %iota3A_306, %add3A_308 : vector<16xi32>
              %mul3A_310 = arith.constant 64 : i32
              %mul3A_311 = vector.broadcast %mul3A_310 : i32 to vector<16xi32>
              %mul3A_312 = arith.muli %add3A_309, %mul3A_311 : vector<16xi32>
              %add3A_313 = arith.addi %mul3A_312, %and3A_275 : vector<16xi32>
              %gather3A_314 = tpu.vector_load_idx %arg10[%add3A_313] : memref<4096xf32, #tpu.memory_space<vmem>>[vector<16xi32>], vector<16xf32>,
              %add3A_315 = arith.addi %broadcast_in_dim3A_295, %add3A_309 : vector<16xi32>
              tpu.vector_store_idx %arg11[%add3A_315], %gather3A_314 : memref<1024xf32, #tpu.memory_space<vmem>>[vector<16xi32>], vector<16xf32>,
              %iota3A_316 = tpu.iota {dimensions = array<i32: 0>} : vector<16xi32>
              %add3A_317 = arith.constant 32 : i32
              %add3A_318 = vector.broadcast %add3A_317 : i32 to vector<16xi32>
              %add3A_319 = arith.addi %iota3A_316, %add3A_318 : vector<16xi32>
              %mul3A_320 = arith.constant 64 : i32
              %mul3A_321 = vector.broadcast %mul3A_320 : i32 to vector<16xi32>
              %mul3A_322 = arith.muli %add3A_319, %mul3A_321 : vector<16xi32>
              %add3A_323 = arith.addi %mul3A_322, %and3A_275 : vector<16xi32>
              %gather3A_324 = tpu.vector_load_idx %arg10[%add3A_323] : memref<4096xf32, #tpu.memory_space<vmem>>[vector<16xi32>], vector<16xf32>,
              %add3A_325 = arith.addi %broadcast_in_dim3A_295, %add3A_319 : vector<16xi32>
              tpu.vector_store_idx %arg11[%add3A_325], %gather3A_324 : memref<1024xf32, #tpu.memory_space<vmem>>[vector<16xi32>], vector<16xf32>,
              %iota3A_326 = tpu.iota {dimensions = array<i32: 0>} : vector<16xi32>
              %add3A_327 = arith.constant 48 : i32
              %add3A_328 = vector.broadcast %add3A_327 : i32 to vector<16xi32>
              %add3A_329 = arith.addi %iota3A_326, %add3A_328 : vector<16xi32>
              %mul3A_330 = arith.constant 64 : i32
              %mul3A_331 = vector.broadcast %mul3A_330 : i32 to vector<16xi32>
              %mul3A_332 = arith.muli %add3A_329, %mul3A_331 : vector<16xi32>
              %add3A_333 = arith.addi %mul3A_332, %and3A_275 : vector<16xi32>
              %gather3A_334 = tpu.vector_load_idx %arg10[%add3A_333] : memref<4096xf32, #tpu.memory_space<vmem>>[vector<16xi32>], vector<16xf32>,
              %add3A_335 = arith.addi %broadcast_in_dim3A_295, %add3A_329 : vector<16xi32>
              tpu.vector_store_idx %arg11[%add3A_335], %gather3A_334 : memref<1024xf32, #tpu.memory_space<vmem>>[vector<16xi32>], vector<16xf32>,
              %reduce_max3A_336 = arith.constant true
              %reduce_max3A_337 = vector.broadcast %reduce_max3A_336 : i1 to vector<16xi1>
              %reduce_max3A_338 = arith.constant -2147483648 : i32
              %reduce_max3A_339 = vector.broadcast %reduce_max3A_338 : i32 to vector<16xi32>
              %reduce_max3A_340 = arith.xori %and3A_269, %reduce_max3A_339 : vector<16xi32>
              %reduce_max3A_341 = tpu.scan <max>, %reduce_max3A_340 masked %reduce_max3A_337 : vector<16xi32>, vector<16xi1> -> vector<16xi32>
              %reduce_max3A_342 = arith.xori %reduce_max3A_341, %reduce_max3A_339 : vector<16xi32>
              %reduce_max3A_343 = vector.extract %reduce_max3A_342[15] : i32 from vector<16xi32>
              %mul3A_344 = arith.constant 64 : i32
              %mul3A_345 = arith.muli %and3A_287, %mul3A_344 : i32
              %mul3A_346 = arith.constant 64 : i32
              %mul3A_347 = arith.muli %reduce_max3A_343, %mul3A_346 : i32
              %dma_start3A = tpu.memref_slice %arg11[%mul3A_345] : memref<1024xf32, #tpu.memory_space<vmem>> -> memref<64xf32, #tpu.memory_space<vmem>>
              %dma_start3A_348 = tpu.memref_slice %arg5[%mul3A_347] : memref<1048576xf32, #tpu.memory_space<hbm>> -> memref<64xf32, #tpu.memory_space<hbm>>
              %dma_start3A_349 = tpu.memref_slice %arg5[%mul3A_347] : memref<1048576xf32, #tpu.memory_space<hbm>> -> memref<64xf32, #tpu.memory_space<hbm>>
              %dma_start3A_350 = tpu.memref_slice %arg11[%mul3A_345] : memref<1024xf32, #tpu.memory_space<vmem>> -> memref<64xf32, #tpu.memory_space<vmem>>
              tpu.enqueue_dma source(%dma_start3A_350 : memref<64xf32, #tpu.memory_space<vmem>>) target(%dma_start3A_349 : memref<64xf32, #tpu.memory_space<hbm>>) target_semaphore(%arg17 : memref<!tpu.dma_semaphore, #tpu.memory_space<semaphore_mem>>)
              %add3A_351 = arith.constant 1 : i32
              %add3A_352 = arith.addi %reduce_max3A_285, %add3A_351 : i32
              %broadcast_in_dim3A_353 = vector.broadcast %add3A_352 : i32 to vector<16xi32>
              %swap3A_354 = arith.constant 0 : index
              %swap3A_355 = tpu.vector_load %arg14[%swap3A_354] {strides = array<i32>} : memref<16xi32, #tpu.memory_space<vmem>>, vector<16xi32>,
              tpu.vector_store %arg14[%swap3A_354], %broadcast_in_dim3A_353 {strides = array<i32>} : memref<16xi32, #tpu.memory_space<vmem>>, vector<16xi32>,
              %iota3A_356 = tpu.iota {dimensions = array<i32: 0>} : vector<16xi32>
              %broadcast_in_dim3A_357 = vector.broadcast %reduce_max3A_264 : i32 to vector<16xi32>
              %ne3A = arith.cmpi ne, %iota3A_356, %broadcast_in_dim3A_357 : vector<16xi32>
              %and3A_358 = arith.andi %while3A_256, %ne3A : vector<16xi1>
              scf.yield %and3A_358 : vector<16xi1>
            }
          } else {
          }
          %reduce_or3A_213 = arith.constant 1.000000e+00 : f32
          %reduce_or3A_214 = arith.constant 0.000000e+00 : f32
          %reduce_or3A_215 = vector.broadcast %reduce_or3A_213 : f32 to vector<16xf32>
          %reduce_or3A_216 = vector.broadcast %reduce_or3A_214 : f32 to vector<16xf32>
          %reduce_or3A_217 = arith.select %and3A_158, %reduce_or3A_215, %reduce_or3A_216 : vector<16xi1>, vector<16xf32>
          %reduce_or3A_218 = arith.constant true
          %reduce_or3A_219 = vector.broadcast %reduce_or3A_218 : i1 to vector<16xi1>
          %reduce_or3A_220 = tpu.scan <max>, %reduce_or3A_217 masked %reduce_or3A_219 : vector<16xf32>, vector<16xi1> -> vector<16xf32>
          %reduce_or3A_221 = vector.extract %reduce_or3A_220[15] : f32 from vector<16xf32>
          %reduce_or3A_222 = arith.constant 0.000000e+00 : f32
          %reduce_or3A_223 = arith.cmpf ogt, %reduce_or3A_221, %reduce_or3A_222 : f32
          %convert_element_type3A_224 = arith.extui %reduce_or3A_223 : i1 to i32
          %cond3A_225 = arith.constant 0 : i32
          %cond3A_226 = arith.cmpi ne, %convert_element_type3A_224, %cond3A_225 : i32
          scf.if %cond3A_226 {
            %while3A_255 = scf.while (%while3A_256 = %and3A_158) : (vector<16xi1>) -> vector<16xi1> {
              %reduce_or3A_257 = arith.constant 1.000000e+00 : f32
              %reduce_or3A_258 = arith.constant 0.000000e+00 : f32
              %reduce_or3A_259 = vector.broadcast %reduce_or3A_257 : f32 to vector<16xf32>
              %reduce_or3A_260 = vector.broadcast %reduce_or3A_258 : f32 to vector<16xf32>
              %reduce_or3A_261 = arith.select %while3A_256, %reduce_or3A_259, %reduce_or3A_260 : vector<16xi1>, vector<16xf32>
              %reduce_or3A_262 = arith.constant true
              %reduce_or3A_263 = vector.broadcast %reduce_or3A_262 : i1 to vector<16xi1>
              %reduce_or3A_264 = tpu.scan <max>, %reduce_or3A_261 masked %reduce_or3A_263 : vector<16xf32>, vector<16xi1> -> vector<16xf32>
              %reduce_or3A_265 = vector.extract %reduce_or3A_264[15] : f32 from vector<16xf32>
              %reduce_or3A_266 = arith.constant 0.000000e+00 : f32
              %reduce_or3A_267 = arith.cmpf ogt, %reduce_or3A_265, %reduce_or3A_266 : f32
              scf.condition(%reduce_or3A_267) %while3A_256 : vector<16xi1>
            } do {
            ^bb0(%while3A_256: vector<16xi1>):
              %all_reduce_ffs3A = tpu.all_reduce %while3A_256 {dim = 0 : i64, kind = #tpu.reduction_kind<find_first_set>} : vector<16xi1> -> vector<16xi32>
              %reduce_max3A_257 = arith.constant true
              %reduce_max3A_258 = vector.broadcast %reduce_max3A_257 : i1 to vector<16xi1>
              %reduce_max3A_259 = arith.constant -2147483648 : i32
              %reduce_max3A_260 = vector.broadcast %reduce_max3A_259 : i32 to vector<16xi32>
              %reduce_max3A_261 = arith.xori %all_reduce_ffs3A, %reduce_max3A_260 : vector<16xi32>
              %reduce_max3A_262 = tpu.scan <max>, %reduce_max3A_261 masked %reduce_max3A_258 : vector<16xi32>, vector<16xi1> -> vector<16xi32>
              %reduce_max3A_263 = arith.xori %reduce_max3A_262, %reduce_max3A_260 : vector<16xi32>
              %reduce_max3A_264 = vector.extract %reduce_max3A_263[15] : i32 from vector<16xi32>
              %broadcast_in_dim3A_265 = vector.broadcast %reduce_max3A_264 : i32 to vector<16xi32>
              %reshape3A = vector.shape_cast %broadcast_in_dim3A_265 : vector<16xi32> to vector<16x1xi32>
              %gather3A = vector.shape_cast %reshape3A : vector<16x1xi32> to vector<16xi32>
              %gather3A_266 = tpu.dynamic_gather %get3A_152[%gather3A] in [0] : vector<16xi32>, vector<16xi32> -> vector<16xi32>
              %and3A_267 = arith.constant 16383 : i32
              %and3A_268 = vector.broadcast %and3A_267 : i32 to vector<16xi32>
              %and3A_269 = arith.andi %gather3A_266, %and3A_268 : vector<16xi32>
              %shift_right_logical3A_270 = arith.constant 14 : i32
              %shift_right_logical3A_271 = vector.broadcast %shift_right_logical3A_270 : i32 to vector<16xi32>
              %shift_right_logical3A_272 = arith.shrui %gather3A_266, %shift_right_logical3A_271 : vector<16xi32>
              %and3A_273 = arith.constant 127 : i32
              %and3A_274 = vector.broadcast %and3A_273 : i32 to vector<16xi32>
              %and3A_275 = arith.andi %shift_right_logical3A_272, %and3A_274 : vector<16xi32>
              %get3A_276 = arith.constant 0 : index
              %get3A_277 = tpu.vector_load %arg14[%get3A_276] {strides = array<i32>} : memref<16xi32, #tpu.memory_space<vmem>>, vector<16xi32>,
              %reduce_max3A_278 = arith.constant true
              %reduce_max3A_279 = vector.broadcast %reduce_max3A_278 : i1 to vector<16xi1>
              %reduce_max3A_280 = arith.constant -2147483648 : i32
              %reduce_max3A_281 = vector.broadcast %reduce_max3A_280 : i32 to vector<16xi32>
              %reduce_max3A_282 = arith.xori %get3A_277, %reduce_max3A_281 : vector<16xi32>
              %reduce_max3A_283 = tpu.scan <max>, %reduce_max3A_282 masked %reduce_max3A_279 : vector<16xi32>, vector<16xi1> -> vector<16xi32>
              %reduce_max3A_284 = arith.xori %reduce_max3A_283, %reduce_max3A_281 : vector<16xi32>
              %reduce_max3A_285 = vector.extract %reduce_max3A_284[15] : i32 from vector<16xi32>
              %and3A_286 = arith.constant 15 : i32
              %and3A_287 = arith.andi %reduce_max3A_285, %and3A_286 : i32
              %ge3A_288 = arith.constant 16 : i32
              %ge3A_289 = arith.cmpi sge, %reduce_max3A_285, %ge3A_288 : i32
              %convert_element_type3A_290 = arith.extui %ge3A_289 : i1 to i32
              %cond3A_291 = arith.constant 0 : i32
              %cond3A_292 = arith.cmpi ne, %convert_element_type3A_290, %cond3A_291 : i32
              scf.if %cond3A_292 {
                %dma_wait3A = arith.constant 0 : i32
                %dma_wait3A_359 = tpu.memref_slice %arg5[%dma_wait3A] : memref<1048576xf32, #tpu.memory_space<hbm>> -> memref<64xf32, #tpu.memory_space<hbm>>
                %dma_wait3A_360 = arith.constant 0 : i32
                %dma_wait3A_361 = tpu.memref_slice %arg5[%dma_wait3A_360] : memref<1048576xf32, #tpu.memory_space<hbm>> -> memref<64xf32, #tpu.memory_space<hbm>>
                tpu.wait_dma2 semaphore(%arg17 : memref<!tpu.dma_semaphore, #tpu.memory_space<semaphore_mem>>) src(%dma_wait3A_361 : memref<64xf32, #tpu.memory_space<hbm>>) dst(%arg12 : memref<64xf32, #tpu.memory_space<vmem>>)
              } else {
              }
              %mul3A_293 = arith.constant 64 : i32
              %mul3A_294 = arith.muli %and3A_287, %mul3A_293 : i32
              %broadcast_in_dim3A_295 = vector.broadcast %mul3A_294 : i32 to vector<16xi32>
              %iota3A_296 = tpu.iota {dimensions = array<i32: 0>} : vector<16xi32>
              %add3A_297 = arith.constant 0 : i32
              %add3A_298 = vector.broadcast %add3A_297 : i32 to vector<16xi32>
              %add3A_299 = arith.addi %iota3A_296, %add3A_298 : vector<16xi32>
              %mul3A_300 = arith.constant 64 : i32
              %mul3A_301 = vector.broadcast %mul3A_300 : i32 to vector<16xi32>
              %mul3A_302 = arith.muli %add3A_299, %mul3A_301 : vector<16xi32>
              %add3A_303 = arith.addi %mul3A_302, %and3A_275 : vector<16xi32>
              %gather3A_304 = tpu.vector_load_idx %arg10[%add3A_303] : memref<4096xf32, #tpu.memory_space<vmem>>[vector<16xi32>], vector<16xf32>,
              %add3A_305 = arith.addi %broadcast_in_dim3A_295, %add3A_299 : vector<16xi32>
              tpu.vector_store_idx %arg11[%add3A_305], %gather3A_304 : memref<1024xf32, #tpu.memory_space<vmem>>[vector<16xi32>], vector<16xf32>,
              %iota3A_306 = tpu.iota {dimensions = array<i32: 0>} : vector<16xi32>
              %add3A_307 = arith.constant 16 : i32
              %add3A_308 = vector.broadcast %add3A_307 : i32 to vector<16xi32>
              %add3A_309 = arith.addi %iota3A_306, %add3A_308 : vector<16xi32>
              %mul3A_310 = arith.constant 64 : i32
              %mul3A_311 = vector.broadcast %mul3A_310 : i32 to vector<16xi32>
              %mul3A_312 = arith.muli %add3A_309, %mul3A_311 : vector<16xi32>
              %add3A_313 = arith.addi %mul3A_312, %and3A_275 : vector<16xi32>
              %gather3A_314 = tpu.vector_load_idx %arg10[%add3A_313] : memref<4096xf32, #tpu.memory_space<vmem>>[vector<16xi32>], vector<16xf32>,
              %add3A_315 = arith.addi %broadcast_in_dim3A_295, %add3A_309 : vector<16xi32>
              tpu.vector_store_idx %arg11[%add3A_315], %gather3A_314 : memref<1024xf32, #tpu.memory_space<vmem>>[vector<16xi32>], vector<16xf32>,
              %iota3A_316 = tpu.iota {dimensions = array<i32: 0>} : vector<16xi32>
              %add3A_317 = arith.constant 32 : i32
              %add3A_318 = vector.broadcast %add3A_317 : i32 to vector<16xi32>
              %add3A_319 = arith.addi %iota3A_316, %add3A_318 : vector<16xi32>
              %mul3A_320 = arith.constant 64 : i32
              %mul3A_321 = vector.broadcast %mul3A_320 : i32 to vector<16xi32>
              %mul3A_322 = arith.muli %add3A_319, %mul3A_321 : vector<16xi32>
              %add3A_323 = arith.addi %mul3A_322, %and3A_275 : vector<16xi32>
              %gather3A_324 = tpu.vector_load_idx %arg10[%add3A_323] : memref<4096xf32, #tpu.memory_space<vmem>>[vector<16xi32>], vector<16xf32>,
              %add3A_325 = arith.addi %broadcast_in_dim3A_295, %add3A_319 : vector<16xi32>
              tpu.vector_store_idx %arg11[%add3A_325], %gather3A_324 : memref<1024xf32, #tpu.memory_space<vmem>>[vector<16xi32>], vector<16xf32>,
              %iota3A_326 = tpu.iota {dimensions = array<i32: 0>} : vector<16xi32>
              %add3A_327 = arith.constant 48 : i32
              %add3A_328 = vector.broadcast %add3A_327 : i32 to vector<16xi32>
              %add3A_329 = arith.addi %iota3A_326, %add3A_328 : vector<16xi32>
              %mul3A_330 = arith.constant 64 : i32
              %mul3A_331 = vector.broadcast %mul3A_330 : i32 to vector<16xi32>
              %mul3A_332 = arith.muli %add3A_329, %mul3A_331 : vector<16xi32>
              %add3A_333 = arith.addi %mul3A_332, %and3A_275 : vector<16xi32>
              %gather3A_334 = tpu.vector_load_idx %arg10[%add3A_333] : memref<4096xf32, #tpu.memory_space<vmem>>[vector<16xi32>], vector<16xf32>,
              %add3A_335 = arith.addi %broadcast_in_dim3A_295, %add3A_329 : vector<16xi32>
              tpu.vector_store_idx %arg11[%add3A_335], %gather3A_334 : memref<1024xf32, #tpu.memory_space<vmem>>[vector<16xi32>], vector<16xf32>,
              %reduce_max3A_336 = arith.constant true
              %reduce_max3A_337 = vector.broadcast %reduce_max3A_336 : i1 to vector<16xi1>
              %reduce_max3A_338 = arith.constant -2147483648 : i32
              %reduce_max3A_339 = vector.broadcast %reduce_max3A_338 : i32 to vector<16xi32>
              %reduce_max3A_340 = arith.xori %and3A_269, %reduce_max3A_339 : vector<16xi32>
              %reduce_max3A_341 = tpu.scan <max>, %reduce_max3A_340 masked %reduce_max3A_337 : vector<16xi32>, vector<16xi1> -> vector<16xi32>
              %reduce_max3A_342 = arith.xori %reduce_max3A_341, %reduce_max3A_339 : vector<16xi32>
              %reduce_max3A_343 = vector.extract %reduce_max3A_342[15] : i32 from vector<16xi32>
              %mul3A_344 = arith.constant 64 : i32
              %mul3A_345 = arith.muli %and3A_287, %mul3A_344 : i32
              %mul3A_346 = arith.constant 64 : i32
              %mul3A_347 = arith.muli %reduce_max3A_343, %mul3A_346 : i32
              %dma_start3A = tpu.memref_slice %arg11[%mul3A_345] : memref<1024xf32, #tpu.memory_space<vmem>> -> memref<64xf32, #tpu.memory_space<vmem>>
              %dma_start3A_348 = tpu.memref_slice %arg5[%mul3A_347] : memref<1048576xf32, #tpu.memory_space<hbm>> -> memref<64xf32, #tpu.memory_space<hbm>>
              %dma_start3A_349 = tpu.memref_slice %arg5[%mul3A_347] : memref<1048576xf32, #tpu.memory_space<hbm>> -> memref<64xf32, #tpu.memory_space<hbm>>
              %dma_start3A_350 = tpu.memref_slice %arg11[%mul3A_345] : memref<1024xf32, #tpu.memory_space<vmem>> -> memref<64xf32, #tpu.memory_space<vmem>>
              tpu.enqueue_dma source(%dma_start3A_350 : memref<64xf32, #tpu.memory_space<vmem>>) target(%dma_start3A_349 : memref<64xf32, #tpu.memory_space<hbm>>) target_semaphore(%arg17 : memref<!tpu.dma_semaphore, #tpu.memory_space<semaphore_mem>>)
              %add3A_351 = arith.constant 1 : i32
              %add3A_352 = arith.addi %reduce_max3A_285, %add3A_351 : i32
              %broadcast_in_dim3A_353 = vector.broadcast %add3A_352 : i32 to vector<16xi32>
              %swap3A_354 = arith.constant 0 : index
              %swap3A_355 = tpu.vector_load %arg14[%swap3A_354] {strides = array<i32>} : memref<16xi32, #tpu.memory_space<vmem>>, vector<16xi32>,
              tpu.vector_store %arg14[%swap3A_354], %broadcast_in_dim3A_353 {strides = array<i32>} : memref<16xi32, #tpu.memory_space<vmem>>, vector<16xi32>,
              %iota3A_356 = tpu.iota {dimensions = array<i32: 0>} : vector<16xi32>
              %broadcast_in_dim3A_357 = vector.broadcast %reduce_max3A_264 : i32 to vector<16xi32>
              %ne3A = arith.cmpi ne, %iota3A_356, %broadcast_in_dim3A_357 : vector<16xi32>
              %and3A_358 = arith.andi %while3A_256, %ne3A : vector<16xi1>
              scf.yield %and3A_358 : vector<16xi1>
            }
          } else {
          }
          %reduce_or3A_227 = arith.constant 1.000000e+00 : f32
          %reduce_or3A_228 = arith.constant 0.000000e+00 : f32
          %reduce_or3A_229 = vector.broadcast %reduce_or3A_227 : f32 to vector<16xf32>
          %reduce_or3A_230 = vector.broadcast %reduce_or3A_228 : f32 to vector<16xf32>
          %reduce_or3A_231 = arith.select %and3A_170, %reduce_or3A_229, %reduce_or3A_230 : vector<16xi1>, vector<16xf32>
          %reduce_or3A_232 = arith.constant true
          %reduce_or3A_233 = vector.broadcast %reduce_or3A_232 : i1 to vector<16xi1>
          %reduce_or3A_234 = tpu.scan <max>, %reduce_or3A_231 masked %reduce_or3A_233 : vector<16xf32>, vector<16xi1> -> vector<16xf32>
          %reduce_or3A_235 = vector.extract %reduce_or3A_234[15] : f32 from vector<16xf32>
          %reduce_or3A_236 = arith.constant 0.000000e+00 : f32
          %reduce_or3A_237 = arith.cmpf ogt, %reduce_or3A_235, %reduce_or3A_236 : f32
          %convert_element_type3A_238 = arith.extui %reduce_or3A_237 : i1 to i32
          %cond3A_239 = arith.constant 0 : i32
          %cond3A_240 = arith.cmpi ne, %convert_element_type3A_238, %cond3A_239 : i32
          scf.if %cond3A_240 {
            %while3A_255 = scf.while (%while3A_256 = %and3A_170) : (vector<16xi1>) -> vector<16xi1> {
              %reduce_or3A_257 = arith.constant 1.000000e+00 : f32
              %reduce_or3A_258 = arith.constant 0.000000e+00 : f32
              %reduce_or3A_259 = vector.broadcast %reduce_or3A_257 : f32 to vector<16xf32>
              %reduce_or3A_260 = vector.broadcast %reduce_or3A_258 : f32 to vector<16xf32>
              %reduce_or3A_261 = arith.select %while3A_256, %reduce_or3A_259, %reduce_or3A_260 : vector<16xi1>, vector<16xf32>
              %reduce_or3A_262 = arith.constant true
              %reduce_or3A_263 = vector.broadcast %reduce_or3A_262 : i1 to vector<16xi1>
              %reduce_or3A_264 = tpu.scan <max>, %reduce_or3A_261 masked %reduce_or3A_263 : vector<16xf32>, vector<16xi1> -> vector<16xf32>
              %reduce_or3A_265 = vector.extract %reduce_or3A_264[15] : f32 from vector<16xf32>
              %reduce_or3A_266 = arith.constant 0.000000e+00 : f32
              %reduce_or3A_267 = arith.cmpf ogt, %reduce_or3A_265, %reduce_or3A_266 : f32
              scf.condition(%reduce_or3A_267) %while3A_256 : vector<16xi1>
            } do {
            ^bb0(%while3A_256: vector<16xi1>):
              %all_reduce_ffs3A = tpu.all_reduce %while3A_256 {dim = 0 : i64, kind = #tpu.reduction_kind<find_first_set>} : vector<16xi1> -> vector<16xi32>
              %reduce_max3A_257 = arith.constant true
              %reduce_max3A_258 = vector.broadcast %reduce_max3A_257 : i1 to vector<16xi1>
              %reduce_max3A_259 = arith.constant -2147483648 : i32
              %reduce_max3A_260 = vector.broadcast %reduce_max3A_259 : i32 to vector<16xi32>
              %reduce_max3A_261 = arith.xori %all_reduce_ffs3A, %reduce_max3A_260 : vector<16xi32>
              %reduce_max3A_262 = tpu.scan <max>, %reduce_max3A_261 masked %reduce_max3A_258 : vector<16xi32>, vector<16xi1> -> vector<16xi32>
              %reduce_max3A_263 = arith.xori %reduce_max3A_262, %reduce_max3A_260 : vector<16xi32>
              %reduce_max3A_264 = vector.extract %reduce_max3A_263[15] : i32 from vector<16xi32>
              %broadcast_in_dim3A_265 = vector.broadcast %reduce_max3A_264 : i32 to vector<16xi32>
              %reshape3A = vector.shape_cast %broadcast_in_dim3A_265 : vector<16xi32> to vector<16x1xi32>
              %gather3A = vector.shape_cast %reshape3A : vector<16x1xi32> to vector<16xi32>
              %gather3A_266 = tpu.dynamic_gather %get3A_164[%gather3A] in [0] : vector<16xi32>, vector<16xi32> -> vector<16xi32>
              %and3A_267 = arith.constant 16383 : i32
              %and3A_268 = vector.broadcast %and3A_267 : i32 to vector<16xi32>
              %and3A_269 = arith.andi %gather3A_266, %and3A_268 : vector<16xi32>
              %shift_right_logical3A_270 = arith.constant 14 : i32
              %shift_right_logical3A_271 = vector.broadcast %shift_right_logical3A_270 : i32 to vector<16xi32>
              %shift_right_logical3A_272 = arith.shrui %gather3A_266, %shift_right_logical3A_271 : vector<16xi32>
              %and3A_273 = arith.constant 127 : i32
              %and3A_274 = vector.broadcast %and3A_273 : i32 to vector<16xi32>
              %and3A_275 = arith.andi %shift_right_logical3A_272, %and3A_274 : vector<16xi32>
              %get3A_276 = arith.constant 0 : index
              %get3A_277 = tpu.vector_load %arg14[%get3A_276] {strides = array<i32>} : memref<16xi32, #tpu.memory_space<vmem>>, vector<16xi32>,
              %reduce_max3A_278 = arith.constant true
              %reduce_max3A_279 = vector.broadcast %reduce_max3A_278 : i1 to vector<16xi1>
              %reduce_max3A_280 = arith.constant -2147483648 : i32
              %reduce_max3A_281 = vector.broadcast %reduce_max3A_280 : i32 to vector<16xi32>
              %reduce_max3A_282 = arith.xori %get3A_277, %reduce_max3A_281 : vector<16xi32>
              %reduce_max3A_283 = tpu.scan <max>, %reduce_max3A_282 masked %reduce_max3A_279 : vector<16xi32>, vector<16xi1> -> vector<16xi32>
              %reduce_max3A_284 = arith.xori %reduce_max3A_283, %reduce_max3A_281 : vector<16xi32>
              %reduce_max3A_285 = vector.extract %reduce_max3A_284[15] : i32 from vector<16xi32>
              %and3A_286 = arith.constant 15 : i32
              %and3A_287 = arith.andi %reduce_max3A_285, %and3A_286 : i32
              %ge3A_288 = arith.constant 16 : i32
              %ge3A_289 = arith.cmpi sge, %reduce_max3A_285, %ge3A_288 : i32
              %convert_element_type3A_290 = arith.extui %ge3A_289 : i1 to i32
              %cond3A_291 = arith.constant 0 : i32
              %cond3A_292 = arith.cmpi ne, %convert_element_type3A_290, %cond3A_291 : i32
              scf.if %cond3A_292 {
                %dma_wait3A = arith.constant 0 : i32
                %dma_wait3A_359 = tpu.memref_slice %arg5[%dma_wait3A] : memref<1048576xf32, #tpu.memory_space<hbm>> -> memref<64xf32, #tpu.memory_space<hbm>>
                %dma_wait3A_360 = arith.constant 0 : i32
                %dma_wait3A_361 = tpu.memref_slice %arg5[%dma_wait3A_360] : memref<1048576xf32, #tpu.memory_space<hbm>> -> memref<64xf32, #tpu.memory_space<hbm>>
                tpu.wait_dma2 semaphore(%arg17 : memref<!tpu.dma_semaphore, #tpu.memory_space<semaphore_mem>>) src(%dma_wait3A_361 : memref<64xf32, #tpu.memory_space<hbm>>) dst(%arg12 : memref<64xf32, #tpu.memory_space<vmem>>)
              } else {
              }
              %mul3A_293 = arith.constant 64 : i32
              %mul3A_294 = arith.muli %and3A_287, %mul3A_293 : i32
              %broadcast_in_dim3A_295 = vector.broadcast %mul3A_294 : i32 to vector<16xi32>
              %iota3A_296 = tpu.iota {dimensions = array<i32: 0>} : vector<16xi32>
              %add3A_297 = arith.constant 0 : i32
              %add3A_298 = vector.broadcast %add3A_297 : i32 to vector<16xi32>
              %add3A_299 = arith.addi %iota3A_296, %add3A_298 : vector<16xi32>
              %mul3A_300 = arith.constant 64 : i32
              %mul3A_301 = vector.broadcast %mul3A_300 : i32 to vector<16xi32>
              %mul3A_302 = arith.muli %add3A_299, %mul3A_301 : vector<16xi32>
              %add3A_303 = arith.addi %mul3A_302, %and3A_275 : vector<16xi32>
              %gather3A_304 = tpu.vector_load_idx %arg10[%add3A_303] : memref<4096xf32, #tpu.memory_space<vmem>>[vector<16xi32>], vector<16xf32>,
              %add3A_305 = arith.addi %broadcast_in_dim3A_295, %add3A_299 : vector<16xi32>
              tpu.vector_store_idx %arg11[%add3A_305], %gather3A_304 : memref<1024xf32, #tpu.memory_space<vmem>>[vector<16xi32>], vector<16xf32>,
              %iota3A_306 = tpu.iota {dimensions = array<i32: 0>} : vector<16xi32>
              %add3A_307 = arith.constant 16 : i32
              %add3A_308 = vector.broadcast %add3A_307 : i32 to vector<16xi32>
              %add3A_309 = arith.addi %iota3A_306, %add3A_308 : vector<16xi32>
              %mul3A_310 = arith.constant 64 : i32
              %mul3A_311 = vector.broadcast %mul3A_310 : i32 to vector<16xi32>
              %mul3A_312 = arith.muli %add3A_309, %mul3A_311 : vector<16xi32>
              %add3A_313 = arith.addi %mul3A_312, %and3A_275 : vector<16xi32>
              %gather3A_314 = tpu.vector_load_idx %arg10[%add3A_313] : memref<4096xf32, #tpu.memory_space<vmem>>[vector<16xi32>], vector<16xf32>,
              %add3A_315 = arith.addi %broadcast_in_dim3A_295, %add3A_309 : vector<16xi32>
              tpu.vector_store_idx %arg11[%add3A_315], %gather3A_314 : memref<1024xf32, #tpu.memory_space<vmem>>[vector<16xi32>], vector<16xf32>,
              %iota3A_316 = tpu.iota {dimensions = array<i32: 0>} : vector<16xi32>
              %add3A_317 = arith.constant 32 : i32
              %add3A_318 = vector.broadcast %add3A_317 : i32 to vector<16xi32>
              %add3A_319 = arith.addi %iota3A_316, %add3A_318 : vector<16xi32>
              %mul3A_320 = arith.constant 64 : i32
              %mul3A_321 = vector.broadcast %mul3A_320 : i32 to vector<16xi32>
              %mul3A_322 = arith.muli %add3A_319, %mul3A_321 : vector<16xi32>
              %add3A_323 = arith.addi %mul3A_322, %and3A_275 : vector<16xi32>
              %gather3A_324 = tpu.vector_load_idx %arg10[%add3A_323] : memref<4096xf32, #tpu.memory_space<vmem>>[vector<16xi32>], vector<16xf32>,
              %add3A_325 = arith.addi %broadcast_in_dim3A_295, %add3A_319 : vector<16xi32>
              tpu.vector_store_idx %arg11[%add3A_325], %gather3A_324 : memref<1024xf32, #tpu.memory_space<vmem>>[vector<16xi32>], vector<16xf32>,
              %iota3A_326 = tpu.iota {dimensions = array<i32: 0>} : vector<16xi32>
              %add3A_327 = arith.constant 48 : i32
              %add3A_328 = vector.broadcast %add3A_327 : i32 to vector<16xi32>
              %add3A_329 = arith.addi %iota3A_326, %add3A_328 : vector<16xi32>
              %mul3A_330 = arith.constant 64 : i32
              %mul3A_331 = vector.broadcast %mul3A_330 : i32 to vector<16xi32>
              %mul3A_332 = arith.muli %add3A_329, %mul3A_331 : vector<16xi32>
              %add3A_333 = arith.addi %mul3A_332, %and3A_275 : vector<16xi32>
              %gather3A_334 = tpu.vector_load_idx %arg10[%add3A_333] : memref<4096xf32, #tpu.memory_space<vmem>>[vector<16xi32>], vector<16xf32>,
              %add3A_335 = arith.addi %broadcast_in_dim3A_295, %add3A_329 : vector<16xi32>
              tpu.vector_store_idx %arg11[%add3A_335], %gather3A_334 : memref<1024xf32, #tpu.memory_space<vmem>>[vector<16xi32>], vector<16xf32>,
              %reduce_max3A_336 = arith.constant true
              %reduce_max3A_337 = vector.broadcast %reduce_max3A_336 : i1 to vector<16xi1>
              %reduce_max3A_338 = arith.constant -2147483648 : i32
              %reduce_max3A_339 = vector.broadcast %reduce_max3A_338 : i32 to vector<16xi32>
              %reduce_max3A_340 = arith.xori %and3A_269, %reduce_max3A_339 : vector<16xi32>
              %reduce_max3A_341 = tpu.scan <max>, %reduce_max3A_340 masked %reduce_max3A_337 : vector<16xi32>, vector<16xi1> -> vector<16xi32>
              %reduce_max3A_342 = arith.xori %reduce_max3A_341, %reduce_max3A_339 : vector<16xi32>
              %reduce_max3A_343 = vector.extract %reduce_max3A_342[15] : i32 from vector<16xi32>
              %mul3A_344 = arith.constant 64 : i32
              %mul3A_345 = arith.muli %and3A_287, %mul3A_344 : i32
              %mul3A_346 = arith.constant 64 : i32
              %mul3A_347 = arith.muli %reduce_max3A_343, %mul3A_346 : i32
              %dma_start3A = tpu.memref_slice %arg11[%mul3A_345] : memref<1024xf32, #tpu.memory_space<vmem>> -> memref<64xf32, #tpu.memory_space<vmem>>
              %dma_start3A_348 = tpu.memref_slice %arg5[%mul3A_347] : memref<1048576xf32, #tpu.memory_space<hbm>> -> memref<64xf32, #tpu.memory_space<hbm>>
              %dma_start3A_349 = tpu.memref_slice %arg5[%mul3A_347] : memref<1048576xf32, #tpu.memory_space<hbm>> -> memref<64xf32, #tpu.memory_space<hbm>>
              %dma_start3A_350 = tpu.memref_slice %arg11[%mul3A_345] : memref<1024xf32, #tpu.memory_space<vmem>> -> memref<64xf32, #tpu.memory_space<vmem>>
              tpu.enqueue_dma source(%dma_start3A_350 : memref<64xf32, #tpu.memory_space<vmem>>) target(%dma_start3A_349 : memref<64xf32, #tpu.memory_space<hbm>>) target_semaphore(%arg17 : memref<!tpu.dma_semaphore, #tpu.memory_space<semaphore_mem>>)
              %add3A_351 = arith.constant 1 : i32
              %add3A_352 = arith.addi %reduce_max3A_285, %add3A_351 : i32
              %broadcast_in_dim3A_353 = vector.broadcast %add3A_352 : i32 to vector<16xi32>
              %swap3A_354 = arith.constant 0 : index
              %swap3A_355 = tpu.vector_load %arg14[%swap3A_354] {strides = array<i32>} : memref<16xi32, #tpu.memory_space<vmem>>, vector<16xi32>,
              tpu.vector_store %arg14[%swap3A_354], %broadcast_in_dim3A_353 {strides = array<i32>} : memref<16xi32, #tpu.memory_space<vmem>>, vector<16xi32>,
              %iota3A_356 = tpu.iota {dimensions = array<i32: 0>} : vector<16xi32>
              %broadcast_in_dim3A_357 = vector.broadcast %reduce_max3A_264 : i32 to vector<16xi32>
              %ne3A = arith.cmpi ne, %iota3A_356, %broadcast_in_dim3A_357 : vector<16xi32>
              %and3A_358 = arith.andi %while3A_256, %ne3A : vector<16xi1>
              scf.yield %and3A_358 : vector<16xi1>
            }
          } else {
          }
          %reduce_or3A_241 = arith.constant 1.000000e+00 : f32
          %reduce_or3A_242 = arith.constant 0.000000e+00 : f32
          %reduce_or3A_243 = vector.broadcast %reduce_or3A_241 : f32 to vector<16xf32>
          %reduce_or3A_244 = vector.broadcast %reduce_or3A_242 : f32 to vector<16xf32>
          %reduce_or3A_245 = arith.select %and3A_182, %reduce_or3A_243, %reduce_or3A_244 : vector<16xi1>, vector<16xf32>
          %reduce_or3A_246 = arith.constant true
          %reduce_or3A_247 = vector.broadcast %reduce_or3A_246 : i1 to vector<16xi1>
          %reduce_or3A_248 = tpu.scan <max>, %reduce_or3A_245 masked %reduce_or3A_247 : vector<16xf32>, vector<16xi1> -> vector<16xf32>
          %reduce_or3A_249 = vector.extract %reduce_or3A_248[15] : f32 from vector<16xf32>
          %reduce_or3A_250 = arith.constant 0.000000e+00 : f32
          %reduce_or3A_251 = arith.cmpf ogt, %reduce_or3A_249, %reduce_or3A_250 : f32
          %convert_element_type3A_252 = arith.extui %reduce_or3A_251 : i1 to i32
          %cond3A_253 = arith.constant 0 : i32
          %cond3A_254 = arith.cmpi ne, %convert_element_type3A_252, %cond3A_253 : i32
          scf.if %cond3A_254 {
            %while3A_255 = scf.while (%while3A_256 = %and3A_182) : (vector<16xi1>) -> vector<16xi1> {
              %reduce_or3A_257 = arith.constant 1.000000e+00 : f32
              %reduce_or3A_258 = arith.constant 0.000000e+00 : f32
              %reduce_or3A_259 = vector.broadcast %reduce_or3A_257 : f32 to vector<16xf32>
              %reduce_or3A_260 = vector.broadcast %reduce_or3A_258 : f32 to vector<16xf32>
              %reduce_or3A_261 = arith.select %while3A_256, %reduce_or3A_259, %reduce_or3A_260 : vector<16xi1>, vector<16xf32>
              %reduce_or3A_262 = arith.constant true
              %reduce_or3A_263 = vector.broadcast %reduce_or3A_262 : i1 to vector<16xi1>
              %reduce_or3A_264 = tpu.scan <max>, %reduce_or3A_261 masked %reduce_or3A_263 : vector<16xf32>, vector<16xi1> -> vector<16xf32>
              %reduce_or3A_265 = vector.extract %reduce_or3A_264[15] : f32 from vector<16xf32>
              %reduce_or3A_266 = arith.constant 0.000000e+00 : f32
              %reduce_or3A_267 = arith.cmpf ogt, %reduce_or3A_265, %reduce_or3A_266 : f32
              scf.condition(%reduce_or3A_267) %while3A_256 : vector<16xi1>
            } do {
            ^bb0(%while3A_256: vector<16xi1>):
              %all_reduce_ffs3A = tpu.all_reduce %while3A_256 {dim = 0 : i64, kind = #tpu.reduction_kind<find_first_set>} : vector<16xi1> -> vector<16xi32>
              %reduce_max3A_257 = arith.constant true
              %reduce_max3A_258 = vector.broadcast %reduce_max3A_257 : i1 to vector<16xi1>
              %reduce_max3A_259 = arith.constant -2147483648 : i32
              %reduce_max3A_260 = vector.broadcast %reduce_max3A_259 : i32 to vector<16xi32>
              %reduce_max3A_261 = arith.xori %all_reduce_ffs3A, %reduce_max3A_260 : vector<16xi32>
              %reduce_max3A_262 = tpu.scan <max>, %reduce_max3A_261 masked %reduce_max3A_258 : vector<16xi32>, vector<16xi1> -> vector<16xi32>
              %reduce_max3A_263 = arith.xori %reduce_max3A_262, %reduce_max3A_260 : vector<16xi32>
              %reduce_max3A_264 = vector.extract %reduce_max3A_263[15] : i32 from vector<16xi32>
              %broadcast_in_dim3A_265 = vector.broadcast %reduce_max3A_264 : i32 to vector<16xi32>
              %reshape3A = vector.shape_cast %broadcast_in_dim3A_265 : vector<16xi32> to vector<16x1xi32>
              %gather3A = vector.shape_cast %reshape3A : vector<16x1xi32> to vector<16xi32>
              %gather3A_266 = tpu.dynamic_gather %get3A_176[%gather3A] in [0] : vector<16xi32>, vector<16xi32> -> vector<16xi32>
              %and3A_267 = arith.constant 16383 : i32
              %and3A_268 = vector.broadcast %and3A_267 : i32 to vector<16xi32>
              %and3A_269 = arith.andi %gather3A_266, %and3A_268 : vector<16xi32>
              %shift_right_logical3A_270 = arith.constant 14 : i32
              %shift_right_logical3A_271 = vector.broadcast %shift_right_logical3A_270 : i32 to vector<16xi32>
              %shift_right_logical3A_272 = arith.shrui %gather3A_266, %shift_right_logical3A_271 : vector<16xi32>
              %and3A_273 = arith.constant 127 : i32
              %and3A_274 = vector.broadcast %and3A_273 : i32 to vector<16xi32>
              %and3A_275 = arith.andi %shift_right_logical3A_272, %and3A_274 : vector<16xi32>
              %get3A_276 = arith.constant 0 : index
              %get3A_277 = tpu.vector_load %arg14[%get3A_276] {strides = array<i32>} : memref<16xi32, #tpu.memory_space<vmem>>, vector<16xi32>,
              %reduce_max3A_278 = arith.constant true
              %reduce_max3A_279 = vector.broadcast %reduce_max3A_278 : i1 to vector<16xi1>
              %reduce_max3A_280 = arith.constant -2147483648 : i32
              %reduce_max3A_281 = vector.broadcast %reduce_max3A_280 : i32 to vector<16xi32>
              %reduce_max3A_282 = arith.xori %get3A_277, %reduce_max3A_281 : vector<16xi32>
              %reduce_max3A_283 = tpu.scan <max>, %reduce_max3A_282 masked %reduce_max3A_279 : vector<16xi32>, vector<16xi1> -> vector<16xi32>
              %reduce_max3A_284 = arith.xori %reduce_max3A_283, %reduce_max3A_281 : vector<16xi32>
              %reduce_max3A_285 = vector.extract %reduce_max3A_284[15] : i32 from vector<16xi32>
              %and3A_286 = arith.constant 15 : i32
              %and3A_287 = arith.andi %reduce_max3A_285, %and3A_286 : i32
              %ge3A_288 = arith.constant 16 : i32
              %ge3A_289 = arith.cmpi sge, %reduce_max3A_285, %ge3A_288 : i32
              %convert_element_type3A_290 = arith.extui %ge3A_289 : i1 to i32
              %cond3A_291 = arith.constant 0 : i32
              %cond3A_292 = arith.cmpi ne, %convert_element_type3A_290, %cond3A_291 : i32
              scf.if %cond3A_292 {
                %dma_wait3A = arith.constant 0 : i32
                %dma_wait3A_359 = tpu.memref_slice %arg5[%dma_wait3A] : memref<1048576xf32, #tpu.memory_space<hbm>> -> memref<64xf32, #tpu.memory_space<hbm>>
                %dma_wait3A_360 = arith.constant 0 : i32
                %dma_wait3A_361 = tpu.memref_slice %arg5[%dma_wait3A_360] : memref<1048576xf32, #tpu.memory_space<hbm>> -> memref<64xf32, #tpu.memory_space<hbm>>
                tpu.wait_dma2 semaphore(%arg17 : memref<!tpu.dma_semaphore, #tpu.memory_space<semaphore_mem>>) src(%dma_wait3A_361 : memref<64xf32, #tpu.memory_space<hbm>>) dst(%arg12 : memref<64xf32, #tpu.memory_space<vmem>>)
              } else {
              }
              %mul3A_293 = arith.constant 64 : i32
              %mul3A_294 = arith.muli %and3A_287, %mul3A_293 : i32
              %broadcast_in_dim3A_295 = vector.broadcast %mul3A_294 : i32 to vector<16xi32>
              %iota3A_296 = tpu.iota {dimensions = array<i32: 0>} : vector<16xi32>
              %add3A_297 = arith.constant 0 : i32
              %add3A_298 = vector.broadcast %add3A_297 : i32 to vector<16xi32>
              %add3A_299 = arith.addi %iota3A_296, %add3A_298 : vector<16xi32>
              %mul3A_300 = arith.constant 64 : i32
              %mul3A_301 = vector.broadcast %mul3A_300 : i32 to vector<16xi32>
              %mul3A_302 = arith.muli %add3A_299, %mul3A_301 : vector<16xi32>
              %add3A_303 = arith.addi %mul3A_302, %and3A_275 : vector<16xi32>
              %gather3A_304 = tpu.vector_load_idx %arg10[%add3A_303] : memref<4096xf32, #tpu.memory_space<vmem>>[vector<16xi32>], vector<16xf32>,
              %add3A_305 = arith.addi %broadcast_in_dim3A_295, %add3A_299 : vector<16xi32>
              tpu.vector_store_idx %arg11[%add3A_305], %gather3A_304 : memref<1024xf32, #tpu.memory_space<vmem>>[vector<16xi32>], vector<16xf32>,
              %iota3A_306 = tpu.iota {dimensions = array<i32: 0>} : vector<16xi32>
              %add3A_307 = arith.constant 16 : i32
              %add3A_308 = vector.broadcast %add3A_307 : i32 to vector<16xi32>
              %add3A_309 = arith.addi %iota3A_306, %add3A_308 : vector<16xi32>
              %mul3A_310 = arith.constant 64 : i32
              %mul3A_311 = vector.broadcast %mul3A_310 : i32 to vector<16xi32>
              %mul3A_312 = arith.muli %add3A_309, %mul3A_311 : vector<16xi32>
              %add3A_313 = arith.addi %mul3A_312, %and3A_275 : vector<16xi32>
              %gather3A_314 = tpu.vector_load_idx %arg10[%add3A_313] : memref<4096xf32, #tpu.memory_space<vmem>>[vector<16xi32>], vector<16xf32>,
              %add3A_315 = arith.addi %broadcast_in_dim3A_295, %add3A_309 : vector<16xi32>
              tpu.vector_store_idx %arg11[%add3A_315], %gather3A_314 : memref<1024xf32, #tpu.memory_space<vmem>>[vector<16xi32>], vector<16xf32>,
              %iota3A_316 = tpu.iota {dimensions = array<i32: 0>} : vector<16xi32>
              %add3A_317 = arith.constant 32 : i32
              %add3A_318 = vector.broadcast %add3A_317 : i32 to vector<16xi32>
              %add3A_319 = arith.addi %iota3A_316, %add3A_318 : vector<16xi32>
              %mul3A_320 = arith.constant 64 : i32
              %mul3A_321 = vector.broadcast %mul3A_320 : i32 to vector<16xi32>
              %mul3A_322 = arith.muli %add3A_319, %mul3A_321 : vector<16xi32>
              %add3A_323 = arith.addi %mul3A_322, %and3A_275 : vector<16xi32>
              %gather3A_324 = tpu.vector_load_idx %arg10[%add3A_323] : memref<4096xf32, #tpu.memory_space<vmem>>[vector<16xi32>], vector<16xf32>,
              %add3A_325 = arith.addi %broadcast_in_dim3A_295, %add3A_319 : vector<16xi32>
              tpu.vector_store_idx %arg11[%add3A_325], %gather3A_324 : memref<1024xf32, #tpu.memory_space<vmem>>[vector<16xi32>], vector<16xf32>,
              %iota3A_326 = tpu.iota {dimensions = array<i32: 0>} : vector<16xi32>
              %add3A_327 = arith.constant 48 : i32
              %add3A_328 = vector.broadcast %add3A_327 : i32 to vector<16xi32>
              %add3A_329 = arith.addi %iota3A_326, %add3A_328 : vector<16xi32>
              %mul3A_330 = arith.constant 64 : i32
              %mul3A_331 = vector.broadcast %mul3A_330 : i32 to vector<16xi32>
              %mul3A_332 = arith.muli %add3A_329, %mul3A_331 : vector<16xi32>
              %add3A_333 = arith.addi %mul3A_332, %and3A_275 : vector<16xi32>
              %gather3A_334 = tpu.vector_load_idx %arg10[%add3A_333] : memref<4096xf32, #tpu.memory_space<vmem>>[vector<16xi32>], vector<16xf32>,
              %add3A_335 = arith.addi %broadcast_in_dim3A_295, %add3A_329 : vector<16xi32>
              tpu.vector_store_idx %arg11[%add3A_335], %gather3A_334 : memref<1024xf32, #tpu.memory_space<vmem>>[vector<16xi32>], vector<16xf32>,
              %reduce_max3A_336 = arith.constant true
              %reduce_max3A_337 = vector.broadcast %reduce_max3A_336 : i1 to vector<16xi1>
              %reduce_max3A_338 = arith.constant -2147483648 : i32
              %reduce_max3A_339 = vector.broadcast %reduce_max3A_338 : i32 to vector<16xi32>
              %reduce_max3A_340 = arith.xori %and3A_269, %reduce_max3A_339 : vector<16xi32>
              %reduce_max3A_341 = tpu.scan <max>, %reduce_max3A_340 masked %reduce_max3A_337 : vector<16xi32>, vector<16xi1> -> vector<16xi32>
              %reduce_max3A_342 = arith.xori %reduce_max3A_341, %reduce_max3A_339 : vector<16xi32>
              %reduce_max3A_343 = vector.extract %reduce_max3A_342[15] : i32 from vector<16xi32>
              %mul3A_344 = arith.constant 64 : i32
              %mul3A_345 = arith.muli %and3A_287, %mul3A_344 : i32
              %mul3A_346 = arith.constant 64 : i32
              %mul3A_347 = arith.muli %reduce_max3A_343, %mul3A_346 : i32
              %dma_start3A = tpu.memref_slice %arg11[%mul3A_345] : memref<1024xf32, #tpu.memory_space<vmem>> -> memref<64xf32, #tpu.memory_space<vmem>>
              %dma_start3A_348 = tpu.memref_slice %arg5[%mul3A_347] : memref<1048576xf32, #tpu.memory_space<hbm>> -> memref<64xf32, #tpu.memory_space<hbm>>
              %dma_start3A_349 = tpu.memref_slice %arg5[%mul3A_347] : memref<1048576xf32, #tpu.memory_space<hbm>> -> memref<64xf32, #tpu.memory_space<hbm>>
              %dma_start3A_350 = tpu.memref_slice %arg11[%mul3A_345] : memref<1024xf32, #tpu.memory_space<vmem>> -> memref<64xf32, #tpu.memory_space<vmem>>
              tpu.enqueue_dma source(%dma_start3A_350 : memref<64xf32, #tpu.memory_space<vmem>>) target(%dma_start3A_349 : memref<64xf32, #tpu.memory_space<hbm>>) target_semaphore(%arg17 : memref<!tpu.dma_semaphore, #tpu.memory_space<semaphore_mem>>)
              %add3A_351 = arith.constant 1 : i32
              %add3A_352 = arith.addi %reduce_max3A_285, %add3A_351 : i32
              %broadcast_in_dim3A_353 = vector.broadcast %add3A_352 : i32 to vector<16xi32>
              %swap3A_354 = arith.constant 0 : index
              %swap3A_355 = tpu.vector_load %arg14[%swap3A_354] {strides = array<i32>} : memref<16xi32, #tpu.memory_space<vmem>>, vector<16xi32>,
              tpu.vector_store %arg14[%swap3A_354], %broadcast_in_dim3A_353 {strides = array<i32>} : memref<16xi32, #tpu.memory_space<vmem>>, vector<16xi32>,
              %iota3A_356 = tpu.iota {dimensions = array<i32: 0>} : vector<16xi32>
              %broadcast_in_dim3A_357 = vector.broadcast %reduce_max3A_264 : i32 to vector<16xi32>
              %ne3A = arith.cmpi ne, %iota3A_356, %broadcast_in_dim3A_357 : vector<16xi32>
              %and3A_358 = arith.andi %while3A_256, %ne3A : vector<16xi1>
              scf.yield %and3A_358 : vector<16xi1>
            }
          } else {
          }
        } else {
        }
        %while3A_198 = arith.constant 0 : i32
        scf.yield %while3A_198 : i32
      }
    } else {
    }
    %get3A_92 = arith.constant 0 : index
    %get3A_93 = tpu.vector_load %arg14[%get3A_92] {strides = array<i32>} : memref<16xi32, #tpu.memory_space<vmem>>, vector<16xi32>,
    %reduce_max3A_94 = arith.constant true
    %reduce_max3A_95 = vector.broadcast %reduce_max3A_94 : i1 to vector<16xi1>
    %reduce_max3A_96 = arith.constant -2147483648 : i32
    %reduce_max3A_97 = vector.broadcast %reduce_max3A_96 : i32 to vector<16xi32>
    %reduce_max3A_98 = arith.xori %get3A_93, %reduce_max3A_97 : vector<16xi32>
    %reduce_max3A_99 = tpu.scan <max>, %reduce_max3A_98 masked %reduce_max3A_95 : vector<16xi32>, vector<16xi1> -> vector<16xi32>
    %reduce_max3A_100 = arith.xori %reduce_max3A_99, %reduce_max3A_97 : vector<16xi32>
    %reduce_max3A_101 = vector.extract %reduce_max3A_100[15] : i32 from vector<16xi32>
    %min3A_102 = arith.constant 16 : i32
    %min3A_103 = arith.minsi %reduce_max3A_101, %min3A_102 : i32
    %while3A = arith.constant 0 : i32
    %while3A_104 = arith.constant 0 : i32
    %while3A_105 = arith.subi %min3A_103, %while3A : i32
    %while3A_106 = arith.addi %while3A, %while3A_105 : i32
    %while3A_107 = arith.constant 1 : i32
    %while3A_108 = arith.divsi %while3A_105, %while3A_107 : i32
    %while3A_109 = arith.muli %while3A_108, %while3A_107 : i32
    %while3A_110 = arith.addi %while3A, %while3A_109 : i32
    %while3A_111 = arith.constant 1 : i32
    %while3A_112 = scf.for %while3A_115 = %while3A to %while3A_110 step %while3A_111 iter_args(%while3A_116 = %while3A_104) -> (i32)  : i32 {
      %dma_wait3A = arith.constant 0 : i32
      %dma_wait3A_117 = tpu.memref_slice %arg5[%dma_wait3A] : memref<1048576xf32, #tpu.memory_space<hbm>> -> memref<64xf32, #tpu.memory_space<hbm>>
      %dma_wait3A_118 = arith.constant 0 : i32
      %dma_wait3A_119 = tpu.memref_slice %arg5[%dma_wait3A_118] : memref<1048576xf32, #tpu.memory_space<hbm>> -> memref<64xf32, #tpu.memory_space<hbm>>
      tpu.wait_dma2 semaphore(%arg17 : memref<!tpu.dma_semaphore, #tpu.memory_space<semaphore_mem>>) src(%dma_wait3A_119 : memref<64xf32, #tpu.memory_space<hbm>>) dst(%arg12 : memref<64xf32, #tpu.memory_space<vmem>>)
      %while3A_120 = arith.constant 0 : i32
      scf.yield %while3A_120 : i32
    }
    %while3A_113 = arith.constant 1 : i32
    %while3A_114 = scf.for %while3A_115 = %while3A_110 to %while3A_106 step %while3A_113 iter_args(%while3A_116 = %while3A_112) -> (i32)  : i32 {
      %dma_wait3A = arith.constant 0 : i32
      %dma_wait3A_117 = tpu.memref_slice %arg5[%dma_wait3A] : memref<1048576xf32, #tpu.memory_space<hbm>> -> memref<64xf32, #tpu.memory_space<hbm>>
      %dma_wait3A_118 = arith.constant 0 : i32
      %dma_wait3A_119 = tpu.memref_slice %arg5[%dma_wait3A_118] : memref<1048576xf32, #tpu.memory_space<hbm>> -> memref<64xf32, #tpu.memory_space<hbm>>
      tpu.wait_dma2 semaphore(%arg17 : memref<!tpu.dma_semaphore, #tpu.memory_space<semaphore_mem>>) src(%dma_wait3A_119 : memref<64xf32, #tpu.memory_space<hbm>>) dst(%arg12 : memref<64xf32, #tpu.memory_space<vmem>>)
      %while3A_120 = arith.constant 0 : i32
      scf.yield %while3A_120 : i32
    }
    return
  }
}

</mosaic_0001>

<sc_bundles>
// kernel: kernel.3.cloned.1.call-start
scs
__scs_entry_jumppad:
0x0: {  	(pc) =	sbr.rel $0x88, $3  }
0x1: {  	(tag) =	ssettag $0x0;
	lr =	simm.s32 $0x1  }
0x2: {  	[smem:$0x3F9F] =	sst lr;
	_ =	strace $0xD0000000  }
0x3: {  	_ = 	snop  }
0x4: {  	_ = 	snop  }
0x5: {  	_ = 	snop  }
0x6: {  	_ = 	snop  }
0x7: {  	_ = 	snop  }
__scs_overlays_trampoline_lowered:
0x8: {  	[smem:$0x3FAE] =	sst s0  }
0x9: {  	[smem:$0x3FAF] =	sst s1  }
0xa: {  	[smem:$0x3FB0] =	sst s2  }
0xb: {  	[smem:$0x3FB1] =	sst s3  }
0xc: {  	[smem:$0x3FB2] =	sst s4  }
0xd: {  	[smem:$0x3FB3] =	sst s5  }
0xe: {  	[smem:$0x3FB4] =	sst s6  }
0xf: {  	[smem:$0x3FB5] =	sst s7  }
0x10: {  	[smem:$0x3FB6] =	sst s8  }
0x11: {  	[smem:$0x3FB7] =	sst s9;
	s0 =	simm.s32 @!p0 $0x0  }
0x12: {  	s1 =	sld [smem:$0x3F9D];
	s0 =	simm.s32 @p0 $0x1  }
0x13: {  	[smem:$0x3FB8] =	sst s0;
	s0 =	simm.s32 @!p1 $0x0  }
0x14: {  	s2 =	sld [smem:$0x3F9C];
	s0 =	simm.s32 @p1 $0x1  }
0x15: {  	[smem:$0x3FB9] =	sst s0;
	s0 =	simm.s32 @!p2 $0x0  }
0x16: {  	s3 =	sld [smem:$0x3FDB];
	s0 =	simm.s32 @p2 $0x1  }
0x17: {  	s4 =	simm.s32 $0x1BF5;
	[smem:$0x3FBB] =	sst s0  }
0x18: {  	s0 =	sld [smem:$0x3F9E];
	_ =	swait.ge [sflag:s4], $0x0  }
0x19: {  	s7 =	sld [smem:$0x3F9F]  }
0x1a: {  	s8 =	sadd.s32 $0xFFFFE003, lr  }
0x1b: {  	s9 =	sadd.s32 $0xFFFFFEF7, lr;
	s5 =	simm.s32 $0xFFFFFFFF;
	p2 =	slt.u32 s8, $0xFFFFF086  }
0x1c: {  	p1 =	slt.u32 s9, $0xF7A;
	s5 =	simm.s32 @!p2 $0x0  }
0x1d: {  	s5 =	simm.s32 @p1 $0x1;
	p0 =	seq.s32 s7, s2  }
0x1e: {  	s7 =	smul.u32 @!p0 $0xF7A, s2;
	p2 =	seq.s32 @!p0 s5, $0x0  }
0x1f: {  	s9 =	smul.u32 $0xF7A, s1;
	s8 =	simm.s32 @!p0 $0x1BF5;
	p2 =	por !p2, p0  }
0x20: {  	[sflag:s8] =	ssyncset.s32 @!p0 $0xFFFFF086;
	s6 =	sadd.s32 @!p0 s3, s7;
	s7 =	simm.s32 @!p0 $0x108  }
0x21: {  	s3 =	sadd.s32 s3, s9;
	s6 =	sadd.s32 @!p0 $0x88, s6;
	s7 =	simm.s32 @p2 $0x1082  }
0x22: {  	[simem:s7], [sflag:s8] =	dma.local @!p0 [hbm:s6], $0xF7A  }
0x23: {  	s9 =	sor.u32 $0xD0000000, s2;
	s6 =	simm.s32 $0x108;
	_ =	swait.ge @!p0 [sflag:s8], $0x0  }
0x24: {  	s3 =	sadd.s32 $0x88, s3;
	s6 =	simm.s32 @!p1 $0x1082;
	[sflag:s4] =	ssyncset.s32 $0xFFFFF086  }
0x25: {  	[simem:s6], [sflag:s4] =	dma.local [hbm:s3], $0xF7A  }
0x26: {  	[smem:$0x3F9F] =	sst s1;
	(tag) =	ssettag s2;
	_ =	strace s9  }
0x27: {  	s1 =	sld [smem:$0x3FAF]  }
0x28: {  	s2 =	sld [smem:$0x3FB0]  }
0x29: {  	s4 =	sld [smem:$0x3FB2]  }
0x2a: {  	p0 =	seq.s32 s5, $0x0;
	s5 =	sld [smem:$0x3FB3]  }
0x2b: {  	s6 =	sld [smem:$0x3FB4]  }
0x2c: {  	s7 =	sld [smem:$0x3FB5]  }
0x2d: {  	s3 =	simm.s32 $0x108;
	s8 =	sld [smem:$0x3FB6]  }
0x2e: {  	s3 =	simm.s32 @!p0 $0x1082;
	s9 =	sld [smem:$0x3FB7]  }
0x2f: {  	lr =	sadd.s32 s0, s3;
	s0 =	sld [smem:$0x3FAE]  }
0x30: {  	s3 =	sld [smem:$0x3FB1]  }
0x31: {  	[smem:$0x3FBA] =	sst s10  }
0x32: {  	s10 =	sld [smem:$0x3FB8];
	_ =	sdelay $0x3  }
0x33: {  	p0 =	seq.s32 s10, $0x1;
	s10 =	sld [smem:$0x3FBA];
	_ =	sdelay $0x3  }
0x34: {  	[smem:$0x3FBA] =	sst s10  }
0x35: {  	s10 =	sld [smem:$0x3FB9];
	_ =	sdelay $0x3  }
0x36: {  	p1 =	seq.s32 s10, $0x1;
	s10 =	sld [smem:$0x3FBA];
	_ =	sdelay $0x3  }
0x37: {  	[smem:$0x3FBA] =	sst s10  }
0x38: {  	s10 =	sld [smem:$0x3FBB]  }
0x39: {  	_ = 	snop;
	(pc) =	sbr.ind lr, $3  }
0x3a: {  	_ = 	snop  }
0x3b: {  	_ = 	snop  }
0x3c: {  	p2 =	seq.s32 s10, $0x1;
	s10 =	sld [smem:$0x3FBA]  }
0x3d: {  	_ =	shalt  }
0x3e: {  	_ =	shalt  }
0x3f: {  	_ =	shalt  }
0x40: {  	_ =	shalt  }
0x41: {  	_ =	shalt  }
0x42: {  	_ =	shalt  }
0x43: {  	_ =	shalt  }
0x44: {  	_ =	shalt  }
0x45: {  	_ =	shalt  }
0x46: {  	_ =	shalt  }
0x47: {  	_ =	shalt  }
0x48: {  	_ =	shalt  }
0x49: {  	_ =	shalt  }
0x4a: {  	_ =	shalt  }
0x4b: {  	_ =	shalt  }
0x4c: {  	_ =	shalt  }
0x4d: {  	_ =	shalt  }
0x4e: {  	_ =	shalt  }
0x4f: {  	_ =	shalt  }
0x50: {  	_ =	shalt  }
0x51: {  	_ =	shalt  }
0x52: {  	_ =	shalt  }
0x53: {  	_ =	shalt  }
0x54: {  	_ =	shalt  }
0x55: {  	_ =	shalt  }
0x56: {  	_ =	shalt  }
0x57: {  	_ =	shalt  }
0x58: {  	_ =	shalt  }
0x59: {  	_ =	shalt  }
0x5a: {  	_ =	shalt  }
0x5b: {  	_ =	shalt  }
0x5c: {  	_ =	shalt  }
0x5d: {  	_ =	shalt  }
0x5e: {  	_ =	shalt  }
0x5f: {  	_ =	shalt  }
0x60: {  	_ =	shalt  }
0x61: {  	_ =	shalt  }
0x62: {  	_ =	shalt  }
0x63: {  	_ =	shalt  }
0x64: {  	_ =	shalt  }
0x65: {  	_ =	shalt  }
0x66: {  	_ =	shalt  }
0x67: {  	_ =	shalt  }
0x68: {  	_ =	shalt  }
0x69: {  	_ =	shalt  }
0x6a: {  	_ =	shalt  }
0x6b: {  	_ =	shalt  }
0x6c: {  	_ =	shalt  }
0x6d: {  	_ =	shalt  }
0x6e: {  	_ =	shalt  }
0x6f: {  	_ =	shalt  }
0x70: {  	_ =	shalt  }
0x71: {  	_ =	shalt  }
0x72: {  	_ =	shalt  }
0x73: {  	_ =	shalt  }
0x74: {  	_ =	shalt  }
0x75: {  	_ =	shalt  }
0x76: {  	_ =	shalt  }
0x77: {  	_ =	shalt  }
0x78: {  	_ =	shalt  }
0x79: {  	_ =	shalt  }
0x7a: {  	_ =	shalt  }
0x7b: {  	_ =	shalt  }
0x7c: {  	_ =	shalt  }
0x7d: {  	_ =	shalt  }
0x7e: {  	_ =	shalt  }
0x7f: {  	_ =	shalt  }
0x80: {  	_ =	shalt  }
0x81: {  	_ =	shalt  }
0x82: {  	_ =	shalt  }
0x83: {  	_ =	shalt  }
0x84: {  	_ =	shalt  }
0x85: {  	_ =	shalt  }
0x86: {  	_ =	shalt  }
0x87: {  	_ =	shalt  }
.Lfunc_end0:
.L_simem_size_0:
called_computation_lowered:
.L_overlay_start_0:
0x88: {  	s2 =	sld [smem:$0x3FD9]  }
0x89: {  	s3 =	sld [smem:$0x3FFE];
	_ =	sdelay $0x1  }
0x8a: {  	s1 =	srdreg.scid  }
0x8b: {  	s0 =	sand.u32 $0x1, s1  }
0x8c: {  	s17 =	sshll.u32 s0, $0xA;
	s2 =	sadd.s32 s3, s2  }
0x8d: {  	s2 =	sadd.s32 s2, s17  }
0x8e: {  	[smem:$0x3FC6] =	sst s2  }
0x8f: {  	_ = 	snop  }
0x90: {  	s2 =	sld [smem:$0x3FC9]  }
0x91: {  	s18 =	sld [smem:$0x3FC8]  }
0x92: {  	s4 =	sld [smem:$0x3FD0];
	(tm) =	ssettm $0x1  }
0x93: {  	s5 =	sld [smem:$0x3FFB];
	_ =	sdelay $0x3  }
0x94: {  	_ =	strace s5  }
0x95: {  	s5 =	sld [smem:$0x3FFC];
	_ =	sdelay $0x3  }
0x96: {  	_ =	strace s5  }
0x97: {  	s5 =	sld [smem:$0x3FFD];
	_ =	sdelay $0x3  }
0x98: {  	_ =	strace s5  }
0x99: {  	_ =	strace $0x8FFFFFFF  }
0x9a: {  	s19 =	sld [smem:$0x3FDB];
	_ =	sdelay $0x1  }
0x9b: {  	s6 =	simm.s32 $_scs_section_size  }
0x9c: {  	s7 =	simm.s32 $_size__tile_overlayer_lowered;
	s8 =	simm.s32 $_tile_overlayer_lowered  }
0x9d: {  	s22 =	simm.s32 $0x1BFF;
	s21 =	sshll.u32 s8, $0x1;
	s5 =	sadd.s32 s6, s19  }
0x9e: {  	s9 =	simm.s32 $0x0;
	s20 =	sshll.u32 s7, $0x1;
	s7 =	sadd.s32 s21, s5  }
0x9f: {  	[timem:s9], [sflag:s22] =	dma.local [hbm:s7], s20  }
0xa0: {  	_ =	swait.ge [sflag:s22], s20  }
0xa1: {  	s6 =	ssub.s32 $0x0, s20;
	[sflag:s22] =	ssyncset.done $0x0  }
0xa2: {  	[sflag:s22] =	ssyncadd.s32 s6;
	_ =	sdelay $0x1  }
0xa3: {  	s23 =	simm.s32 $0x1B8B  }
0xa4: {  	_ =	swait.ge [sflag:s23], $0x1  }
0xa5: {  	[sflag:s23] =	ssyncset.done $0x0  }
0xa6: {  	s25 =	simm.s32 $0x1B8E;
	s24 =	sld [smem:$0x3FFE];
	[sflag:s23] =	ssyncadd.s32 $0xFFFFFFFF  }
0xa7: {  	s26 =	simm.s32 $execute0_lowered;
	[smem:$0x3FD2] =	sst s25  }
0xa8: {  	s7 =	sshll.u32 s26, $0x1;
	_ =	strace $0x80000046;
	[dreg:$0x1] =	wrdreg $0xFFFFFFFF  }
0xa9: {  	s28 =	simm.s32 $_size_execute0_lowered;
	s5 =	sadd.s32 s5, s7;
	[dreg:$0x0] =	wrdreg $0x0  }
0xaa: {  	s7 =	sshll.u32 s28, $0x1;
	[dreg:$0x2] =	wrdreg s5  }
0xab: {  	[dreg:$0x3] =	wrdreg s7  }
0xac: {  	[dreg:$0x4] =	wrdreg $0xC0  }
0xad: {  	_ =	task [dreg:s9], $0x5FFFF  }
0xae: {  	[dreg:$0x1] =	wrdreg $0xFFFFFFFF  }
0xaf: {  	[dreg:$0x0] =	wrdreg $0x60  }
0xb0: {  	[dreg:$0x2] =	wrdreg s18  }
0xb1: {  	[dreg:$0x3] =	wrdreg s24  }
0xb2: {  	[dreg:$0x4] =	wrdreg s2  }
0xb3: {  	[dreg:$0x5] =	wrdreg s4  }
0xb4: {  	[dreg:$0x6] =	wrdreg $0x9  }
0xb5: {  	_ =	task.clear_ibuf [dreg:s9], $0x7FFFF;
	_ =	strace $0x90000046  }
0xb6: {  	s29 =	simm.s32 $0x9;
	_ =	strace $0x80000048  }
0xb7: {  	_ =	swait.ge [sflag:s29], $0x1  }
0xb8: {  	[sflag:s29] =	ssyncadd.s32 $0xFFFFFFFF  }
0xb9: {  	_ =	strace $0x90000048  }
0xba: {  	_ =	sfence  }
0xbb: {  	s30 =	sld [smem:$0x0];
	_ =	sdelay $0x2  }
0xbc: {  	s31 =	sshll.u32 s1, $0xD;
	s1 =	sshrl.u32 s1, $0x2  }
0xbd: {  	s3 =	sand.u32 $0x4000, s31;
	s1 =	sadd.s32 s1, s30  }
0xbe: {  	s0 =	sor.u32 s3, s0;
	s1 =	sshll.u32 s1, $0x11  }
0xbf: {  	s0 =	sor.u32 s1, s0  }
0xc0: {  	s0 =	sadd.s32 $0x8F2B, s0  }
0xc1: {  	[sflag:s0] =	ssyncadd.remote.s32 $0x1  }
0xc2: {  	_ =	sfence.sel $0xFFFF  }
0xc3: {  	[dreg:$0x0] =	wrdreg $0xFFFFFFFF;
	(pc) =	sbr.abs _section_cstart, $3  }
0xc4: {  	[dreg:$0x1] =	wrdreg $0xFFFFFFFF  }
0xc5: {  	_ =	task.clear_ibuf [dreg:s9], $0x2FFFF;
	_ =	strace $0x9FFFFFFF  }
0xc6: {  	(tm) =	ssettm $0x7FFFFFFF  }
0xc7: {  	_ =	shalt  }
tec
execute0_lowered:
.L_overlay_start_1:
0x0: {  	(tag) =	ssettag $0x1  }
0x1: {  	s1 =	rddreg [dreg:$0x0]  }
0x2: {  	s0 =	srdreg.scid;
	s3 =	rddreg [dreg:$0x1]  }
0x3: {  	s2 =	stileid.u32;
	s12 =	rddreg [dreg:$0x2]  }
0x4: {  	s5 =	rddreg [dreg:$0x3];
	s6 =	simm.s32 $0x0;
	s31 =	simm.s32 $0x400  }
0x5: {  	s0 =	sand.u32 $0x1, s0;
	s2 =	sshll.u32 s2, $0x1;
	[smem:$0x7FF] =	sst s6  }
0x6: {  	s3 =	sadd.s32 $0x400, s3;
	s22 =	sadd.s32 $0x200, s12;
	s23 =	sadd.s32 $0x400, s12  }
0x7: {  	s24 =	sadd.s32 $0x600, s12;
	s26 =	sadd.s32 $0x100, s1;
	s28 =	sadd.s32 $0x180, s1  }
0x8: {  	s29 =	sadd.s32 $0x200, s1;
	_ =	strace $0x80000047;
	[dreg:$0x5] =	wrdreg s3  }
0x9: {  	s30 =	sadd.s32 $0x280, s1;
	s2 =	sor.u32 s0, s2;
	[dreg:$0x12] =	wrdreg s22  }
0xa: {  	s12 =	simm.s32 $0x1E080;
	[dreg:$0x14] =	wrdreg s23;
	s10 =	smul.u32 $0x3D800, s2  }
0xb: {  	s0 =	ssub.s32 $0x2, s0;
	[dreg:$0x15] =	wrdreg s24;
	s11 =	smul.u32 $0x7B00, s2  }
0xc: {  	s4 =	smul.u32 $0xF6, s2;
	s9 =	sshrl.u32 s0, $0x1;
	p0 =	seq.s32 s2, $0x1F  }
0xd: {  	s0 =	ssub.s32 s0, s9;
	s3 =	sshrl.u32 s10, $0x3;
	s10 =	sadd.s32 s1, s11  }
0xe: {  	s0 =	smax.u32 s0, $0x1;
	[dreg:$0x6] =	wrdreg s10;
	s10 =	sadd.s32 $0x80, s1  }
0xf: {  	s3 =	sadd.s32 s1, s3;
	[dreg:$0x13] =	wrdreg s0;
	s11 =	sadd.s32 s11, s10  }
0x10: {  	s7 =	ssub.s32 $0x1E84, s4;
	s13 =	sadd.s32 $0x100, s3;
	[dreg:$0x7] =	wrdreg s11  }
0x11: {  	s9 =	sadd.s32 $0xF6, s4;
	s14 =	sadd.s32 $0x180, s3;
	[dreg:$0x8] =	wrdreg s13  }
0x12: {  	s25 =	ssub.s32 $0x1E85, s4;
	s15 =	sadd.s32 $0x200, s3;
	[dreg:$0x9] =	wrdreg s14  }
0x13: {  	s8 =	smin.u32 s7, $0xF6;
	s16 =	sadd.s32 $0x280, s3;
	[dreg:$0xa] =	wrdreg s15  }
0x14: {  	s9 =	simm.s32 @p0 $0x1E85;
	s17 =	sadd.s32 $0x300, s3;
	[dreg:$0xb] =	wrdreg s16  }
0x15: {  	p0 =	sne.s32 s2, $0x1F;
	s18 =	sadd.s32 $0x380, s3;
	[dreg:$0xc] =	wrdreg s17  }
0x16: {  	s2 =	simm.s32 $0x7A1400;
	s19 =	sadd.s32 $0x400, s3;
	[dreg:$0xd] =	wrdreg s18  }
0x17: {  	s0 =	simm.s32 $0x5080;
	s20 =	sadd.s32 $0x480, s3;
	[dreg:$0xe] =	wrdreg s19  }
.Ltmp0:
0x18: {  	s21 =	sadd.s32 $0x500, s3;
	[dreg:$0xf] =	wrdreg s20;
	(pc) =	sbr.rel .LBB2_1-.Ltmp0, $4  }
0x19: {  	v4 =	vimm.s32 $0x0;
	v5 =	vlaneseq.u32;
	v1 =	vmov s7;
	s7 =	simm.s32 $0x3;
	s3 =	sadd.s32 $0x580, s3;
	[dreg:$0x10] =	wrdreg s21  }
0x1a: {  	v6 =	vimm.s32 $0xFFFFFFFF;
	v11 =	vimm.f32 $0.0e+00;
	s8 =	smul.u32 $0xAB, s8;
	v0 =	vmov s9;
	s9 =	simm.s32 $0x1000;
	[dreg:$0x11] =	wrdreg s3  }
0x1b: {  	v7 =	vor.u32 $0x10, v5;
	v8 =	vor.u32 $0x20, v5;
	v9 =	vor.u32 $0x30, v5;
	s3 =	simm.s32 $0x11080;
	s11 =	simm.s32 $0x1;
	s13 =	simm.s32 $0x1D080  }
0x1c: {  	v10 =	vor.u32 $0x40, v5;
	v3 =	vmov s4;
	v2 =	vmov s25;
	s14 =	simm.s32 $0x2;
	s15 =	simm.s32 $0x0;
	s8 =	sshrl.u32 s8, $0xA  }
.LBB2_53:
0x1d: {  	[sflag:s14] =	ssyncadd.s32 $0xFFFFFFC0  }
.LBB2_54:
0x1e: {  	s15 =	sadd.s32 $0x1, s15;
	s16 =	rddreg [dreg:$0x13]  }
0x1f: {  	p1 =	sne.s32 s15, s16  }
.Ltmp1:
0x20: {  	_ = 	snop;
	(pc) =	sbr.rel @!p1 .LBB2_55-.Ltmp1, $1  }
0x21: {  	_ =	sdelay $0x3  }
.LBB2_1:
0x22: {  	s16 =	rddreg [dreg:$0x6]  }
0x23: {  	[tilespmem:s0], [sflag:$0x1] =	stream.strided.gather [hbm4b:s16+s31], $0x2000, s2, s31, $0x38;
	[tilespmem:$0x1E580] =	vst v63  }
0x24: {  	s19 =	rddreg [dreg:$0x7];
	s17 =	simm.s32 $0x7080  }
0x25: {  	[tilespmem:s17], [sflag:$0x1] =	stream.strided.gather [hbm4b:s19+s31], $0x2000, s2, s31, $0x38;
	[tilespmem:$0x1E580] =	vst v63  }
0x26: {  	s20 =	rddreg [dreg:$0x8];
	s21 =	simm.s32 $0x9080  }
0x27: {  	[tilespmem:s21], [sflag:$0x1] =	stream.strided.gather [hbm4b:s20+s31], $0x2000, s2, s31, $0x38;
	[tilespmem:$0x1E580] =	vst v63  }
0x28: {  	s22 =	rddreg [dreg:$0x9];
	s23 =	simm.s32 $0xB080  }
0x29: {  	[tilespmem:s23], [sflag:$0x1] =	stream.strided.gather [hbm4b:s22+s31], $0x2000, s2, s31, $0x38;
	[tilespmem:$0x1E580] =	vst v63  }
0x2a: {  	s24 =	rddreg [dreg:$0xa];
	s25 =	simm.s32 $0xD080  }
0x2b: {  	[tilespmem:s25], [sflag:$0x1] =	stream.strided.gather [hbm4b:s24+s31], $0x2000, s2, s31, $0x38;
	[tilespmem:$0x1E580] =	vst v63  }
0x2c: {  	s18 =	simm.s32 $0xF080;
	s17 =	rddreg [dreg:$0xb]  }
0x2d: {  	[tilespmem:s18], [sflag:$0x1] =	stream.strided.gather [hbm4b:s17+s31], $0x2000, s2, s31, $0x38;
	[tilespmem:$0x1E580] =	vst v63  }
0x2e: {  	s19 =	rddreg [dreg:$0xc]  }
0x2f: {  	[tilespmem:s3], [sflag:$0x1] =	stream.strided.gather [hbm4b:s19+s31], $0x2000, s2, s31, $0x38;
	[tilespmem:$0x1E580] =	vst v63  }
0x30: {  	s20 =	rddreg [dreg:$0xd];
	s21 =	simm.s32 $0x13080  }
0x31: {  	[tilespmem:s21], [sflag:$0x1] =	stream.strided.gather [hbm4b:s20+s31], $0x2000, s2, s31, $0x38;
	[tilespmem:$0x1E580] =	vst v63  }
0x32: {  	s22 =	rddreg [dreg:$0xe];
	s23 =	simm.s32 $0x15080  }
0x33: {  	[tilespmem:s23], [sflag:$0x1] =	stream.strided.gather [hbm4b:s22+s31], $0x2000, s2, s31, $0x38;
	[tilespmem:$0x1E580] =	vst v63  }
0x34: {  	s24 =	rddreg [dreg:$0xf];
	s25 =	simm.s32 $0x17080  }
0x35: {  	[tilespmem:s25], [sflag:$0x1] =	stream.strided.gather [hbm4b:s24+s31], $0x2000, s2, s31, $0x38;
	[tilespmem:$0x1E580] =	vst v63  }
0x36: {  	s18 =	rddreg [dreg:$0x10];
	s19 =	simm.s32 $0x19080  }
0x37: {  	[tilespmem:s19], [sflag:$0x1] =	stream.strided.gather [hbm4b:s18+s31], $0x2000, s2, s31, $0x38;
	[tilespmem:$0x1E580] =	vst v63  }
0x38: {  	s20 =	rddreg [dreg:$0x11];
	s21 =	simm.s32 $0x1B080  }
0x39: {  	[tilespmem:s21], [sflag:$0x1] =	stream.strided.gather [hbm4b:s20+s31], $0x2000, s2, s31, $0x38;
	[tilespmem:$0x1E580] =	vst v63  }
0x3a: {  	[tilespmem:$0x1E480] =	vst v4  }
0x3b: {  	s22 =	rddreg [dreg:$0x2];
	[tilespmem:$0x1E500] =	vst v4  }
0x3c: {  	[tilespmem:s6], [sflag:$0x3] =	stream.linear.gather [hbm4b:s22+s6], $0x1000, $0x38;
	[tilespmem:$0x1E580] =	vst v63  }
0x3d: {  	_ =	swait.ge [sflag:s7], $0x1000  }
0x3e: {  	[sflag:s7] =	ssyncset.done $0x0  }
0x3f: {  	s16 =	simm.s32 $0x10;
	[sflag:s7] =	ssyncadd.s32 $0xFFFFF000  }
0x40: {  	v12 =	vld [tilespmem:s16+$0xFFFFFFF0];
	_ =	sdelay $0x4  }
0x41: {  	v13 =	vshrl.u32 v12, $0x7  }
0x42: {  	vm0 =	vge.u32 v13, v3;
	vm1 =	vlt.u32 v13, v0  }
0x43: {  	vm0 =	vmand vm0, vm1  }
0x44: {  	v14 =	vsel vm0, $0x1, v4  }
0x45: {  	(xrf0) =	vadd.scan.msk.s32 $0xffff, v14;
	_ =	sdelay $0x1  }
0x46: {  	v14 =	vld [tilespmem:$0x1E480];
	_ =	sdelay $0x3  }
0x47: {  	v15, _, _ =	vpop (xrf0)  }
0x48: {  	v16 =	vadd.s32 v15, v14  }
0x49: {  	v12 =	vshll.u32 v12, $0xE;
	v13 =	vsub.s32 v13, v3;
	v16 =	vadd.s32 $0xFFFFFFFF, v16  }
0x4a: {  	v12 =	vand.u32 $0x1FC000, v12;
	v13 =	vshll.u32 v13, $0x15  }
0x4b: {  	v12 =	vor.u32 v12, v13  }
0x4c: {  	v12 =	vadd.s32 s6, v12  }
0x4d: {  	v12 =	vadd.s32 v5, v12  }
0x4e: {  	[tilespmem:v16+s9+$0x0] =	vst.idx.msk vm0, v12  }
0x4f: {  	v12 =	vld [tilespmem:s16+$0x0];
	_ =	sdelay $0x4  }
0x50: {  	v13 =	vshrl.u32 v12, $0x7  }
0x51: {  	vm14 =	vge.u32 v13, v3;
	vm15 =	vlt.u32 v13, v0  }
0x52: {  	v15 =	vxor.u32 $0x80000000, v15;
	vm0 =	vmand vm14, vm15  }
0x53: {  	(xrf0) =	vmax.scan.msk.u32 $0xffff, v15;
	v15 =	vsel vm0, $0x1, v4  }
0x54: {  	(xrf0) =	vadd.scan.msk.s32 $0xffff, v15;
	_ =	sdelay $0x4  }
0x55: {  	v15, _, _ =	vpop (xrf0)  }
0x56: {  	v63, _, _ =	vpop (xrf0)  }
0x57: {  	v17 =	vxor.u32 $0x80000000, v63  }
0x58: {  	(v2sf) =	vpush v15, $0xF;
	(xrf0) =	vmax.scan.msk.u32 $0xffff, v17;
	_ =	sdelay $0x5  }
0x59: {  	v15, _, _ =	vpop (xrf0)  }
0x5a: {  	(v2sf) =	vpush v15, $0xF;
	_ =	sdelay $0x7  }
0x5b: {  	s23 =	spop (v2sf)  }
0x5c: {  	s17 =	sxor.u32 $0x80000000, s23  }
0x5d: {  	v14 =	vadd.s32 s17, v14  }
0x5e: {  	v15 =	vadd.s32 v14, v63  }
0x5f: {  	v12 =	vshll.u32 v12, $0xE;
	v13 =	vsub.s32 v13, v3;
	v15 =	vadd.s32 $0xFFFFFFFF, v15  }
0x60: {  	v12 =	vand.u32 $0x1FC000, v12;
	v13 =	vshll.u32 v13, $0x15  }
0x61: {  	s24 =	simm.s32 $0x10;
	v12 =	vor.u32 v12, v13  }
0x62: {  	v12 =	vadd.s32 s24, v12;
	s25 =	spop (v2sf)  }
0x63: {  	v13 =	vadd.s32 v5, v12;
	s17 =	sxor.u32 $0x80000000, s25  }
0x64: {  	[tilespmem:v15+s9+$0x0] =	vst.idx.msk vm0, v13;
	v12 =	vadd.s32 s17, v14;
	s17 =	simm.s32 $0x20  }
.LBB2_2:
0x65: {  	p1 =	sne.s32 s17, $0xFE0  }
0x66: {  	[tilespmem:$0x1E480] =	vst v12;
	s16 =	sadd.s32 $0x20, s16;
	s18 =	smov.u32 s17;
	s17 =	sadd.s32 $0x20, s17  }
0x67: {  	v12 =	vld [tilespmem:s16+$0xFFFFFFF0];
	_ =	sdelay $0x4  }
0x68: {  	v13 =	vshrl.u32 v12, $0x7;
	v12 =	vshll.u32 v12, $0xE  }
0x69: {  	vm0 =	vge.u32 v13, v3;
	vm1 =	vlt.u32 v13, v0;
	v13 =	vsub.s32 v13, v3  }
0x6a: {  	v12 =	vand.u32 $0x1FC000, v12;
	vm0 =	vmand vm0, vm1;
	v13 =	vshll.u32 v13, $0x15  }
0x6b: {  	v14 =	vsel vm0, $0x1, v4;
	v12 =	vor.u32 v12, v13  }
0x6c: {  	v12 =	vadd.s32 s18, v12;
	(xrf0) =	vadd.scan.msk.s32 $0xffff, v14;
	_ =	sdelay $0x1  }
0x6d: {  	v13 =	vld [tilespmem:$0x1E480];
	_ =	sdelay $0x3  }
0x6e: {  	v14, _, _ =	vpop (xrf0)  }
0x6f: {  	v15 =	vadd.s32 v14, v13;
	v14 =	vxor.u32 $0x80000000, v14  }
0x70: {  	v15 =	vadd.s32 $0xFFFFFFFF, v15;
	(xrf0) =	vmax.scan.msk.u32 $0xffff, v14;
	_ =	sdelay $0x3  }
0x71: {  	v12 =	vadd.s32 v5, v12  }
0x72: {  	[tilespmem:v15+s9+$0x0] =	vst.idx.msk vm0, v12  }
0x73: {  	v12 =	vld [tilespmem:s16+$0x0];
	v14, _, _ =	vpop (xrf0)  }
0x74: {  	(v2sf) =	vpush v14, $0xF;
	_ =	sdelay $0x3  }
0x75: {  	v14 =	vshrl.u32 v12, $0x7;
	v12 =	vshll.u32 v12, $0xE  }
0x76: {  	vm0 =	vge.u32 v14, v3;
	vm1 =	vlt.u32 v14, v0;
	v14 =	vsub.s32 v14, v3  }
0x77: {  	v12 =	vand.u32 $0x1FC000, v12;
	vm0 =	vmand vm0, vm1;
	v14 =	vshll.u32 v14, $0x15  }
0x78: {  	s18 =	sadd.s32 $0x10, s18;
	v15 =	vsel vm0, $0x1, v4;
	v12 =	vor.u32 v12, v14  }
0x79: {  	v12 =	vadd.s32 s18, v12;
	(xrf0) =	vadd.scan.msk.s32 $0xffff, v15;
	_ =	sdelay $0x5  }
0x7a: {  	v14, _, _ =	vpop (xrf0)  }
0x7b: {  	v15 =	vxor.u32 $0x80000000, v14;
	s18 =	spop (v2sf)  }
0x7c: {  	s18 =	sxor.u32 $0x80000000, s18;
	(xrf0) =	vmax.scan.msk.u32 $0xffff, v15  }
0x7d: {  	v13 =	vadd.s32 s18, v13  }
0x7e: {  	v14 =	vadd.s32 v13, v14  }
0x7f: {  	v14 =	vadd.s32 $0xFFFFFFFF, v14;
	_ =	sdelay $0x2  }
0x80: {  	v15, _, _ =	vpop (xrf0)  }
0x81: {  	v12 =	vadd.s32 v5, v12;
	(v2sf) =	vpush v15, $0xF  }
0x82: {  	[tilespmem:v14+s9+$0x0] =	vst.idx.msk vm0, v12;
	_ =	sdelay $0xb  }
.Ltmp2:
0x83: {  	(pc) =	sbr.rel @p1 .LBB2_2-.Ltmp2, $4  }
0x84: {  	_ = 	snop  }
0x85: {  	s18 =	spop (v2sf)  }
0x86: {  	s18 =	sxor.u32 $0x80000000, s18  }
0x87: {  	v12 =	vadd.s32 s18, v13  }
0x88: {  	[tilespmem:$0x1E480] =	vst v12;
	s16 =	rddreg [dreg:$0x12]  }
0x89: {  	[tilespmem:s6], [sflag:$0x3] =	stream.linear.gather [hbm4b:s16+s6], $0x1000, $0x38;
	[tilespmem:$0x1E580] =	vst v63  }
0x8a: {  	_ =	swait.ge [sflag:s7], $0x1000  }
0x8b: {  	[sflag:s7] =	ssyncset.done $0x0  }
0x8c: {  	s16 =	simm.s32 $0x10;
	[sflag:s7] =	ssyncadd.s32 $0xFFFFF000  }
0x8d: {  	v12 =	vld [tilespmem:s16+$0xFFFFFFF0];
	_ =	sdelay $0x4  }
0x8e: {  	v13 =	vshrl.u32 v12, $0x7  }
0x8f: {  	vm0 =	vge.u32 v13, v3;
	vm1 =	vlt.u32 v13, v0  }
0x90: {  	vm0 =	vmand vm0, vm1  }
0x91: {  	v14 =	vsel vm0, $0x1, v4  }
0x92: {  	(xrf0) =	vadd.scan.msk.s32 $0xffff, v14;
	_ =	sdelay $0x1  }
0x93: {  	v14 =	vld [tilespmem:$0x1E480];
	_ =	sdelay $0x3  }
0x94: {  	v15, _, _ =	vpop (xrf0)  }
0x95: {  	v16 =	vadd.s32 v15, v14  }
0x96: {  	v12 =	vshll.u32 v12, $0xE;
	v13 =	vsub.s32 v13, v3;
	v16 =	vadd.s32 $0xFFFFFFFF, v16  }
0x97: {  	v12 =	vand.u32 $0x1FC000, v12;
	v13 =	vshll.u32 v13, $0x15  }
0x98: {  	s17 =	simm.s32 $0x1000;
	v12 =	vor.u32 v12, v13  }
0x99: {  	v12 =	vadd.s32 s17, v12  }
0x9a: {  	v12 =	vadd.s32 v5, v12  }
0x9b: {  	[tilespmem:v16+s9+$0x0] =	vst.idx.msk vm0, v12  }
0x9c: {  	v12 =	vld [tilespmem:s16+$0x0];
	_ =	sdelay $0x4  }
0x9d: {  	v13 =	vshrl.u32 v12, $0x7  }
0x9e: {  	vm14 =	vge.u32 v13, v3;
	vm15 =	vlt.u32 v13, v0  }
0x9f: {  	v15 =	vxor.u32 $0x80000000, v15;
	vm0 =	vmand vm14, vm15  }
0xa0: {  	(xrf0) =	vmax.scan.msk.u32 $0xffff, v15;
	v15 =	vsel vm0, $0x1, v4  }
0xa1: {  	(xrf0) =	vadd.scan.msk.s32 $0xffff, v15;
	_ =	sdelay $0x4  }
0xa2: {  	v15, _, _ =	vpop (xrf0)  }
0xa3: {  	v63, _, _ =	vpop (xrf0)  }
0xa4: {  	v17 =	vxor.u32 $0x80000000, v63  }
0xa5: {  	(v2sf) =	vpush v15, $0xF;
	(xrf0) =	vmax.scan.msk.u32 $0xffff, v17;
	_ =	sdelay $0x5  }
0xa6: {  	v15, _, _ =	vpop (xrf0)  }
0xa7: {  	(v2sf) =	vpush v15, $0xF;
	_ =	sdelay $0x7  }
0xa8: {  	s23 =	spop (v2sf)  }
0xa9: {  	s17 =	sxor.u32 $0x80000000, s23  }
0xaa: {  	v14 =	vadd.s32 s17, v14  }
0xab: {  	v15 =	vadd.s32 v14, v63  }
0xac: {  	v12 =	vshll.u32 v12, $0xE;
	v13 =	vsub.s32 v13, v3;
	v15 =	vadd.s32 $0xFFFFFFFF, v15  }
0xad: {  	v12 =	vand.u32 $0x1FC000, v12;
	v13 =	vshll.u32 v13, $0x15  }
0xae: {  	s24 =	simm.s32 $0x1010;
	v12 =	vor.u32 v12, v13  }
0xaf: {  	v12 =	vadd.s32 s24, v12;
	s25 =	spop (v2sf)  }
0xb0: {  	v12 =	vadd.s32 v5, v12;
	s18 =	sxor.u32 $0x80000000, s25  }
0xb1: {  	s17 =	simm.s32 $0x1020;
	[tilespmem:v15+s9+$0x0] =	vst.idx.msk vm0, v12;
	v12 =	vadd.s32 s18, v14  }
.LBB2_4:
0xb2: {  	p1 =	sne.s32 s17, $0x1FE0  }
0xb3: {  	[tilespmem:$0x1E480] =	vst v12;
	s16 =	sadd.s32 $0x20, s16;
	s18 =	smov.u32 s17;
	s17 =	sadd.s32 $0x20, s17  }
0xb4: {  	v12 =	vld [tilespmem:s16+$0xFFFFFFF0];
	_ =	sdelay $0x4  }
0xb5: {  	v13 =	vshrl.u32 v12, $0x7;
	v12 =	vshll.u32 v12, $0xE  }
0xb6: {  	vm0 =	vge.u32 v13, v3;
	vm1 =	vlt.u32 v13, v0;
	v13 =	vsub.s32 v13, v3  }
0xb7: {  	v12 =	vand.u32 $0x1FC000, v12;
	vm0 =	vmand vm0, vm1;
	v13 =	vshll.u32 v13, $0x15  }
0xb8: {  	v14 =	vsel vm0, $0x1, v4;
	v12 =	vor.u32 v12, v13  }
0xb9: {  	v12 =	vadd.s32 s18, v12;
	(xrf0) =	vadd.scan.msk.s32 $0xffff, v14;
	_ =	sdelay $0x1  }
0xba: {  	v13 =	vld [tilespmem:$0x1E480];
	_ =	sdelay $0x3  }
0xbb: {  	v14, _, _ =	vpop (xrf0)  }
0xbc: {  	v15 =	vadd.s32 v14, v13;
	v14 =	vxor.u32 $0x80000000, v14  }
0xbd: {  	v15 =	vadd.s32 $0xFFFFFFFF, v15;
	(xrf0) =	vmax.scan.msk.u32 $0xffff, v14;
	_ =	sdelay $0x3  }
0xbe: {  	v12 =	vadd.s32 v5, v12  }
0xbf: {  	[tilespmem:v15+s9+$0x0] =	vst.idx.msk vm0, v12  }
0xc0: {  	v12 =	vld [tilespmem:s16+$0x0];
	v14, _, _ =	vpop (xrf0)  }
0xc1: {  	(v2sf) =	vpush v14, $0xF;
	_ =	sdelay $0x3  }
0xc2: {  	v14 =	vshrl.u32 v12, $0x7;
	v12 =	vshll.u32 v12, $0xE  }
0xc3: {  	vm0 =	vge.u32 v14, v3;
	vm1 =	vlt.u32 v14, v0;
	v14 =	vsub.s32 v14, v3  }
0xc4: {  	v12 =	vand.u32 $0x1FC000, v12;
	vm0 =	vmand vm0, vm1;
	v14 =	vshll.u32 v14, $0x15  }
0xc5: {  	s18 =	sadd.s32 $0x10, s18;
	v15 =	vsel vm0, $0x1, v4;
	v12 =	vor.u32 v12, v14  }
0xc6: {  	v12 =	vadd.s32 s18, v12;
	(xrf0) =	vadd.scan.msk.s32 $0xffff, v15;
	_ =	sdelay $0x5  }
0xc7: {  	v14, _, _ =	vpop (xrf0)  }
0xc8: {  	v15 =	vxor.u32 $0x80000000, v14;
	s18 =	spop (v2sf)  }
0xc9: {  	s18 =	sxor.u32 $0x80000000, s18;
	(xrf0) =	vmax.scan.msk.u32 $0xffff, v15  }
0xca: {  	v13 =	vadd.s32 s18, v13  }
0xcb: {  	v14 =	vadd.s32 v13, v14  }
0xcc: {  	v14 =	vadd.s32 $0xFFFFFFFF, v14;
	_ =	sdelay $0x2  }
0xcd: {  	v15, _, _ =	vpop (xrf0)  }
0xce: {  	v12 =	vadd.s32 v5, v12;
	(v2sf) =	vpush v15, $0xF  }
0xcf: {  	[tilespmem:v14+s9+$0x0] =	vst.idx.msk vm0, v12;
	_ =	sdelay $0xb  }
.Ltmp3:
0xd0: {  	(pc) =	sbr.rel @p1 .LBB2_4-.Ltmp3, $4  }
0xd1: {  	_ = 	snop  }
0xd2: {  	s18 =	spop (v2sf)  }
0xd3: {  	s18 =	sxor.u32 $0x80000000, s18  }
0xd4: {  	v12 =	vadd.s32 s18, v13  }
0xd5: {  	[tilespmem:$0x1E480] =	vst v12;
	s16 =	rddreg [dreg:$0x14]  }
0xd6: {  	[tilespmem:s6], [sflag:$0x3] =	stream.linear.gather [hbm4b:s16+s6], $0x1000, $0x38;
	[tilespmem:$0x1E580] =	vst v63  }
0xd7: {  	_ =	swait.ge [sflag:s7], $0x1000  }
0xd8: {  	[sflag:s7] =	ssyncset.done $0x0  }
0xd9: {  	s16 =	simm.s32 $0x10;
	[sflag:s7] =	ssyncadd.s32 $0xFFFFF000  }
0xda: {  	v12 =	vld [tilespmem:s16+$0xFFFFFFF0];
	_ =	sdelay $0x4  }
0xdb: {  	v13 =	vshrl.u32 v12, $0x7  }
0xdc: {  	vm0 =	vge.u32 v13, v3;
	vm1 =	vlt.u32 v13, v0  }
0xdd: {  	vm0 =	vmand vm0, vm1  }
0xde: {  	v14 =	vsel vm0, $0x1, v4  }
0xdf: {  	(xrf0) =	vadd.scan.msk.s32 $0xffff, v14;
	_ =	sdelay $0x1  }
0xe0: {  	v14 =	vld [tilespmem:$0x1E480];
	_ =	sdelay $0x3  }
0xe1: {  	v15, _, _ =	vpop (xrf0)  }
0xe2: {  	v16 =	vadd.s32 v15, v14  }
0xe3: {  	v12 =	vshll.u32 v12, $0xE;
	v13 =	vsub.s32 v13, v3;
	v16 =	vadd.s32 $0xFFFFFFFF, v16  }
0xe4: {  	v12 =	vand.u32 $0x1FC000, v12;
	v13 =	vshll.u32 v13, $0x15  }
0xe5: {  	s17 =	simm.s32 $0x2000;
	v12 =	vor.u32 v12, v13  }
0xe6: {  	v12 =	vadd.s32 s17, v12  }
0xe7: {  	v12 =	vadd.s32 v5, v12  }
0xe8: {  	[tilespmem:v16+s9+$0x0] =	vst.idx.msk vm0, v12  }
0xe9: {  	v12 =	vld [tilespmem:s16+$0x0];
	_ =	sdelay $0x4  }
0xea: {  	v13 =	vshrl.u32 v12, $0x7  }
0xeb: {  	vm14 =	vge.u32 v13, v3;
	vm15 =	vlt.u32 v13, v0  }
0xec: {  	v15 =	vxor.u32 $0x80000000, v15;
	vm0 =	vmand vm14, vm15  }
0xed: {  	(xrf0) =	vmax.scan.msk.u32 $0xffff, v15;
	v15 =	vsel vm0, $0x1, v4  }
0xee: {  	(xrf0) =	vadd.scan.msk.s32 $0xffff, v15;
	_ =	sdelay $0x4  }
0xef: {  	v15, _, _ =	vpop (xrf0)  }
0xf0: {  	v63, _, _ =	vpop (xrf0)  }
0xf1: {  	v17 =	vxor.u32 $0x80000000, v63  }
0xf2: {  	(v2sf) =	vpush v15, $0xF;
	(xrf0) =	vmax.scan.msk.u32 $0xffff, v17;
	_ =	sdelay $0x5  }
0xf3: {  	v15, _, _ =	vpop (xrf0)  }
0xf4: {  	(v2sf) =	vpush v15, $0xF;
	_ =	sdelay $0x7  }
0xf5: {  	s23 =	spop (v2sf)  }
0xf6: {  	s17 =	sxor.u32 $0x80000000, s23  }
0xf7: {  	v14 =	vadd.s32 s17, v14  }
0xf8: {  	v15 =	vadd.s32 v14, v63  }
0xf9: {  	v12 =	vshll.u32 v12, $0xE;
	v13 =	vsub.s32 v13, v3;
	v15 =	vadd.s32 $0xFFFFFFFF, v15  }
0xfa: {  	v12 =	vand.u32 $0x1FC000, v12;
	v13 =	vshll.u32 v13, $0x15  }
0xfb: {  	s24 =	simm.s32 $0x2010;
	v12 =	vor.u32 v12, v13  }
0xfc: {  	v12 =	vadd.s32 s24, v12;
	s25 =	spop (v2sf)  }
0xfd: {  	v12 =	vadd.s32 v5, v12;
	s18 =	sxor.u32 $0x80000000, s25  }
0xfe: {  	s17 =	simm.s32 $0x2020;
	[tilespmem:v15+s9+$0x0] =	vst.idx.msk vm0, v12;
	v12 =	vadd.s32 s18, v14  }
.LBB2_6:
0xff: {  	p1 =	sne.s32 s17, $0x2FE0  }
0x100: {  	[tilespmem:$0x1E480] =	vst v12;
	s16 =	sadd.s32 $0x20, s16;
	s18 =	smov.u32 s17;
	s17 =	sadd.s32 $0x20, s17  }
0x101: {  	v12 =	vld [tilespmem:s16+$0xFFFFFFF0];
	_ =	sdelay $0x4  }
0x102: {  	v13 =	vshrl.u32 v12, $0x7;
	v12 =	vshll.u32 v12, $0xE  }
0x103: {  	vm0 =	vge.u32 v13, v3;
	vm1 =	vlt.u32 v13, v0;
	v13 =	vsub.s32 v13, v3  }
0x104: {  	v12 =	vand.u32 $0x1FC000, v12;
	vm0 =	vmand vm0, vm1;
	v13 =	vshll.u32 v13, $0x15  }
0x105: {  	v14 =	vsel vm0, $0x1, v4;
	v12 =	vor.u32 v12, v13  }
0x106: {  	v12 =	vadd.s32 s18, v12;
	(xrf0) =	vadd.scan.msk.s32 $0xffff, v14;
	_ =	sdelay $0x1  }
0x107: {  	v13 =	vld [tilespmem:$0x1E480];
	_ =	sdelay $0x3  }
0x108: {  	v14, _, _ =	vpop (xrf0)  }
0x109: {  	v15 =	vadd.s32 v14, v13;
	v14 =	vxor.u32 $0x80000000, v14  }
0x10a: {  	v15 =	vadd.s32 $0xFFFFFFFF, v15;
	(xrf0) =	vmax.scan.msk.u32 $0xffff, v14;
	_ =	sdelay $0x3  }
0x10b: {  	v12 =	vadd.s32 v5, v12  }
0x10c: {  	[tilespmem:v15+s9+$0x0] =	vst.idx.msk vm0, v12  }
0x10d: {  	v12 =	vld [tilespmem:s16+$0x0];
	v14, _, _ =	vpop (xrf0)  }
0x10e: {  	(v2sf) =	vpush v14, $0xF;
	_ =	sdelay $0x3  }
0x10f: {  	v14 =	vshrl.u32 v12, $0x7;
	v12 =	vshll.u32 v12, $0xE  }
0x110: {  	vm0 =	vge.u32 v14, v3;
	vm1 =	vlt.u32 v14, v0;
	v14 =	vsub.s32 v14, v3  }
0x111: {  	v12 =	vand.u32 $0x1FC000, v12;
	vm0 =	vmand vm0, vm1;
	v14 =	vshll.u32 v14, $0x15  }
0x112: {  	s18 =	sadd.s32 $0x10, s18;
	v15 =	vsel vm0, $0x1, v4;
	v12 =	vor.u32 v12, v14  }
0x113: {  	v12 =	vadd.s32 s18, v12;
	(xrf0) =	vadd.scan.msk.s32 $0xffff, v15;
	_ =	sdelay $0x5  }
0x114: {  	v14, _, _ =	vpop (xrf0)  }
0x115: {  	v15 =	vxor.u32 $0x80000000, v14;
	s18 =	spop (v2sf)  }
0x116: {  	s18 =	sxor.u32 $0x80000000, s18;
	(xrf0) =	vmax.scan.msk.u32 $0xffff, v15  }
0x117: {  	v13 =	vadd.s32 s18, v13  }
0x118: {  	v14 =	vadd.s32 v13, v14  }
0x119: {  	v14 =	vadd.s32 $0xFFFFFFFF, v14;
	_ =	sdelay $0x2  }
0x11a: {  	v15, _, _ =	vpop (xrf0)  }
0x11b: {  	v12 =	vadd.s32 v5, v12;
	(v2sf) =	vpush v15, $0xF  }
0x11c: {  	[tilespmem:v14+s9+$0x0] =	vst.idx.msk vm0, v12;
	_ =	sdelay $0xb  }
.Ltmp4:
0x11d: {  	(pc) =	sbr.rel @p1 .LBB2_6-.Ltmp4, $4  }
0x11e: {  	_ = 	snop  }
0x11f: {  	s18 =	spop (v2sf)  }
0x120: {  	s18 =	sxor.u32 $0x80000000, s18  }
0x121: {  	v12 =	vadd.s32 s18, v13  }
0x122: {  	[tilespmem:$0x1E480] =	vst v12;
	s16 =	rddreg [dreg:$0x15]  }
0x123: {  	[tilespmem:s6], [sflag:$0x3] =	stream.linear.gather [hbm4b:s16+s6], $0x1000, $0x38;
	[tilespmem:$0x1E580] =	vst v63  }
0x124: {  	_ =	swait.ge [sflag:s7], $0x1000  }
0x125: {  	[sflag:s7] =	ssyncset.done $0x0  }
0x126: {  	s16 =	simm.s32 $0x10;
	[sflag:s7] =	ssyncadd.s32 $0xFFFFF000  }
0x127: {  	v12 =	vld [tilespmem:s16+$0xFFFFFFF0];
	_ =	sdelay $0x4  }
0x128: {  	v13 =	vshrl.u32 v12, $0x7  }
0x129: {  	vm0 =	vge.u32 v13, v3;
	vm1 =	vlt.u32 v13, v0  }
0x12a: {  	vm0 =	vmand vm0, vm1  }
0x12b: {  	v14 =	vsel vm0, $0x1, v4  }
0x12c: {  	(xrf0) =	vadd.scan.msk.s32 $0xffff, v14;
	_ =	sdelay $0x1  }
0x12d: {  	v14 =	vld [tilespmem:$0x1E480];
	_ =	sdelay $0x3  }
0x12e: {  	v15, _, _ =	vpop (xrf0)  }
0x12f: {  	v16 =	vadd.s32 v15, v14  }
0x130: {  	v12 =	vshll.u32 v12, $0xE;
	v13 =	vsub.s32 v13, v3;
	v16 =	vadd.s32 $0xFFFFFFFF, v16  }
0x131: {  	v12 =	vand.u32 $0x1FC000, v12;
	v13 =	vshll.u32 v13, $0x15  }
0x132: {  	s17 =	simm.s32 $0x3000;
	v12 =	vor.u32 v12, v13  }
0x133: {  	v12 =	vadd.s32 s17, v12  }
0x134: {  	v12 =	vadd.s32 v5, v12  }
0x135: {  	[tilespmem:v16+s9+$0x0] =	vst.idx.msk vm0, v12  }
0x136: {  	v12 =	vld [tilespmem:s16+$0x0];
	_ =	sdelay $0x4  }
0x137: {  	v13 =	vshrl.u32 v12, $0x7  }
0x138: {  	vm14 =	vge.u32 v13, v3;
	vm15 =	vlt.u32 v13, v0  }
0x139: {  	v15 =	vxor.u32 $0x80000000, v15;
	vm0 =	vmand vm14, vm15  }
0x13a: {  	(xrf0) =	vmax.scan.msk.u32 $0xffff, v15;
	v15 =	vsel vm0, $0x1, v4  }
0x13b: {  	(xrf0) =	vadd.scan.msk.s32 $0xffff, v15;
	_ =	sdelay $0x4  }
0x13c: {  	v15, _, _ =	vpop (xrf0)  }
0x13d: {  	v63, _, _ =	vpop (xrf0)  }
0x13e: {  	v17 =	vxor.u32 $0x80000000, v63  }
0x13f: {  	(v2sf) =	vpush v15, $0xF;
	(xrf0) =	vmax.scan.msk.u32 $0xffff, v17;
	_ =	sdelay $0x5  }
0x140: {  	v15, _, _ =	vpop (xrf0)  }
0x141: {  	(v2sf) =	vpush v15, $0xF;
	_ =	sdelay $0x7  }
0x142: {  	s23 =	spop (v2sf)  }
0x143: {  	s17 =	sxor.u32 $0x80000000, s23  }
0x144: {  	v14 =	vadd.s32 s17, v14  }
0x145: {  	v15 =	vadd.s32 v14, v63  }
0x146: {  	v12 =	vshll.u32 v12, $0xE;
	v13 =	vsub.s32 v13, v3;
	v15 =	vadd.s32 $0xFFFFFFFF, v15  }
0x147: {  	v12 =	vand.u32 $0x1FC000, v12;
	v13 =	vshll.u32 v13, $0x15  }
0x148: {  	s24 =	simm.s32 $0x3010;
	v12 =	vor.u32 v12, v13  }
0x149: {  	v12 =	vadd.s32 s24, v12;
	s25 =	spop (v2sf)  }
0x14a: {  	v12 =	vadd.s32 v5, v12;
	s18 =	sxor.u32 $0x80000000, s25  }
0x14b: {  	s17 =	simm.s32 $0x3020;
	[tilespmem:v15+s9+$0x0] =	vst.idx.msk vm0, v12;
	v12 =	vadd.s32 s18, v14  }
.LBB2_8:
0x14c: {  	p1 =	sne.s32 s17, $0x3FE0  }
0x14d: {  	[tilespmem:$0x1E480] =	vst v12;
	s16 =	sadd.s32 $0x20, s16;
	s18 =	smov.u32 s17;
	s17 =	sadd.s32 $0x20, s17  }
0x14e: {  	v12 =	vld [tilespmem:s16+$0xFFFFFFF0];
	_ =	sdelay $0x4  }
0x14f: {  	v13 =	vshrl.u32 v12, $0x7;
	v12 =	vshll.u32 v12, $0xE  }
0x150: {  	vm0 =	vge.u32 v13, v3;
	vm1 =	vlt.u32 v13, v0;
	v13 =	vsub.s32 v13, v3  }
0x151: {  	v12 =	vand.u32 $0x1FC000, v12;
	vm0 =	vmand vm0, vm1;
	v13 =	vshll.u32 v13, $0x15  }
0x152: {  	v14 =	vsel vm0, $0x1, v4;
	v12 =	vor.u32 v12, v13  }
0x153: {  	v12 =	vadd.s32 s18, v12;
	(xrf0) =	vadd.scan.msk.s32 $0xffff, v14;
	_ =	sdelay $0x1  }
0x154: {  	v13 =	vld [tilespmem:$0x1E480];
	_ =	sdelay $0x3  }
0x155: {  	v14, _, _ =	vpop (xrf0)  }
0x156: {  	v15 =	vadd.s32 v14, v13;
	v14 =	vxor.u32 $0x80000000, v14  }
0x157: {  	v15 =	vadd.s32 $0xFFFFFFFF, v15;
	(xrf0) =	vmax.scan.msk.u32 $0xffff, v14;
	_ =	sdelay $0x3  }
0x158: {  	v12 =	vadd.s32 v5, v12  }
0x159: {  	[tilespmem:v15+s9+$0x0] =	vst.idx.msk vm0, v12  }
0x15a: {  	v12 =	vld [tilespmem:s16+$0x0];
	v14, _, _ =	vpop (xrf0)  }
0x15b: {  	(v2sf) =	vpush v14, $0xF;
	_ =	sdelay $0x3  }
0x15c: {  	v14 =	vshrl.u32 v12, $0x7;
	v12 =	vshll.u32 v12, $0xE  }
0x15d: {  	vm0 =	vge.u32 v14, v3;
	vm1 =	vlt.u32 v14, v0;
	v14 =	vsub.s32 v14, v3  }
0x15e: {  	v12 =	vand.u32 $0x1FC000, v12;
	vm0 =	vmand vm0, vm1;
	v14 =	vshll.u32 v14, $0x15  }
0x15f: {  	s18 =	sadd.s32 $0x10, s18;
	v15 =	vsel vm0, $0x1, v4;
	v12 =	vor.u32 v12, v14  }
0x160: {  	v12 =	vadd.s32 s18, v12;
	(xrf0) =	vadd.scan.msk.s32 $0xffff, v15;
	_ =	sdelay $0x5  }
0x161: {  	v14, _, _ =	vpop (xrf0)  }
0x162: {  	v15 =	vxor.u32 $0x80000000, v14;
	s18 =	spop (v2sf)  }
0x163: {  	s18 =	sxor.u32 $0x80000000, s18;
	(xrf0) =	vmax.scan.msk.u32 $0xffff, v15  }
0x164: {  	v13 =	vadd.s32 s18, v13  }
0x165: {  	v14 =	vadd.s32 v13, v14  }
0x166: {  	v14 =	vadd.s32 $0xFFFFFFFF, v14;
	_ =	sdelay $0x2  }
0x167: {  	v15, _, _ =	vpop (xrf0)  }
0x168: {  	v12 =	vadd.s32 v5, v12;
	(v2sf) =	vpush v15, $0xF  }
0x169: {  	[tilespmem:v14+s9+$0x0] =	vst.idx.msk vm0, v12;
	_ =	sdelay $0xb  }
.Ltmp5:
0x16a: {  	(pc) =	sbr.rel @p1 .LBB2_8-.Ltmp5, $4  }
0x16b: {  	_ = 	snop  }
0x16c: {  	s18 =	spop (v2sf)  }
0x16d: {  	s18 =	sxor.u32 $0x80000000, s18  }
0x16e: {  	v12 =	vadd.s32 s18, v13  }
0x16f: {  	v13 =	vxor.u32 $0x80000000, v12  }
0x170: {  	(xrf0) =	vmax.scan.msk.u32 $0xffff, v13;
	_ =	sdelay $0x5  }
0x171: {  	v13, _, _ =	vpop (xrf0)  }
0x172: {  	(v2sf) =	vpush v13, $0xF;
	_ =	sdelay $0xe  }
0x173: {  	s16 =	spop (v2sf)  }
0x174: {  	s17 =	sxor.u32 $0x80000000, s16  }
0x175: {  	v62 =	vadd.s32 s17, v5  }
0x176: {  	v14 =	vadd.s32 s17, v7  }
0x177: {  	v15 =	vadd.s32 s17, v8  }
0x178: {  	v16 =	vadd.s32 s17, v9  }
0x179: {  	[tilespmem:$0x1E480] =	vst v12;
	v63 =	vadd.s32 s17, v10  }
.Ltmp6:
0x17a: {  	s17 =	sadd.s32 $0x8000003F, s16;
	[tilespmem:v62+s9+$0x0] =	vst.idx.msk $0xffff, v6;
	(pc) =	sbr.rel .LBB2_10-.Ltmp6, $4  }
0x17b: {  	s16 =	sshra.s32 s17, $0x1F;
	[tilespmem:v14+s9+$0x0] =	vst.idx.msk $0xffff, v6  }
0x17c: {  	s16 =	sshrl.u32 s16, $0x1A;
	[tilespmem:v15+s9+$0x0] =	vst.idx.msk $0xffff, v6  }
0x17d: {  	s16 =	sadd.s32 s16, s17;
	[tilespmem:v16+s9+$0x0] =	vst.idx.msk $0xffff, v6  }
0x17e: {  	s18 =	simm.s32 $0x0;
	p1 =	slt.s32 s17, $0x40;
	s16 =	sshra.s32 s16, $0x6;
	[tilespmem:v63+s9+$0x0] =	vst.idx.msk $0xffff, v6  }
.LBB2_37:
0x17f: {  	s19 =	sadd.s32 $0x3, s19  }
0x180: {  	p2 =	sge.u32 s19, s8  }
0x181: {  	s19 =	smul.u32 @!p2 $0x6, s19;
	_ =	sdelay $0x1  }
0x182: {  	s19 =	sadd.s32 @!p2 s4, s19  }
0x183: {  	s19 =	sshll.u32 @!p2 s19, $0x7  }
0x184: {  	s22 =	simm.s32 @!p2 $0x400;
	s20 =	sand.u32 @!p2 $0x1FFFFF00, s19  }
0x185: {  	s23 =	simm.s32 @!p2 $0x7A1400;
	s24 =	simm.s32 @!p2 $0x11080;
	s21 =	sadd.s32 @!p2 s1, s20  }
0x186: {  	[tilespmem:s24], [sflag:$0x1] =	stream.strided.gather @!p2 [hbm4b:s21+s22], $0x2000, s23, s22, $0x38;
	[tilespmem:$0x1E580] =	vst v63  }
0x187: {  	s20 =	sadd.s32 @!p2 s20, s10;
	s21 =	simm.s32 @!p2 $0x13080  }
0x188: {  	[tilespmem:s21], [sflag:$0x1] =	stream.strided.gather @!p2 [hbm4b:s20+s22], $0x2000, s23, s22, $0x38;
	[tilespmem:$0x1E580] =	vst v63  }
0x189: {  	s20 =	sadd.s32 @!p2 s19, s26;
	s21 =	simm.s32 @!p2 $0x15080  }
0x18a: {  	[tilespmem:s21], [sflag:$0x1] =	stream.strided.gather @!p2 [hbm4b:s20+s22], $0x2000, s23, s22, $0x38;
	[tilespmem:$0x1E580] =	vst v63  }
0x18b: {  	s20 =	sadd.s32 @!p2 s19, s28;
	s21 =	simm.s32 @!p2 $0x17080  }
0x18c: {  	[tilespmem:s21], [sflag:$0x1] =	stream.strided.gather @!p2 [hbm4b:s20+s22], $0x2000, s23, s22, $0x38;
	[tilespmem:$0x1E580] =	vst v63  }
0x18d: {  	s20 =	sadd.s32 @!p2 s19, s29;
	s21 =	simm.s32 @!p2 $0x19080  }
0x18e: {  	[tilespmem:s21], [sflag:$0x1] =	stream.strided.gather @!p2 [hbm4b:s20+s22], $0x2000, s23, s22, $0x38;
	[tilespmem:$0x1E580] =	vst v63  }
0x18f: {  	s19 =	sadd.s32 @!p2 s19, s30;
	s20 =	simm.s32 @!p2 $0x1B080  }
0x190: {  	[tilespmem:s20], [sflag:$0x1] =	stream.strided.gather @!p2 [hbm4b:s19+s22], $0x2000, s23, s22, $0x38;
	[tilespmem:$0x1E580] =	vst v63  }
.LBB2_38:
0x191: {  	s18 =	sadd.s32 $0x1, s18  }
0x192: {  	p2 =	sne.s32 s18, $0x15  }
.Ltmp7:
0x193: {  	_ = 	snop;
	(pc) =	sbr.rel @!p2 .LBB2_39-.Ltmp7, $1  }
0x194: {  	_ =	sdelay $0x3  }
.LBB2_10:
0x195: {  	s19 =	sshll.u32 s18, $0x1  }
0x196: {  	p2 =	sge.u32 s19, s8  }
.Ltmp8:
0x197: {  	_ = 	snop;
	(pc) =	sbr.rel @p2 .LBB2_24-.Ltmp8, $1  }
0x198: {  	_ =	sdelay $0x3  }
0x199: {  	_ =	swait.ge [sflag:s11], $0x2000  }
0x19a: {  	[sflag:s11] =	ssyncset.done $0x0  }
0x19b: {  	[sflag:s11] =	ssyncadd.s32 $0xFFFFE000  }
0x19c: {  	_ =	swait.ge [sflag:s11], $0x2000  }
0x19d: {  	[sflag:s11] =	ssyncset.done $0x0  }
0x19e: {  	[sflag:s11] =	ssyncadd.s32 $0xFFFFE000  }
0x19f: {  	_ =	swait.ge [sflag:s11], $0x2000  }
0x1a0: {  	[sflag:s11] =	ssyncset.done $0x0  }
0x1a1: {  	[sflag:s11] =	ssyncadd.s32 $0xFFFFE000  }
0x1a2: {  	_ =	swait.ge [sflag:s11], $0x2000  }
0x1a3: {  	[sflag:s11] =	ssyncset.done $0x0  }
0x1a4: {  	[sflag:s11] =	ssyncadd.s32 $0xFFFFE000  }
0x1a5: {  	_ =	swait.ge [sflag:s11], $0x2000  }
.Ltmp9:
0x1a6: {  	[sflag:s11] =	ssyncset.done $0x0;
	(pc) =	sbr.rel @p1 .LBB2_23-.Ltmp9, $4  }
0x1a7: {  	[sflag:s11] =	ssyncadd.s32 $0xFFFFE000  }
0x1a8: {  	_ =	swait.ge [sflag:s11], $0x2000  }
0x1a9: {  	[sflag:s11] =	ssyncset.done $0x0  }
0x1aa: {  	[sflag:s11] =	ssyncadd.s32 $0xFFFFE000  }
.Ltmp10:
0x1ab: {  	(pc) =	sbr.rel .LBB2_13-.Ltmp10, $3  }
0x1ac: {  	s20 =	smul.u32 $0xC, s18;
	_ =	sdelay $0x1  }
0x1ad: {  	s21 =	sadd.s32 $0x6, s20  }
0x1ae: {  	v12 =	vmov s20;
	s20 =	simm.s32 $0x0;
	v13 =	vmov s21  }
.LBB2_22:
0x1af: {  	s20 =	sadd.s32 $0x1, s20  }
0x1b0: {  	p2 =	sne.s32 s20, s16  }
.Ltmp11:
0x1b1: {  	_ = 	snop;
	(pc) =	sbr.rel @!p2 .LBB2_23-.Ltmp11, $1  }
0x1b2: {  	_ =	sdelay $0x3  }
.LBB2_13:
0x1b3: {  	s21 =	sshll.u32 s20, $0x8  }
0x1b4: {  	s21 =	sshra.s32 s21, $0x2  }
0x1b5: {  	v16 =	vld [tilespmem:s21+$0x1010]  }
0x1b6: {  	v15 =	vld [tilespmem:s21+$0x1020]  }
0x1b7: {  	v14 =	vld [tilespmem:s21+$0x1030];
	_ =	sdelay $0x1  }
0x1b8: {  	v17 =	vld [tilespmem:s21+$0x1000]  }
0x1b9: {  	v18 =	vshrl.u32 v16, $0x15  }
0x1ba: {  	vm2 =	vge.u32 v18, v12;
	vm3 =	vlt.u32 v18, v13;
	v18 =	vshrl.u32 v15, $0x15  }
0x1bb: {  	vm0 =	vge.u32 v18, v12;
	vm1 =	vlt.u32 v18, v13;
	v18 =	vshrl.u32 v14, $0x15  }
0x1bc: {  	vm2 =	vmand vm2, vm3;
	vm4 =	vge.u32 v18, v12;
	vm5 =	vlt.u32 v18, v13  }
0x1bd: {  	v18 =	vshrl.u32 v17, $0x15;
	vm1 =	vmand vm0, vm1;
	vm0 =	vmand vm4, vm5  }
0x1be: {  	vm4 =	vge.u32 v18, v12;
	vm5 =	vlt.u32 v18, v13;
	vm6 =	vmor vm1, vm0  }
0x1bf: {  	vm3 =	vmand vm4, vm5;
	vm4 =	vmor vm2, vm6  }
0x1c0: {  	vm4 =	vmor vm3, vm4  }
0x1c1: {  	v18 =	vsel vm4, $0x3F800000, v11  }
0x1c2: {  	(xrf0) =	vmax.scan.msk.f32 $0xffff, v18;
	_ =	sdelay $0x5  }
0x1c3: {  	v18, _, _ =	vpop (xrf0)  }
0x1c4: {  	(v2sf) =	vpush v18, $0xF;
	_ =	sdelay $0xe  }
0x1c5: {  	s25 =	spop (v2sf)  }
0x1c6: {  	p2 =	sgt.f32 s25, $0.0e+00  }
.Ltmp12:
0x1c7: {  	_ = 	snop;
	(pc) =	sbr.rel @!p2 .LBB2_22-.Ltmp12, $1  }
0x1c8: {  	_ =	sdelay $0x3  }
0x1c9: {  	v18 =	vsel vm3, $0x3F800000, v11  }
0x1ca: {  	(xrf0) =	vmax.scan.msk.f32 $0xffff, v18;
	_ =	sdelay $0x5  }
0x1cb: {  	v18, _, _ =	vpop (xrf0)  }
0x1cc: {  	(v2sf) =	vpush v18, $0xF;
	_ =	sdelay $0xe  }
0x1cd: {  	s21 =	spop (v2sf)  }
0x1ce: {  	p2 =	sgt.f32 s21, $0.0e+00  }
.Ltmp13:
0x1cf: {  	_ = 	snop;
	(pc) =	sbr.rel @!p2 .LBB2_16-.Ltmp13, $1  }
0x1d0: {  	_ =	sdelay $0x3  }
.LBB2_15:
0x1d1: {  	v18 =	vmctz.xlane vm3;
	_ =	sdelay $0x1  }
0x1d2: {  	v18 =	vxor.u32 $0x80000000, v18  }
0x1d3: {  	(xrf0) =	vmax.scan.msk.u32 $0xffff, v18;
	v18 =	vld [tilespmem:$0x1E500];
	_ =	sdelay $0x4  }
0x1d4: {  	v18 =	vxor.u32 $0x80000000, v18  }
0x1d5: {  	v19, _, _ =	vpop (xrf0);
	(xrf0) =	vmax.scan.msk.u32 $0xffff, v18  }
0x1d6: {  	(v2sf) =	vpush v19, $0xF;
	_ =	sdelay $0x4  }
0x1d7: {  	v18, _, _ =	vpop (xrf0)  }
0x1d8: {  	(v2sf) =	vpush v18, $0xF;
	_ =	sdelay $0x8  }
0x1d9: {  	s21 =	spop (v2sf)  }
0x1da: {  	s21 =	sxor.u32 $0x80000000, s21  }
0x1db: {  	v18 =	vmov s21  }
0x1dc: {  	v19 =	vperm.xlane v17, v18;
	_ =	sdelay $0x1  }
0x1dd: {  	v20 =	vshrl.u32 v19, $0x15  }
0x1de: {  	v21 =	vshrl.u32 v19, $0xE;
	v20 =	vsub.s32 v20, v12;
	s21 =	spop (v2sf)  }
0x1df: {  	v22 =	vmul.u32 $0x80, v5;
	v21 =	vand.u32 $0x7F, v21;
	v20 =	vshll.u32 v20, $0xD;
	p2 =	slt.u32 s21, $0x80000010  }
0x1e0: {  	vm4 =	vne.s32 v18, v5;
	v19 =	vand.u32 $0x3FFF, v19;
	v20 =	vor.u32 v20, v21;
	s22 =	simm.s32 @!p2 $0x2  }
0x1e1: {  	vm3 =	vmand vm3, vm4;
	v19 =	vor.u32 $0x80000000, v19;
	v21 =	vor.u32 v22, v20;
	_ =	swait.ge @!p2 [sflag:s22], $0x40  }
0x1e2: {  	v59 =	vsel vm3, $0x3F800000, v11;
	(xrf0) =	vmax.scan.msk.u32 $0xffff, v19  }
0x1e3: {  	(xrf0) =	vmax.scan.msk.f32 $0xffff, v59  }
0x1e4: {  	s23 =	sshll.u32 s21, $0x6;
	[sflag:s22] =	ssyncset.done @!p2 $0x0  }
0x1e5: {  	s25 =	sand.u32 $0x3C0, s23;
	[sflag:s22] =	ssyncadd.s32 @!p2 $0xFFFFFFC0  }
0x1e6: {  	v23 =	vor.u32 $0x800, v22;
	v58 =	vor.u32 s25, v5;
	v19 =	vld.idx.msk [tilespmem:v21+s0+$0x0], $0xffff  }
0x1e7: {  	v18 =	vor.u32 v23, v20  }
0x1e8: {  	v60, _, _ =	vpop (xrf0)  }
0x1e9: {  	(v2sf) =	vpush v60, $0xF;
	v62, _, _ =	vpop (xrf0)  }
0x1ea: {  	(v2sf) =	vpush v62, $0xF  }
0x1eb: {  	[tilespmem:v58+s12+$0x0] =	vst.idx.msk $0xffff, v19  }
0x1ec: {  	v61 =	vor.u32 $0x1000, v22;
	v19 =	vor.u32 s25, v7;
	v18 =	vld.idx.msk [tilespmem:v18+s0+$0x0], $0xffff  }
0x1ed: {  	v21 =	vor.u32 v61, v20;
	_ =	sdelay $0x3  }
0x1ee: {  	[tilespmem:v19+s12+$0x0] =	vst.idx.msk $0xffff, v18  }
0x1ef: {  	v63 =	vor.u32 $0x1800, v22;
	v19 =	vor.u32 s25, v8;
	v18 =	vld.idx.msk [tilespmem:v21+s0+$0x0], $0xffff  }
0x1f0: {  	v20 =	vor.u32 v63, v20;
	_ =	sdelay $0x3  }
0x1f1: {  	[tilespmem:v19+s12+$0x0] =	vst.idx.msk $0xffff, v18  }
0x1f2: {  	v19 =	vor.u32 s25, v9;
	v18 =	vld.idx.msk [tilespmem:v20+s0+$0x0], $0xffff;
	s24 =	spop (v2sf)  }
0x1f3: {  	s22 =	sadd.s32 $0x1E080, s25;
	s25 =	spop (v2sf)  }
0x1f4: {  	p2 =	sgt.f32 s25, $0.0e+00  }
.Ltmp14:
0x1f5: {  	s23 =	sshll.u32 s24, $0x3;
	(pc) =	sbr.rel @p2 .LBB2_15-.Ltmp14, $4  }
0x1f6: {  	s23 =	sand.u32 $0x1FFFFFF8, s23  }
0x1f7: {  	s21 =	sadd.s32 $0x80000001, s21;
	s23 =	sadd.s32 s5, s23;
	[tilespmem:v19+s12+$0x0] =	vst.idx.msk $0xffff, v18  }
0x1f8: {  	v18 =	vmov s21;
	[hbm4b:s23+s6] =	stream.linear.scatter [tilespmem:s22], [sflag:$0x2], $0x40, $0x38;
	[tilespmem:$0x1E580] =	vst v63  }
0x1f9: {  	[tilespmem:$0x1E500] =	vst v18  }
.LBB2_16:
0x1fa: {  	v17 =	vsel vm2, $0x3F800000, v11  }
0x1fb: {  	(xrf0) =	vmax.scan.msk.f32 $0xffff, v17;
	_ =	sdelay $0x5  }
0x1fc: {  	v17, _, _ =	vpop (xrf0)  }
0x1fd: {  	(v2sf) =	vpush v17, $0xF;
	_ =	sdelay $0xe  }
0x1fe: {  	s21 =	spop (v2sf)  }
0x1ff: {  	p2 =	sgt.f32 s21, $0.0e+00  }
.Ltmp15:
0x200: {  	_ = 	snop;
	(pc) =	sbr.rel @!p2 .LBB2_18-.Ltmp15, $1  }
0x201: {  	_ =	sdelay $0x3  }
.LBB2_17:
0x202: {  	v17 =	vmctz.xlane vm2;
	_ =	sdelay $0x1  }
0x203: {  	v17 =	vxor.u32 $0x80000000, v17  }
0x204: {  	(xrf0) =	vmax.scan.msk.u32 $0xffff, v17;
	v17 =	vld [tilespmem:$0x1E500];
	_ =	sdelay $0x4  }
0x205: {  	v17 =	vxor.u32 $0x80000000, v17  }
0x206: {  	v18, _, _ =	vpop (xrf0);
	(xrf0) =	vmax.scan.msk.u32 $0xffff, v17  }
0x207: {  	(v2sf) =	vpush v18, $0xF;
	_ =	sdelay $0x4  }
0x208: {  	v17, _, _ =	vpop (xrf0)  }
0x209: {  	(v2sf) =	vpush v17, $0xF;
	_ =	sdelay $0x8  }
0x20a: {  	s21 =	spop (v2sf)  }
0x20b: {  	s21 =	sxor.u32 $0x80000000, s21  }
0x20c: {  	v17 =	vmov s21  }
0x20d: {  	v18 =	vperm.xlane v16, v17;
	_ =	sdelay $0x1  }
0x20e: {  	v19 =	vshrl.u32 v18, $0x15  }
0x20f: {  	v20 =	vshrl.u32 v18, $0xE;
	v19 =	vsub.s32 v19, v12;
	s21 =	spop (v2sf)  }
0x210: {  	v21 =	vmul.u32 $0x80, v5;
	v20 =	vand.u32 $0x7F, v20;
	v19 =	vshll.u32 v19, $0xD;
	p2 =	slt.u32 s21, $0x80000010  }
0x211: {  	vm3 =	vne.s32 v17, v5;
	v18 =	vand.u32 $0x3FFF, v18;
	v19 =	vor.u32 v19, v20;
	s22 =	simm.s32 @!p2 $0x2  }
0x212: {  	vm2 =	vmand vm2, vm3;
	v18 =	vor.u32 $0x80000000, v18;
	v20 =	vor.u32 v21, v19;
	_ =	swait.ge @!p2 [sflag:s22], $0x40  }
0x213: {  	v59 =	vsel vm2, $0x3F800000, v11;
	(xrf0) =	vmax.scan.msk.u32 $0xffff, v18  }
0x214: {  	(xrf0) =	vmax.scan.msk.f32 $0xffff, v59  }
0x215: {  	s23 =	sshll.u32 s21, $0x6;
	[sflag:s22] =	ssyncset.done @!p2 $0x0  }
0x216: {  	s25 =	sand.u32 $0x3C0, s23;
	[sflag:s22] =	ssyncadd.s32 @!p2 $0xFFFFFFC0  }
0x217: {  	v22 =	vor.u32 $0x800, v21;
	v58 =	vor.u32 s25, v5;
	v18 =	vld.idx.msk [tilespmem:v20+s0+$0x0], $0xffff  }
0x218: {  	v17 =	vor.u32 v22, v19  }
0x219: {  	v60, _, _ =	vpop (xrf0)  }
0x21a: {  	(v2sf) =	vpush v60, $0xF;
	v62, _, _ =	vpop (xrf0)  }
0x21b: {  	(v2sf) =	vpush v62, $0xF  }
0x21c: {  	[tilespmem:v58+s12+$0x0] =	vst.idx.msk $0xffff, v18  }
0x21d: {  	v61 =	vor.u32 $0x1000, v21;
	v18 =	vor.u32 s25, v7;
	v17 =	vld.idx.msk [tilespmem:v17+s0+$0x0], $0xffff  }
0x21e: {  	v20 =	vor.u32 v61, v19;
	_ =	sdelay $0x3  }
0x21f: {  	[tilespmem:v18+s12+$0x0] =	vst.idx.msk $0xffff, v17  }
0x220: {  	v63 =	vor.u32 $0x1800, v21;
	v18 =	vor.u32 s25, v8;
	v17 =	vld.idx.msk [tilespmem:v20+s0+$0x0], $0xffff  }
0x221: {  	v19 =	vor.u32 v63, v19;
	_ =	sdelay $0x3  }
0x222: {  	[tilespmem:v18+s12+$0x0] =	vst.idx.msk $0xffff, v17  }
0x223: {  	v18 =	vor.u32 s25, v9;
	v17 =	vld.idx.msk [tilespmem:v19+s0+$0x0], $0xffff;
	s24 =	spop (v2sf)  }
0x224: {  	s22 =	sadd.s32 $0x1E080, s25;
	s25 =	spop (v2sf)  }
0x225: {  	p2 =	sgt.f32 s25, $0.0e+00  }
.Ltmp16:
0x226: {  	s23 =	sshll.u32 s24, $0x3;
	(pc) =	sbr.rel @p2 .LBB2_17-.Ltmp16, $4  }
0x227: {  	s23 =	sand.u32 $0x1FFFFFF8, s23  }
0x228: {  	s21 =	sadd.s32 $0x80000001, s21;
	s23 =	sadd.s32 s5, s23;
	[tilespmem:v18+s12+$0x0] =	vst.idx.msk $0xffff, v17  }
0x229: {  	v17 =	vmov s21;
	[hbm4b:s23+s6] =	stream.linear.scatter [tilespmem:s22], [sflag:$0x2], $0x40, $0x38;
	[tilespmem:$0x1E580] =	vst v63  }
0x22a: {  	[tilespmem:$0x1E500] =	vst v17  }
.LBB2_18:
0x22b: {  	v16 =	vsel vm1, $0x3F800000, v11  }
0x22c: {  	(xrf0) =	vmax.scan.msk.f32 $0xffff, v16;
	_ =	sdelay $0x5  }
0x22d: {  	v16, _, _ =	vpop (xrf0)  }
0x22e: {  	(v2sf) =	vpush v16, $0xF;
	_ =	sdelay $0xe  }
0x22f: {  	s21 =	spop (v2sf)  }
0x230: {  	p2 =	sgt.f32 s21, $0.0e+00  }
.Ltmp17:
0x231: {  	_ = 	snop;
	(pc) =	sbr.rel @!p2 .LBB2_20-.Ltmp17, $1  }
0x232: {  	_ =	sdelay $0x3  }
.LBB2_19:
0x233: {  	v16 =	vmctz.xlane vm1;
	_ =	sdelay $0x1  }
0x234: {  	v16 =	vxor.u32 $0x80000000, v16  }
0x235: {  	(xrf0) =	vmax.scan.msk.u32 $0xffff, v16;
	v16 =	vld [tilespmem:$0x1E500];
	_ =	sdelay $0x4  }
0x236: {  	v16 =	vxor.u32 $0x80000000, v16  }
0x237: {  	v17, _, _ =	vpop (xrf0);
	(xrf0) =	vmax.scan.msk.u32 $0xffff, v16  }
0x238: {  	(v2sf) =	vpush v17, $0xF;
	_ =	sdelay $0x4  }
0x239: {  	v16, _, _ =	vpop (xrf0)  }
0x23a: {  	(v2sf) =	vpush v16, $0xF;
	_ =	sdelay $0x8  }
0x23b: {  	s21 =	spop (v2sf)  }
0x23c: {  	s21 =	sxor.u32 $0x80000000, s21  }
0x23d: {  	v16 =	vmov s21  }
0x23e: {  	v17 =	vperm.xlane v15, v16;
	_ =	sdelay $0x1  }
0x23f: {  	v18 =	vshrl.u32 v17, $0x15  }
0x240: {  	v19 =	vshrl.u32 v17, $0xE;
	v18 =	vsub.s32 v18, v12;
	s21 =	spop (v2sf)  }
0x241: {  	v20 =	vmul.u32 $0x80, v5;
	v19 =	vand.u32 $0x7F, v19;
	v18 =	vshll.u32 v18, $0xD;
	p2 =	slt.u32 s21, $0x80000010  }
0x242: {  	vm2 =	vne.s32 v16, v5;
	v17 =	vand.u32 $0x3FFF, v17;
	v18 =	vor.u32 v18, v19;
	s22 =	simm.s32 @!p2 $0x2  }
0x243: {  	vm1 =	vmand vm1, vm2;
	v17 =	vor.u32 $0x80000000, v17;
	v19 =	vor.u32 v20, v18;
	_ =	swait.ge @!p2 [sflag:s22], $0x40  }
0x244: {  	v59 =	vsel vm1, $0x3F800000, v11;
	(xrf0) =	vmax.scan.msk.u32 $0xffff, v17  }
0x245: {  	(xrf0) =	vmax.scan.msk.f32 $0xffff, v59  }
0x246: {  	s23 =	sshll.u32 s21, $0x6;
	[sflag:s22] =	ssyncset.done @!p2 $0x0  }
0x247: {  	s25 =	sand.u32 $0x3C0, s23;
	[sflag:s22] =	ssyncadd.s32 @!p2 $0xFFFFFFC0  }
0x248: {  	v21 =	vor.u32 $0x800, v20;
	v58 =	vor.u32 s25, v5;
	v17 =	vld.idx.msk [tilespmem:v19+s0+$0x0], $0xffff  }
0x249: {  	v16 =	vor.u32 v21, v18  }
0x24a: {  	v60, _, _ =	vpop (xrf0)  }
0x24b: {  	(v2sf) =	vpush v60, $0xF;
	v62, _, _ =	vpop (xrf0)  }
0x24c: {  	(v2sf) =	vpush v62, $0xF  }
0x24d: {  	[tilespmem:v58+s12+$0x0] =	vst.idx.msk $0xffff, v17  }
0x24e: {  	v61 =	vor.u32 $0x1000, v20;
	v17 =	vor.u32 s25, v7;
	v16 =	vld.idx.msk [tilespmem:v16+s0+$0x0], $0xffff  }
0x24f: {  	v19 =	vor.u32 v61, v18;
	_ =	sdelay $0x3  }
0x250: {  	[tilespmem:v17+s12+$0x0] =	vst.idx.msk $0xffff, v16  }
0x251: {  	v63 =	vor.u32 $0x1800, v20;
	v17 =	vor.u32 s25, v8;
	v16 =	vld.idx.msk [tilespmem:v19+s0+$0x0], $0xffff  }
0x252: {  	v18 =	vor.u32 v63, v18;
	_ =	sdelay $0x3  }
0x253: {  	[tilespmem:v17+s12+$0x0] =	vst.idx.msk $0xffff, v16  }
0x254: {  	v17 =	vor.u32 s25, v9;
	v16 =	vld.idx.msk [tilespmem:v18+s0+$0x0], $0xffff;
	s24 =	spop (v2sf)  }
0x255: {  	s22 =	sadd.s32 $0x1E080, s25;
	s25 =	spop (v2sf)  }
0x256: {  	p2 =	sgt.f32 s25, $0.0e+00  }
.Ltmp18:
0x257: {  	s23 =	sshll.u32 s24, $0x3;
	(pc) =	sbr.rel @p2 .LBB2_19-.Ltmp18, $4  }
0x258: {  	s23 =	sand.u32 $0x1FFFFFF8, s23  }
0x259: {  	s21 =	sadd.s32 $0x80000001, s21;
	s23 =	sadd.s32 s5, s23;
	[tilespmem:v17+s12+$0x0] =	vst.idx.msk $0xffff, v16  }
0x25a: {  	v16 =	vmov s21;
	[hbm4b:s23+s6] =	stream.linear.scatter [tilespmem:s22], [sflag:$0x2], $0x40, $0x38;
	[tilespmem:$0x1E580] =	vst v63  }
0x25b: {  	[tilespmem:$0x1E500] =	vst v16  }
.LBB2_20:
0x25c: {  	v15 =	vsel vm0, $0x3F800000, v11  }
0x25d: {  	(xrf0) =	vmax.scan.msk.f32 $0xffff, v15;
	_ =	sdelay $0x5  }
0x25e: {  	v15, _, _ =	vpop (xrf0)  }
0x25f: {  	(v2sf) =	vpush v15, $0xF;
	_ =	sdelay $0xe  }
0x260: {  	s21 =	spop (v2sf)  }
0x261: {  	p2 =	sgt.f32 s21, $0.0e+00  }
.Ltmp19:
0x262: {  	_ = 	snop;
	(pc) =	sbr.rel @!p2 .LBB2_22-.Ltmp19, $1  }
0x263: {  	_ =	sdelay $0x3  }
.LBB2_21:
0x264: {  	v15 =	vmctz.xlane vm0;
	_ =	sdelay $0x1  }
0x265: {  	v15 =	vxor.u32 $0x80000000, v15  }
0x266: {  	(xrf0) =	vmax.scan.msk.u32 $0xffff, v15;
	v15 =	vld [tilespmem:$0x1E500];
	_ =	sdelay $0x4  }
0x267: {  	v15 =	vxor.u32 $0x80000000, v15  }
0x268: {  	v16, _, _ =	vpop (xrf0);
	(xrf0) =	vmax.scan.msk.u32 $0xffff, v15  }
0x269: {  	(v2sf) =	vpush v16, $0xF;
	_ =	sdelay $0x4  }
0x26a: {  	v15, _, _ =	vpop (xrf0)  }
0x26b: {  	(v2sf) =	vpush v15, $0xF;
	_ =	sdelay $0x8  }
0x26c: {  	s21 =	spop (v2sf)  }
0x26d: {  	s21 =	sxor.u32 $0x80000000, s21  }
0x26e: {  	v15 =	vmov s21  }
0x26f: {  	v53 =	vperm.xlane v14, v15;
	_ =	sdelay $0x1  }
0x270: {  	v17 =	vshrl.u32 v53, $0x15  }
0x271: {  	v18 =	vshrl.u32 v53, $0xE;
	v17 =	vsub.s32 v17, v12;
	s21 =	spop (v2sf)  }
0x272: {  	v19 =	vmul.u32 $0x80, v5;
	v18 =	vand.u32 $0x7F, v18;
	v17 =	vshll.u32 v17, $0xD;
	p2 =	slt.u32 s21, $0x80000010  }
0x273: {  	vm1 =	vne.s32 v15, v5;
	v16 =	vand.u32 $0x3FFF, v53;
	v17 =	vor.u32 v17, v18;
	s22 =	simm.s32 @!p2 $0x2  }
0x274: {  	vm0 =	vmand vm0, vm1;
	v16 =	vor.u32 $0x80000000, v16;
	v18 =	vor.u32 v19, v17;
	_ =	swait.ge @!p2 [sflag:s22], $0x40  }
0x275: {  	v56 =	vsel vm0, $0x3F800000, v11;
	(xrf0) =	vmax.scan.msk.u32 $0xffff, v16  }
0x276: {  	(xrf0) =	vmax.scan.msk.f32 $0xffff, v56  }
0x277: {  	s23 =	sshll.u32 s21, $0x6;
	[sflag:s22] =	ssyncset.done @!p2 $0x0  }
0x278: {  	s25 =	sand.u32 $0x3C0, s23;
	[sflag:s22] =	ssyncadd.s32 @!p2 $0xFFFFFFC0  }
0x279: {  	v20 =	vor.u32 $0x800, v19;
	v55 =	vor.u32 s25, v5;
	v54 =	vld.idx.msk [tilespmem:v18+s0+$0x0], $0xffff  }
0x27a: {  	v15 =	vor.u32 v20, v17  }
0x27b: {  	v57, _, _ =	vpop (xrf0)  }
0x27c: {  	(v2sf) =	vpush v57, $0xF;
	v60, _, _ =	vpop (xrf0)  }
0x27d: {  	(v2sf) =	vpush v60, $0xF  }
0x27e: {  	[tilespmem:v55+s12+$0x0] =	vst.idx.msk $0xffff, v54  }
0x27f: {  	v59 =	vor.u32 $0x1000, v19;
	v58 =	vor.u32 s25, v7;
	v15 =	vld.idx.msk [tilespmem:v15+s0+$0x0], $0xffff  }
0x280: {  	v18 =	vor.u32 v59, v17;
	_ =	sdelay $0x3  }
0x281: {  	[tilespmem:v58+s12+$0x0] =	vst.idx.msk $0xffff, v15  }
0x282: {  	v62 =	vor.u32 $0x1800, v19;
	v61 =	vor.u32 s25, v8;
	v15 =	vld.idx.msk [tilespmem:v18+s0+$0x0], $0xffff  }
0x283: {  	v17 =	vor.u32 v62, v17;
	_ =	sdelay $0x3  }
0x284: {  	[tilespmem:v61+s12+$0x0] =	vst.idx.msk $0xffff, v15  }
0x285: {  	v63 =	vor.u32 s25, v9;
	v15 =	vld.idx.msk [tilespmem:v17+s0+$0x0], $0xffff;
	s24 =	spop (v2sf)  }
0x286: {  	s22 =	sadd.s32 $0x1E080, s25;
	s25 =	spop (v2sf)  }
0x287: {  	p2 =	sgt.f32 s25, $0.0e+00  }
.Ltmp20:
0x288: {  	s23 =	sshll.u32 s24, $0x3;
	(pc) =	sbr.rel @p2 .LBB2_21-.Ltmp20, $4  }
0x289: {  	s23 =	sand.u32 $0x1FFFFFF8, s23  }
0x28a: {  	s21 =	sadd.s32 $0x80000001, s21;
	s23 =	sadd.s32 s5, s23;
	[tilespmem:v63+s12+$0x0] =	vst.idx.msk $0xffff, v15  }
0x28b: {  	v15 =	vmov s21;
	[hbm4b:s23+s6] =	stream.linear.scatter [tilespmem:s22], [sflag:$0x2], $0x40, $0x38;
	[tilespmem:$0x1E580] =	vst v63  }
0x28c: {  	[tilespmem:$0x1E500] =	vst v15  }
.Ltmp21:
0x28d: {  	_ = 	snop;
	(pc) =	sbr.rel .LBB2_22-.Ltmp21, $1  }
0x28e: {  	_ =	sdelay $0x3  }
.LBB2_23:
0x28f: {  	s20 =	sadd.s32 $0x2, s19  }
0x290: {  	p2 =	sge.u32 s20, s8  }
0x291: {  	s20 =	smul.u32 @!p2 $0x6, s20;
	_ =	sdelay $0x1  }
0x292: {  	s20 =	sadd.s32 @!p2 s4, s20  }
0x293: {  	s20 =	sshll.u32 @!p2 s20, $0x7  }
0x294: {  	s23 =	simm.s32 @!p2 $0x400;
	s21 =	sand.u32 @!p2 $0x1FFFFF00, s20  }
0x295: {  	s24 =	simm.s32 @!p2 $0x7A1400;
	s25 =	simm.s32 @!p2 $0x5080;
	s22 =	sadd.s32 @!p2 s1, s21  }
0x296: {  	[tilespmem:s25], [sflag:$0x1] =	stream.strided.gather @!p2 [hbm4b:s22+s23], $0x2000, s24, s23, $0x38;
	[tilespmem:$0x1E580] =	vst v63  }
0x297: {  	s21 =	sadd.s32 @!p2 s21, s10;
	s22 =	simm.s32 @!p2 $0x7080  }
0x298: {  	[tilespmem:s22], [sflag:$0x1] =	stream.strided.gather @!p2 [hbm4b:s21+s23], $0x2000, s24, s23, $0x38;
	[tilespmem:$0x1E580] =	vst v63  }
0x299: {  	s21 =	sadd.s32 @!p2 s20, s26;
	s22 =	simm.s32 @!p2 $0x9080  }
0x29a: {  	[tilespmem:s22], [sflag:$0x1] =	stream.strided.gather @!p2 [hbm4b:s21+s23], $0x2000, s24, s23, $0x38;
	[tilespmem:$0x1E580] =	vst v63  }
0x29b: {  	s21 =	sadd.s32 @!p2 s20, s28;
	s22 =	simm.s32 @!p2 $0xB080  }
0x29c: {  	[tilespmem:s22], [sflag:$0x1] =	stream.strided.gather @!p2 [hbm4b:s21+s23], $0x2000, s24, s23, $0x38;
	[tilespmem:$0x1E580] =	vst v63  }
0x29d: {  	s21 =	sadd.s32 @!p2 s20, s29;
	s22 =	simm.s32 @!p2 $0xD080  }
0x29e: {  	[tilespmem:s22], [sflag:$0x1] =	stream.strided.gather @!p2 [hbm4b:s21+s23], $0x2000, s24, s23, $0x38;
	[tilespmem:$0x1E580] =	vst v63  }
0x29f: {  	s20 =	sadd.s32 @!p2 s20, s30;
	s21 =	simm.s32 @!p2 $0xF080  }
0x2a0: {  	[tilespmem:s21], [sflag:$0x1] =	stream.strided.gather @!p2 [hbm4b:s20+s23], $0x2000, s24, s23, $0x38;
	[tilespmem:$0x1E580] =	vst v63  }
.LBB2_24:
0x2a1: {  	s20 =	sor.u32 $0x1, s19  }
0x2a2: {  	p2 =	sge.u32 s20, s8  }
.Ltmp22:
0x2a3: {  	_ = 	snop;
	(pc) =	sbr.rel @p2 .LBB2_38-.Ltmp22, $1  }
0x2a4: {  	_ =	sdelay $0x3  }
0x2a5: {  	_ =	swait.ge [sflag:s11], $0x2000  }
0x2a6: {  	[sflag:s11] =	ssyncset.done $0x0  }
0x2a7: {  	[sflag:s11] =	ssyncadd.s32 $0xFFFFE000  }
0x2a8: {  	_ =	swait.ge [sflag:s11], $0x2000  }
0x2a9: {  	[sflag:s11] =	ssyncset.done $0x0  }
0x2aa: {  	[sflag:s11] =	ssyncadd.s32 $0xFFFFE000  }
0x2ab: {  	_ =	swait.ge [sflag:s11], $0x2000  }
0x2ac: {  	[sflag:s11] =	ssyncset.done $0x0  }
0x2ad: {  	[sflag:s11] =	ssyncadd.s32 $0xFFFFE000  }
0x2ae: {  	_ =	swait.ge [sflag:s11], $0x2000  }
0x2af: {  	[sflag:s11] =	ssyncset.done $0x0  }
0x2b0: {  	[sflag:s11] =	ssyncadd.s32 $0xFFFFE000  }
0x2b1: {  	_ =	swait.ge [sflag:s11], $0x2000  }
.Ltmp23:
0x2b2: {  	[sflag:s11] =	ssyncset.done $0x0;
	(pc) =	sbr.rel @p1 .LBB2_37-.Ltmp23, $4  }
0x2b3: {  	[sflag:s11] =	ssyncadd.s32 $0xFFFFE000  }
0x2b4: {  	_ =	swait.ge [sflag:s11], $0x2000  }
0x2b5: {  	[sflag:s11] =	ssyncset.done $0x0  }
0x2b6: {  	[sflag:s11] =	ssyncadd.s32 $0xFFFFE000  }
.Ltmp24:
0x2b7: {  	(pc) =	sbr.rel .LBB2_27-.Ltmp24, $3  }
0x2b8: {  	s20 =	smul.u32 $0x6, s20;
	_ =	sdelay $0x1  }
0x2b9: {  	s21 =	sadd.s32 $0x6, s20  }
0x2ba: {  	v12 =	vmov s20;
	s20 =	simm.s32 $0x0;
	v13 =	vmov s21  }
.LBB2_36:
0x2bb: {  	s20 =	sadd.s32 $0x1, s20  }
0x2bc: {  	p2 =	sne.s32 s20, s16  }
.Ltmp25:
0x2bd: {  	_ = 	snop;
	(pc) =	sbr.rel @!p2 .LBB2_37-.Ltmp25, $1  }
0x2be: {  	_ =	sdelay $0x3  }
.LBB2_27:
0x2bf: {  	s21 =	sshll.u32 s20, $0x8  }
0x2c0: {  	s21 =	sshra.s32 s21, $0x2  }
0x2c1: {  	v16 =	vld [tilespmem:s21+$0x1010]  }
0x2c2: {  	v15 =	vld [tilespmem:s21+$0x1020]  }
0x2c3: {  	v14 =	vld [tilespmem:s21+$0x1030];
	_ =	sdelay $0x1  }
0x2c4: {  	v17 =	vld [tilespmem:s21+$0x1000]  }
0x2c5: {  	v18 =	vshrl.u32 v16, $0x15  }
0x2c6: {  	vm2 =	vge.u32 v18, v12;
	vm3 =	vlt.u32 v18, v13;
	v18 =	vshrl.u32 v15, $0x15  }
0x2c7: {  	vm0 =	vge.u32 v18, v12;
	vm1 =	vlt.u32 v18, v13;
	v18 =	vshrl.u32 v14, $0x15  }
0x2c8: {  	vm2 =	vmand vm2, vm3;
	vm4 =	vge.u32 v18, v12;
	vm5 =	vlt.u32 v18, v13  }
0x2c9: {  	v18 =	vshrl.u32 v17, $0x15;
	vm1 =	vmand vm0, vm1;
	vm0 =	vmand vm4, vm5  }
0x2ca: {  	vm4 =	vge.u32 v18, v12;
	vm5 =	vlt.u32 v18, v13;
	vm6 =	vmor vm1, vm0  }
0x2cb: {  	vm3 =	vmand vm4, vm5;
	vm4 =	vmor vm2, vm6  }
0x2cc: {  	vm4 =	vmor vm3, vm4  }
0x2cd: {  	v18 =	vsel vm4, $0x3F800000, v11  }
0x2ce: {  	(xrf0) =	vmax.scan.msk.f32 $0xffff, v18;
	_ =	sdelay $0x5  }
0x2cf: {  	v18, _, _ =	vpop (xrf0)  }
0x2d0: {  	(v2sf) =	vpush v18, $0xF;
	_ =	sdelay $0xe  }
0x2d1: {  	s25 =	spop (v2sf)  }
0x2d2: {  	p2 =	sgt.f32 s25, $0.0e+00  }
.Ltmp26:
0x2d3: {  	_ = 	snop;
	(pc) =	sbr.rel @!p2 .LBB2_36-.Ltmp26, $1  }
0x2d4: {  	_ =	sdelay $0x3  }
0x2d5: {  	v18 =	vsel vm3, $0x3F800000, v11  }
0x2d6: {  	(xrf0) =	vmax.scan.msk.f32 $0xffff, v18;
	_ =	sdelay $0x5  }
0x2d7: {  	v18, _, _ =	vpop (xrf0)  }
0x2d8: {  	(v2sf) =	vpush v18, $0xF;
	_ =	sdelay $0xe  }
0x2d9: {  	s21 =	spop (v2sf)  }
0x2da: {  	p2 =	sgt.f32 s21, $0.0e+00  }
.Ltmp27:
0x2db: {  	_ = 	snop;
	(pc) =	sbr.rel @!p2 .LBB2_30-.Ltmp27, $1  }
0x2dc: {  	_ =	sdelay $0x3  }
.LBB2_29:
0x2dd: {  	v18 =	vmctz.xlane vm3;
	_ =	sdelay $0x1  }
0x2de: {  	v18 =	vxor.u32 $0x80000000, v18  }
0x2df: {  	(xrf0) =	vmax.scan.msk.u32 $0xffff, v18;
	v18 =	vld [tilespmem:$0x1E500];
	_ =	sdelay $0x4  }
0x2e0: {  	v18 =	vxor.u32 $0x80000000, v18  }
0x2e1: {  	v19, _, _ =	vpop (xrf0);
	(xrf0) =	vmax.scan.msk.u32 $0xffff, v18  }
0x2e2: {  	(v2sf) =	vpush v19, $0xF;
	_ =	sdelay $0x4  }
0x2e3: {  	v18, _, _ =	vpop (xrf0)  }
0x2e4: {  	(v2sf) =	vpush v18, $0xF;
	_ =	sdelay $0x8  }
0x2e5: {  	s21 =	spop (v2sf)  }
0x2e6: {  	s21 =	sxor.u32 $0x80000000, s21  }
0x2e7: {  	v18 =	vmov s21  }
0x2e8: {  	v19 =	vperm.xlane v17, v18;
	_ =	sdelay $0x1  }
0x2e9: {  	v20 =	vshrl.u32 v19, $0x15  }
0x2ea: {  	v21 =	vshrl.u32 v19, $0xE;
	v20 =	vsub.s32 v20, v12;
	s21 =	spop (v2sf)  }
0x2eb: {  	v22 =	vmul.u32 $0x80, v5;
	v21 =	vand.u32 $0x7F, v21;
	v20 =	vshll.u32 v20, $0xD;
	p2 =	slt.u32 s21, $0x80000010  }
0x2ec: {  	vm4 =	vne.s32 v18, v5;
	v19 =	vand.u32 $0x3FFF, v19;
	v20 =	vor.u32 v20, v21;
	s22 =	simm.s32 @!p2 $0x2  }
0x2ed: {  	vm3 =	vmand vm3, vm4;
	v19 =	vor.u32 $0x80000000, v19;
	v21 =	vor.u32 v22, v20;
	_ =	swait.ge @!p2 [sflag:s22], $0x40  }
0x2ee: {  	v59 =	vsel vm3, $0x3F800000, v11;
	(xrf0) =	vmax.scan.msk.u32 $0xffff, v19  }
0x2ef: {  	(xrf0) =	vmax.scan.msk.f32 $0xffff, v59  }
0x2f0: {  	s23 =	sshll.u32 s21, $0x6;
	[sflag:s22] =	ssyncset.done @!p2 $0x0  }
0x2f1: {  	s25 =	sand.u32 $0x3C0, s23;
	[sflag:s22] =	ssyncadd.s32 @!p2 $0xFFFFFFC0  }
0x2f2: {  	v23 =	vor.u32 $0x800, v22;
	v58 =	vor.u32 s25, v5;
	v19 =	vld.idx.msk [tilespmem:v21+s3+$0x0], $0xffff  }
0x2f3: {  	v18 =	vor.u32 v23, v20  }
0x2f4: {  	v60, _, _ =	vpop (xrf0)  }
0x2f5: {  	(v2sf) =	vpush v60, $0xF;
	v62, _, _ =	vpop (xrf0)  }
0x2f6: {  	(v2sf) =	vpush v62, $0xF  }
0x2f7: {  	[tilespmem:v58+s12+$0x0] =	vst.idx.msk $0xffff, v19  }
0x2f8: {  	v61 =	vor.u32 $0x1000, v22;
	v19 =	vor.u32 s25, v7;
	v18 =	vld.idx.msk [tilespmem:v18+s3+$0x0], $0xffff  }
0x2f9: {  	v21 =	vor.u32 v61, v20;
	_ =	sdelay $0x3  }
0x2fa: {  	[tilespmem:v19+s12+$0x0] =	vst.idx.msk $0xffff, v18  }
0x2fb: {  	v63 =	vor.u32 $0x1800, v22;
	v19 =	vor.u32 s25, v8;
	v18 =	vld.idx.msk [tilespmem:v21+s3+$0x0], $0xffff  }
0x2fc: {  	v20 =	vor.u32 v63, v20;
	_ =	sdelay $0x3  }
0x2fd: {  	[tilespmem:v19+s12+$0x0] =	vst.idx.msk $0xffff, v18  }
0x2fe: {  	v19 =	vor.u32 s25, v9;
	v18 =	vld.idx.msk [tilespmem:v20+s3+$0x0], $0xffff;
	s24 =	spop (v2sf)  }
0x2ff: {  	s22 =	sadd.s32 $0x1E080, s25;
	s25 =	spop (v2sf)  }
0x300: {  	p2 =	sgt.f32 s25, $0.0e+00  }
.Ltmp28:
0x301: {  	s23 =	sshll.u32 s24, $0x3;
	(pc) =	sbr.rel @p2 .LBB2_29-.Ltmp28, $4  }
0x302: {  	s23 =	sand.u32 $0x1FFFFFF8, s23  }
0x303: {  	s21 =	sadd.s32 $0x80000001, s21;
	s23 =	sadd.s32 s5, s23;
	[tilespmem:v19+s12+$0x0] =	vst.idx.msk $0xffff, v18  }
0x304: {  	v18 =	vmov s21;
	[hbm4b:s23+s6] =	stream.linear.scatter [tilespmem:s22], [sflag:$0x2], $0x40, $0x38;
	[tilespmem:$0x1E580] =	vst v63  }
0x305: {  	[tilespmem:$0x1E500] =	vst v18  }
.LBB2_30:
0x306: {  	v17 =	vsel vm2, $0x3F800000, v11  }
0x307: {  	(xrf0) =	vmax.scan.msk.f32 $0xffff, v17;
	_ =	sdelay $0x5  }
0x308: {  	v17, _, _ =	vpop (xrf0)  }
0x309: {  	(v2sf) =	vpush v17, $0xF;
	_ =	sdelay $0xe  }
0x30a: {  	s21 =	spop (v2sf)  }
0x30b: {  	p2 =	sgt.f32 s21, $0.0e+00  }
.Ltmp29:
0x30c: {  	_ = 	snop;
	(pc) =	sbr.rel @!p2 .LBB2_32-.Ltmp29, $1  }
0x30d: {  	_ =	sdelay $0x3  }
.LBB2_31:
0x30e: {  	v17 =	vmctz.xlane vm2;
	_ =	sdelay $0x1  }
0x30f: {  	v17 =	vxor.u32 $0x80000000, v17  }
0x310: {  	(xrf0) =	vmax.scan.msk.u32 $0xffff, v17;
	v17 =	vld [tilespmem:$0x1E500];
	_ =	sdelay $0x4  }
0x311: {  	v17 =	vxor.u32 $0x80000000, v17  }
0x312: {  	v18, _, _ =	vpop (xrf0);
	(xrf0) =	vmax.scan.msk.u32 $0xffff, v17  }
0x313: {  	(v2sf) =	vpush v18, $0xF;
	_ =	sdelay $0x4  }
0x314: {  	v17, _, _ =	vpop (xrf0)  }
0x315: {  	(v2sf) =	vpush v17, $0xF;
	_ =	sdelay $0x8  }
0x316: {  	s21 =	spop (v2sf)  }
0x317: {  	s21 =	sxor.u32 $0x80000000, s21  }
0x318: {  	v17 =	vmov s21  }
0x319: {  	v18 =	vperm.xlane v16, v17;
	_ =	sdelay $0x1  }
0x31a: {  	v19 =	vshrl.u32 v18, $0x15  }
0x31b: {  	v20 =	vshrl.u32 v18, $0xE;
	v19 =	vsub.s32 v19, v12;
	s21 =	spop (v2sf)  }
0x31c: {  	v21 =	vmul.u32 $0x80, v5;
	v20 =	vand.u32 $0x7F, v20;
	v19 =	vshll.u32 v19, $0xD;
	p2 =	slt.u32 s21, $0x80000010  }
0x31d: {  	vm3 =	vne.s32 v17, v5;
	v18 =	vand.u32 $0x3FFF, v18;
	v19 =	vor.u32 v19, v20;
	s22 =	simm.s32 @!p2 $0x2  }
0x31e: {  	vm2 =	vmand vm2, vm3;
	v18 =	vor.u32 $0x80000000, v18;
	v20 =	vor.u32 v21, v19;
	_ =	swait.ge @!p2 [sflag:s22], $0x40  }
0x31f: {  	v59 =	vsel vm2, $0x3F800000, v11;
	(xrf0) =	vmax.scan.msk.u32 $0xffff, v18  }
0x320: {  	(xrf0) =	vmax.scan.msk.f32 $0xffff, v59  }
0x321: {  	s23 =	sshll.u32 s21, $0x6;
	[sflag:s22] =	ssyncset.done @!p2 $0x0  }
0x322: {  	s25 =	sand.u32 $0x3C0, s23;
	[sflag:s22] =	ssyncadd.s32 @!p2 $0xFFFFFFC0  }
0x323: {  	v22 =	vor.u32 $0x800, v21;
	v58 =	vor.u32 s25, v5;
	v18 =	vld.idx.msk [tilespmem:v20+s3+$0x0], $0xffff  }
0x324: {  	v17 =	vor.u32 v22, v19  }
0x325: {  	v60, _, _ =	vpop (xrf0)  }
0x326: {  	(v2sf) =	vpush v60, $0xF;
	v62, _, _ =	vpop (xrf0)  }
0x327: {  	(v2sf) =	vpush v62, $0xF  }
0x328: {  	[tilespmem:v58+s12+$0x0] =	vst.idx.msk $0xffff, v18  }
0x329: {  	v61 =	vor.u32 $0x1000, v21;
	v18 =	vor.u32 s25, v7;
	v17 =	vld.idx.msk [tilespmem:v17+s3+$0x0], $0xffff  }
0x32a: {  	v20 =	vor.u32 v61, v19;
	_ =	sdelay $0x3  }
0x32b: {  	[tilespmem:v18+s12+$0x0] =	vst.idx.msk $0xffff, v17  }
0x32c: {  	v63 =	vor.u32 $0x1800, v21;
	v18 =	vor.u32 s25, v8;
	v17 =	vld.idx.msk [tilespmem:v20+s3+$0x0], $0xffff  }
0x32d: {  	v19 =	vor.u32 v63, v19;
	_ =	sdelay $0x3  }
0x32e: {  	[tilespmem:v18+s12+$0x0] =	vst.idx.msk $0xffff, v17  }
0x32f: {  	v18 =	vor.u32 s25, v9;
	v17 =	vld.idx.msk [tilespmem:v19+s3+$0x0], $0xffff;
	s24 =	spop (v2sf)  }
0x330: {  	s22 =	sadd.s32 $0x1E080, s25;
	s25 =	spop (v2sf)  }
0x331: {  	p2 =	sgt.f32 s25, $0.0e+00  }
.Ltmp30:
0x332: {  	s23 =	sshll.u32 s24, $0x3;
	(pc) =	sbr.rel @p2 .LBB2_31-.Ltmp30, $4  }
0x333: {  	s23 =	sand.u32 $0x1FFFFFF8, s23  }
0x334: {  	s21 =	sadd.s32 $0x80000001, s21;
	s23 =	sadd.s32 s5, s23;
	[tilespmem:v18+s12+$0x0] =	vst.idx.msk $0xffff, v17  }
0x335: {  	v17 =	vmov s21;
	[hbm4b:s23+s6] =	stream.linear.scatter [tilespmem:s22], [sflag:$0x2], $0x40, $0x38;
	[tilespmem:$0x1E580] =	vst v63  }
0x336: {  	[tilespmem:$0x1E500] =	vst v17  }
.LBB2_32:
0x337: {  	v16 =	vsel vm1, $0x3F800000, v11  }
0x338: {  	(xrf0) =	vmax.scan.msk.f32 $0xffff, v16;
	_ =	sdelay $0x5  }
0x339: {  	v16, _, _ =	vpop (xrf0)  }
0x33a: {  	(v2sf) =	vpush v16, $0xF;
	_ =	sdelay $0xe  }
0x33b: {  	s21 =	spop (v2sf)  }
0x33c: {  	p2 =	sgt.f32 s21, $0.0e+00  }
.Ltmp31:
0x33d: {  	_ = 	snop;
	(pc) =	sbr.rel @!p2 .LBB2_34-.Ltmp31, $1  }
0x33e: {  	_ =	sdelay $0x3  }
.LBB2_33:
0x33f: {  	v16 =	vmctz.xlane vm1;
	_ =	sdelay $0x1  }
0x340: {  	v16 =	vxor.u32 $0x80000000, v16  }
0x341: {  	(xrf0) =	vmax.scan.msk.u32 $0xffff, v16;
	v16 =	vld [tilespmem:$0x1E500];
	_ =	sdelay $0x4  }
0x342: {  	v16 =	vxor.u32 $0x80000000, v16  }
0x343: {  	v17, _, _ =	vpop (xrf0);
	(xrf0) =	vmax.scan.msk.u32 $0xffff, v16  }
0x344: {  	(v2sf) =	vpush v17, $0xF;
	_ =	sdelay $0x4  }
0x345: {  	v16, _, _ =	vpop (xrf0)  }
0x346: {  	(v2sf) =	vpush v16, $0xF;
	_ =	sdelay $0x8  }
0x347: {  	s21 =	spop (v2sf)  }
0x348: {  	s21 =	sxor.u32 $0x80000000, s21  }
0x349: {  	v16 =	vmov s21  }
0x34a: {  	v17 =	vperm.xlane v15, v16;
	_ =	sdelay $0x1  }
0x34b: {  	v18 =	vshrl.u32 v17, $0x15  }
0x34c: {  	v19 =	vshrl.u32 v17, $0xE;
	v18 =	vsub.s32 v18, v12;
	s21 =	spop (v2sf)  }
0x34d: {  	v20 =	vmul.u32 $0x80, v5;
	v19 =	vand.u32 $0x7F, v19;
	v18 =	vshll.u32 v18, $0xD;
	p2 =	slt.u32 s21, $0x80000010  }
0x34e: {  	vm2 =	vne.s32 v16, v5;
	v17 =	vand.u32 $0x3FFF, v17;
	v18 =	vor.u32 v18, v19;
	s22 =	simm.s32 @!p2 $0x2  }
0x34f: {  	vm1 =	vmand vm1, vm2;
	v17 =	vor.u32 $0x80000000, v17;
	v19 =	vor.u32 v20, v18;
	_ =	swait.ge @!p2 [sflag:s22], $0x40  }
0x350: {  	v59 =	vsel vm1, $0x3F800000, v11;
	(xrf0) =	vmax.scan.msk.u32 $0xffff, v17  }
0x351: {  	(xrf0) =	vmax.scan.msk.f32 $0xffff, v59  }
0x352: {  	s23 =	sshll.u32 s21, $0x6;
	[sflag:s22] =	ssyncset.done @!p2 $0x0  }
0x353: {  	s25 =	sand.u32 $0x3C0, s23;
	[sflag:s22] =	ssyncadd.s32 @!p2 $0xFFFFFFC0  }
0x354: {  	v21 =	vor.u32 $0x800, v20;
	v58 =	vor.u32 s25, v5;
	v17 =	vld.idx.msk [tilespmem:v19+s3+$0x0], $0xffff  }
0x355: {  	v16 =	vor.u32 v21, v18  }
0x356: {  	v60, _, _ =	vpop (xrf0)  }
0x357: {  	(v2sf) =	vpush v60, $0xF;
	v62, _, _ =	vpop (xrf0)  }
0x358: {  	(v2sf) =	vpush v62, $0xF  }
0x359: {  	[tilespmem:v58+s12+$0x0] =	vst.idx.msk $0xffff, v17  }
0x35a: {  	v61 =	vor.u32 $0x1000, v20;
	v17 =	vor.u32 s25, v7;
	v16 =	vld.idx.msk [tilespmem:v16+s3+$0x0], $0xffff  }
0x35b: {  	v19 =	vor.u32 v61, v18;
	_ =	sdelay $0x3  }
0x35c: {  	[tilespmem:v17+s12+$0x0] =	vst.idx.msk $0xffff, v16  }
0x35d: {  	v63 =	vor.u32 $0x1800, v20;
	v17 =	vor.u32 s25, v8;
	v16 =	vld.idx.msk [tilespmem:v19+s3+$0x0], $0xffff  }
0x35e: {  	v18 =	vor.u32 v63, v18;
	_ =	sdelay $0x3  }
0x35f: {  	[tilespmem:v17+s12+$0x0] =	vst.idx.msk $0xffff, v16  }
0x360: {  	v17 =	vor.u32 s25, v9;
	v16 =	vld.idx.msk [tilespmem:v18+s3+$0x0], $0xffff;
	s24 =	spop (v2sf)  }
0x361: {  	s22 =	sadd.s32 $0x1E080, s25;
	s25 =	spop (v2sf)  }
0x362: {  	p2 =	sgt.f32 s25, $0.0e+00  }
.Ltmp32:
0x363: {  	s23 =	sshll.u32 s24, $0x3;
	(pc) =	sbr.rel @p2 .LBB2_33-.Ltmp32, $4  }
0x364: {  	s23 =	sand.u32 $0x1FFFFFF8, s23  }
0x365: {  	s21 =	sadd.s32 $0x80000001, s21;
	s23 =	sadd.s32 s5, s23;
	[tilespmem:v17+s12+$0x0] =	vst.idx.msk $0xffff, v16  }
0x366: {  	v16 =	vmov s21;
	[hbm4b:s23+s6] =	stream.linear.scatter [tilespmem:s22], [sflag:$0x2], $0x40, $0x38;
	[tilespmem:$0x1E580] =	vst v63  }
0x367: {  	[tilespmem:$0x1E500] =	vst v16  }
.LBB2_34:
0x368: {  	v15 =	vsel vm0, $0x3F800000, v11  }
0x369: {  	(xrf0) =	vmax.scan.msk.f32 $0xffff, v15;
	_ =	sdelay $0x5  }
0x36a: {  	v15, _, _ =	vpop (xrf0)  }
0x36b: {  	(v2sf) =	vpush v15, $0xF;
	_ =	sdelay $0xe  }
0x36c: {  	s21 =	spop (v2sf)  }
0x36d: {  	p2 =	sgt.f32 s21, $0.0e+00  }
.Ltmp33:
0x36e: {  	_ = 	snop;
	(pc) =	sbr.rel @!p2 .LBB2_36-.Ltmp33, $1  }
0x36f: {  	_ =	sdelay $0x3  }
.LBB2_35:
0x370: {  	v15 =	vmctz.xlane vm0;
	_ =	sdelay $0x1  }
0x371: {  	v15 =	vxor.u32 $0x80000000, v15  }
0x372: {  	(xrf0) =	vmax.scan.msk.u32 $0xffff, v15;
	v15 =	vld [tilespmem:$0x1E500];
	_ =	sdelay $0x4  }
0x373: {  	v15 =	vxor.u32 $0x80000000, v15  }
0x374: {  	v16, _, _ =	vpop (xrf0);
	(xrf0) =	vmax.scan.msk.u32 $0xffff, v15  }
0x375: {  	(v2sf) =	vpush v16, $0xF;
	_ =	sdelay $0x4  }
0x376: {  	v15, _, _ =	vpop (xrf0)  }
0x377: {  	(v2sf) =	vpush v15, $0xF;
	_ =	sdelay $0x8  }
0x378: {  	s21 =	spop (v2sf)  }
0x379: {  	s21 =	sxor.u32 $0x80000000, s21  }
0x37a: {  	v15 =	vmov s21  }
0x37b: {  	v53 =	vperm.xlane v14, v15;
	_ =	sdelay $0x1  }
0x37c: {  	v17 =	vshrl.u32 v53, $0x15  }
0x37d: {  	v18 =	vshrl.u32 v53, $0xE;
	v17 =	vsub.s32 v17, v12;
	s21 =	spop (v2sf)  }
0x37e: {  	v19 =	vmul.u32 $0x80, v5;
	v18 =	vand.u32 $0x7F, v18;
	v17 =	vshll.u32 v17, $0xD;
	p2 =	slt.u32 s21, $0x80000010  }
0x37f: {  	vm1 =	vne.s32 v15, v5;
	v16 =	vand.u32 $0x3FFF, v53;
	v17 =	vor.u32 v17, v18;
	s22 =	simm.s32 @!p2 $0x2  }
0x380: {  	vm0 =	vmand vm0, vm1;
	v16 =	vor.u32 $0x80000000, v16;
	v18 =	vor.u32 v19, v17;
	_ =	swait.ge @!p2 [sflag:s22], $0x40  }
0x381: {  	v56 =	vsel vm0, $0x3F800000, v11;
	(xrf0) =	vmax.scan.msk.u32 $0xffff, v16  }
0x382: {  	(xrf0) =	vmax.scan.msk.f32 $0xffff, v56  }
0x383: {  	s23 =	sshll.u32 s21, $0x6;
	[sflag:s22] =	ssyncset.done @!p2 $0x0  }
0x384: {  	s25 =	sand.u32 $0x3C0, s23;
	[sflag:s22] =	ssyncadd.s32 @!p2 $0xFFFFFFC0  }
0x385: {  	v20 =	vor.u32 $0x800, v19;
	v55 =	vor.u32 s25, v5;
	v54 =	vld.idx.msk [tilespmem:v18+s3+$0x0], $0xffff  }
0x386: {  	v15 =	vor.u32 v20, v17  }
0x387: {  	v57, _, _ =	vpop (xrf0)  }
0x388: {  	(v2sf) =	vpush v57, $0xF;
	v60, _, _ =	vpop (xrf0)  }
0x389: {  	(v2sf) =	vpush v60, $0xF  }
0x38a: {  	[tilespmem:v55+s12+$0x0] =	vst.idx.msk $0xffff, v54  }
0x38b: {  	v59 =	vor.u32 $0x1000, v19;
	v58 =	vor.u32 s25, v7;
	v15 =	vld.idx.msk [tilespmem:v15+s3+$0x0], $0xffff  }
0x38c: {  	v18 =	vor.u32 v59, v17;
	_ =	sdelay $0x3  }
0x38d: {  	[tilespmem:v58+s12+$0x0] =	vst.idx.msk $0xffff, v15  }
0x38e: {  	v62 =	vor.u32 $0x1800, v19;
	v61 =	vor.u32 s25, v8;
	v15 =	vld.idx.msk [tilespmem:v18+s3+$0x0], $0xffff  }
0x38f: {  	v17 =	vor.u32 v62, v17;
	_ =	sdelay $0x3  }
0x390: {  	[tilespmem:v61+s12+$0x0] =	vst.idx.msk $0xffff, v15  }
0x391: {  	v63 =	vor.u32 s25, v9;
	v15 =	vld.idx.msk [tilespmem:v17+s3+$0x0], $0xffff;
	s24 =	spop (v2sf)  }
0x392: {  	s22 =	sadd.s32 $0x1E080, s25;
	s25 =	spop (v2sf)  }
0x393: {  	p2 =	sgt.f32 s25, $0.0e+00  }
.Ltmp34:
0x394: {  	s23 =	sshll.u32 s24, $0x3;
	(pc) =	sbr.rel @p2 .LBB2_35-.Ltmp34, $4  }
0x395: {  	s23 =	sand.u32 $0x1FFFFFF8, s23  }
0x396: {  	s21 =	sadd.s32 $0x80000001, s21;
	s23 =	sadd.s32 s5, s23;
	[tilespmem:v63+s12+$0x0] =	vst.idx.msk $0xffff, v15  }
0x397: {  	v15 =	vmov s21;
	[hbm4b:s23+s6] =	stream.linear.scatter [tilespmem:s22], [sflag:$0x2], $0x40, $0x38;
	[tilespmem:$0x1E580] =	vst v63  }
0x398: {  	[tilespmem:$0x1E500] =	vst v15  }
.Ltmp35:
0x399: {  	_ = 	snop;
	(pc) =	sbr.rel .LBB2_36-.Ltmp35, $1  }
0x39a: {  	_ =	sdelay $0x3  }
.LBB2_39:
0x39b: {  	s18 =	simm.s32 @!p0 $0x0  }
0x39c: {  	s19 =	simm.s32 @!p0 $0x1D080;
	s20 =	rddreg [dreg:$0x5];
	p1 =	slt.s32 @!p0 s17, $0x40  }
0x39d: {  	[tilespmem:s19], [sflag:$0x1] =	stream.linear.gather @!p0 [hbm4b:s20+s18], $0x1000, $0x38;
	[tilespmem:$0x1E580] =	vst v63  }
0x39e: {  	p1 =	por p0, p1  }
.Ltmp36:
0x39f: {  	_ = 	snop;
	(pc) =	sbr.rel @!p1 .LBB2_40-.Ltmp36, $4  }
0x3a0: {  	s19 =	simm.s32 @!p0 $0x1  }
0x3a1: {  	_ =	swait.ge @!p0 [sflag:s19], $0x1000  }
0x3a2: {  	[sflag:s19] =	ssyncset.done @!p0 $0x0  }
0x3a3: {  	[sflag:s19] =	ssyncadd.s32 @!p0 $0xFFFFF000  }
.LBB2_50:
0x3a4: {  	v12 =	vld [tilespmem:$0x1E500];
	_ =	sdelay $0x4  }
0x3a5: {  	v12 =	vxor.u32 $0x80000000, v12  }
0x3a6: {  	(xrf0) =	vmax.scan.msk.u32 $0xffff, v12;
	_ =	sdelay $0x5  }
0x3a7: {  	v12, _, _ =	vpop (xrf0)  }
0x3a8: {  	(v2sf) =	vpush v12, $0xF;
	_ =	sdelay $0xe  }
0x3a9: {  	s16 =	spop (v2sf)  }
0x3aa: {  	s16 =	sxor.u32 $0x80000000, s16  }
0x3ab: {  	p1 =	slt.s32 s16, $0x1  }
.Ltmp37:
0x3ac: {  	_ = 	snop;
	(pc) =	sbr.rel @p1 .LBB2_54-.Ltmp37, $1  }
0x3ad: {  	_ =	sdelay $0x3  }
0x3ae: {  	p1 =	slt.s32 s16, $0x10  }
0x3af: {  	s16 =	simm.s32 @!p1 $0x10  }
0x3b0: {  	p1 =	sne.s32 s16, $0x1  }
.Ltmp38:
0x3b1: {  	_ = 	snop;
	(pc) =	sbr.rel @!p1 .LBB2_53-.Ltmp38, $3  }
0x3b2: {  	_ =	sdelay $0x1  }
0x3b3: {  	_ =	swait.ge [sflag:s14], $0x40  }
0x3b4: {  	[sflag:s14] =	ssyncset.done $0x0;
	s16 =	sadd.s32 $0xFFFFFFFF, s16  }
.LBB2_52:
0x3b5: {  	p1 =	sne.s32 s16, $0x1;
	s16 =	sadd.s32 $0xFFFFFFFF, s16;
	[sflag:s14] =	ssyncadd.s32 $0xFFFFFFC0  }
.Ltmp39:
0x3b6: {  	(pc) =	sbr.rel @p1 .LBB2_52-.Ltmp39, $3  }
0x3b7: {  	_ =	sdelay $0x1  }
0x3b8: {  	_ =	swait.ge [sflag:s14], $0x40  }
0x3b9: {  	[sflag:s14] =	ssyncset.done $0x0  }
.Ltmp40:
0x3ba: {  	_ = 	snop;
	(pc) =	sbr.rel .LBB2_53-.Ltmp40, $1  }
0x3bb: {  	_ =	sdelay $0x3  }
.LBB2_49:
0x3bc: {  	s18 =	sadd.s32 $0x1, s18  }
0x3bd: {  	p1 =	sne.s32 s18, s16  }
.Ltmp41:
0x3be: {  	_ = 	snop;
	(pc) =	sbr.rel @!p1 .LBB2_50-.Ltmp41, $1  }
0x3bf: {  	_ =	sdelay $0x3  }
.LBB2_40:
0x3c0: {  	s17 =	sshll.u32 s18, $0x8  }
0x3c1: {  	s17 =	sshra.s32 s17, $0x2  }
0x3c2: {  	v14 =	vld [tilespmem:s17+$0x1010]  }
0x3c3: {  	v13 =	vld [tilespmem:s17+$0x1020]  }
0x3c4: {  	v12 =	vld [tilespmem:s17+$0x1030];
	_ =	sdelay $0x1  }
0x3c5: {  	v15 =	vld [tilespmem:s17+$0x1000]  }
0x3c6: {  	v16 =	vshrl.u32 v14, $0x15  }
0x3c7: {  	vm2 =	vge.u32 v16, v1;
	vm3 =	vlt.u32 v16, v2;
	v16 =	vshrl.u32 v13, $0x15  }
0x3c8: {  	vm0 =	vge.u32 v16, v1;
	vm1 =	vlt.u32 v16, v2;
	v16 =	vshrl.u32 v12, $0x15  }
0x3c9: {  	vm2 =	vmand vm2, vm3;
	vm4 =	vge.u32 v16, v1;
	vm5 =	vlt.u32 v16, v2  }
0x3ca: {  	v16 =	vshrl.u32 v15, $0x15;
	vm1 =	vmand vm0, vm1;
	vm0 =	vmand vm4, vm5  }
0x3cb: {  	vm4 =	vge.u32 v16, v1;
	vm5 =	vlt.u32 v16, v2;
	vm6 =	vmor vm1, vm0  }
0x3cc: {  	vm3 =	vmand vm4, vm5;
	vm4 =	vmor vm2, vm6  }
0x3cd: {  	vm4 =	vmor vm3, vm4  }
0x3ce: {  	v16 =	vsel vm4, $0x3F800000, v11  }
0x3cf: {  	(xrf0) =	vmax.scan.msk.f32 $0xffff, v16;
	_ =	sdelay $0x5  }
0x3d0: {  	v16, _, _ =	vpop (xrf0)  }
0x3d1: {  	(v2sf) =	vpush v16, $0xF;
	_ =	sdelay $0xe  }
0x3d2: {  	s25 =	spop (v2sf)  }
0x3d3: {  	p1 =	sgt.f32 s25, $0.0e+00  }
.Ltmp42:
0x3d4: {  	_ = 	snop;
	(pc) =	sbr.rel @!p1 .LBB2_49-.Ltmp42, $1  }
0x3d5: {  	_ =	sdelay $0x3  }
0x3d6: {  	v16 =	vsel vm3, $0x3F800000, v11  }
0x3d7: {  	(xrf0) =	vmax.scan.msk.f32 $0xffff, v16;
	_ =	sdelay $0x5  }
0x3d8: {  	v16, _, _ =	vpop (xrf0)  }
0x3d9: {  	(v2sf) =	vpush v16, $0xF;
	_ =	sdelay $0xe  }
0x3da: {  	s17 =	spop (v2sf)  }
0x3db: {  	p1 =	sgt.f32 s17, $0.0e+00  }
.Ltmp43:
0x3dc: {  	_ = 	snop;
	(pc) =	sbr.rel @!p1 .LBB2_43-.Ltmp43, $1  }
0x3dd: {  	_ =	sdelay $0x3  }
.LBB2_42:
0x3de: {  	v16 =	vmctz.xlane vm3;
	_ =	sdelay $0x1  }
0x3df: {  	v16 =	vxor.u32 $0x80000000, v16  }
0x3e0: {  	(xrf0) =	vmax.scan.msk.u32 $0xffff, v16;
	v16 =	vld [tilespmem:$0x1E500];
	_ =	sdelay $0x4  }
0x3e1: {  	v16 =	vxor.u32 $0x80000000, v16  }
0x3e2: {  	(xrf0) =	vmax.scan.msk.u32 $0xffff, v16;
	_ =	sdelay $0x1  }
0x3e3: {  	v17, _, _ =	vpop (xrf0)  }
0x3e4: {  	(v2sf) =	vpush v17, $0xF;
	_ =	sdelay $0x2  }
0x3e5: {  	v16, _, _ =	vpop (xrf0)  }
0x3e6: {  	(v2sf) =	vpush v16, $0xF;
	_ =	sdelay $0xa  }
0x3e7: {  	s17 =	spop (v2sf)  }
0x3e8: {  	s17 =	sxor.u32 $0x80000000, s17  }
0x3e9: {  	v16 =	vmov s17  }
0x3ea: {  	v17 =	vperm.xlane v15, v16  }
0x3eb: {  	s22 =	spop (v2sf)  }
0x3ec: {  	v19 =	vmul.u32 $0x40, v5;
	v18 =	vshrl.u32 v17, $0xE;
	p1 =	slt.u32 s22, $0x80000010  }
0x3ed: {  	vm4 =	vne.s32 v16, v5;
	v17 =	vand.u32 $0x3FFF, v17;
	v18 =	vand.u32 $0x7F, v18;
	s19 =	simm.s32 @!p1 $0x2  }
0x3ee: {  	vm3 =	vmand vm3, vm4;
	v17 =	vor.u32 $0x80000000, v17;
	v20 =	vadd.s32 v19, v18;
	_ =	swait.ge @!p1 [sflag:s19], $0x40  }
0x3ef: {  	v60 =	vsel vm3, $0x3F800000, v11;
	(xrf0) =	vmax.scan.msk.u32 $0xffff, v17  }
0x3f0: {  	(xrf0) =	vmax.scan.msk.f32 $0xffff, v60  }
0x3f1: {  	s20 =	sshll.u32 s22, $0x6;
	[sflag:s19] =	ssyncset.done @!p1 $0x0  }
0x3f2: {  	s23 =	sand.u32 $0x3C0, s20;
	[sflag:s19] =	ssyncadd.s32 @!p1 $0xFFFFFFC0  }
0x3f3: {  	v21 =	vor.u32 $0x400, v19;
	v59 =	vor.u32 s23, v5;
	v17 =	vld.idx.msk [tilespmem:v20+s13+$0x0], $0xffff  }
0x3f4: {  	v16 =	vadd.s32 v21, v18  }
0x3f5: {  	v61, _, _ =	vpop (xrf0)  }
0x3f6: {  	(v2sf) =	vpush v61, $0xF;
	v63, _, _ =	vpop (xrf0)  }
0x3f7: {  	(v2sf) =	vpush v63, $0xF  }
0x3f8: {  	[tilespmem:v59+s12+$0x0] =	vst.idx.msk $0xffff, v17  }
0x3f9: {  	v62 =	vor.u32 $0x800, v19;
	v17 =	vor.u32 s23, v7;
	v16 =	vld.idx.msk [tilespmem:v16+s13+$0x0], $0xffff  }
0x3fa: {  	v20 =	vadd.s32 v62, v18;
	_ =	sdelay $0x3  }
0x3fb: {  	[tilespmem:v17+s12+$0x0] =	vst.idx.msk $0xffff, v16  }
0x3fc: {  	v19 =	vor.u32 $0xC00, v19;
	v17 =	vor.u32 s23, v8;
	v16 =	vld.idx.msk [tilespmem:v20+s13+$0x0], $0xffff  }
0x3fd: {  	v18 =	vadd.s32 v19, v18;
	_ =	sdelay $0x3  }
0x3fe: {  	[tilespmem:v17+s12+$0x0] =	vst.idx.msk $0xffff, v16  }
0x3ff: {  	v17 =	vor.u32 s23, v9;
	v16 =	vld.idx.msk [tilespmem:v18+s13+$0x0], $0xffff;
	s24 =	spop (v2sf)  }
0x400: {  	s25 =	spop (v2sf)  }
0x401: {  	p1 =	sgt.f32 s25, $0.0e+00  }
.Ltmp44:
0x402: {  	s20 =	sshll.u32 s24, $0x3;
	(pc) =	sbr.rel @p1 .LBB2_42-.Ltmp44, $4  }
0x403: {  	s20 =	sand.u32 $0x1FFFFFF8, s20  }
0x404: {  	s17 =	sadd.s32 $0x80000001, s22;
	s19 =	sadd.s32 $0x1E080, s23;
	[tilespmem:v17+s12+$0x0] =	vst.idx.msk $0xffff, v16;
	s20 =	sadd.s32 s5, s20  }
0x405: {  	v16 =	vmov s17;
	[hbm4b:s20+s6] =	stream.linear.scatter [tilespmem:s19], [sflag:$0x2], $0x40, $0x38;
	[tilespmem:$0x1E580] =	vst v63  }
0x406: {  	[tilespmem:$0x1E500] =	vst v16  }
.LBB2_43:
0x407: {  	v15 =	vsel vm2, $0x3F800000, v11  }
0x408: {  	(xrf0) =	vmax.scan.msk.f32 $0xffff, v15;
	_ =	sdelay $0x5  }
0x409: {  	v15, _, _ =	vpop (xrf0)  }
0x40a: {  	(v2sf) =	vpush v15, $0xF;
	_ =	sdelay $0xe  }
0x40b: {  	s17 =	spop (v2sf)  }
0x40c: {  	p1 =	sgt.f32 s17, $0.0e+00  }
.Ltmp45:
0x40d: {  	_ = 	snop;
	(pc) =	sbr.rel @!p1 .LBB2_45-.Ltmp45, $1  }
0x40e: {  	_ =	sdelay $0x3  }
.LBB2_44:
0x40f: {  	v15 =	vmctz.xlane vm2;
	_ =	sdelay $0x1  }
0x410: {  	v15 =	vxor.u32 $0x80000000, v15  }
0x411: {  	(xrf0) =	vmax.scan.msk.u32 $0xffff, v15;
	v15 =	vld [tilespmem:$0x1E500];
	_ =	sdelay $0x4  }
0x412: {  	v15 =	vxor.u32 $0x80000000, v15  }
0x413: {  	(xrf0) =	vmax.scan.msk.u32 $0xffff, v15;
	_ =	sdelay $0x1  }
0x414: {  	v16, _, _ =	vpop (xrf0)  }
0x415: {  	(v2sf) =	vpush v16, $0xF;
	_ =	sdelay $0x2  }
0x416: {  	v15, _, _ =	vpop (xrf0)  }
0x417: {  	(v2sf) =	vpush v15, $0xF;
	_ =	sdelay $0xa  }
0x418: {  	s17 =	spop (v2sf)  }
0x419: {  	s17 =	sxor.u32 $0x80000000, s17  }
0x41a: {  	v15 =	vmov s17  }
0x41b: {  	v54 =	vperm.xlane v14, v15  }
0x41c: {  	s22 =	spop (v2sf)  }
0x41d: {  	v18 =	vmul.u32 $0x40, v5;
	v17 =	vshrl.u32 v54, $0xE;
	p1 =	slt.u32 s22, $0x80000010  }
0x41e: {  	vm3 =	vne.s32 v15, v5;
	v16 =	vand.u32 $0x3FFF, v54;
	v17 =	vand.u32 $0x7F, v17;
	s19 =	simm.s32 @!p1 $0x2  }
0x41f: {  	vm2 =	vmand vm2, vm3;
	v16 =	vor.u32 $0x80000000, v16;
	v19 =	vadd.s32 v18, v17;
	_ =	swait.ge @!p1 [sflag:s19], $0x40  }
0x420: {  	v57 =	vsel vm2, $0x3F800000, v11;
	(xrf0) =	vmax.scan.msk.u32 $0xffff, v16  }
0x421: {  	(xrf0) =	vmax.scan.msk.f32 $0xffff, v57  }
0x422: {  	s20 =	sshll.u32 s22, $0x6;
	[sflag:s19] =	ssyncset.done @!p1 $0x0  }
0x423: {  	s23 =	sand.u32 $0x3C0, s20;
	[sflag:s19] =	ssyncadd.s32 @!p1 $0xFFFFFFC0  }
0x424: {  	v20 =	vor.u32 $0x400, v18;
	v56 =	vor.u32 s23, v5;
	v55 =	vld.idx.msk [tilespmem:v19+s13+$0x0], $0xffff  }
0x425: {  	v15 =	vadd.s32 v20, v17  }
0x426: {  	v58, _, _ =	vpop (xrf0)  }
0x427: {  	(v2sf) =	vpush v58, $0xF;
	v61, _, _ =	vpop (xrf0)  }
0x428: {  	(v2sf) =	vpush v61, $0xF  }
0x429: {  	[tilespmem:v56+s12+$0x0] =	vst.idx.msk $0xffff, v55  }
0x42a: {  	v60 =	vor.u32 $0x800, v18;
	v59 =	vor.u32 s23, v7;
	v15 =	vld.idx.msk [tilespmem:v15+s13+$0x0], $0xffff  }
0x42b: {  	v19 =	vadd.s32 v60, v17;
	_ =	sdelay $0x3  }
0x42c: {  	[tilespmem:v59+s12+$0x0] =	vst.idx.msk $0xffff, v15  }
0x42d: {  	v18 =	vor.u32 $0xC00, v18;
	v62 =	vor.u32 s23, v8;
	v15 =	vld.idx.msk [tilespmem:v19+s13+$0x0], $0xffff  }
0x42e: {  	v17 =	vadd.s32 v18, v17;
	_ =	sdelay $0x3  }
0x42f: {  	[tilespmem:v62+s12+$0x0] =	vst.idx.msk $0xffff, v15  }
0x430: {  	v63 =	vor.u32 s23, v9;
	v15 =	vld.idx.msk [tilespmem:v17+s13+$0x0], $0xffff;
	s24 =	spop (v2sf)  }
0x431: {  	s25 =	spop (v2sf)  }
0x432: {  	p1 =	sgt.f32 s25, $0.0e+00  }
.Ltmp46:
0x433: {  	s20 =	sshll.u32 s24, $0x3;
	(pc) =	sbr.rel @p1 .LBB2_44-.Ltmp46, $4  }
0x434: {  	s20 =	sand.u32 $0x1FFFFFF8, s20  }
0x435: {  	s17 =	sadd.s32 $0x80000001, s22;
	s19 =	sadd.s32 $0x1E080, s23;
	[tilespmem:v63+s12+$0x0] =	vst.idx.msk $0xffff, v15;
	s20 =	sadd.s32 s5, s20  }
0x436: {  	v15 =	vmov s17;
	[hbm4b:s20+s6] =	stream.linear.scatter [tilespmem:s19], [sflag:$0x2], $0x40, $0x38;
	[tilespmem:$0x1E580] =	vst v63  }
0x437: {  	[tilespmem:$0x1E500] =	vst v15  }
.LBB2_45:
0x438: {  	v14 =	vsel vm1, $0x3F800000, v11  }
0x439: {  	(xrf0) =	vmax.scan.msk.f32 $0xffff, v14;
	_ =	sdelay $0x5  }
0x43a: {  	v14, _, _ =	vpop (xrf0)  }
0x43b: {  	(v2sf) =	vpush v14, $0xF;
	_ =	sdelay $0xe  }
0x43c: {  	s17 =	spop (v2sf)  }
0x43d: {  	p1 =	sgt.f32 s17, $0.0e+00  }
.Ltmp47:
0x43e: {  	_ = 	snop;
	(pc) =	sbr.rel @!p1 .LBB2_47-.Ltmp47, $1  }
0x43f: {  	_ =	sdelay $0x3  }
.LBB2_46:
0x440: {  	v14 =	vmctz.xlane vm1;
	_ =	sdelay $0x1  }
0x441: {  	v14 =	vxor.u32 $0x80000000, v14  }
0x442: {  	(xrf0) =	vmax.scan.msk.u32 $0xffff, v14;
	v14 =	vld [tilespmem:$0x1E500];
	_ =	sdelay $0x4  }
0x443: {  	v14 =	vxor.u32 $0x80000000, v14  }
0x444: {  	(xrf0) =	vmax.scan.msk.u32 $0xffff, v14;
	_ =	sdelay $0x1  }
0x445: {  	v15, _, _ =	vpop (xrf0)  }
0x446: {  	(v2sf) =	vpush v15, $0xF;
	_ =	sdelay $0x2  }
0x447: {  	v14, _, _ =	vpop (xrf0)  }
0x448: {  	(v2sf) =	vpush v14, $0xF;
	_ =	sdelay $0xa  }
0x449: {  	s17 =	spop (v2sf)  }
0x44a: {  	s17 =	sxor.u32 $0x80000000, s17  }
0x44b: {  	v14 =	vmov s17  }
0x44c: {  	v15 =	vperm.xlane v13, v14  }
0x44d: {  	s22 =	spop (v2sf)  }
0x44e: {  	v17 =	vmul.u32 $0x40, v5;
	v16 =	vshrl.u32 v15, $0xE;
	p1 =	slt.u32 s22, $0x80000010  }
0x44f: {  	vm2 =	vne.s32 v14, v5;
	v15 =	vand.u32 $0x3FFF, v15;
	v16 =	vand.u32 $0x7F, v16;
	s19 =	simm.s32 @!p1 $0x2  }
0x450: {  	vm1 =	vmand vm1, vm2;
	v15 =	vor.u32 $0x80000000, v15;
	v18 =	vadd.s32 v17, v16;
	_ =	swait.ge @!p1 [sflag:s19], $0x40  }
0x451: {  	v60 =	vsel vm1, $0x3F800000, v11;
	(xrf0) =	vmax.scan.msk.u32 $0xffff, v15  }
0x452: {  	(xrf0) =	vmax.scan.msk.f32 $0xffff, v60  }
0x453: {  	s20 =	sshll.u32 s22, $0x6;
	[sflag:s19] =	ssyncset.done @!p1 $0x0  }
0x454: {  	s23 =	sand.u32 $0x3C0, s20;
	[sflag:s19] =	ssyncadd.s32 @!p1 $0xFFFFFFC0  }
0x455: {  	v19 =	vor.u32 $0x400, v17;
	v59 =	vor.u32 s23, v5;
	v15 =	vld.idx.msk [tilespmem:v18+s13+$0x0], $0xffff  }
0x456: {  	v14 =	vadd.s32 v19, v16  }
0x457: {  	v61, _, _ =	vpop (xrf0)  }
0x458: {  	(v2sf) =	vpush v61, $0xF;
	v63, _, _ =	vpop (xrf0)  }
0x459: {  	(v2sf) =	vpush v63, $0xF  }
0x45a: {  	[tilespmem:v59+s12+$0x0] =	vst.idx.msk $0xffff, v15  }
0x45b: {  	v62 =	vor.u32 $0x800, v17;
	v15 =	vor.u32 s23, v7;
	v14 =	vld.idx.msk [tilespmem:v14+s13+$0x0], $0xffff  }
0x45c: {  	v18 =	vadd.s32 v62, v16;
	_ =	sdelay $0x3  }
0x45d: {  	[tilespmem:v15+s12+$0x0] =	vst.idx.msk $0xffff, v14  }
0x45e: {  	v17 =	vor.u32 $0xC00, v17;
	v15 =	vor.u32 s23, v8;
	v14 =	vld.idx.msk [tilespmem:v18+s13+$0x0], $0xffff  }
0x45f: {  	v16 =	vadd.s32 v17, v16;
	_ =	sdelay $0x3  }
0x460: {  	[tilespmem:v15+s12+$0x0] =	vst.idx.msk $0xffff, v14  }
0x461: {  	v15 =	vor.u32 s23, v9;
	v14 =	vld.idx.msk [tilespmem:v16+s13+$0x0], $0xffff;
	s24 =	spop (v2sf)  }
0x462: {  	s25 =	spop (v2sf)  }
0x463: {  	p1 =	sgt.f32 s25, $0.0e+00  }
.Ltmp48:
0x464: {  	s20 =	sshll.u32 s24, $0x3;
	(pc) =	sbr.rel @p1 .LBB2_46-.Ltmp48, $4  }
0x465: {  	s20 =	sand.u32 $0x1FFFFFF8, s20  }
0x466: {  	s17 =	sadd.s32 $0x80000001, s22;
	s19 =	sadd.s32 $0x1E080, s23;
	[tilespmem:v15+s12+$0x0] =	vst.idx.msk $0xffff, v14;
	s20 =	sadd.s32 s5, s20  }
0x467: {  	v14 =	vmov s17;
	[hbm4b:s20+s6] =	stream.linear.scatter [tilespmem:s19], [sflag:$0x2], $0x40, $0x38;
	[tilespmem:$0x1E580] =	vst v63  }
0x468: {  	[tilespmem:$0x1E500] =	vst v14  }
.LBB2_47:
0x469: {  	v13 =	vsel vm0, $0x3F800000, v11  }
0x46a: {  	(xrf0) =	vmax.scan.msk.f32 $0xffff, v13;
	_ =	sdelay $0x5  }
0x46b: {  	v13, _, _ =	vpop (xrf0)  }
0x46c: {  	(v2sf) =	vpush v13, $0xF;
	_ =	sdelay $0xe  }
0x46d: {  	s17 =	spop (v2sf)  }
0x46e: {  	p1 =	sgt.f32 s17, $0.0e+00  }
.Ltmp49:
0x46f: {  	_ = 	snop;
	(pc) =	sbr.rel @!p1 .LBB2_49-.Ltmp49, $1  }
0x470: {  	_ =	sdelay $0x3  }
.LBB2_48:
0x471: {  	v13 =	vmctz.xlane vm0;
	_ =	sdelay $0x1  }
0x472: {  	v13 =	vxor.u32 $0x80000000, v13  }
0x473: {  	(xrf0) =	vmax.scan.msk.u32 $0xffff, v13;
	v13 =	vld [tilespmem:$0x1E500];
	_ =	sdelay $0x4  }
0x474: {  	v13 =	vxor.u32 $0x80000000, v13  }
0x475: {  	(xrf0) =	vmax.scan.msk.u32 $0xffff, v13;
	_ =	sdelay $0x1  }
0x476: {  	v14, _, _ =	vpop (xrf0)  }
0x477: {  	(v2sf) =	vpush v14, $0xF;
	_ =	sdelay $0x2  }
0x478: {  	v13, _, _ =	vpop (xrf0)  }
0x479: {  	(v2sf) =	vpush v13, $0xF;
	_ =	sdelay $0xa  }
0x47a: {  	s17 =	spop (v2sf)  }
0x47b: {  	s17 =	sxor.u32 $0x80000000, s17  }
0x47c: {  	v13 =	vmov s17  }
0x47d: {  	v14 =	vperm.xlane v12, v13  }
0x47e: {  	s22 =	spop (v2sf)  }
0x47f: {  	v16 =	vmul.u32 $0x40, v5;
	v15 =	vshrl.u32 v14, $0xE;
	p1 =	slt.u32 s22, $0x80000010  }
0x480: {  	vm1 =	vne.s32 v13, v5;
	v14 =	vand.u32 $0x3FFF, v14;
	v15 =	vand.u32 $0x7F, v15;
	s19 =	simm.s32 @!p1 $0x2  }
0x481: {  	vm0 =	vmand vm0, vm1;
	v14 =	vor.u32 $0x80000000, v14;
	v17 =	vadd.s32 v16, v15;
	_ =	swait.ge @!p1 [sflag:s19], $0x40  }
0x482: {  	v60 =	vsel vm0, $0x3F800000, v11;
	(xrf0) =	vmax.scan.msk.u32 $0xffff, v14  }
0x483: {  	(xrf0) =	vmax.scan.msk.f32 $0xffff, v60  }
0x484: {  	s20 =	sshll.u32 s22, $0x6;
	[sflag:s19] =	ssyncset.done @!p1 $0x0  }
0x485: {  	s23 =	sand.u32 $0x3C0, s20;
	[sflag:s19] =	ssyncadd.s32 @!p1 $0xFFFFFFC0  }
0x486: {  	v18 =	vor.u32 $0x400, v16;
	v59 =	vor.u32 s23, v5;
	v14 =	vld.idx.msk [tilespmem:v17+s13+$0x0], $0xffff  }
0x487: {  	v13 =	vadd.s32 v18, v15  }
0x488: {  	v61, _, _ =	vpop (xrf0)  }
0x489: {  	(v2sf) =	vpush v61, $0xF;
	v63, _, _ =	vpop (xrf0)  }
0x48a: {  	(v2sf) =	vpush v63, $0xF  }
0x48b: {  	[tilespmem:v59+s12+$0x0] =	vst.idx.msk $0xffff, v14  }
0x48c: {  	v62 =	vor.u32 $0x800, v16;
	v14 =	vor.u32 s23, v7;
	v13 =	vld.idx.msk [tilespmem:v13+s13+$0x0], $0xffff  }
0x48d: {  	v17 =	vadd.s32 v62, v15;
	_ =	sdelay $0x3  }
0x48e: {  	[tilespmem:v14+s12+$0x0] =	vst.idx.msk $0xffff, v13  }
0x48f: {  	v16 =	vor.u32 $0xC00, v16;
	v14 =	vor.u32 s23, v8;
	v13 =	vld.idx.msk [tilespmem:v17+s13+$0x0], $0xffff  }
0x490: {  	v15 =	vadd.s32 v16, v15;
	_ =	sdelay $0x3  }
0x491: {  	[tilespmem:v14+s12+$0x0] =	vst.idx.msk $0xffff, v13  }
0x492: {  	v14 =	vor.u32 s23, v9;
	v13 =	vld.idx.msk [tilespmem:v15+s13+$0x0], $0xffff;
	s24 =	spop (v2sf)  }
0x493: {  	s25 =	spop (v2sf)  }
0x494: {  	p1 =	sgt.f32 s25, $0.0e+00  }
.Ltmp50:
0x495: {  	s20 =	sshll.u32 s24, $0x3;
	(pc) =	sbr.rel @p1 .LBB2_48-.Ltmp50, $4  }
0x496: {  	s20 =	sand.u32 $0x1FFFFFF8, s20  }
0x497: {  	s17 =	sadd.s32 $0x80000001, s22;
	s19 =	sadd.s32 $0x1E080, s23;
	[tilespmem:v14+s12+$0x0] =	vst.idx.msk $0xffff, v13;
	s20 =	sadd.s32 s5, s20  }
0x498: {  	v13 =	vmov s17;
	[hbm4b:s20+s6] =	stream.linear.scatter [tilespmem:s19], [sflag:$0x2], $0x40, $0x38;
	[tilespmem:$0x1E580] =	vst v63  }
0x499: {  	[tilespmem:$0x1E500] =	vst v13  }
.Ltmp51:
0x49a: {  	_ = 	snop;
	(pc) =	sbr.rel .LBB2_49-.Ltmp51, $1  }
0x49b: {  	_ =	sdelay $0x3  }
.LBB2_55:
0x49c: {  	_ =	sfence.sel $0x180000  }
0x49d: {  	[bflag:$0x0] =	sbarrier.arrive $0xFFFF  }
0x49e: {  	_ =	strace $0x90000047  }
0x49f: {  	s0 =	stileid.u32;
	[bflag:$0x2] =	sbarrier.arrive $0xFFFF  }
0x4a0: {  	p0 =	sne.s32 s0, $0x0;
	s0 =	rddreg [dreg:$0x4]  }
0x4a1: {  	s0 =	sadd.s32 @!p0 $0x100000, s0  }
0x4a2: {  	[sflag:s0] =	ssyncadd.tile.s32 @!p0 $0x1;
	_ =	shalt  }
.Lfunc_end2:
_tile_overlayer_lowered:
.L_overlay_start_2:
0x4a3: {  	(tag) =	ssettag $0x2  }
0x4a4: {  	s0 =	rddreg [dreg:$0x0];
	s2 =	stileid.u32  }
0x4a5: {  	s1 =	rddreg [dreg:$0x1];
	p0 =	sne.s32 s2, $0x0  }
0x4a6: {  	s3 =	rddreg [dreg:$0x2];
	[bflag:$0x3] =	sbarrier.arrive $0xFFFF;
	s2 =	simm.s32 @!p0 $0x1C03  }
0x4a7: {  	[timem:s3], [sflag:s2] =	dma.local @!p0 [hbm:s0], s1  }
0x4a8: {  	s0 =	simm.s32 @!p0 $0x3  }
0x4a9: {  	_ =	swait.ge @!p0 [sflag:s0], s1  }
0x4aa: {  	s1 =	ssub.s32 @!p0 $0x0, s1;
	[sflag:s0] =	ssyncset.done @!p0 $0x0  }
0x4ab: {  	[sflag:s0] =	ssyncadd.s32 @!p0 s1  }
0x4ac: {  	[bflag:$0x3] =	sbarrier.arrive $0xFFFF  }
0x4ad: {  	_ =	shalt  }

</sc_bundles>
